<compile_context>
chip_gen: v7x
topology: tpu7x:2x2x1
jax: 0.10.2.dev20260603
libtpu: 0.0.44.dev20260713+nightly
codegen_flags: <defaults>
</compile_context>

<pallas_src>
import functools

import jax
import jax.numpy as jnp
from jax import lax
from jax.experimental import pallas as pl
from jax.experimental.pallas import tpu as pltpu
from jax.experimental.pallas import tpu_sc as plsc

_BATCH = 16384
_D = 64
_NC = 2
_NS = 16
_NW = _NC * _NS
_BPW = _BATCH // _NW
_CHUNK = 128
_NCHUNK = _BPW // _CHUNK
_L = 16
_GROUPS = _BPW // _L


def _rsqrt16(x):
    x = jnp.maximum(x, jnp.float32(1e-24))
    i = lax.bitcast_convert_type(x, jnp.int32)
    i = jnp.int32(0x5F3759DF) - lax.shift_right_logical(i, 1)
    y = lax.bitcast_convert_type(i, jnp.float32)
    for _ in range(3):
        y = y * (jnp.float32(1.5) - jnp.float32(0.5) * x * y * y)
    return y


_mesh = plsc.VectorSubcoreMesh(core_axis_name="c", subcore_axis_name="s")


@functools.partial(
    pl.kernel,
    out_type=jax.ShapeDtypeStruct((_BATCH,), jnp.float32),
    mesh=_mesh,
    compiler_params=pltpu.CompilerParams(
        needs_layout_passes=False, use_tc_tiling_on_sc=False),
    scratch_types=[
        pltpu.VMEM((_NCHUNK, _CHUNK), jnp.int32),
        pltpu.VMEM((_NCHUNK, _CHUNK), jnp.int32),
        pltpu.VMEM((_NCHUNK, _CHUNK), jnp.int32),
        pltpu.VMEM((_BPW, _D), jnp.float32),
        pltpu.VMEM((_BPW, _D), jnp.float32),
        pltpu.VMEM((_BPW, _D), jnp.float32),
        pltpu.VMEM((_BPW,), jnp.float32),
        pltpu.SemaphoreType.DMA,
    ],
)
def _transe_sc(h_hbm, r_hbm, t_hbm, ent_hbm, rel_hbm, out_hbm,
               hidx, ridx, tidx, hrows, rrows, trows, score, sem):
    wid = lax.axis_index("s") * _NC + lax.axis_index("c")
    base = wid * _BPW

    for c in range(_NCHUNK):
        off = base + c * _CHUNK
        pltpu.sync_copy(h_hbm.at[pl.ds(off, _CHUNK)], hidx.at[c])
        pltpu.sync_copy(r_hbm.at[pl.ds(off, _CHUNK)], ridx.at[c])
        pltpu.sync_copy(t_hbm.at[pl.ds(off, _CHUNK)], tidx.at[c])

    copies = []
    for c in range(_NCHUNK):
        sl = pl.ds(c * _CHUNK, _CHUNK)
        copies.append(pltpu.async_copy(ent_hbm.at[hidx.at[c]], hrows.at[sl], sem))
        copies.append(pltpu.async_copy(ent_hbm.at[tidx.at[c]], trows.at[sl], sem))
        copies.append(pltpu.async_copy(rel_hbm.at[ridx.at[c]], rrows.at[sl], sem))
    for cp in copies:
        cp.wait()

    lanes = lax.iota(jnp.int32, _L)
    cols = [jnp.full((_L,), j, jnp.int32) for j in range(_D)]

    def body(g, carry):
        row = g * _L + lanes
        acc_h = jnp.zeros((_L,), jnp.float32)
        acc_t = jnp.zeros((_L,), jnp.float32)
        for j in range(_D):
            hv = plsc.load_gather(hrows, [row, cols[j]])
            tv = plsc.load_gather(trows, [row, cols[j]])
            acc_h = acc_h + hv * hv
            acc_t = acc_t + tv * tv
        inv_h = _rsqrt16(acc_h)
        inv_t = _rsqrt16(acc_t)
        s = jnp.zeros((_L,), jnp.float32)
        for j in range(_D):
            hv = plsc.load_gather(hrows, [row, cols[j]])
            rv = plsc.load_gather(rrows, [row, cols[j]])
            tv = plsc.load_gather(trows, [row, cols[j]])
            s = s + jnp.abs(hv * inv_h + rv - tv * inv_t)
        score[pl.ds(pl.multiple_of(g * _L, _L), _L)] = -s
        return carry

    lax.fori_loop(0, _GROUPS, body, 0)
    pltpu.sync_copy(score, out_hbm.at[pl.ds(base, _BPW)])


def kernel(h, r, t, entity_emb, relation_emb):
    return _transe_sc(h.astype(jnp.int32), r.astype(jnp.int32),
                      t.astype(jnp.int32), entity_emb, relation_emb)

# --- scband reference (transcript-rebuilt; emitter-appended) ---
"""Pipeline reference for scband-trans-e-79714593014197 (READ-ONLY COPY).

The authoritative reference and input builder live on the scoring server;
editing this copy changes nothing except your own understanding.
"""

import jax, jax.numpy as jnp
import numpy as np

NUM_ENTITIES = 1000000
NUM_RELATIONS = 1000
EMBED_DIM = 64
BATCH = 16384


def setup_inputs(seed: int = 0) -> dict:
    key = jax.random.key(seed)
    k1, k2, k3, k4, k5 = jax.random.split(key, 5)
    h = jax.random.randint(k1, (BATCH,), 0, NUM_ENTITIES, dtype=jnp.int64 if jax.config.jax_enable_x64 else jnp.int32)
    r = jax.random.randint(k2, (BATCH,), 0, NUM_RELATIONS, dtype=jnp.int64 if jax.config.jax_enable_x64 else jnp.int32)
    t = jax.random.randint(k3, (BATCH,), 0, NUM_ENTITIES, dtype=jnp.int64 if jax.config.jax_enable_x64 else jnp.int32)
    # xavier_uniform init for embedding tables
    lim_e = float(np.sqrt(6.0 / (NUM_ENTITIES + EMBED_DIM)))
    entity_emb = jax.random.uniform(k4, (NUM_ENTITIES, EMBED_DIM), minval=-lim_e, maxval=lim_e, dtype=jnp.float32)
    lim_r = float(np.sqrt(6.0 / (NUM_RELATIONS + EMBED_DIM)))
    relation_emb = jax.random.uniform(k5, (NUM_RELATIONS, EMBED_DIM), minval=-lim_r, maxval=lim_r, dtype=jnp.float32)
    # relation embeddings L2-normalized at init (as in __init__)
    rnorm = jnp.maximum(jnp.linalg.norm(relation_emb, axis=1, keepdims=True), 1e-12)
    relation_emb = relation_emb / rnorm
    return {"h": h, "r": r, "t": t, "entity_emb": entity_emb, "relation_emb": relation_emb}


def reference(h, r, t, entity_emb, relation_emb):
    h_emb = jnp.take(entity_emb, h, axis=0)
    r_emb = jnp.take(relation_emb, r, axis=0)
    t_emb = jnp.take(entity_emb, t, axis=0)
    eps = 1e-12
    h_emb = h_emb / jnp.maximum(jnp.linalg.norm(h_emb, axis=1, keepdims=True), eps)
    t_emb = t_emb / jnp.maximum(jnp.linalg.norm(t_emb, axis=1, keepdims=True), eps)
    # p_norm = 1
    score = jnp.sum(jnp.abs(h_emb + r_emb - t_emb), axis=1)
    return -score

if __name__ == "__main__":
    import jax
    _d = setup_inputs()
    print(jax.jit(kernel)(*tuple(_d.values())))

</pallas_src>

<mosaic_0001>
#map = affine_map<(d0, d1) -> (0)>
#map1 = affine_map<(d0, d1) -> (0, 0)>
module attributes {stable_mosaic.version = 14 : i64} {
  func.func @_transe_sc(%arg0: i32, %arg1: i32, %arg2: memref<16384xi32, #tpu.memory_space<hbm>>, %arg3: memref<16384xi32, #tpu.memory_space<hbm>>, %arg4: memref<16384xi32, #tpu.memory_space<hbm>>, %arg5: memref<1000000x64xf32, #tpu.memory_space<hbm>>, %arg6: memref<1000x64xf32, #tpu.memory_space<hbm>>, %arg7: memref<16384xf32, #tpu.memory_space<hbm>>, %arg8: memref<4x128xi32, #tpu.memory_space<vmem>>, %arg9: memref<4x128xi32, #tpu.memory_space<vmem>>, %arg10: memref<4x128xi32, #tpu.memory_space<vmem>>, %arg11: memref<512x64xf32, #tpu.memory_space<vmem>>, %arg12: memref<512x64xf32, #tpu.memory_space<vmem>>, %arg13: memref<512x64xf32, #tpu.memory_space<vmem>>, %arg14: memref<512xf32, #tpu.memory_space<vmem>>, %arg15: memref<!tpu.dma_semaphore, #tpu.memory_space<semaphore_mem>>) attributes {dimension_semantics = [#tpu.dimension_semantics<core_parallel>, #tpu.dimension_semantics<subcore_parallel>], iteration_bounds = array<i64: 2, 16>, scalar_prefetch = 0 : i64, scratch_operands = 8 : i64, tpu.core_type = #tpu.core_type<sc_vector_subcore>, window_params = [{transform_indices = #map}, {transform_indices = #map}, {transform_indices = #map}, {transform_indices = #map1}, {transform_indices = #map1}, {transform_indices = #map}]} {
    %mul3A = arith.constant 2 : i32
    %mul3A_0 = arith.muli %arg1, %mul3A : i32
    %add3A = arith.addi %mul3A_0, %arg0 : i32
    %mul3A_1 = arith.constant 512 : i32
    %mul3A_2 = arith.muli %add3A, %mul3A_1 : i32
    %add3A_3 = arith.constant 0 : i32
    %add3A_4 = arith.addi %mul3A_2, %add3A_3 : i32
    %run_scoped3A = arith.constant 0 : i32
    "tpu.region"() ({
      %run_scoped3A_392 = tpu.sem_alloc : memref<!tpu.dma_semaphore, #tpu.memory_space<semaphore_mem>>
      %dma_start3A_393 = arith.constant 0 : i32
      %dma_start3A_394 = tpu.memref_slice %arg8[%run_scoped3A, %dma_start3A_393] : memref<4x128xi32, #tpu.memory_space<vmem>> -> memref<1x128xi32, #tpu.memory_space<vmem>>
      %dma_start3A_395 = tpu.memref_squeeze %dma_start3A_394 : memref<1x128xi32, #tpu.memory_space<vmem>> -> memref<128xi32, #tpu.memory_space<vmem>>
      %dma_start3A_396 = tpu.memref_slice %arg2[%add3A_4] : memref<16384xi32, #tpu.memory_space<hbm>> -> memref<128xi32, #tpu.memory_space<hbm>>
      %dma_start3A_397 = arith.constant 0 : i32
      %dma_start3A_398 = tpu.memref_slice %arg8[%run_scoped3A, %dma_start3A_397] : memref<4x128xi32, #tpu.memory_space<vmem>> -> memref<1x128xi32, #tpu.memory_space<vmem>>
      %dma_start3A_399 = tpu.memref_squeeze %dma_start3A_398 : memref<1x128xi32, #tpu.memory_space<vmem>> -> memref<128xi32, #tpu.memory_space<vmem>>
      %dma_start3A_400 = tpu.memref_slice %arg2[%add3A_4] : memref<16384xi32, #tpu.memory_space<hbm>> -> memref<128xi32, #tpu.memory_space<hbm>>
      tpu.enqueue_dma source(%dma_start3A_400 : memref<128xi32, #tpu.memory_space<hbm>>) target(%dma_start3A_399 : memref<128xi32, #tpu.memory_space<vmem>>) target_semaphore(%run_scoped3A_392 : memref<!tpu.dma_semaphore, #tpu.memory_space<semaphore_mem>>)
      %dma_wait3A_401 = arith.constant 0 : i32
      %dma_wait3A_402 = tpu.memref_slice %arg8[%run_scoped3A, %dma_wait3A_401] : memref<4x128xi32, #tpu.memory_space<vmem>> -> memref<1x128xi32, #tpu.memory_space<vmem>>
      %dma_wait3A_403 = tpu.memref_squeeze %dma_wait3A_402 : memref<1x128xi32, #tpu.memory_space<vmem>> -> memref<128xi32, #tpu.memory_space<vmem>>
      %dma_wait3A_404 = tpu.memref_slice %arg2[%add3A_4] : memref<16384xi32, #tpu.memory_space<hbm>> -> memref<128xi32, #tpu.memory_space<hbm>>
      %dma_wait3A_405 = arith.constant 0 : i32
      %dma_wait3A_406 = tpu.memref_slice %arg8[%run_scoped3A, %dma_wait3A_405] : memref<4x128xi32, #tpu.memory_space<vmem>> -> memref<1x128xi32, #tpu.memory_space<vmem>>
      %dma_wait3A_407 = tpu.memref_squeeze %dma_wait3A_406 : memref<1x128xi32, #tpu.memory_space<vmem>> -> memref<128xi32, #tpu.memory_space<vmem>>
      %dma_wait3A_408 = tpu.memref_slice %arg2[%add3A_4] : memref<16384xi32, #tpu.memory_space<hbm>> -> memref<128xi32, #tpu.memory_space<hbm>>
      tpu.wait_dma2 semaphore(%run_scoped3A_392 : memref<!tpu.dma_semaphore, #tpu.memory_space<semaphore_mem>>) src(%dma_wait3A_408 : memref<128xi32, #tpu.memory_space<hbm>>) dst(%dma_wait3A_407 : memref<128xi32, #tpu.memory_space<vmem>>)
      tpu.yield
    }) : () -> ()
    %run_scoped3A_5 = arith.constant 0 : i32
    "tpu.region"() ({
      %run_scoped3A_392 = tpu.sem_alloc : memref<!tpu.dma_semaphore, #tpu.memory_space<semaphore_mem>>
      %dma_start3A_393 = arith.constant 0 : i32
      %dma_start3A_394 = tpu.memref_slice %arg9[%run_scoped3A_5, %dma_start3A_393] : memref<4x128xi32, #tpu.memory_space<vmem>> -> memref<1x128xi32, #tpu.memory_space<vmem>>
      %dma_start3A_395 = tpu.memref_squeeze %dma_start3A_394 : memref<1x128xi32, #tpu.memory_space<vmem>> -> memref<128xi32, #tpu.memory_space<vmem>>
      %dma_start3A_396 = tpu.memref_slice %arg3[%add3A_4] : memref<16384xi32, #tpu.memory_space<hbm>> -> memref<128xi32, #tpu.memory_space<hbm>>
      %dma_start3A_397 = arith.constant 0 : i32
      %dma_start3A_398 = tpu.memref_slice %arg9[%run_scoped3A_5, %dma_start3A_397] : memref<4x128xi32, #tpu.memory_space<vmem>> -> memref<1x128xi32, #tpu.memory_space<vmem>>
      %dma_start3A_399 = tpu.memref_squeeze %dma_start3A_398 : memref<1x128xi32, #tpu.memory_space<vmem>> -> memref<128xi32, #tpu.memory_space<vmem>>
      %dma_start3A_400 = tpu.memref_slice %arg3[%add3A_4] : memref<16384xi32, #tpu.memory_space<hbm>> -> memref<128xi32, #tpu.memory_space<hbm>>
      tpu.enqueue_dma source(%dma_start3A_400 : memref<128xi32, #tpu.memory_space<hbm>>) target(%dma_start3A_399 : memref<128xi32, #tpu.memory_space<vmem>>) target_semaphore(%run_scoped3A_392 : memref<!tpu.dma_semaphore, #tpu.memory_space<semaphore_mem>>)
      %dma_wait3A_401 = arith.constant 0 : i32
      %dma_wait3A_402 = tpu.memref_slice %arg9[%run_scoped3A_5, %dma_wait3A_401] : memref<4x128xi32, #tpu.memory_space<vmem>> -> memref<1x128xi32, #tpu.memory_space<vmem>>
      %dma_wait3A_403 = tpu.memref_squeeze %dma_wait3A_402 : memref<1x128xi32, #tpu.memory_space<vmem>> -> memref<128xi32, #tpu.memory_space<vmem>>
      %dma_wait3A_404 = tpu.memref_slice %arg3[%add3A_4] : memref<16384xi32, #tpu.memory_space<hbm>> -> memref<128xi32, #tpu.memory_space<hbm>>
      %dma_wait3A_405 = arith.constant 0 : i32
      %dma_wait3A_406 = tpu.memref_slice %arg9[%run_scoped3A_5, %dma_wait3A_405] : memref<4x128xi32, #tpu.memory_space<vmem>> -> memref<1x128xi32, #tpu.memory_space<vmem>>
      %dma_wait3A_407 = tpu.memref_squeeze %dma_wait3A_406 : memref<1x128xi32, #tpu.memory_space<vmem>> -> memref<128xi32, #tpu.memory_space<vmem>>
      %dma_wait3A_408 = tpu.memref_slice %arg3[%add3A_4] : memref<16384xi32, #tpu.memory_space<hbm>> -> memref<128xi32, #tpu.memory_space<hbm>>
      tpu.wait_dma2 semaphore(%run_scoped3A_392 : memref<!tpu.dma_semaphore, #tpu.memory_space<semaphore_mem>>) src(%dma_wait3A_408 : memref<128xi32, #tpu.memory_space<hbm>>) dst(%dma_wait3A_407 : memref<128xi32, #tpu.memory_space<vmem>>)
      tpu.yield
    }) : () -> ()
    %run_scoped3A_6 = arith.constant 0 : i32
    "tpu.region"() ({
      %run_scoped3A_392 = tpu.sem_alloc : memref<!tpu.dma_semaphore, #tpu.memory_space<semaphore_mem>>
      %dma_start3A_393 = arith.constant 0 : i32
      %dma_start3A_394 = tpu.memref_slice %arg10[%run_scoped3A_6, %dma_start3A_393] : memref<4x128xi32, #tpu.memory_space<vmem>> -> memref<1x128xi32, #tpu.memory_space<vmem>>
      %dma_start3A_395 = tpu.memref_squeeze %dma_start3A_394 : memref<1x128xi32, #tpu.memory_space<vmem>> -> memref<128xi32, #tpu.memory_space<vmem>>
      %dma_start3A_396 = tpu.memref_slice %arg4[%add3A_4] : memref<16384xi32, #tpu.memory_space<hbm>> -> memref<128xi32, #tpu.memory_space<hbm>>
      %dma_start3A_397 = arith.constant 0 : i32
      %dma_start3A_398 = tpu.memref_slice %arg10[%run_scoped3A_6, %dma_start3A_397] : memref<4x128xi32, #tpu.memory_space<vmem>> -> memref<1x128xi32, #tpu.memory_space<vmem>>
      %dma_start3A_399 = tpu.memref_squeeze %dma_start3A_398 : memref<1x128xi32, #tpu.memory_space<vmem>> -> memref<128xi32, #tpu.memory_space<vmem>>
      %dma_start3A_400 = tpu.memref_slice %arg4[%add3A_4] : memref<16384xi32, #tpu.memory_space<hbm>> -> memref<128xi32, #tpu.memory_space<hbm>>
      tpu.enqueue_dma source(%dma_start3A_400 : memref<128xi32, #tpu.memory_space<hbm>>) target(%dma_start3A_399 : memref<128xi32, #tpu.memory_space<vmem>>) target_semaphore(%run_scoped3A_392 : memref<!tpu.dma_semaphore, #tpu.memory_space<semaphore_mem>>)
      %dma_wait3A_401 = arith.constant 0 : i32
      %dma_wait3A_402 = tpu.memref_slice %arg10[%run_scoped3A_6, %dma_wait3A_401] : memref<4x128xi32, #tpu.memory_space<vmem>> -> memref<1x128xi32, #tpu.memory_space<vmem>>
      %dma_wait3A_403 = tpu.memref_squeeze %dma_wait3A_402 : memref<1x128xi32, #tpu.memory_space<vmem>> -> memref<128xi32, #tpu.memory_space<vmem>>
      %dma_wait3A_404 = tpu.memref_slice %arg4[%add3A_4] : memref<16384xi32, #tpu.memory_space<hbm>> -> memref<128xi32, #tpu.memory_space<hbm>>
      %dma_wait3A_405 = arith.constant 0 : i32
      %dma_wait3A_406 = tpu.memref_slice %arg10[%run_scoped3A_6, %dma_wait3A_405] : memref<4x128xi32, #tpu.memory_space<vmem>> -> memref<1x128xi32, #tpu.memory_space<vmem>>
      %dma_wait3A_407 = tpu.memref_squeeze %dma_wait3A_406 : memref<1x128xi32, #tpu.memory_space<vmem>> -> memref<128xi32, #tpu.memory_space<vmem>>
      %dma_wait3A_408 = tpu.memref_slice %arg4[%add3A_4] : memref<16384xi32, #tpu.memory_space<hbm>> -> memref<128xi32, #tpu.memory_space<hbm>>
      tpu.wait_dma2 semaphore(%run_scoped3A_392 : memref<!tpu.dma_semaphore, #tpu.memory_space<semaphore_mem>>) src(%dma_wait3A_408 : memref<128xi32, #tpu.memory_space<hbm>>) dst(%dma_wait3A_407 : memref<128xi32, #tpu.memory_space<vmem>>)
      tpu.yield
    }) : () -> ()
    %add3A_7 = arith.constant 128 : i32
    %add3A_8 = arith.addi %mul3A_2, %add3A_7 : i32
    %run_scoped3A_9 = arith.constant 1 : i32
    "tpu.region"() ({
      %run_scoped3A_392 = tpu.sem_alloc : memref<!tpu.dma_semaphore, #tpu.memory_space<semaphore_mem>>
      %dma_start3A_393 = arith.constant 0 : i32
      %dma_start3A_394 = tpu.memref_slice %arg8[%run_scoped3A_9, %dma_start3A_393] : memref<4x128xi32, #tpu.memory_space<vmem>> -> memref<1x128xi32, #tpu.memory_space<vmem>>
      %dma_start3A_395 = tpu.memref_squeeze %dma_start3A_394 : memref<1x128xi32, #tpu.memory_space<vmem>> -> memref<128xi32, #tpu.memory_space<vmem>>
      %dma_start3A_396 = tpu.memref_slice %arg2[%add3A_8] : memref<16384xi32, #tpu.memory_space<hbm>> -> memref<128xi32, #tpu.memory_space<hbm>>
      %dma_start3A_397 = arith.constant 0 : i32
      %dma_start3A_398 = tpu.memref_slice %arg8[%run_scoped3A_9, %dma_start3A_397] : memref<4x128xi32, #tpu.memory_space<vmem>> -> memref<1x128xi32, #tpu.memory_space<vmem>>
      %dma_start3A_399 = tpu.memref_squeeze %dma_start3A_398 : memref<1x128xi32, #tpu.memory_space<vmem>> -> memref<128xi32, #tpu.memory_space<vmem>>
      %dma_start3A_400 = tpu.memref_slice %arg2[%add3A_8] : memref<16384xi32, #tpu.memory_space<hbm>> -> memref<128xi32, #tpu.memory_space<hbm>>
      tpu.enqueue_dma source(%dma_start3A_400 : memref<128xi32, #tpu.memory_space<hbm>>) target(%dma_start3A_399 : memref<128xi32, #tpu.memory_space<vmem>>) target_semaphore(%run_scoped3A_392 : memref<!tpu.dma_semaphore, #tpu.memory_space<semaphore_mem>>)
      %dma_wait3A_401 = arith.constant 0 : i32
      %dma_wait3A_402 = tpu.memref_slice %arg8[%run_scoped3A_9, %dma_wait3A_401] : memref<4x128xi32, #tpu.memory_space<vmem>> -> memref<1x128xi32, #tpu.memory_space<vmem>>
      %dma_wait3A_403 = tpu.memref_squeeze %dma_wait3A_402 : memref<1x128xi32, #tpu.memory_space<vmem>> -> memref<128xi32, #tpu.memory_space<vmem>>
      %dma_wait3A_404 = tpu.memref_slice %arg2[%add3A_8] : memref<16384xi32, #tpu.memory_space<hbm>> -> memref<128xi32, #tpu.memory_space<hbm>>
      %dma_wait3A_405 = arith.constant 0 : i32
      %dma_wait3A_406 = tpu.memref_slice %arg8[%run_scoped3A_9, %dma_wait3A_405] : memref<4x128xi32, #tpu.memory_space<vmem>> -> memref<1x128xi32, #tpu.memory_space<vmem>>
      %dma_wait3A_407 = tpu.memref_squeeze %dma_wait3A_406 : memref<1x128xi32, #tpu.memory_space<vmem>> -> memref<128xi32, #tpu.memory_space<vmem>>
      %dma_wait3A_408 = tpu.memref_slice %arg2[%add3A_8] : memref<16384xi32, #tpu.memory_space<hbm>> -> memref<128xi32, #tpu.memory_space<hbm>>
      tpu.wait_dma2 semaphore(%run_scoped3A_392 : memref<!tpu.dma_semaphore, #tpu.memory_space<semaphore_mem>>) src(%dma_wait3A_408 : memref<128xi32, #tpu.memory_space<hbm>>) dst(%dma_wait3A_407 : memref<128xi32, #tpu.memory_space<vmem>>)
      tpu.yield
    }) : () -> ()
    %run_scoped3A_10 = arith.constant 1 : i32
    "tpu.region"() ({
      %run_scoped3A_392 = tpu.sem_alloc : memref<!tpu.dma_semaphore, #tpu.memory_space<semaphore_mem>>
      %dma_start3A_393 = arith.constant 0 : i32
      %dma_start3A_394 = tpu.memref_slice %arg9[%run_scoped3A_10, %dma_start3A_393] : memref<4x128xi32, #tpu.memory_space<vmem>> -> memref<1x128xi32, #tpu.memory_space<vmem>>
      %dma_start3A_395 = tpu.memref_squeeze %dma_start3A_394 : memref<1x128xi32, #tpu.memory_space<vmem>> -> memref<128xi32, #tpu.memory_space<vmem>>
      %dma_start3A_396 = tpu.memref_slice %arg3[%add3A_8] : memref<16384xi32, #tpu.memory_space<hbm>> -> memref<128xi32, #tpu.memory_space<hbm>>
      %dma_start3A_397 = arith.constant 0 : i32
      %dma_start3A_398 = tpu.memref_slice %arg9[%run_scoped3A_10, %dma_start3A_397] : memref<4x128xi32, #tpu.memory_space<vmem>> -> memref<1x128xi32, #tpu.memory_space<vmem>>
      %dma_start3A_399 = tpu.memref_squeeze %dma_start3A_398 : memref<1x128xi32, #tpu.memory_space<vmem>> -> memref<128xi32, #tpu.memory_space<vmem>>
      %dma_start3A_400 = tpu.memref_slice %arg3[%add3A_8] : memref<16384xi32, #tpu.memory_space<hbm>> -> memref<128xi32, #tpu.memory_space<hbm>>
      tpu.enqueue_dma source(%dma_start3A_400 : memref<128xi32, #tpu.memory_space<hbm>>) target(%dma_start3A_399 : memref<128xi32, #tpu.memory_space<vmem>>) target_semaphore(%run_scoped3A_392 : memref<!tpu.dma_semaphore, #tpu.memory_space<semaphore_mem>>)
      %dma_wait3A_401 = arith.constant 0 : i32
      %dma_wait3A_402 = tpu.memref_slice %arg9[%run_scoped3A_10, %dma_wait3A_401] : memref<4x128xi32, #tpu.memory_space<vmem>> -> memref<1x128xi32, #tpu.memory_space<vmem>>
      %dma_wait3A_403 = tpu.memref_squeeze %dma_wait3A_402 : memref<1x128xi32, #tpu.memory_space<vmem>> -> memref<128xi32, #tpu.memory_space<vmem>>
      %dma_wait3A_404 = tpu.memref_slice %arg3[%add3A_8] : memref<16384xi32, #tpu.memory_space<hbm>> -> memref<128xi32, #tpu.memory_space<hbm>>
      %dma_wait3A_405 = arith.constant 0 : i32
      %dma_wait3A_406 = tpu.memref_slice %arg9[%run_scoped3A_10, %dma_wait3A_405] : memref<4x128xi32, #tpu.memory_space<vmem>> -> memref<1x128xi32, #tpu.memory_space<vmem>>
      %dma_wait3A_407 = tpu.memref_squeeze %dma_wait3A_406 : memref<1x128xi32, #tpu.memory_space<vmem>> -> memref<128xi32, #tpu.memory_space<vmem>>
      %dma_wait3A_408 = tpu.memref_slice %arg3[%add3A_8] : memref<16384xi32, #tpu.memory_space<hbm>> -> memref<128xi32, #tpu.memory_space<hbm>>
      tpu.wait_dma2 semaphore(%run_scoped3A_392 : memref<!tpu.dma_semaphore, #tpu.memory_space<semaphore_mem>>) src(%dma_wait3A_408 : memref<128xi32, #tpu.memory_space<hbm>>) dst(%dma_wait3A_407 : memref<128xi32, #tpu.memory_space<vmem>>)
      tpu.yield
    }) : () -> ()
    %run_scoped3A_11 = arith.constant 1 : i32
    "tpu.region"() ({
      %run_scoped3A_392 = tpu.sem_alloc : memref<!tpu.dma_semaphore, #tpu.memory_space<semaphore_mem>>
      %dma_start3A_393 = arith.constant 0 : i32
      %dma_start3A_394 = tpu.memref_slice %arg10[%run_scoped3A_11, %dma_start3A_393] : memref<4x128xi32, #tpu.memory_space<vmem>> -> memref<1x128xi32, #tpu.memory_space<vmem>>
      %dma_start3A_395 = tpu.memref_squeeze %dma_start3A_394 : memref<1x128xi32, #tpu.memory_space<vmem>> -> memref<128xi32, #tpu.memory_space<vmem>>
      %dma_start3A_396 = tpu.memref_slice %arg4[%add3A_8] : memref<16384xi32, #tpu.memory_space<hbm>> -> memref<128xi32, #tpu.memory_space<hbm>>
      %dma_start3A_397 = arith.constant 0 : i32
      %dma_start3A_398 = tpu.memref_slice %arg10[%run_scoped3A_11, %dma_start3A_397] : memref<4x128xi32, #tpu.memory_space<vmem>> -> memref<1x128xi32, #tpu.memory_space<vmem>>
      %dma_start3A_399 = tpu.memref_squeeze %dma_start3A_398 : memref<1x128xi32, #tpu.memory_space<vmem>> -> memref<128xi32, #tpu.memory_space<vmem>>
      %dma_start3A_400 = tpu.memref_slice %arg4[%add3A_8] : memref<16384xi32, #tpu.memory_space<hbm>> -> memref<128xi32, #tpu.memory_space<hbm>>
      tpu.enqueue_dma source(%dma_start3A_400 : memref<128xi32, #tpu.memory_space<hbm>>) target(%dma_start3A_399 : memref<128xi32, #tpu.memory_space<vmem>>) target_semaphore(%run_scoped3A_392 : memref<!tpu.dma_semaphore, #tpu.memory_space<semaphore_mem>>)
      %dma_wait3A_401 = arith.constant 0 : i32
      %dma_wait3A_402 = tpu.memref_slice %arg10[%run_scoped3A_11, %dma_wait3A_401] : memref<4x128xi32, #tpu.memory_space<vmem>> -> memref<1x128xi32, #tpu.memory_space<vmem>>
      %dma_wait3A_403 = tpu.memref_squeeze %dma_wait3A_402 : memref<1x128xi32, #tpu.memory_space<vmem>> -> memref<128xi32, #tpu.memory_space<vmem>>
      %dma_wait3A_404 = tpu.memref_slice %arg4[%add3A_8] : memref<16384xi32, #tpu.memory_space<hbm>> -> memref<128xi32, #tpu.memory_space<hbm>>
      %dma_wait3A_405 = arith.constant 0 : i32
      %dma_wait3A_406 = tpu.memref_slice %arg10[%run_scoped3A_11, %dma_wait3A_405] : memref<4x128xi32, #tpu.memory_space<vmem>> -> memref<1x128xi32, #tpu.memory_space<vmem>>
      %dma_wait3A_407 = tpu.memref_squeeze %dma_wait3A_406 : memref<1x128xi32, #tpu.memory_space<vmem>> -> memref<128xi32, #tpu.memory_space<vmem>>
      %dma_wait3A_408 = tpu.memref_slice %arg4[%add3A_8] : memref<16384xi32, #tpu.memory_space<hbm>> -> memref<128xi32, #tpu.memory_space<hbm>>
      tpu.wait_dma2 semaphore(%run_scoped3A_392 : memref<!tpu.dma_semaphore, #tpu.memory_space<semaphore_mem>>) src(%dma_wait3A_408 : memref<128xi32, #tpu.memory_space<hbm>>) dst(%dma_wait3A_407 : memref<128xi32, #tpu.memory_space<vmem>>)
      tpu.yield
    }) : () -> ()
    %add3A_12 = arith.constant 256 : i32
    %add3A_13 = arith.addi %mul3A_2, %add3A_12 : i32
    %run_scoped3A_14 = arith.constant 2 : i32
    "tpu.region"() ({
      %run_scoped3A_392 = tpu.sem_alloc : memref<!tpu.dma_semaphore, #tpu.memory_space<semaphore_mem>>
      %dma_start3A_393 = arith.constant 0 : i32
      %dma_start3A_394 = tpu.memref_slice %arg8[%run_scoped3A_14, %dma_start3A_393] : memref<4x128xi32, #tpu.memory_space<vmem>> -> memref<1x128xi32, #tpu.memory_space<vmem>>
      %dma_start3A_395 = tpu.memref_squeeze %dma_start3A_394 : memref<1x128xi32, #tpu.memory_space<vmem>> -> memref<128xi32, #tpu.memory_space<vmem>>
      %dma_start3A_396 = tpu.memref_slice %arg2[%add3A_13] : memref<16384xi32, #tpu.memory_space<hbm>> -> memref<128xi32, #tpu.memory_space<hbm>>
      %dma_start3A_397 = arith.constant 0 : i32
      %dma_start3A_398 = tpu.memref_slice %arg8[%run_scoped3A_14, %dma_start3A_397] : memref<4x128xi32, #tpu.memory_space<vmem>> -> memref<1x128xi32, #tpu.memory_space<vmem>>
      %dma_start3A_399 = tpu.memref_squeeze %dma_start3A_398 : memref<1x128xi32, #tpu.memory_space<vmem>> -> memref<128xi32, #tpu.memory_space<vmem>>
      %dma_start3A_400 = tpu.memref_slice %arg2[%add3A_13] : memref<16384xi32, #tpu.memory_space<hbm>> -> memref<128xi32, #tpu.memory_space<hbm>>
      tpu.enqueue_dma source(%dma_start3A_400 : memref<128xi32, #tpu.memory_space<hbm>>) target(%dma_start3A_399 : memref<128xi32, #tpu.memory_space<vmem>>) target_semaphore(%run_scoped3A_392 : memref<!tpu.dma_semaphore, #tpu.memory_space<semaphore_mem>>)
      %dma_wait3A_401 = arith.constant 0 : i32
      %dma_wait3A_402 = tpu.memref_slice %arg8[%run_scoped3A_14, %dma_wait3A_401] : memref<4x128xi32, #tpu.memory_space<vmem>> -> memref<1x128xi32, #tpu.memory_space<vmem>>
      %dma_wait3A_403 = tpu.memref_squeeze %dma_wait3A_402 : memref<1x128xi32, #tpu.memory_space<vmem>> -> memref<128xi32, #tpu.memory_space<vmem>>
      %dma_wait3A_404 = tpu.memref_slice %arg2[%add3A_13] : memref<16384xi32, #tpu.memory_space<hbm>> -> memref<128xi32, #tpu.memory_space<hbm>>
      %dma_wait3A_405 = arith.constant 0 : i32
      %dma_wait3A_406 = tpu.memref_slice %arg8[%run_scoped3A_14, %dma_wait3A_405] : memref<4x128xi32, #tpu.memory_space<vmem>> -> memref<1x128xi32, #tpu.memory_space<vmem>>
      %dma_wait3A_407 = tpu.memref_squeeze %dma_wait3A_406 : memref<1x128xi32, #tpu.memory_space<vmem>> -> memref<128xi32, #tpu.memory_space<vmem>>
      %dma_wait3A_408 = tpu.memref_slice %arg2[%add3A_13] : memref<16384xi32, #tpu.memory_space<hbm>> -> memref<128xi32, #tpu.memory_space<hbm>>
      tpu.wait_dma2 semaphore(%run_scoped3A_392 : memref<!tpu.dma_semaphore, #tpu.memory_space<semaphore_mem>>) src(%dma_wait3A_408 : memref<128xi32, #tpu.memory_space<hbm>>) dst(%dma_wait3A_407 : memref<128xi32, #tpu.memory_space<vmem>>)
      tpu.yield
    }) : () -> ()
    %run_scoped3A_15 = arith.constant 2 : i32
    "tpu.region"() ({
      %run_scoped3A_392 = tpu.sem_alloc : memref<!tpu.dma_semaphore, #tpu.memory_space<semaphore_mem>>
      %dma_start3A_393 = arith.constant 0 : i32
      %dma_start3A_394 = tpu.memref_slice %arg9[%run_scoped3A_15, %dma_start3A_393] : memref<4x128xi32, #tpu.memory_space<vmem>> -> memref<1x128xi32, #tpu.memory_space<vmem>>
      %dma_start3A_395 = tpu.memref_squeeze %dma_start3A_394 : memref<1x128xi32, #tpu.memory_space<vmem>> -> memref<128xi32, #tpu.memory_space<vmem>>
      %dma_start3A_396 = tpu.memref_slice %arg3[%add3A_13] : memref<16384xi32, #tpu.memory_space<hbm>> -> memref<128xi32, #tpu.memory_space<hbm>>
      %dma_start3A_397 = arith.constant 0 : i32
      %dma_start3A_398 = tpu.memref_slice %arg9[%run_scoped3A_15, %dma_start3A_397] : memref<4x128xi32, #tpu.memory_space<vmem>> -> memref<1x128xi32, #tpu.memory_space<vmem>>
      %dma_start3A_399 = tpu.memref_squeeze %dma_start3A_398 : memref<1x128xi32, #tpu.memory_space<vmem>> -> memref<128xi32, #tpu.memory_space<vmem>>
      %dma_start3A_400 = tpu.memref_slice %arg3[%add3A_13] : memref<16384xi32, #tpu.memory_space<hbm>> -> memref<128xi32, #tpu.memory_space<hbm>>
      tpu.enqueue_dma source(%dma_start3A_400 : memref<128xi32, #tpu.memory_space<hbm>>) target(%dma_start3A_399 : memref<128xi32, #tpu.memory_space<vmem>>) target_semaphore(%run_scoped3A_392 : memref<!tpu.dma_semaphore, #tpu.memory_space<semaphore_mem>>)
      %dma_wait3A_401 = arith.constant 0 : i32
      %dma_wait3A_402 = tpu.memref_slice %arg9[%run_scoped3A_15, %dma_wait3A_401] : memref<4x128xi32, #tpu.memory_space<vmem>> -> memref<1x128xi32, #tpu.memory_space<vmem>>
      %dma_wait3A_403 = tpu.memref_squeeze %dma_wait3A_402 : memref<1x128xi32, #tpu.memory_space<vmem>> -> memref<128xi32, #tpu.memory_space<vmem>>
      %dma_wait3A_404 = tpu.memref_slice %arg3[%add3A_13] : memref<16384xi32, #tpu.memory_space<hbm>> -> memref<128xi32, #tpu.memory_space<hbm>>
      %dma_wait3A_405 = arith.constant 0 : i32
      %dma_wait3A_406 = tpu.memref_slice %arg9[%run_scoped3A_15, %dma_wait3A_405] : memref<4x128xi32, #tpu.memory_space<vmem>> -> memref<1x128xi32, #tpu.memory_space<vmem>>
      %dma_wait3A_407 = tpu.memref_squeeze %dma_wait3A_406 : memref<1x128xi32, #tpu.memory_space<vmem>> -> memref<128xi32, #tpu.memory_space<vmem>>
      %dma_wait3A_408 = tpu.memref_slice %arg3[%add3A_13] : memref<16384xi32, #tpu.memory_space<hbm>> -> memref<128xi32, #tpu.memory_space<hbm>>
      tpu.wait_dma2 semaphore(%run_scoped3A_392 : memref<!tpu.dma_semaphore, #tpu.memory_space<semaphore_mem>>) src(%dma_wait3A_408 : memref<128xi32, #tpu.memory_space<hbm>>) dst(%dma_wait3A_407 : memref<128xi32, #tpu.memory_space<vmem>>)
      tpu.yield
    }) : () -> ()
    %run_scoped3A_16 = arith.constant 2 : i32
    "tpu.region"() ({
      %run_scoped3A_392 = tpu.sem_alloc : memref<!tpu.dma_semaphore, #tpu.memory_space<semaphore_mem>>
      %dma_start3A_393 = arith.constant 0 : i32
      %dma_start3A_394 = tpu.memref_slice %arg10[%run_scoped3A_16, %dma_start3A_393] : memref<4x128xi32, #tpu.memory_space<vmem>> -> memref<1x128xi32, #tpu.memory_space<vmem>>
      %dma_start3A_395 = tpu.memref_squeeze %dma_start3A_394 : memref<1x128xi32, #tpu.memory_space<vmem>> -> memref<128xi32, #tpu.memory_space<vmem>>
      %dma_start3A_396 = tpu.memref_slice %arg4[%add3A_13] : memref<16384xi32, #tpu.memory_space<hbm>> -> memref<128xi32, #tpu.memory_space<hbm>>
      %dma_start3A_397 = arith.constant 0 : i32
      %dma_start3A_398 = tpu.memref_slice %arg10[%run_scoped3A_16, %dma_start3A_397] : memref<4x128xi32, #tpu.memory_space<vmem>> -> memref<1x128xi32, #tpu.memory_space<vmem>>
      %dma_start3A_399 = tpu.memref_squeeze %dma_start3A_398 : memref<1x128xi32, #tpu.memory_space<vmem>> -> memref<128xi32, #tpu.memory_space<vmem>>
      %dma_start3A_400 = tpu.memref_slice %arg4[%add3A_13] : memref<16384xi32, #tpu.memory_space<hbm>> -> memref<128xi32, #tpu.memory_space<hbm>>
      tpu.enqueue_dma source(%dma_start3A_400 : memref<128xi32, #tpu.memory_space<hbm>>) target(%dma_start3A_399 : memref<128xi32, #tpu.memory_space<vmem>>) target_semaphore(%run_scoped3A_392 : memref<!tpu.dma_semaphore, #tpu.memory_space<semaphore_mem>>)
      %dma_wait3A_401 = arith.constant 0 : i32
      %dma_wait3A_402 = tpu.memref_slice %arg10[%run_scoped3A_16, %dma_wait3A_401] : memref<4x128xi32, #tpu.memory_space<vmem>> -> memref<1x128xi32, #tpu.memory_space<vmem>>
      %dma_wait3A_403 = tpu.memref_squeeze %dma_wait3A_402 : memref<1x128xi32, #tpu.memory_space<vmem>> -> memref<128xi32, #tpu.memory_space<vmem>>
      %dma_wait3A_404 = tpu.memref_slice %arg4[%add3A_13] : memref<16384xi32, #tpu.memory_space<hbm>> -> memref<128xi32, #tpu.memory_space<hbm>>
      %dma_wait3A_405 = arith.constant 0 : i32
      %dma_wait3A_406 = tpu.memref_slice %arg10[%run_scoped3A_16, %dma_wait3A_405] : memref<4x128xi32, #tpu.memory_space<vmem>> -> memref<1x128xi32, #tpu.memory_space<vmem>>
      %dma_wait3A_407 = tpu.memref_squeeze %dma_wait3A_406 : memref<1x128xi32, #tpu.memory_space<vmem>> -> memref<128xi32, #tpu.memory_space<vmem>>
      %dma_wait3A_408 = tpu.memref_slice %arg4[%add3A_13] : memref<16384xi32, #tpu.memory_space<hbm>> -> memref<128xi32, #tpu.memory_space<hbm>>
      tpu.wait_dma2 semaphore(%run_scoped3A_392 : memref<!tpu.dma_semaphore, #tpu.memory_space<semaphore_mem>>) src(%dma_wait3A_408 : memref<128xi32, #tpu.memory_space<hbm>>) dst(%dma_wait3A_407 : memref<128xi32, #tpu.memory_space<vmem>>)
      tpu.yield
    }) : () -> ()
    %add3A_17 = arith.constant 384 : i32
    %add3A_18 = arith.addi %mul3A_2, %add3A_17 : i32
    %run_scoped3A_19 = arith.constant 3 : i32
    "tpu.region"() ({
      %run_scoped3A_392 = tpu.sem_alloc : memref<!tpu.dma_semaphore, #tpu.memory_space<semaphore_mem>>
      %dma_start3A_393 = arith.constant 0 : i32
      %dma_start3A_394 = tpu.memref_slice %arg8[%run_scoped3A_19, %dma_start3A_393] : memref<4x128xi32, #tpu.memory_space<vmem>> -> memref<1x128xi32, #tpu.memory_space<vmem>>
      %dma_start3A_395 = tpu.memref_squeeze %dma_start3A_394 : memref<1x128xi32, #tpu.memory_space<vmem>> -> memref<128xi32, #tpu.memory_space<vmem>>
      %dma_start3A_396 = tpu.memref_slice %arg2[%add3A_18] : memref<16384xi32, #tpu.memory_space<hbm>> -> memref<128xi32, #tpu.memory_space<hbm>>
      %dma_start3A_397 = arith.constant 0 : i32
      %dma_start3A_398 = tpu.memref_slice %arg8[%run_scoped3A_19, %dma_start3A_397] : memref<4x128xi32, #tpu.memory_space<vmem>> -> memref<1x128xi32, #tpu.memory_space<vmem>>
      %dma_start3A_399 = tpu.memref_squeeze %dma_start3A_398 : memref<1x128xi32, #tpu.memory_space<vmem>> -> memref<128xi32, #tpu.memory_space<vmem>>
      %dma_start3A_400 = tpu.memref_slice %arg2[%add3A_18] : memref<16384xi32, #tpu.memory_space<hbm>> -> memref<128xi32, #tpu.memory_space<hbm>>
      tpu.enqueue_dma source(%dma_start3A_400 : memref<128xi32, #tpu.memory_space<hbm>>) target(%dma_start3A_399 : memref<128xi32, #tpu.memory_space<vmem>>) target_semaphore(%run_scoped3A_392 : memref<!tpu.dma_semaphore, #tpu.memory_space<semaphore_mem>>)
      %dma_wait3A_401 = arith.constant 0 : i32
      %dma_wait3A_402 = tpu.memref_slice %arg8[%run_scoped3A_19, %dma_wait3A_401] : memref<4x128xi32, #tpu.memory_space<vmem>> -> memref<1x128xi32, #tpu.memory_space<vmem>>
      %dma_wait3A_403 = tpu.memref_squeeze %dma_wait3A_402 : memref<1x128xi32, #tpu.memory_space<vmem>> -> memref<128xi32, #tpu.memory_space<vmem>>
      %dma_wait3A_404 = tpu.memref_slice %arg2[%add3A_18] : memref<16384xi32, #tpu.memory_space<hbm>> -> memref<128xi32, #tpu.memory_space<hbm>>
      %dma_wait3A_405 = arith.constant 0 : i32
      %dma_wait3A_406 = tpu.memref_slice %arg8[%run_scoped3A_19, %dma_wait3A_405] : memref<4x128xi32, #tpu.memory_space<vmem>> -> memref<1x128xi32, #tpu.memory_space<vmem>>
      %dma_wait3A_407 = tpu.memref_squeeze %dma_wait3A_406 : memref<1x128xi32, #tpu.memory_space<vmem>> -> memref<128xi32, #tpu.memory_space<vmem>>
      %dma_wait3A_408 = tpu.memref_slice %arg2[%add3A_18] : memref<16384xi32, #tpu.memory_space<hbm>> -> memref<128xi32, #tpu.memory_space<hbm>>
      tpu.wait_dma2 semaphore(%run_scoped3A_392 : memref<!tpu.dma_semaphore, #tpu.memory_space<semaphore_mem>>) src(%dma_wait3A_408 : memref<128xi32, #tpu.memory_space<hbm>>) dst(%dma_wait3A_407 : memref<128xi32, #tpu.memory_space<vmem>>)
      tpu.yield
    }) : () -> ()
    %run_scoped3A_20 = arith.constant 3 : i32
    "tpu.region"() ({
      %run_scoped3A_392 = tpu.sem_alloc : memref<!tpu.dma_semaphore, #tpu.memory_space<semaphore_mem>>
      %dma_start3A_393 = arith.constant 0 : i32
      %dma_start3A_394 = tpu.memref_slice %arg9[%run_scoped3A_20, %dma_start3A_393] : memref<4x128xi32, #tpu.memory_space<vmem>> -> memref<1x128xi32, #tpu.memory_space<vmem>>
      %dma_start3A_395 = tpu.memref_squeeze %dma_start3A_394 : memref<1x128xi32, #tpu.memory_space<vmem>> -> memref<128xi32, #tpu.memory_space<vmem>>
      %dma_start3A_396 = tpu.memref_slice %arg3[%add3A_18] : memref<16384xi32, #tpu.memory_space<hbm>> -> memref<128xi32, #tpu.memory_space<hbm>>
      %dma_start3A_397 = arith.constant 0 : i32
      %dma_start3A_398 = tpu.memref_slice %arg9[%run_scoped3A_20, %dma_start3A_397] : memref<4x128xi32, #tpu.memory_space<vmem>> -> memref<1x128xi32, #tpu.memory_space<vmem>>
      %dma_start3A_399 = tpu.memref_squeeze %dma_start3A_398 : memref<1x128xi32, #tpu.memory_space<vmem>> -> memref<128xi32, #tpu.memory_space<vmem>>
      %dma_start3A_400 = tpu.memref_slice %arg3[%add3A_18] : memref<16384xi32, #tpu.memory_space<hbm>> -> memref<128xi32, #tpu.memory_space<hbm>>
      tpu.enqueue_dma source(%dma_start3A_400 : memref<128xi32, #tpu.memory_space<hbm>>) target(%dma_start3A_399 : memref<128xi32, #tpu.memory_space<vmem>>) target_semaphore(%run_scoped3A_392 : memref<!tpu.dma_semaphore, #tpu.memory_space<semaphore_mem>>)
      %dma_wait3A_401 = arith.constant 0 : i32
      %dma_wait3A_402 = tpu.memref_slice %arg9[%run_scoped3A_20, %dma_wait3A_401] : memref<4x128xi32, #tpu.memory_space<vmem>> -> memref<1x128xi32, #tpu.memory_space<vmem>>
      %dma_wait3A_403 = tpu.memref_squeeze %dma_wait3A_402 : memref<1x128xi32, #tpu.memory_space<vmem>> -> memref<128xi32, #tpu.memory_space<vmem>>
      %dma_wait3A_404 = tpu.memref_slice %arg3[%add3A_18] : memref<16384xi32, #tpu.memory_space<hbm>> -> memref<128xi32, #tpu.memory_space<hbm>>
      %dma_wait3A_405 = arith.constant 0 : i32
      %dma_wait3A_406 = tpu.memref_slice %arg9[%run_scoped3A_20, %dma_wait3A_405] : memref<4x128xi32, #tpu.memory_space<vmem>> -> memref<1x128xi32, #tpu.memory_space<vmem>>
      %dma_wait3A_407 = tpu.memref_squeeze %dma_wait3A_406 : memref<1x128xi32, #tpu.memory_space<vmem>> -> memref<128xi32, #tpu.memory_space<vmem>>
      %dma_wait3A_408 = tpu.memref_slice %arg3[%add3A_18] : memref<16384xi32, #tpu.memory_space<hbm>> -> memref<128xi32, #tpu.memory_space<hbm>>
      tpu.wait_dma2 semaphore(%run_scoped3A_392 : memref<!tpu.dma_semaphore, #tpu.memory_space<semaphore_mem>>) src(%dma_wait3A_408 : memref<128xi32, #tpu.memory_space<hbm>>) dst(%dma_wait3A_407 : memref<128xi32, #tpu.memory_space<vmem>>)
      tpu.yield
    }) : () -> ()
    %run_scoped3A_21 = arith.constant 3 : i32
    "tpu.region"() ({
      %run_scoped3A_392 = tpu.sem_alloc : memref<!tpu.dma_semaphore, #tpu.memory_space<semaphore_mem>>
      %dma_start3A_393 = arith.constant 0 : i32
      %dma_start3A_394 = tpu.memref_slice %arg10[%run_scoped3A_21, %dma_start3A_393] : memref<4x128xi32, #tpu.memory_space<vmem>> -> memref<1x128xi32, #tpu.memory_space<vmem>>
      %dma_start3A_395 = tpu.memref_squeeze %dma_start3A_394 : memref<1x128xi32, #tpu.memory_space<vmem>> -> memref<128xi32, #tpu.memory_space<vmem>>
      %dma_start3A_396 = tpu.memref_slice %arg4[%add3A_18] : memref<16384xi32, #tpu.memory_space<hbm>> -> memref<128xi32, #tpu.memory_space<hbm>>
      %dma_start3A_397 = arith.constant 0 : i32
      %dma_start3A_398 = tpu.memref_slice %arg10[%run_scoped3A_21, %dma_start3A_397] : memref<4x128xi32, #tpu.memory_space<vmem>> -> memref<1x128xi32, #tpu.memory_space<vmem>>
      %dma_start3A_399 = tpu.memref_squeeze %dma_start3A_398 : memref<1x128xi32, #tpu.memory_space<vmem>> -> memref<128xi32, #tpu.memory_space<vmem>>
      %dma_start3A_400 = tpu.memref_slice %arg4[%add3A_18] : memref<16384xi32, #tpu.memory_space<hbm>> -> memref<128xi32, #tpu.memory_space<hbm>>
      tpu.enqueue_dma source(%dma_start3A_400 : memref<128xi32, #tpu.memory_space<hbm>>) target(%dma_start3A_399 : memref<128xi32, #tpu.memory_space<vmem>>) target_semaphore(%run_scoped3A_392 : memref<!tpu.dma_semaphore, #tpu.memory_space<semaphore_mem>>)
      %dma_wait3A_401 = arith.constant 0 : i32
      %dma_wait3A_402 = tpu.memref_slice %arg10[%run_scoped3A_21, %dma_wait3A_401] : memref<4x128xi32, #tpu.memory_space<vmem>> -> memref<1x128xi32, #tpu.memory_space<vmem>>
      %dma_wait3A_403 = tpu.memref_squeeze %dma_wait3A_402 : memref<1x128xi32, #tpu.memory_space<vmem>> -> memref<128xi32, #tpu.memory_space<vmem>>
      %dma_wait3A_404 = tpu.memref_slice %arg4[%add3A_18] : memref<16384xi32, #tpu.memory_space<hbm>> -> memref<128xi32, #tpu.memory_space<hbm>>
      %dma_wait3A_405 = arith.constant 0 : i32
      %dma_wait3A_406 = tpu.memref_slice %arg10[%run_scoped3A_21, %dma_wait3A_405] : memref<4x128xi32, #tpu.memory_space<vmem>> -> memref<1x128xi32, #tpu.memory_space<vmem>>
      %dma_wait3A_407 = tpu.memref_squeeze %dma_wait3A_406 : memref<1x128xi32, #tpu.memory_space<vmem>> -> memref<128xi32, #tpu.memory_space<vmem>>
      %dma_wait3A_408 = tpu.memref_slice %arg4[%add3A_18] : memref<16384xi32, #tpu.memory_space<hbm>> -> memref<128xi32, #tpu.memory_space<hbm>>
      tpu.wait_dma2 semaphore(%run_scoped3A_392 : memref<!tpu.dma_semaphore, #tpu.memory_space<semaphore_mem>>) src(%dma_wait3A_408 : memref<128xi32, #tpu.memory_space<hbm>>) dst(%dma_wait3A_407 : memref<128xi32, #tpu.memory_space<vmem>>)
      tpu.yield
    }) : () -> ()
    %dma_start3A = arith.constant 0 : i32
    %dma_start3A_22 = arith.constant 0 : i32
    %dma_start3A_23 = arith.constant 0 : i32
    %dma_start3A_24 = tpu.memref_slice %arg11[%dma_start3A_22, %dma_start3A_23] : memref<512x64xf32, #tpu.memory_space<vmem>> -> memref<128x64xf32, #tpu.memory_space<vmem>>
    %dma_start3A_25 = arith.constant 0 : i32
    %dma_start3A_26 = tpu.memref_slice %arg8[%dma_start3A, %dma_start3A_25] : memref<4x128xi32, #tpu.memory_space<vmem>> -> memref<1x128xi32, #tpu.memory_space<vmem>>
    %dma_start3A_27 = tpu.memref_squeeze %dma_start3A_26 : memref<1x128xi32, #tpu.memory_space<vmem>> -> memref<128xi32, #tpu.memory_space<vmem>>
    %dma_start3A_28 = arith.constant 0 : i32
    %dma_start3A_29 = arith.constant 0 : i32
    %dma_start3A_30 = tpu.memref_slice %arg5[%dma_start3A_28, %dma_start3A_29] : memref<1000000x64xf32, #tpu.memory_space<hbm>> -> memref<1000000x64xf32, #tpu.memory_space<hbm>>
    tpu.enqueue_indirect_dma source(%dma_start3A_30 : memref<1000000x64xf32, #tpu.memory_space<hbm>>) target(%dma_start3A_24 : memref<128x64xf32, #tpu.memory_space<vmem>>) offsets(%dma_start3A_27 : memref<128xi32, #tpu.memory_space<vmem>>) semaphore(%arg15 : memref<!tpu.dma_semaphore, #tpu.memory_space<semaphore_mem>>)
    %dma_start3A_31 = arith.constant 0 : i32
    %dma_start3A_32 = arith.constant 0 : i32
    %dma_start3A_33 = arith.constant 0 : i32
    %dma_start3A_34 = tpu.memref_slice %arg13[%dma_start3A_32, %dma_start3A_33] : memref<512x64xf32, #tpu.memory_space<vmem>> -> memref<128x64xf32, #tpu.memory_space<vmem>>
    %dma_start3A_35 = arith.constant 0 : i32
    %dma_start3A_36 = tpu.memref_slice %arg10[%dma_start3A_31, %dma_start3A_35] : memref<4x128xi32, #tpu.memory_space<vmem>> -> memref<1x128xi32, #tpu.memory_space<vmem>>
    %dma_start3A_37 = tpu.memref_squeeze %dma_start3A_36 : memref<1x128xi32, #tpu.memory_space<vmem>> -> memref<128xi32, #tpu.memory_space<vmem>>
    %dma_start3A_38 = arith.constant 0 : i32
    %dma_start3A_39 = arith.constant 0 : i32
    %dma_start3A_40 = tpu.memref_slice %arg5[%dma_start3A_38, %dma_start3A_39] : memref<1000000x64xf32, #tpu.memory_space<hbm>> -> memref<1000000x64xf32, #tpu.memory_space<hbm>>
    tpu.enqueue_indirect_dma source(%dma_start3A_40 : memref<1000000x64xf32, #tpu.memory_space<hbm>>) target(%dma_start3A_34 : memref<128x64xf32, #tpu.memory_space<vmem>>) offsets(%dma_start3A_37 : memref<128xi32, #tpu.memory_space<vmem>>) semaphore(%arg15 : memref<!tpu.dma_semaphore, #tpu.memory_space<semaphore_mem>>)
    %dma_start3A_41 = arith.constant 0 : i32
    %dma_start3A_42 = arith.constant 0 : i32
    %dma_start3A_43 = arith.constant 0 : i32
    %dma_start3A_44 = tpu.memref_slice %arg12[%dma_start3A_42, %dma_start3A_43] : memref<512x64xf32, #tpu.memory_space<vmem>> -> memref<128x64xf32, #tpu.memory_space<vmem>>
    %dma_start3A_45 = arith.constant 0 : i32
    %dma_start3A_46 = tpu.memref_slice %arg9[%dma_start3A_41, %dma_start3A_45] : memref<4x128xi32, #tpu.memory_space<vmem>> -> memref<1x128xi32, #tpu.memory_space<vmem>>
    %dma_start3A_47 = tpu.memref_squeeze %dma_start3A_46 : memref<1x128xi32, #tpu.memory_space<vmem>> -> memref<128xi32, #tpu.memory_space<vmem>>
    %dma_start3A_48 = arith.constant 0 : i32
    %dma_start3A_49 = arith.constant 0 : i32
    %dma_start3A_50 = tpu.memref_slice %arg6[%dma_start3A_48, %dma_start3A_49] : memref<1000x64xf32, #tpu.memory_space<hbm>> -> memref<1000x64xf32, #tpu.memory_space<hbm>>
    tpu.enqueue_indirect_dma source(%dma_start3A_50 : memref<1000x64xf32, #tpu.memory_space<hbm>>) target(%dma_start3A_44 : memref<128x64xf32, #tpu.memory_space<vmem>>) offsets(%dma_start3A_47 : memref<128xi32, #tpu.memory_space<vmem>>) semaphore(%arg15 : memref<!tpu.dma_semaphore, #tpu.memory_space<semaphore_mem>>)
    %dma_start3A_51 = arith.constant 1 : i32
    %dma_start3A_52 = arith.constant 128 : i32
    %dma_start3A_53 = arith.constant 0 : i32
    %dma_start3A_54 = tpu.memref_slice %arg11[%dma_start3A_52, %dma_start3A_53] : memref<512x64xf32, #tpu.memory_space<vmem>> -> memref<128x64xf32, #tpu.memory_space<vmem>>
    %dma_start3A_55 = arith.constant 0 : i32
    %dma_start3A_56 = tpu.memref_slice %arg8[%dma_start3A_51, %dma_start3A_55] : memref<4x128xi32, #tpu.memory_space<vmem>> -> memref<1x128xi32, #tpu.memory_space<vmem>>
    %dma_start3A_57 = tpu.memref_squeeze %dma_start3A_56 : memref<1x128xi32, #tpu.memory_space<vmem>> -> memref<128xi32, #tpu.memory_space<vmem>>
    %dma_start3A_58 = arith.constant 0 : i32
    %dma_start3A_59 = arith.constant 0 : i32
    %dma_start3A_60 = tpu.memref_slice %arg5[%dma_start3A_58, %dma_start3A_59] : memref<1000000x64xf32, #tpu.memory_space<hbm>> -> memref<1000000x64xf32, #tpu.memory_space<hbm>>
    tpu.enqueue_indirect_dma source(%dma_start3A_60 : memref<1000000x64xf32, #tpu.memory_space<hbm>>) target(%dma_start3A_54 : memref<128x64xf32, #tpu.memory_space<vmem>>) offsets(%dma_start3A_57 : memref<128xi32, #tpu.memory_space<vmem>>) semaphore(%arg15 : memref<!tpu.dma_semaphore, #tpu.memory_space<semaphore_mem>>)
    %dma_start3A_61 = arith.constant 1 : i32
    %dma_start3A_62 = arith.constant 128 : i32
    %dma_start3A_63 = arith.constant 0 : i32
    %dma_start3A_64 = tpu.memref_slice %arg13[%dma_start3A_62, %dma_start3A_63] : memref<512x64xf32, #tpu.memory_space<vmem>> -> memref<128x64xf32, #tpu.memory_space<vmem>>
    %dma_start3A_65 = arith.constant 0 : i32
    %dma_start3A_66 = tpu.memref_slice %arg10[%dma_start3A_61, %dma_start3A_65] : memref<4x128xi32, #tpu.memory_space<vmem>> -> memref<1x128xi32, #tpu.memory_space<vmem>>
    %dma_start3A_67 = tpu.memref_squeeze %dma_start3A_66 : memref<1x128xi32, #tpu.memory_space<vmem>> -> memref<128xi32, #tpu.memory_space<vmem>>
    %dma_start3A_68 = arith.constant 0 : i32
    %dma_start3A_69 = arith.constant 0 : i32
    %dma_start3A_70 = tpu.memref_slice %arg5[%dma_start3A_68, %dma_start3A_69] : memref<1000000x64xf32, #tpu.memory_space<hbm>> -> memref<1000000x64xf32, #tpu.memory_space<hbm>>
    tpu.enqueue_indirect_dma source(%dma_start3A_70 : memref<1000000x64xf32, #tpu.memory_space<hbm>>) target(%dma_start3A_64 : memref<128x64xf32, #tpu.memory_space<vmem>>) offsets(%dma_start3A_67 : memref<128xi32, #tpu.memory_space<vmem>>) semaphore(%arg15 : memref<!tpu.dma_semaphore, #tpu.memory_space<semaphore_mem>>)
    %dma_start3A_71 = arith.constant 1 : i32
    %dma_start3A_72 = arith.constant 128 : i32
    %dma_start3A_73 = arith.constant 0 : i32
    %dma_start3A_74 = tpu.memref_slice %arg12[%dma_start3A_72, %dma_start3A_73] : memref<512x64xf32, #tpu.memory_space<vmem>> -> memref<128x64xf32, #tpu.memory_space<vmem>>
    %dma_start3A_75 = arith.constant 0 : i32
    %dma_start3A_76 = tpu.memref_slice %arg9[%dma_start3A_71, %dma_start3A_75] : memref<4x128xi32, #tpu.memory_space<vmem>> -> memref<1x128xi32, #tpu.memory_space<vmem>>
    %dma_start3A_77 = tpu.memref_squeeze %dma_start3A_76 : memref<1x128xi32, #tpu.memory_space<vmem>> -> memref<128xi32, #tpu.memory_space<vmem>>
    %dma_start3A_78 = arith.constant 0 : i32
    %dma_start3A_79 = arith.constant 0 : i32
    %dma_start3A_80 = tpu.memref_slice %arg6[%dma_start3A_78, %dma_start3A_79] : memref<1000x64xf32, #tpu.memory_space<hbm>> -> memref<1000x64xf32, #tpu.memory_space<hbm>>
    tpu.enqueue_indirect_dma source(%dma_start3A_80 : memref<1000x64xf32, #tpu.memory_space<hbm>>) target(%dma_start3A_74 : memref<128x64xf32, #tpu.memory_space<vmem>>) offsets(%dma_start3A_77 : memref<128xi32, #tpu.memory_space<vmem>>) semaphore(%arg15 : memref<!tpu.dma_semaphore, #tpu.memory_space<semaphore_mem>>)
    %dma_start3A_81 = arith.constant 2 : i32
    %dma_start3A_82 = arith.constant 256 : i32
    %dma_start3A_83 = arith.constant 0 : i32
    %dma_start3A_84 = tpu.memref_slice %arg11[%dma_start3A_82, %dma_start3A_83] : memref<512x64xf32, #tpu.memory_space<vmem>> -> memref<128x64xf32, #tpu.memory_space<vmem>>
    %dma_start3A_85 = arith.constant 0 : i32
    %dma_start3A_86 = tpu.memref_slice %arg8[%dma_start3A_81, %dma_start3A_85] : memref<4x128xi32, #tpu.memory_space<vmem>> -> memref<1x128xi32, #tpu.memory_space<vmem>>
    %dma_start3A_87 = tpu.memref_squeeze %dma_start3A_86 : memref<1x128xi32, #tpu.memory_space<vmem>> -> memref<128xi32, #tpu.memory_space<vmem>>
    %dma_start3A_88 = arith.constant 0 : i32
    %dma_start3A_89 = arith.constant 0 : i32
    %dma_start3A_90 = tpu.memref_slice %arg5[%dma_start3A_88, %dma_start3A_89] : memref<1000000x64xf32, #tpu.memory_space<hbm>> -> memref<1000000x64xf32, #tpu.memory_space<hbm>>
    tpu.enqueue_indirect_dma source(%dma_start3A_90 : memref<1000000x64xf32, #tpu.memory_space<hbm>>) target(%dma_start3A_84 : memref<128x64xf32, #tpu.memory_space<vmem>>) offsets(%dma_start3A_87 : memref<128xi32, #tpu.memory_space<vmem>>) semaphore(%arg15 : memref<!tpu.dma_semaphore, #tpu.memory_space<semaphore_mem>>)
    %dma_start3A_91 = arith.constant 2 : i32
    %dma_start3A_92 = arith.constant 256 : i32
    %dma_start3A_93 = arith.constant 0 : i32
    %dma_start3A_94 = tpu.memref_slice %arg13[%dma_start3A_92, %dma_start3A_93] : memref<512x64xf32, #tpu.memory_space<vmem>> -> memref<128x64xf32, #tpu.memory_space<vmem>>
    %dma_start3A_95 = arith.constant 0 : i32
    %dma_start3A_96 = tpu.memref_slice %arg10[%dma_start3A_91, %dma_start3A_95] : memref<4x128xi32, #tpu.memory_space<vmem>> -> memref<1x128xi32, #tpu.memory_space<vmem>>
    %dma_start3A_97 = tpu.memref_squeeze %dma_start3A_96 : memref<1x128xi32, #tpu.memory_space<vmem>> -> memref<128xi32, #tpu.memory_space<vmem>>
    %dma_start3A_98 = arith.constant 0 : i32
    %dma_start3A_99 = arith.constant 0 : i32
    %dma_start3A_100 = tpu.memref_slice %arg5[%dma_start3A_98, %dma_start3A_99] : memref<1000000x64xf32, #tpu.memory_space<hbm>> -> memref<1000000x64xf32, #tpu.memory_space<hbm>>
    tpu.enqueue_indirect_dma source(%dma_start3A_100 : memref<1000000x64xf32, #tpu.memory_space<hbm>>) target(%dma_start3A_94 : memref<128x64xf32, #tpu.memory_space<vmem>>) offsets(%dma_start3A_97 : memref<128xi32, #tpu.memory_space<vmem>>) semaphore(%arg15 : memref<!tpu.dma_semaphore, #tpu.memory_space<semaphore_mem>>)
    %dma_start3A_101 = arith.constant 2 : i32
    %dma_start3A_102 = arith.constant 256 : i32
    %dma_start3A_103 = arith.constant 0 : i32
    %dma_start3A_104 = tpu.memref_slice %arg12[%dma_start3A_102, %dma_start3A_103] : memref<512x64xf32, #tpu.memory_space<vmem>> -> memref<128x64xf32, #tpu.memory_space<vmem>>
    %dma_start3A_105 = arith.constant 0 : i32
    %dma_start3A_106 = tpu.memref_slice %arg9[%dma_start3A_101, %dma_start3A_105] : memref<4x128xi32, #tpu.memory_space<vmem>> -> memref<1x128xi32, #tpu.memory_space<vmem>>
    %dma_start3A_107 = tpu.memref_squeeze %dma_start3A_106 : memref<1x128xi32, #tpu.memory_space<vmem>> -> memref<128xi32, #tpu.memory_space<vmem>>
    %dma_start3A_108 = arith.constant 0 : i32
    %dma_start3A_109 = arith.constant 0 : i32
    %dma_start3A_110 = tpu.memref_slice %arg6[%dma_start3A_108, %dma_start3A_109] : memref<1000x64xf32, #tpu.memory_space<hbm>> -> memref<1000x64xf32, #tpu.memory_space<hbm>>
    tpu.enqueue_indirect_dma source(%dma_start3A_110 : memref<1000x64xf32, #tpu.memory_space<hbm>>) target(%dma_start3A_104 : memref<128x64xf32, #tpu.memory_space<vmem>>) offsets(%dma_start3A_107 : memref<128xi32, #tpu.memory_space<vmem>>) semaphore(%arg15 : memref<!tpu.dma_semaphore, #tpu.memory_space<semaphore_mem>>)
    %dma_start3A_111 = arith.constant 3 : i32
    %dma_start3A_112 = arith.constant 384 : i32
    %dma_start3A_113 = arith.constant 0 : i32
    %dma_start3A_114 = tpu.memref_slice %arg11[%dma_start3A_112, %dma_start3A_113] : memref<512x64xf32, #tpu.memory_space<vmem>> -> memref<128x64xf32, #tpu.memory_space<vmem>>
    %dma_start3A_115 = arith.constant 0 : i32
    %dma_start3A_116 = tpu.memref_slice %arg8[%dma_start3A_111, %dma_start3A_115] : memref<4x128xi32, #tpu.memory_space<vmem>> -> memref<1x128xi32, #tpu.memory_space<vmem>>
    %dma_start3A_117 = tpu.memref_squeeze %dma_start3A_116 : memref<1x128xi32, #tpu.memory_space<vmem>> -> memref<128xi32, #tpu.memory_space<vmem>>
    %dma_start3A_118 = arith.constant 0 : i32
    %dma_start3A_119 = arith.constant 0 : i32
    %dma_start3A_120 = tpu.memref_slice %arg5[%dma_start3A_118, %dma_start3A_119] : memref<1000000x64xf32, #tpu.memory_space<hbm>> -> memref<1000000x64xf32, #tpu.memory_space<hbm>>
    tpu.enqueue_indirect_dma source(%dma_start3A_120 : memref<1000000x64xf32, #tpu.memory_space<hbm>>) target(%dma_start3A_114 : memref<128x64xf32, #tpu.memory_space<vmem>>) offsets(%dma_start3A_117 : memref<128xi32, #tpu.memory_space<vmem>>) semaphore(%arg15 : memref<!tpu.dma_semaphore, #tpu.memory_space<semaphore_mem>>)
    %dma_start3A_121 = arith.constant 3 : i32
    %dma_start3A_122 = arith.constant 384 : i32
    %dma_start3A_123 = arith.constant 0 : i32
    %dma_start3A_124 = tpu.memref_slice %arg13[%dma_start3A_122, %dma_start3A_123] : memref<512x64xf32, #tpu.memory_space<vmem>> -> memref<128x64xf32, #tpu.memory_space<vmem>>
    %dma_start3A_125 = arith.constant 0 : i32
    %dma_start3A_126 = tpu.memref_slice %arg10[%dma_start3A_121, %dma_start3A_125] : memref<4x128xi32, #tpu.memory_space<vmem>> -> memref<1x128xi32, #tpu.memory_space<vmem>>
    %dma_start3A_127 = tpu.memref_squeeze %dma_start3A_126 : memref<1x128xi32, #tpu.memory_space<vmem>> -> memref<128xi32, #tpu.memory_space<vmem>>
    %dma_start3A_128 = arith.constant 0 : i32
    %dma_start3A_129 = arith.constant 0 : i32
    %dma_start3A_130 = tpu.memref_slice %arg5[%dma_start3A_128, %dma_start3A_129] : memref<1000000x64xf32, #tpu.memory_space<hbm>> -> memref<1000000x64xf32, #tpu.memory_space<hbm>>
    tpu.enqueue_indirect_dma source(%dma_start3A_130 : memref<1000000x64xf32, #tpu.memory_space<hbm>>) target(%dma_start3A_124 : memref<128x64xf32, #tpu.memory_space<vmem>>) offsets(%dma_start3A_127 : memref<128xi32, #tpu.memory_space<vmem>>) semaphore(%arg15 : memref<!tpu.dma_semaphore, #tpu.memory_space<semaphore_mem>>)
    %dma_start3A_131 = arith.constant 3 : i32
    %dma_start3A_132 = arith.constant 384 : i32
    %dma_start3A_133 = arith.constant 0 : i32
    %dma_start3A_134 = tpu.memref_slice %arg12[%dma_start3A_132, %dma_start3A_133] : memref<512x64xf32, #tpu.memory_space<vmem>> -> memref<128x64xf32, #tpu.memory_space<vmem>>
    %dma_start3A_135 = arith.constant 0 : i32
    %dma_start3A_136 = tpu.memref_slice %arg9[%dma_start3A_131, %dma_start3A_135] : memref<4x128xi32, #tpu.memory_space<vmem>> -> memref<1x128xi32, #tpu.memory_space<vmem>>
    %dma_start3A_137 = tpu.memref_squeeze %dma_start3A_136 : memref<1x128xi32, #tpu.memory_space<vmem>> -> memref<128xi32, #tpu.memory_space<vmem>>
    %dma_start3A_138 = arith.constant 0 : i32
    %dma_start3A_139 = arith.constant 0 : i32
    %dma_start3A_140 = tpu.memref_slice %arg6[%dma_start3A_138, %dma_start3A_139] : memref<1000x64xf32, #tpu.memory_space<hbm>> -> memref<1000x64xf32, #tpu.memory_space<hbm>>
    tpu.enqueue_indirect_dma source(%dma_start3A_140 : memref<1000x64xf32, #tpu.memory_space<hbm>>) target(%dma_start3A_134 : memref<128x64xf32, #tpu.memory_space<vmem>>) offsets(%dma_start3A_137 : memref<128xi32, #tpu.memory_space<vmem>>) semaphore(%arg15 : memref<!tpu.dma_semaphore, #tpu.memory_space<semaphore_mem>>)
    %dma_wait3A = arith.constant 0 : i32
    %dma_wait3A_141 = arith.constant 0 : i32
    %dma_wait3A_142 = arith.constant 0 : i32
    %dma_wait3A_143 = tpu.memref_slice %arg11[%dma_wait3A_141, %dma_wait3A_142] : memref<512x64xf32, #tpu.memory_space<vmem>> -> memref<128x64xf32, #tpu.memory_space<vmem>>
    %dma_wait3A_144 = arith.constant 0 : i32
    %dma_wait3A_145 = tpu.memref_slice %arg8[%dma_wait3A, %dma_wait3A_144] : memref<4x128xi32, #tpu.memory_space<vmem>> -> memref<1x128xi32, #tpu.memory_space<vmem>>
    %dma_wait3A_146 = tpu.memref_squeeze %dma_wait3A_145 : memref<1x128xi32, #tpu.memory_space<vmem>> -> memref<128xi32, #tpu.memory_space<vmem>>
    %dma_wait3A_147 = arith.constant 0 : i32
    %dma_wait3A_148 = arith.constant 0 : i32
    %dma_wait3A_149 = tpu.memref_slice %arg5[%dma_wait3A_147, %dma_wait3A_148] : memref<1000000x64xf32, #tpu.memory_space<hbm>> -> memref<1000000x64xf32, #tpu.memory_space<hbm>>
    tpu.wait_indirect_dma semaphore(%arg15 : memref<!tpu.dma_semaphore, #tpu.memory_space<semaphore_mem>>) src(%dma_wait3A_149 : memref<1000000x64xf32, #tpu.memory_space<hbm>>) dst(%dma_wait3A_143 : memref<128x64xf32, #tpu.memory_space<vmem>>)
    %dma_wait3A_150 = arith.constant 0 : i32
    %dma_wait3A_151 = arith.constant 0 : i32
    %dma_wait3A_152 = arith.constant 0 : i32
    %dma_wait3A_153 = tpu.memref_slice %arg13[%dma_wait3A_151, %dma_wait3A_152] : memref<512x64xf32, #tpu.memory_space<vmem>> -> memref<128x64xf32, #tpu.memory_space<vmem>>
    %dma_wait3A_154 = arith.constant 0 : i32
    %dma_wait3A_155 = tpu.memref_slice %arg10[%dma_wait3A_150, %dma_wait3A_154] : memref<4x128xi32, #tpu.memory_space<vmem>> -> memref<1x128xi32, #tpu.memory_space<vmem>>
    %dma_wait3A_156 = tpu.memref_squeeze %dma_wait3A_155 : memref<1x128xi32, #tpu.memory_space<vmem>> -> memref<128xi32, #tpu.memory_space<vmem>>
    %dma_wait3A_157 = arith.constant 0 : i32
    %dma_wait3A_158 = arith.constant 0 : i32
    %dma_wait3A_159 = tpu.memref_slice %arg5[%dma_wait3A_157, %dma_wait3A_158] : memref<1000000x64xf32, #tpu.memory_space<hbm>> -> memref<1000000x64xf32, #tpu.memory_space<hbm>>
    tpu.wait_indirect_dma semaphore(%arg15 : memref<!tpu.dma_semaphore, #tpu.memory_space<semaphore_mem>>) src(%dma_wait3A_159 : memref<1000000x64xf32, #tpu.memory_space<hbm>>) dst(%dma_wait3A_153 : memref<128x64xf32, #tpu.memory_space<vmem>>)
    %dma_wait3A_160 = arith.constant 0 : i32
    %dma_wait3A_161 = arith.constant 0 : i32
    %dma_wait3A_162 = arith.constant 0 : i32
    %dma_wait3A_163 = tpu.memref_slice %arg12[%dma_wait3A_161, %dma_wait3A_162] : memref<512x64xf32, #tpu.memory_space<vmem>> -> memref<128x64xf32, #tpu.memory_space<vmem>>
    %dma_wait3A_164 = arith.constant 0 : i32
    %dma_wait3A_165 = tpu.memref_slice %arg9[%dma_wait3A_160, %dma_wait3A_164] : memref<4x128xi32, #tpu.memory_space<vmem>> -> memref<1x128xi32, #tpu.memory_space<vmem>>
    %dma_wait3A_166 = tpu.memref_squeeze %dma_wait3A_165 : memref<1x128xi32, #tpu.memory_space<vmem>> -> memref<128xi32, #tpu.memory_space<vmem>>
    %dma_wait3A_167 = arith.constant 0 : i32
    %dma_wait3A_168 = arith.constant 0 : i32
    %dma_wait3A_169 = tpu.memref_slice %arg6[%dma_wait3A_167, %dma_wait3A_168] : memref<1000x64xf32, #tpu.memory_space<hbm>> -> memref<1000x64xf32, #tpu.memory_space<hbm>>
    tpu.wait_indirect_dma semaphore(%arg15 : memref<!tpu.dma_semaphore, #tpu.memory_space<semaphore_mem>>) src(%dma_wait3A_169 : memref<1000x64xf32, #tpu.memory_space<hbm>>) dst(%dma_wait3A_163 : memref<128x64xf32, #tpu.memory_space<vmem>>)
    %dma_wait3A_170 = arith.constant 1 : i32
    %dma_wait3A_171 = arith.constant 128 : i32
    %dma_wait3A_172 = arith.constant 0 : i32
    %dma_wait3A_173 = tpu.memref_slice %arg11[%dma_wait3A_171, %dma_wait3A_172] : memref<512x64xf32, #tpu.memory_space<vmem>> -> memref<128x64xf32, #tpu.memory_space<vmem>>
    %dma_wait3A_174 = arith.constant 0 : i32
    %dma_wait3A_175 = tpu.memref_slice %arg8[%dma_wait3A_170, %dma_wait3A_174] : memref<4x128xi32, #tpu.memory_space<vmem>> -> memref<1x128xi32, #tpu.memory_space<vmem>>
    %dma_wait3A_176 = tpu.memref_squeeze %dma_wait3A_175 : memref<1x128xi32, #tpu.memory_space<vmem>> -> memref<128xi32, #tpu.memory_space<vmem>>
    %dma_wait3A_177 = arith.constant 0 : i32
    %dma_wait3A_178 = arith.constant 0 : i32
    %dma_wait3A_179 = tpu.memref_slice %arg5[%dma_wait3A_177, %dma_wait3A_178] : memref<1000000x64xf32, #tpu.memory_space<hbm>> -> memref<1000000x64xf32, #tpu.memory_space<hbm>>
    tpu.wait_indirect_dma semaphore(%arg15 : memref<!tpu.dma_semaphore, #tpu.memory_space<semaphore_mem>>) src(%dma_wait3A_179 : memref<1000000x64xf32, #tpu.memory_space<hbm>>) dst(%dma_wait3A_173 : memref<128x64xf32, #tpu.memory_space<vmem>>)
    %dma_wait3A_180 = arith.constant 1 : i32
    %dma_wait3A_181 = arith.constant 128 : i32
    %dma_wait3A_182 = arith.constant 0 : i32
    %dma_wait3A_183 = tpu.memref_slice %arg13[%dma_wait3A_181, %dma_wait3A_182] : memref<512x64xf32, #tpu.memory_space<vmem>> -> memref<128x64xf32, #tpu.memory_space<vmem>>
    %dma_wait3A_184 = arith.constant 0 : i32
    %dma_wait3A_185 = tpu.memref_slice %arg10[%dma_wait3A_180, %dma_wait3A_184] : memref<4x128xi32, #tpu.memory_space<vmem>> -> memref<1x128xi32, #tpu.memory_space<vmem>>
    %dma_wait3A_186 = tpu.memref_squeeze %dma_wait3A_185 : memref<1x128xi32, #tpu.memory_space<vmem>> -> memref<128xi32, #tpu.memory_space<vmem>>
    %dma_wait3A_187 = arith.constant 0 : i32
    %dma_wait3A_188 = arith.constant 0 : i32
    %dma_wait3A_189 = tpu.memref_slice %arg5[%dma_wait3A_187, %dma_wait3A_188] : memref<1000000x64xf32, #tpu.memory_space<hbm>> -> memref<1000000x64xf32, #tpu.memory_space<hbm>>
    tpu.wait_indirect_dma semaphore(%arg15 : memref<!tpu.dma_semaphore, #tpu.memory_space<semaphore_mem>>) src(%dma_wait3A_189 : memref<1000000x64xf32, #tpu.memory_space<hbm>>) dst(%dma_wait3A_183 : memref<128x64xf32, #tpu.memory_space<vmem>>)
    %dma_wait3A_190 = arith.constant 1 : i32
    %dma_wait3A_191 = arith.constant 128 : i32
    %dma_wait3A_192 = arith.constant 0 : i32
    %dma_wait3A_193 = tpu.memref_slice %arg12[%dma_wait3A_191, %dma_wait3A_192] : memref<512x64xf32, #tpu.memory_space<vmem>> -> memref<128x64xf32, #tpu.memory_space<vmem>>
    %dma_wait3A_194 = arith.constant 0 : i32
    %dma_wait3A_195 = tpu.memref_slice %arg9[%dma_wait3A_190, %dma_wait3A_194] : memref<4x128xi32, #tpu.memory_space<vmem>> -> memref<1x128xi32, #tpu.memory_space<vmem>>
    %dma_wait3A_196 = tpu.memref_squeeze %dma_wait3A_195 : memref<1x128xi32, #tpu.memory_space<vmem>> -> memref<128xi32, #tpu.memory_space<vmem>>
    %dma_wait3A_197 = arith.constant 0 : i32
    %dma_wait3A_198 = arith.constant 0 : i32
    %dma_wait3A_199 = tpu.memref_slice %arg6[%dma_wait3A_197, %dma_wait3A_198] : memref<1000x64xf32, #tpu.memory_space<hbm>> -> memref<1000x64xf32, #tpu.memory_space<hbm>>
    tpu.wait_indirect_dma semaphore(%arg15 : memref<!tpu.dma_semaphore, #tpu.memory_space<semaphore_mem>>) src(%dma_wait3A_199 : memref<1000x64xf32, #tpu.memory_space<hbm>>) dst(%dma_wait3A_193 : memref<128x64xf32, #tpu.memory_space<vmem>>)
    %dma_wait3A_200 = arith.constant 2 : i32
    %dma_wait3A_201 = arith.constant 256 : i32
    %dma_wait3A_202 = arith.constant 0 : i32
    %dma_wait3A_203 = tpu.memref_slice %arg11[%dma_wait3A_201, %dma_wait3A_202] : memref<512x64xf32, #tpu.memory_space<vmem>> -> memref<128x64xf32, #tpu.memory_space<vmem>>
    %dma_wait3A_204 = arith.constant 0 : i32
    %dma_wait3A_205 = tpu.memref_slice %arg8[%dma_wait3A_200, %dma_wait3A_204] : memref<4x128xi32, #tpu.memory_space<vmem>> -> memref<1x128xi32, #tpu.memory_space<vmem>>
    %dma_wait3A_206 = tpu.memref_squeeze %dma_wait3A_205 : memref<1x128xi32, #tpu.memory_space<vmem>> -> memref<128xi32, #tpu.memory_space<vmem>>
    %dma_wait3A_207 = arith.constant 0 : i32
    %dma_wait3A_208 = arith.constant 0 : i32
    %dma_wait3A_209 = tpu.memref_slice %arg5[%dma_wait3A_207, %dma_wait3A_208] : memref<1000000x64xf32, #tpu.memory_space<hbm>> -> memref<1000000x64xf32, #tpu.memory_space<hbm>>
    tpu.wait_indirect_dma semaphore(%arg15 : memref<!tpu.dma_semaphore, #tpu.memory_space<semaphore_mem>>) src(%dma_wait3A_209 : memref<1000000x64xf32, #tpu.memory_space<hbm>>) dst(%dma_wait3A_203 : memref<128x64xf32, #tpu.memory_space<vmem>>)
    %dma_wait3A_210 = arith.constant 2 : i32
    %dma_wait3A_211 = arith.constant 256 : i32
    %dma_wait3A_212 = arith.constant 0 : i32
    %dma_wait3A_213 = tpu.memref_slice %arg13[%dma_wait3A_211, %dma_wait3A_212] : memref<512x64xf32, #tpu.memory_space<vmem>> -> memref<128x64xf32, #tpu.memory_space<vmem>>
    %dma_wait3A_214 = arith.constant 0 : i32
    %dma_wait3A_215 = tpu.memref_slice %arg10[%dma_wait3A_210, %dma_wait3A_214] : memref<4x128xi32, #tpu.memory_space<vmem>> -> memref<1x128xi32, #tpu.memory_space<vmem>>
    %dma_wait3A_216 = tpu.memref_squeeze %dma_wait3A_215 : memref<1x128xi32, #tpu.memory_space<vmem>> -> memref<128xi32, #tpu.memory_space<vmem>>
    %dma_wait3A_217 = arith.constant 0 : i32
    %dma_wait3A_218 = arith.constant 0 : i32
    %dma_wait3A_219 = tpu.memref_slice %arg5[%dma_wait3A_217, %dma_wait3A_218] : memref<1000000x64xf32, #tpu.memory_space<hbm>> -> memref<1000000x64xf32, #tpu.memory_space<hbm>>
    tpu.wait_indirect_dma semaphore(%arg15 : memref<!tpu.dma_semaphore, #tpu.memory_space<semaphore_mem>>) src(%dma_wait3A_219 : memref<1000000x64xf32, #tpu.memory_space<hbm>>) dst(%dma_wait3A_213 : memref<128x64xf32, #tpu.memory_space<vmem>>)
    %dma_wait3A_220 = arith.constant 2 : i32
    %dma_wait3A_221 = arith.constant 256 : i32
    %dma_wait3A_222 = arith.constant 0 : i32
    %dma_wait3A_223 = tpu.memref_slice %arg12[%dma_wait3A_221, %dma_wait3A_222] : memref<512x64xf32, #tpu.memory_space<vmem>> -> memref<128x64xf32, #tpu.memory_space<vmem>>
    %dma_wait3A_224 = arith.constant 0 : i32
    %dma_wait3A_225 = tpu.memref_slice %arg9[%dma_wait3A_220, %dma_wait3A_224] : memref<4x128xi32, #tpu.memory_space<vmem>> -> memref<1x128xi32, #tpu.memory_space<vmem>>
    %dma_wait3A_226 = tpu.memref_squeeze %dma_wait3A_225 : memref<1x128xi32, #tpu.memory_space<vmem>> -> memref<128xi32, #tpu.memory_space<vmem>>
    %dma_wait3A_227 = arith.constant 0 : i32
    %dma_wait3A_228 = arith.constant 0 : i32
    %dma_wait3A_229 = tpu.memref_slice %arg6[%dma_wait3A_227, %dma_wait3A_228] : memref<1000x64xf32, #tpu.memory_space<hbm>> -> memref<1000x64xf32, #tpu.memory_space<hbm>>
    tpu.wait_indirect_dma semaphore(%arg15 : memref<!tpu.dma_semaphore, #tpu.memory_space<semaphore_mem>>) src(%dma_wait3A_229 : memref<1000x64xf32, #tpu.memory_space<hbm>>) dst(%dma_wait3A_223 : memref<128x64xf32, #tpu.memory_space<vmem>>)
    %dma_wait3A_230 = arith.constant 3 : i32
    %dma_wait3A_231 = arith.constant 384 : i32
    %dma_wait3A_232 = arith.constant 0 : i32
    %dma_wait3A_233 = tpu.memref_slice %arg11[%dma_wait3A_231, %dma_wait3A_232] : memref<512x64xf32, #tpu.memory_space<vmem>> -> memref<128x64xf32, #tpu.memory_space<vmem>>
    %dma_wait3A_234 = arith.constant 0 : i32
    %dma_wait3A_235 = tpu.memref_slice %arg8[%dma_wait3A_230, %dma_wait3A_234] : memref<4x128xi32, #tpu.memory_space<vmem>> -> memref<1x128xi32, #tpu.memory_space<vmem>>
    %dma_wait3A_236 = tpu.memref_squeeze %dma_wait3A_235 : memref<1x128xi32, #tpu.memory_space<vmem>> -> memref<128xi32, #tpu.memory_space<vmem>>
    %dma_wait3A_237 = arith.constant 0 : i32
    %dma_wait3A_238 = arith.constant 0 : i32
    %dma_wait3A_239 = tpu.memref_slice %arg5[%dma_wait3A_237, %dma_wait3A_238] : memref<1000000x64xf32, #tpu.memory_space<hbm>> -> memref<1000000x64xf32, #tpu.memory_space<hbm>>
    tpu.wait_indirect_dma semaphore(%arg15 : memref<!tpu.dma_semaphore, #tpu.memory_space<semaphore_mem>>) src(%dma_wait3A_239 : memref<1000000x64xf32, #tpu.memory_space<hbm>>) dst(%dma_wait3A_233 : memref<128x64xf32, #tpu.memory_space<vmem>>)
    %dma_wait3A_240 = arith.constant 3 : i32
    %dma_wait3A_241 = arith.constant 384 : i32
    %dma_wait3A_242 = arith.constant 0 : i32
    %dma_wait3A_243 = tpu.memref_slice %arg13[%dma_wait3A_241, %dma_wait3A_242] : memref<512x64xf32, #tpu.memory_space<vmem>> -> memref<128x64xf32, #tpu.memory_space<vmem>>
    %dma_wait3A_244 = arith.constant 0 : i32
    %dma_wait3A_245 = tpu.memref_slice %arg10[%dma_wait3A_240, %dma_wait3A_244] : memref<4x128xi32, #tpu.memory_space<vmem>> -> memref<1x128xi32, #tpu.memory_space<vmem>>
    %dma_wait3A_246 = tpu.memref_squeeze %dma_wait3A_245 : memref<1x128xi32, #tpu.memory_space<vmem>> -> memref<128xi32, #tpu.memory_space<vmem>>
    %dma_wait3A_247 = arith.constant 0 : i32
    %dma_wait3A_248 = arith.constant 0 : i32
    %dma_wait3A_249 = tpu.memref_slice %arg5[%dma_wait3A_247, %dma_wait3A_248] : memref<1000000x64xf32, #tpu.memory_space<hbm>> -> memref<1000000x64xf32, #tpu.memory_space<hbm>>
    tpu.wait_indirect_dma semaphore(%arg15 : memref<!tpu.dma_semaphore, #tpu.memory_space<semaphore_mem>>) src(%dma_wait3A_249 : memref<1000000x64xf32, #tpu.memory_space<hbm>>) dst(%dma_wait3A_243 : memref<128x64xf32, #tpu.memory_space<vmem>>)
    %dma_wait3A_250 = arith.constant 3 : i32
    %dma_wait3A_251 = arith.constant 384 : i32
    %dma_wait3A_252 = arith.constant 0 : i32
    %dma_wait3A_253 = tpu.memref_slice %arg12[%dma_wait3A_251, %dma_wait3A_252] : memref<512x64xf32, #tpu.memory_space<vmem>> -> memref<128x64xf32, #tpu.memory_space<vmem>>
    %dma_wait3A_254 = arith.constant 0 : i32
    %dma_wait3A_255 = tpu.memref_slice %arg9[%dma_wait3A_250, %dma_wait3A_254] : memref<4x128xi32, #tpu.memory_space<vmem>> -> memref<1x128xi32, #tpu.memory_space<vmem>>
    %dma_wait3A_256 = tpu.memref_squeeze %dma_wait3A_255 : memref<1x128xi32, #tpu.memory_space<vmem>> -> memref<128xi32, #tpu.memory_space<vmem>>
    %dma_wait3A_257 = arith.constant 0 : i32
    %dma_wait3A_258 = arith.constant 0 : i32
    %dma_wait3A_259 = tpu.memref_slice %arg6[%dma_wait3A_257, %dma_wait3A_258] : memref<1000x64xf32, #tpu.memory_space<hbm>> -> memref<1000x64xf32, #tpu.memory_space<hbm>>
    tpu.wait_indirect_dma semaphore(%arg15 : memref<!tpu.dma_semaphore, #tpu.memory_space<semaphore_mem>>) src(%dma_wait3A_259 : memref<1000x64xf32, #tpu.memory_space<hbm>>) dst(%dma_wait3A_253 : memref<128x64xf32, #tpu.memory_space<vmem>>)
    %iota3A = tpu.iota {dimensions = array<i32: 0>} : vector<16xi32>
    %broadcast_in_dim3A = arith.constant 0 : i32
    %broadcast_in_dim3A_260 = vector.broadcast %broadcast_in_dim3A : i32 to vector<16xi32>
    %broadcast_in_dim3A_261 = arith.constant 1 : i32
    %broadcast_in_dim3A_262 = vector.broadcast %broadcast_in_dim3A_261 : i32 to vector<16xi32>
    %broadcast_in_dim3A_263 = arith.constant 2 : i32
    %broadcast_in_dim3A_264 = vector.broadcast %broadcast_in_dim3A_263 : i32 to vector<16xi32>
    %broadcast_in_dim3A_265 = arith.constant 3 : i32
    %broadcast_in_dim3A_266 = vector.broadcast %broadcast_in_dim3A_265 : i32 to vector<16xi32>
    %broadcast_in_dim3A_267 = arith.constant 4 : i32
    %broadcast_in_dim3A_268 = vector.broadcast %broadcast_in_dim3A_267 : i32 to vector<16xi32>
    %broadcast_in_dim3A_269 = arith.constant 5 : i32
    %broadcast_in_dim3A_270 = vector.broadcast %broadcast_in_dim3A_269 : i32 to vector<16xi32>
    %broadcast_in_dim3A_271 = arith.constant 6 : i32
    %broadcast_in_dim3A_272 = vector.broadcast %broadcast_in_dim3A_271 : i32 to vector<16xi32>
    %broadcast_in_dim3A_273 = arith.constant 7 : i32
    %broadcast_in_dim3A_274 = vector.broadcast %broadcast_in_dim3A_273 : i32 to vector<16xi32>
    %broadcast_in_dim3A_275 = arith.constant 8 : i32
    %broadcast_in_dim3A_276 = vector.broadcast %broadcast_in_dim3A_275 : i32 to vector<16xi32>
    %broadcast_in_dim3A_277 = arith.constant 9 : i32
    %broadcast_in_dim3A_278 = vector.broadcast %broadcast_in_dim3A_277 : i32 to vector<16xi32>
    %broadcast_in_dim3A_279 = arith.constant 10 : i32
    %broadcast_in_dim3A_280 = vector.broadcast %broadcast_in_dim3A_279 : i32 to vector<16xi32>
    %broadcast_in_dim3A_281 = arith.constant 11 : i32
    %broadcast_in_dim3A_282 = vector.broadcast %broadcast_in_dim3A_281 : i32 to vector<16xi32>
    %broadcast_in_dim3A_283 = arith.constant 12 : i32
    %broadcast_in_dim3A_284 = vector.broadcast %broadcast_in_dim3A_283 : i32 to vector<16xi32>
    %broadcast_in_dim3A_285 = arith.constant 13 : i32
    %broadcast_in_dim3A_286 = vector.broadcast %broadcast_in_dim3A_285 : i32 to vector<16xi32>
    %broadcast_in_dim3A_287 = arith.constant 14 : i32
    %broadcast_in_dim3A_288 = vector.broadcast %broadcast_in_dim3A_287 : i32 to vector<16xi32>
    %broadcast_in_dim3A_289 = arith.constant 15 : i32
    %broadcast_in_dim3A_290 = vector.broadcast %broadcast_in_dim3A_289 : i32 to vector<16xi32>
    %broadcast_in_dim3A_291 = arith.constant 16 : i32
    %broadcast_in_dim3A_292 = vector.broadcast %broadcast_in_dim3A_291 : i32 to vector<16xi32>
    %broadcast_in_dim3A_293 = arith.constant 17 : i32
    %broadcast_in_dim3A_294 = vector.broadcast %broadcast_in_dim3A_293 : i32 to vector<16xi32>
    %broadcast_in_dim3A_295 = arith.constant 18 : i32
    %broadcast_in_dim3A_296 = vector.broadcast %broadcast_in_dim3A_295 : i32 to vector<16xi32>
    %broadcast_in_dim3A_297 = arith.constant 19 : i32
    %broadcast_in_dim3A_298 = vector.broadcast %broadcast_in_dim3A_297 : i32 to vector<16xi32>
    %broadcast_in_dim3A_299 = arith.constant 20 : i32
    %broadcast_in_dim3A_300 = vector.broadcast %broadcast_in_dim3A_299 : i32 to vector<16xi32>
    %broadcast_in_dim3A_301 = arith.constant 21 : i32
    %broadcast_in_dim3A_302 = vector.broadcast %broadcast_in_dim3A_301 : i32 to vector<16xi32>
    %broadcast_in_dim3A_303 = arith.constant 22 : i32
    %broadcast_in_dim3A_304 = vector.broadcast %broadcast_in_dim3A_303 : i32 to vector<16xi32>
    %broadcast_in_dim3A_305 = arith.constant 23 : i32
    %broadcast_in_dim3A_306 = vector.broadcast %broadcast_in_dim3A_305 : i32 to vector<16xi32>
    %broadcast_in_dim3A_307 = arith.constant 24 : i32
    %broadcast_in_dim3A_308 = vector.broadcast %broadcast_in_dim3A_307 : i32 to vector<16xi32>
    %broadcast_in_dim3A_309 = arith.constant 25 : i32
    %broadcast_in_dim3A_310 = vector.broadcast %broadcast_in_dim3A_309 : i32 to vector<16xi32>
    %broadcast_in_dim3A_311 = arith.constant 26 : i32
    %broadcast_in_dim3A_312 = vector.broadcast %broadcast_in_dim3A_311 : i32 to vector<16xi32>
    %broadcast_in_dim3A_313 = arith.constant 27 : i32
    %broadcast_in_dim3A_314 = vector.broadcast %broadcast_in_dim3A_313 : i32 to vector<16xi32>
    %broadcast_in_dim3A_315 = arith.constant 28 : i32
    %broadcast_in_dim3A_316 = vector.broadcast %broadcast_in_dim3A_315 : i32 to vector<16xi32>
    %broadcast_in_dim3A_317 = arith.constant 29 : i32
    %broadcast_in_dim3A_318 = vector.broadcast %broadcast_in_dim3A_317 : i32 to vector<16xi32>
    %broadcast_in_dim3A_319 = arith.constant 30 : i32
    %broadcast_in_dim3A_320 = vector.broadcast %broadcast_in_dim3A_319 : i32 to vector<16xi32>
    %broadcast_in_dim3A_321 = arith.constant 31 : i32
    %broadcast_in_dim3A_322 = vector.broadcast %broadcast_in_dim3A_321 : i32 to vector<16xi32>
    %broadcast_in_dim3A_323 = arith.constant 32 : i32
    %broadcast_in_dim3A_324 = vector.broadcast %broadcast_in_dim3A_323 : i32 to vector<16xi32>
    %broadcast_in_dim3A_325 = arith.constant 33 : i32
    %broadcast_in_dim3A_326 = vector.broadcast %broadcast_in_dim3A_325 : i32 to vector<16xi32>
    %broadcast_in_dim3A_327 = arith.constant 34 : i32
    %broadcast_in_dim3A_328 = vector.broadcast %broadcast_in_dim3A_327 : i32 to vector<16xi32>
    %broadcast_in_dim3A_329 = arith.constant 35 : i32
    %broadcast_in_dim3A_330 = vector.broadcast %broadcast_in_dim3A_329 : i32 to vector<16xi32>
    %broadcast_in_dim3A_331 = arith.constant 36 : i32
    %broadcast_in_dim3A_332 = vector.broadcast %broadcast_in_dim3A_331 : i32 to vector<16xi32>
    %broadcast_in_dim3A_333 = arith.constant 37 : i32
    %broadcast_in_dim3A_334 = vector.broadcast %broadcast_in_dim3A_333 : i32 to vector<16xi32>
    %broadcast_in_dim3A_335 = arith.constant 38 : i32
    %broadcast_in_dim3A_336 = vector.broadcast %broadcast_in_dim3A_335 : i32 to vector<16xi32>
    %broadcast_in_dim3A_337 = arith.constant 39 : i32
    %broadcast_in_dim3A_338 = vector.broadcast %broadcast_in_dim3A_337 : i32 to vector<16xi32>
    %broadcast_in_dim3A_339 = arith.constant 40 : i32
    %broadcast_in_dim3A_340 = vector.broadcast %broadcast_in_dim3A_339 : i32 to vector<16xi32>
    %broadcast_in_dim3A_341 = arith.constant 41 : i32
    %broadcast_in_dim3A_342 = vector.broadcast %broadcast_in_dim3A_341 : i32 to vector<16xi32>
    %broadcast_in_dim3A_343 = arith.constant 42 : i32
    %broadcast_in_dim3A_344 = vector.broadcast %broadcast_in_dim3A_343 : i32 to vector<16xi32>
    %broadcast_in_dim3A_345 = arith.constant 43 : i32
    %broadcast_in_dim3A_346 = vector.broadcast %broadcast_in_dim3A_345 : i32 to vector<16xi32>
    %broadcast_in_dim3A_347 = arith.constant 44 : i32
    %broadcast_in_dim3A_348 = vector.broadcast %broadcast_in_dim3A_347 : i32 to vector<16xi32>
    %broadcast_in_dim3A_349 = arith.constant 45 : i32
    %broadcast_in_dim3A_350 = vector.broadcast %broadcast_in_dim3A_349 : i32 to vector<16xi32>
    %broadcast_in_dim3A_351 = arith.constant 46 : i32
    %broadcast_in_dim3A_352 = vector.broadcast %broadcast_in_dim3A_351 : i32 to vector<16xi32>
    %broadcast_in_dim3A_353 = arith.constant 47 : i32
    %broadcast_in_dim3A_354 = vector.broadcast %broadcast_in_dim3A_353 : i32 to vector<16xi32>
    %broadcast_in_dim3A_355 = arith.constant 48 : i32
    %broadcast_in_dim3A_356 = vector.broadcast %broadcast_in_dim3A_355 : i32 to vector<16xi32>
    %broadcast_in_dim3A_357 = arith.constant 49 : i32
    %broadcast_in_dim3A_358 = vector.broadcast %broadcast_in_dim3A_357 : i32 to vector<16xi32>
    %broadcast_in_dim3A_359 = arith.constant 50 : i32
    %broadcast_in_dim3A_360 = vector.broadcast %broadcast_in_dim3A_359 : i32 to vector<16xi32>
    %broadcast_in_dim3A_361 = arith.constant 51 : i32
    %broadcast_in_dim3A_362 = vector.broadcast %broadcast_in_dim3A_361 : i32 to vector<16xi32>
    %broadcast_in_dim3A_363 = arith.constant 52 : i32
    %broadcast_in_dim3A_364 = vector.broadcast %broadcast_in_dim3A_363 : i32 to vector<16xi32>
    %broadcast_in_dim3A_365 = arith.constant 53 : i32
    %broadcast_in_dim3A_366 = vector.broadcast %broadcast_in_dim3A_365 : i32 to vector<16xi32>
    %broadcast_in_dim3A_367 = arith.constant 54 : i32
    %broadcast_in_dim3A_368 = vector.broadcast %broadcast_in_dim3A_367 : i32 to vector<16xi32>
    %broadcast_in_dim3A_369 = arith.constant 55 : i32
    %broadcast_in_dim3A_370 = vector.broadcast %broadcast_in_dim3A_369 : i32 to vector<16xi32>
    %broadcast_in_dim3A_371 = arith.constant 56 : i32
    %broadcast_in_dim3A_372 = vector.broadcast %broadcast_in_dim3A_371 : i32 to vector<16xi32>
    %broadcast_in_dim3A_373 = arith.constant 57 : i32
    %broadcast_in_dim3A_374 = vector.broadcast %broadcast_in_dim3A_373 : i32 to vector<16xi32>
    %broadcast_in_dim3A_375 = arith.constant 58 : i32
    %broadcast_in_dim3A_376 = vector.broadcast %broadcast_in_dim3A_375 : i32 to vector<16xi32>
    %broadcast_in_dim3A_377 = arith.constant 59 : i32
    %broadcast_in_dim3A_378 = vector.broadcast %broadcast_in_dim3A_377 : i32 to vector<16xi32>
    %broadcast_in_dim3A_379 = arith.constant 60 : i32
    %broadcast_in_dim3A_380 = vector.broadcast %broadcast_in_dim3A_379 : i32 to vector<16xi32>
    %broadcast_in_dim3A_381 = arith.constant 61 : i32
    %broadcast_in_dim3A_382 = vector.broadcast %broadcast_in_dim3A_381 : i32 to vector<16xi32>
    %broadcast_in_dim3A_383 = arith.constant 62 : i32
    %broadcast_in_dim3A_384 = vector.broadcast %broadcast_in_dim3A_383 : i32 to vector<16xi32>
    %broadcast_in_dim3A_385 = arith.constant 63 : i32
    %broadcast_in_dim3A_386 = vector.broadcast %broadcast_in_dim3A_385 : i32 to vector<16xi32>
    %scan3A = arith.constant 0 : i32
    %scan3A_387 = arith.constant 0 : i32
    %scan3A_388 = arith.constant 32 : i32
    %scan3A_389 = arith.addi %scan3A_387, %scan3A_388 : i32
    %scan3A_390 = arith.constant 1 : i32
    scf.for %scan3A_392 = %scan3A_387 to %scan3A_389 step %scan3A_390  : i32 {
      %mul3A_393 = arith.constant 16 : i32
      %mul3A_394 = arith.muli %scan3A_392, %mul3A_393 : i32
      %add3A_395 = vector.broadcast %mul3A_394 : i32 to vector<16xi32>
      %add3A_396 = arith.addi %add3A_395, %iota3A : vector<16xi32>
      %broadcast_in_dim3A_397 = arith.constant 0.000000e+00 : f32
      %broadcast_in_dim3A_398 = vector.broadcast %broadcast_in_dim3A_397 : f32 to vector<16xf32>
      %broadcast_in_dim3A_399 = arith.constant 0.000000e+00 : f32
      %broadcast_in_dim3A_400 = vector.broadcast %broadcast_in_dim3A_399 : f32 to vector<16xf32>
      %gather3A = tpu.vector_load_idx %arg11[%add3A_396, %broadcast_in_dim3A_260] : memref<512x64xf32, #tpu.memory_space<vmem>>[vector<16xi32>, vector<16xi32>], vector<16xf32>,
      %gather3A_401 = tpu.vector_load_idx %arg13[%add3A_396, %broadcast_in_dim3A_260] : memref<512x64xf32, #tpu.memory_space<vmem>>[vector<16xi32>, vector<16xi32>], vector<16xf32>,
      %mul3A_402 = arith.mulf %gather3A, %gather3A : vector<16xf32>
      %add3A_403 = arith.addf %broadcast_in_dim3A_398, %mul3A_402 : vector<16xf32>
      %mul3A_404 = arith.mulf %gather3A_401, %gather3A_401 : vector<16xf32>
      %add3A_405 = arith.addf %broadcast_in_dim3A_400, %mul3A_404 : vector<16xf32>
      %gather3A_406 = tpu.vector_load_idx %arg11[%add3A_396, %broadcast_in_dim3A_262] : memref<512x64xf32, #tpu.memory_space<vmem>>[vector<16xi32>, vector<16xi32>], vector<16xf32>,
      %gather3A_407 = tpu.vector_load_idx %arg13[%add3A_396, %broadcast_in_dim3A_262] : memref<512x64xf32, #tpu.memory_space<vmem>>[vector<16xi32>, vector<16xi32>], vector<16xf32>,
      %mul3A_408 = arith.mulf %gather3A_406, %gather3A_406 : vector<16xf32>
      %add3A_409 = arith.addf %add3A_403, %mul3A_408 : vector<16xf32>
      %mul3A_410 = arith.mulf %gather3A_407, %gather3A_407 : vector<16xf32>
      %add3A_411 = arith.addf %add3A_405, %mul3A_410 : vector<16xf32>
      %gather3A_412 = tpu.vector_load_idx %arg11[%add3A_396, %broadcast_in_dim3A_264] : memref<512x64xf32, #tpu.memory_space<vmem>>[vector<16xi32>, vector<16xi32>], vector<16xf32>,
      %gather3A_413 = tpu.vector_load_idx %arg13[%add3A_396, %broadcast_in_dim3A_264] : memref<512x64xf32, #tpu.memory_space<vmem>>[vector<16xi32>, vector<16xi32>], vector<16xf32>,
      %mul3A_414 = arith.mulf %gather3A_412, %gather3A_412 : vector<16xf32>
      %add3A_415 = arith.addf %add3A_409, %mul3A_414 : vector<16xf32>
      %mul3A_416 = arith.mulf %gather3A_413, %gather3A_413 : vector<16xf32>
      %add3A_417 = arith.addf %add3A_411, %mul3A_416 : vector<16xf32>
      %gather3A_418 = tpu.vector_load_idx %arg11[%add3A_396, %broadcast_in_dim3A_266] : memref<512x64xf32, #tpu.memory_space<vmem>>[vector<16xi32>, vector<16xi32>], vector<16xf32>,
      %gather3A_419 = tpu.vector_load_idx %arg13[%add3A_396, %broadcast_in_dim3A_266] : memref<512x64xf32, #tpu.memory_space<vmem>>[vector<16xi32>, vector<16xi32>], vector<16xf32>,
      %mul3A_420 = arith.mulf %gather3A_418, %gather3A_418 : vector<16xf32>
      %add3A_421 = arith.addf %add3A_415, %mul3A_420 : vector<16xf32>
      %mul3A_422 = arith.mulf %gather3A_419, %gather3A_419 : vector<16xf32>
      %add3A_423 = arith.addf %add3A_417, %mul3A_422 : vector<16xf32>
      %gather3A_424 = tpu.vector_load_idx %arg11[%add3A_396, %broadcast_in_dim3A_268] : memref<512x64xf32, #tpu.memory_space<vmem>>[vector<16xi32>, vector<16xi32>], vector<16xf32>,
      %gather3A_425 = tpu.vector_load_idx %arg13[%add3A_396, %broadcast_in_dim3A_268] : memref<512x64xf32, #tpu.memory_space<vmem>>[vector<16xi32>, vector<16xi32>], vector<16xf32>,
      %mul3A_426 = arith.mulf %gather3A_424, %gather3A_424 : vector<16xf32>
      %add3A_427 = arith.addf %add3A_421, %mul3A_426 : vector<16xf32>
      %mul3A_428 = arith.mulf %gather3A_425, %gather3A_425 : vector<16xf32>
      %add3A_429 = arith.addf %add3A_423, %mul3A_428 : vector<16xf32>
      %gather3A_430 = tpu.vector_load_idx %arg11[%add3A_396, %broadcast_in_dim3A_270] : memref<512x64xf32, #tpu.memory_space<vmem>>[vector<16xi32>, vector<16xi32>], vector<16xf32>,
      %gather3A_431 = tpu.vector_load_idx %arg13[%add3A_396, %broadcast_in_dim3A_270] : memref<512x64xf32, #tpu.memory_space<vmem>>[vector<16xi32>, vector<16xi32>], vector<16xf32>,
      %mul3A_432 = arith.mulf %gather3A_430, %gather3A_430 : vector<16xf32>
      %add3A_433 = arith.addf %add3A_427, %mul3A_432 : vector<16xf32>
      %mul3A_434 = arith.mulf %gather3A_431, %gather3A_431 : vector<16xf32>
      %add3A_435 = arith.addf %add3A_429, %mul3A_434 : vector<16xf32>
      %gather3A_436 = tpu.vector_load_idx %arg11[%add3A_396, %broadcast_in_dim3A_272] : memref<512x64xf32, #tpu.memory_space<vmem>>[vector<16xi32>, vector<16xi32>], vector<16xf32>,
      %gather3A_437 = tpu.vector_load_idx %arg13[%add3A_396, %broadcast_in_dim3A_272] : memref<512x64xf32, #tpu.memory_space<vmem>>[vector<16xi32>, vector<16xi32>], vector<16xf32>,
      %mul3A_438 = arith.mulf %gather3A_436, %gather3A_436 : vector<16xf32>
      %add3A_439 = arith.addf %add3A_433, %mul3A_438 : vector<16xf32>
      %mul3A_440 = arith.mulf %gather3A_437, %gather3A_437 : vector<16xf32>
      %add3A_441 = arith.addf %add3A_435, %mul3A_440 : vector<16xf32>
      %gather3A_442 = tpu.vector_load_idx %arg11[%add3A_396, %broadcast_in_dim3A_274] : memref<512x64xf32, #tpu.memory_space<vmem>>[vector<16xi32>, vector<16xi32>], vector<16xf32>,
      %gather3A_443 = tpu.vector_load_idx %arg13[%add3A_396, %broadcast_in_dim3A_274] : memref<512x64xf32, #tpu.memory_space<vmem>>[vector<16xi32>, vector<16xi32>], vector<16xf32>,
      %mul3A_444 = arith.mulf %gather3A_442, %gather3A_442 : vector<16xf32>
      %add3A_445 = arith.addf %add3A_439, %mul3A_444 : vector<16xf32>
      %mul3A_446 = arith.mulf %gather3A_443, %gather3A_443 : vector<16xf32>
      %add3A_447 = arith.addf %add3A_441, %mul3A_446 : vector<16xf32>
      %gather3A_448 = tpu.vector_load_idx %arg11[%add3A_396, %broadcast_in_dim3A_276] : memref<512x64xf32, #tpu.memory_space<vmem>>[vector<16xi32>, vector<16xi32>], vector<16xf32>,
      %gather3A_449 = tpu.vector_load_idx %arg13[%add3A_396, %broadcast_in_dim3A_276] : memref<512x64xf32, #tpu.memory_space<vmem>>[vector<16xi32>, vector<16xi32>], vector<16xf32>,
      %mul3A_450 = arith.mulf %gather3A_448, %gather3A_448 : vector<16xf32>
      %add3A_451 = arith.addf %add3A_445, %mul3A_450 : vector<16xf32>
      %mul3A_452 = arith.mulf %gather3A_449, %gather3A_449 : vector<16xf32>
      %add3A_453 = arith.addf %add3A_447, %mul3A_452 : vector<16xf32>
      %gather3A_454 = tpu.vector_load_idx %arg11[%add3A_396, %broadcast_in_dim3A_278] : memref<512x64xf32, #tpu.memory_space<vmem>>[vector<16xi32>, vector<16xi32>], vector<16xf32>,
      %gather3A_455 = tpu.vector_load_idx %arg13[%add3A_396, %broadcast_in_dim3A_278] : memref<512x64xf32, #tpu.memory_space<vmem>>[vector<16xi32>, vector<16xi32>], vector<16xf32>,
      %mul3A_456 = arith.mulf %gather3A_454, %gather3A_454 : vector<16xf32>
      %add3A_457 = arith.addf %add3A_451, %mul3A_456 : vector<16xf32>
      %mul3A_458 = arith.mulf %gather3A_455, %gather3A_455 : vector<16xf32>
      %add3A_459 = arith.addf %add3A_453, %mul3A_458 : vector<16xf32>
      %gather3A_460 = tpu.vector_load_idx %arg11[%add3A_396, %broadcast_in_dim3A_280] : memref<512x64xf32, #tpu.memory_space<vmem>>[vector<16xi32>, vector<16xi32>], vector<16xf32>,
      %gather3A_461 = tpu.vector_load_idx %arg13[%add3A_396, %broadcast_in_dim3A_280] : memref<512x64xf32, #tpu.memory_space<vmem>>[vector<16xi32>, vector<16xi32>], vector<16xf32>,
      %mul3A_462 = arith.mulf %gather3A_460, %gather3A_460 : vector<16xf32>
      %add3A_463 = arith.addf %add3A_457, %mul3A_462 : vector<16xf32>
      %mul3A_464 = arith.mulf %gather3A_461, %gather3A_461 : vector<16xf32>
      %add3A_465 = arith.addf %add3A_459, %mul3A_464 : vector<16xf32>
      %gather3A_466 = tpu.vector_load_idx %arg11[%add3A_396, %broadcast_in_dim3A_282] : memref<512x64xf32, #tpu.memory_space<vmem>>[vector<16xi32>, vector<16xi32>], vector<16xf32>,
      %gather3A_467 = tpu.vector_load_idx %arg13[%add3A_396, %broadcast_in_dim3A_282] : memref<512x64xf32, #tpu.memory_space<vmem>>[vector<16xi32>, vector<16xi32>], vector<16xf32>,
      %mul3A_468 = arith.mulf %gather3A_466, %gather3A_466 : vector<16xf32>
      %add3A_469 = arith.addf %add3A_463, %mul3A_468 : vector<16xf32>
      %mul3A_470 = arith.mulf %gather3A_467, %gather3A_467 : vector<16xf32>
      %add3A_471 = arith.addf %add3A_465, %mul3A_470 : vector<16xf32>
      %gather3A_472 = tpu.vector_load_idx %arg11[%add3A_396, %broadcast_in_dim3A_284] : memref<512x64xf32, #tpu.memory_space<vmem>>[vector<16xi32>, vector<16xi32>], vector<16xf32>,
      %gather3A_473 = tpu.vector_load_idx %arg13[%add3A_396, %broadcast_in_dim3A_284] : memref<512x64xf32, #tpu.memory_space<vmem>>[vector<16xi32>, vector<16xi32>], vector<16xf32>,
      %mul3A_474 = arith.mulf %gather3A_472, %gather3A_472 : vector<16xf32>
      %add3A_475 = arith.addf %add3A_469, %mul3A_474 : vector<16xf32>
      %mul3A_476 = arith.mulf %gather3A_473, %gather3A_473 : vector<16xf32>
      %add3A_477 = arith.addf %add3A_471, %mul3A_476 : vector<16xf32>
      %gather3A_478 = tpu.vector_load_idx %arg11[%add3A_396, %broadcast_in_dim3A_286] : memref<512x64xf32, #tpu.memory_space<vmem>>[vector<16xi32>, vector<16xi32>], vector<16xf32>,
      %gather3A_479 = tpu.vector_load_idx %arg13[%add3A_396, %broadcast_in_dim3A_286] : memref<512x64xf32, #tpu.memory_space<vmem>>[vector<16xi32>, vector<16xi32>], vector<16xf32>,
      %mul3A_480 = arith.mulf %gather3A_478, %gather3A_478 : vector<16xf32>
      %add3A_481 = arith.addf %add3A_475, %mul3A_480 : vector<16xf32>
      %mul3A_482 = arith.mulf %gather3A_479, %gather3A_479 : vector<16xf32>
      %add3A_483 = arith.addf %add3A_477, %mul3A_482 : vector<16xf32>
      %gather3A_484 = tpu.vector_load_idx %arg11[%add3A_396, %broadcast_in_dim3A_288] : memref<512x64xf32, #tpu.memory_space<vmem>>[vector<16xi32>, vector<16xi32>], vector<16xf32>,
      %gather3A_485 = tpu.vector_load_idx %arg13[%add3A_396, %broadcast_in_dim3A_288] : memref<512x64xf32, #tpu.memory_space<vmem>>[vector<16xi32>, vector<16xi32>], vector<16xf32>,
      %mul3A_486 = arith.mulf %gather3A_484, %gather3A_484 : vector<16xf32>
      %add3A_487 = arith.addf %add3A_481, %mul3A_486 : vector<16xf32>
      %mul3A_488 = arith.mulf %gather3A_485, %gather3A_485 : vector<16xf32>
      %add3A_489 = arith.addf %add3A_483, %mul3A_488 : vector<16xf32>
      %gather3A_490 = tpu.vector_load_idx %arg11[%add3A_396, %broadcast_in_dim3A_290] : memref<512x64xf32, #tpu.memory_space<vmem>>[vector<16xi32>, vector<16xi32>], vector<16xf32>,
      %gather3A_491 = tpu.vector_load_idx %arg13[%add3A_396, %broadcast_in_dim3A_290] : memref<512x64xf32, #tpu.memory_space<vmem>>[vector<16xi32>, vector<16xi32>], vector<16xf32>,
      %mul3A_492 = arith.mulf %gather3A_490, %gather3A_490 : vector<16xf32>
      %add3A_493 = arith.addf %add3A_487, %mul3A_492 : vector<16xf32>
      %mul3A_494 = arith.mulf %gather3A_491, %gather3A_491 : vector<16xf32>
      %add3A_495 = arith.addf %add3A_489, %mul3A_494 : vector<16xf32>
      %gather3A_496 = tpu.vector_load_idx %arg11[%add3A_396, %broadcast_in_dim3A_292] : memref<512x64xf32, #tpu.memory_space<vmem>>[vector<16xi32>, vector<16xi32>], vector<16xf32>,
      %gather3A_497 = tpu.vector_load_idx %arg13[%add3A_396, %broadcast_in_dim3A_292] : memref<512x64xf32, #tpu.memory_space<vmem>>[vector<16xi32>, vector<16xi32>], vector<16xf32>,
      %mul3A_498 = arith.mulf %gather3A_496, %gather3A_496 : vector<16xf32>
      %add3A_499 = arith.addf %add3A_493, %mul3A_498 : vector<16xf32>
      %mul3A_500 = arith.mulf %gather3A_497, %gather3A_497 : vector<16xf32>
      %add3A_501 = arith.addf %add3A_495, %mul3A_500 : vector<16xf32>
      %gather3A_502 = tpu.vector_load_idx %arg11[%add3A_396, %broadcast_in_dim3A_294] : memref<512x64xf32, #tpu.memory_space<vmem>>[vector<16xi32>, vector<16xi32>], vector<16xf32>,
      %gather3A_503 = tpu.vector_load_idx %arg13[%add3A_396, %broadcast_in_dim3A_294] : memref<512x64xf32, #tpu.memory_space<vmem>>[vector<16xi32>, vector<16xi32>], vector<16xf32>,
      %mul3A_504 = arith.mulf %gather3A_502, %gather3A_502 : vector<16xf32>
      %add3A_505 = arith.addf %add3A_499, %mul3A_504 : vector<16xf32>
      %mul3A_506 = arith.mulf %gather3A_503, %gather3A_503 : vector<16xf32>
      %add3A_507 = arith.addf %add3A_501, %mul3A_506 : vector<16xf32>
      %gather3A_508 = tpu.vector_load_idx %arg11[%add3A_396, %broadcast_in_dim3A_296] : memref<512x64xf32, #tpu.memory_space<vmem>>[vector<16xi32>, vector<16xi32>], vector<16xf32>,
      %gather3A_509 = tpu.vector_load_idx %arg13[%add3A_396, %broadcast_in_dim3A_296] : memref<512x64xf32, #tpu.memory_space<vmem>>[vector<16xi32>, vector<16xi32>], vector<16xf32>,
      %mul3A_510 = arith.mulf %gather3A_508, %gather3A_508 : vector<16xf32>
      %add3A_511 = arith.addf %add3A_505, %mul3A_510 : vector<16xf32>
      %mul3A_512 = arith.mulf %gather3A_509, %gather3A_509 : vector<16xf32>
      %add3A_513 = arith.addf %add3A_507, %mul3A_512 : vector<16xf32>
      %gather3A_514 = tpu.vector_load_idx %arg11[%add3A_396, %broadcast_in_dim3A_298] : memref<512x64xf32, #tpu.memory_space<vmem>>[vector<16xi32>, vector<16xi32>], vector<16xf32>,
      %gather3A_515 = tpu.vector_load_idx %arg13[%add3A_396, %broadcast_in_dim3A_298] : memref<512x64xf32, #tpu.memory_space<vmem>>[vector<16xi32>, vector<16xi32>], vector<16xf32>,
      %mul3A_516 = arith.mulf %gather3A_514, %gather3A_514 : vector<16xf32>
      %add3A_517 = arith.addf %add3A_511, %mul3A_516 : vector<16xf32>
      %mul3A_518 = arith.mulf %gather3A_515, %gather3A_515 : vector<16xf32>
      %add3A_519 = arith.addf %add3A_513, %mul3A_518 : vector<16xf32>
      %gather3A_520 = tpu.vector_load_idx %arg11[%add3A_396, %broadcast_in_dim3A_300] : memref<512x64xf32, #tpu.memory_space<vmem>>[vector<16xi32>, vector<16xi32>], vector<16xf32>,
      %gather3A_521 = tpu.vector_load_idx %arg13[%add3A_396, %broadcast_in_dim3A_300] : memref<512x64xf32, #tpu.memory_space<vmem>>[vector<16xi32>, vector<16xi32>], vector<16xf32>,
      %mul3A_522 = arith.mulf %gather3A_520, %gather3A_520 : vector<16xf32>
      %add3A_523 = arith.addf %add3A_517, %mul3A_522 : vector<16xf32>
      %mul3A_524 = arith.mulf %gather3A_521, %gather3A_521 : vector<16xf32>
      %add3A_525 = arith.addf %add3A_519, %mul3A_524 : vector<16xf32>
      %gather3A_526 = tpu.vector_load_idx %arg11[%add3A_396, %broadcast_in_dim3A_302] : memref<512x64xf32, #tpu.memory_space<vmem>>[vector<16xi32>, vector<16xi32>], vector<16xf32>,
      %gather3A_527 = tpu.vector_load_idx %arg13[%add3A_396, %broadcast_in_dim3A_302] : memref<512x64xf32, #tpu.memory_space<vmem>>[vector<16xi32>, vector<16xi32>], vector<16xf32>,
      %mul3A_528 = arith.mulf %gather3A_526, %gather3A_526 : vector<16xf32>
      %add3A_529 = arith.addf %add3A_523, %mul3A_528 : vector<16xf32>
      %mul3A_530 = arith.mulf %gather3A_527, %gather3A_527 : vector<16xf32>
      %add3A_531 = arith.addf %add3A_525, %mul3A_530 : vector<16xf32>
      %gather3A_532 = tpu.vector_load_idx %arg11[%add3A_396, %broadcast_in_dim3A_304] : memref<512x64xf32, #tpu.memory_space<vmem>>[vector<16xi32>, vector<16xi32>], vector<16xf32>,
      %gather3A_533 = tpu.vector_load_idx %arg13[%add3A_396, %broadcast_in_dim3A_304] : memref<512x64xf32, #tpu.memory_space<vmem>>[vector<16xi32>, vector<16xi32>], vector<16xf32>,
      %mul3A_534 = arith.mulf %gather3A_532, %gather3A_532 : vector<16xf32>
      %add3A_535 = arith.addf %add3A_529, %mul3A_534 : vector<16xf32>
      %mul3A_536 = arith.mulf %gather3A_533, %gather3A_533 : vector<16xf32>
      %add3A_537 = arith.addf %add3A_531, %mul3A_536 : vector<16xf32>
      %gather3A_538 = tpu.vector_load_idx %arg11[%add3A_396, %broadcast_in_dim3A_306] : memref<512x64xf32, #tpu.memory_space<vmem>>[vector<16xi32>, vector<16xi32>], vector<16xf32>,
      %gather3A_539 = tpu.vector_load_idx %arg13[%add3A_396, %broadcast_in_dim3A_306] : memref<512x64xf32, #tpu.memory_space<vmem>>[vector<16xi32>, vector<16xi32>], vector<16xf32>,
      %mul3A_540 = arith.mulf %gather3A_538, %gather3A_538 : vector<16xf32>
      %add3A_541 = arith.addf %add3A_535, %mul3A_540 : vector<16xf32>
      %mul3A_542 = arith.mulf %gather3A_539, %gather3A_539 : vector<16xf32>
      %add3A_543 = arith.addf %add3A_537, %mul3A_542 : vector<16xf32>
      %gather3A_544 = tpu.vector_load_idx %arg11[%add3A_396, %broadcast_in_dim3A_308] : memref<512x64xf32, #tpu.memory_space<vmem>>[vector<16xi32>, vector<16xi32>], vector<16xf32>,
      %gather3A_545 = tpu.vector_load_idx %arg13[%add3A_396, %broadcast_in_dim3A_308] : memref<512x64xf32, #tpu.memory_space<vmem>>[vector<16xi32>, vector<16xi32>], vector<16xf32>,
      %mul3A_546 = arith.mulf %gather3A_544, %gather3A_544 : vector<16xf32>
      %add3A_547 = arith.addf %add3A_541, %mul3A_546 : vector<16xf32>
      %mul3A_548 = arith.mulf %gather3A_545, %gather3A_545 : vector<16xf32>
      %add3A_549 = arith.addf %add3A_543, %mul3A_548 : vector<16xf32>
      %gather3A_550 = tpu.vector_load_idx %arg11[%add3A_396, %broadcast_in_dim3A_310] : memref<512x64xf32, #tpu.memory_space<vmem>>[vector<16xi32>, vector<16xi32>], vector<16xf32>,
      %gather3A_551 = tpu.vector_load_idx %arg13[%add3A_396, %broadcast_in_dim3A_310] : memref<512x64xf32, #tpu.memory_space<vmem>>[vector<16xi32>, vector<16xi32>], vector<16xf32>,
      %mul3A_552 = arith.mulf %gather3A_550, %gather3A_550 : vector<16xf32>
      %add3A_553 = arith.addf %add3A_547, %mul3A_552 : vector<16xf32>
      %mul3A_554 = arith.mulf %gather3A_551, %gather3A_551 : vector<16xf32>
      %add3A_555 = arith.addf %add3A_549, %mul3A_554 : vector<16xf32>
      %gather3A_556 = tpu.vector_load_idx %arg11[%add3A_396, %broadcast_in_dim3A_312] : memref<512x64xf32, #tpu.memory_space<vmem>>[vector<16xi32>, vector<16xi32>], vector<16xf32>,
      %gather3A_557 = tpu.vector_load_idx %arg13[%add3A_396, %broadcast_in_dim3A_312] : memref<512x64xf32, #tpu.memory_space<vmem>>[vector<16xi32>, vector<16xi32>], vector<16xf32>,
      %mul3A_558 = arith.mulf %gather3A_556, %gather3A_556 : vector<16xf32>
      %add3A_559 = arith.addf %add3A_553, %mul3A_558 : vector<16xf32>
      %mul3A_560 = arith.mulf %gather3A_557, %gather3A_557 : vector<16xf32>
      %add3A_561 = arith.addf %add3A_555, %mul3A_560 : vector<16xf32>
      %gather3A_562 = tpu.vector_load_idx %arg11[%add3A_396, %broadcast_in_dim3A_314] : memref<512x64xf32, #tpu.memory_space<vmem>>[vector<16xi32>, vector<16xi32>], vector<16xf32>,
      %gather3A_563 = tpu.vector_load_idx %arg13[%add3A_396, %broadcast_in_dim3A_314] : memref<512x64xf32, #tpu.memory_space<vmem>>[vector<16xi32>, vector<16xi32>], vector<16xf32>,
      %mul3A_564 = arith.mulf %gather3A_562, %gather3A_562 : vector<16xf32>
      %add3A_565 = arith.addf %add3A_559, %mul3A_564 : vector<16xf32>
      %mul3A_566 = arith.mulf %gather3A_563, %gather3A_563 : vector<16xf32>
      %add3A_567 = arith.addf %add3A_561, %mul3A_566 : vector<16xf32>
      %gather3A_568 = tpu.vector_load_idx %arg11[%add3A_396, %broadcast_in_dim3A_316] : memref<512x64xf32, #tpu.memory_space<vmem>>[vector<16xi32>, vector<16xi32>], vector<16xf32>,
      %gather3A_569 = tpu.vector_load_idx %arg13[%add3A_396, %broadcast_in_dim3A_316] : memref<512x64xf32, #tpu.memory_space<vmem>>[vector<16xi32>, vector<16xi32>], vector<16xf32>,
      %mul3A_570 = arith.mulf %gather3A_568, %gather3A_568 : vector<16xf32>
      %add3A_571 = arith.addf %add3A_565, %mul3A_570 : vector<16xf32>
      %mul3A_572 = arith.mulf %gather3A_569, %gather3A_569 : vector<16xf32>
      %add3A_573 = arith.addf %add3A_567, %mul3A_572 : vector<16xf32>
      %gather3A_574 = tpu.vector_load_idx %arg11[%add3A_396, %broadcast_in_dim3A_318] : memref<512x64xf32, #tpu.memory_space<vmem>>[vector<16xi32>, vector<16xi32>], vector<16xf32>,
      %gather3A_575 = tpu.vector_load_idx %arg13[%add3A_396, %broadcast_in_dim3A_318] : memref<512x64xf32, #tpu.memory_space<vmem>>[vector<16xi32>, vector<16xi32>], vector<16xf32>,
      %mul3A_576 = arith.mulf %gather3A_574, %gather3A_574 : vector<16xf32>
      %add3A_577 = arith.addf %add3A_571, %mul3A_576 : vector<16xf32>
      %mul3A_578 = arith.mulf %gather3A_575, %gather3A_575 : vector<16xf32>
      %add3A_579 = arith.addf %add3A_573, %mul3A_578 : vector<16xf32>
      %gather3A_580 = tpu.vector_load_idx %arg11[%add3A_396, %broadcast_in_dim3A_320] : memref<512x64xf32, #tpu.memory_space<vmem>>[vector<16xi32>, vector<16xi32>], vector<16xf32>,
      %gather3A_581 = tpu.vector_load_idx %arg13[%add3A_396, %broadcast_in_dim3A_320] : memref<512x64xf32, #tpu.memory_space<vmem>>[vector<16xi32>, vector<16xi32>], vector<16xf32>,
      %mul3A_582 = arith.mulf %gather3A_580, %gather3A_580 : vector<16xf32>
      %add3A_583 = arith.addf %add3A_577, %mul3A_582 : vector<16xf32>
      %mul3A_584 = arith.mulf %gather3A_581, %gather3A_581 : vector<16xf32>
      %add3A_585 = arith.addf %add3A_579, %mul3A_584 : vector<16xf32>
      %gather3A_586 = tpu.vector_load_idx %arg11[%add3A_396, %broadcast_in_dim3A_322] : memref<512x64xf32, #tpu.memory_space<vmem>>[vector<16xi32>, vector<16xi32>], vector<16xf32>,
      %gather3A_587 = tpu.vector_load_idx %arg13[%add3A_396, %broadcast_in_dim3A_322] : memref<512x64xf32, #tpu.memory_space<vmem>>[vector<16xi32>, vector<16xi32>], vector<16xf32>,
      %mul3A_588 = arith.mulf %gather3A_586, %gather3A_586 : vector<16xf32>
      %add3A_589 = arith.addf %add3A_583, %mul3A_588 : vector<16xf32>
      %mul3A_590 = arith.mulf %gather3A_587, %gather3A_587 : vector<16xf32>
      %add3A_591 = arith.addf %add3A_585, %mul3A_590 : vector<16xf32>
      %gather3A_592 = tpu.vector_load_idx %arg11[%add3A_396, %broadcast_in_dim3A_324] : memref<512x64xf32, #tpu.memory_space<vmem>>[vector<16xi32>, vector<16xi32>], vector<16xf32>,
      %gather3A_593 = tpu.vector_load_idx %arg13[%add3A_396, %broadcast_in_dim3A_324] : memref<512x64xf32, #tpu.memory_space<vmem>>[vector<16xi32>, vector<16xi32>], vector<16xf32>,
      %mul3A_594 = arith.mulf %gather3A_592, %gather3A_592 : vector<16xf32>
      %add3A_595 = arith.addf %add3A_589, %mul3A_594 : vector<16xf32>
      %mul3A_596 = arith.mulf %gather3A_593, %gather3A_593 : vector<16xf32>
      %add3A_597 = arith.addf %add3A_591, %mul3A_596 : vector<16xf32>
      %gather3A_598 = tpu.vector_load_idx %arg11[%add3A_396, %broadcast_in_dim3A_326] : memref<512x64xf32, #tpu.memory_space<vmem>>[vector<16xi32>, vector<16xi32>], vector<16xf32>,
      %gather3A_599 = tpu.vector_load_idx %arg13[%add3A_396, %broadcast_in_dim3A_326] : memref<512x64xf32, #tpu.memory_space<vmem>>[vector<16xi32>, vector<16xi32>], vector<16xf32>,
      %mul3A_600 = arith.mulf %gather3A_598, %gather3A_598 : vector<16xf32>
      %add3A_601 = arith.addf %add3A_595, %mul3A_600 : vector<16xf32>
      %mul3A_602 = arith.mulf %gather3A_599, %gather3A_599 : vector<16xf32>
      %add3A_603 = arith.addf %add3A_597, %mul3A_602 : vector<16xf32>
      %gather3A_604 = tpu.vector_load_idx %arg11[%add3A_396, %broadcast_in_dim3A_328] : memref<512x64xf32, #tpu.memory_space<vmem>>[vector<16xi32>, vector<16xi32>], vector<16xf32>,
      %gather3A_605 = tpu.vector_load_idx %arg13[%add3A_396, %broadcast_in_dim3A_328] : memref<512x64xf32, #tpu.memory_space<vmem>>[vector<16xi32>, vector<16xi32>], vector<16xf32>,
      %mul3A_606 = arith.mulf %gather3A_604, %gather3A_604 : vector<16xf32>
      %add3A_607 = arith.addf %add3A_601, %mul3A_606 : vector<16xf32>
      %mul3A_608 = arith.mulf %gather3A_605, %gather3A_605 : vector<16xf32>
      %add3A_609 = arith.addf %add3A_603, %mul3A_608 : vector<16xf32>
      %gather3A_610 = tpu.vector_load_idx %arg11[%add3A_396, %broadcast_in_dim3A_330] : memref<512x64xf32, #tpu.memory_space<vmem>>[vector<16xi32>, vector<16xi32>], vector<16xf32>,
      %gather3A_611 = tpu.vector_load_idx %arg13[%add3A_396, %broadcast_in_dim3A_330] : memref<512x64xf32, #tpu.memory_space<vmem>>[vector<16xi32>, vector<16xi32>], vector<16xf32>,
      %mul3A_612 = arith.mulf %gather3A_610, %gather3A_610 : vector<16xf32>
      %add3A_613 = arith.addf %add3A_607, %mul3A_612 : vector<16xf32>
      %mul3A_614 = arith.mulf %gather3A_611, %gather3A_611 : vector<16xf32>
      %add3A_615 = arith.addf %add3A_609, %mul3A_614 : vector<16xf32>
      %gather3A_616 = tpu.vector_load_idx %arg11[%add3A_396, %broadcast_in_dim3A_332] : memref<512x64xf32, #tpu.memory_space<vmem>>[vector<16xi32>, vector<16xi32>], vector<16xf32>,
      %gather3A_617 = tpu.vector_load_idx %arg13[%add3A_396, %broadcast_in_dim3A_332] : memref<512x64xf32, #tpu.memory_space<vmem>>[vector<16xi32>, vector<16xi32>], vector<16xf32>,
      %mul3A_618 = arith.mulf %gather3A_616, %gather3A_616 : vector<16xf32>
      %add3A_619 = arith.addf %add3A_613, %mul3A_618 : vector<16xf32>
      %mul3A_620 = arith.mulf %gather3A_617, %gather3A_617 : vector<16xf32>
      %add3A_621 = arith.addf %add3A_615, %mul3A_620 : vector<16xf32>
      %gather3A_622 = tpu.vector_load_idx %arg11[%add3A_396, %broadcast_in_dim3A_334] : memref<512x64xf32, #tpu.memory_space<vmem>>[vector<16xi32>, vector<16xi32>], vector<16xf32>,
      %gather3A_623 = tpu.vector_load_idx %arg13[%add3A_396, %broadcast_in_dim3A_334] : memref<512x64xf32, #tpu.memory_space<vmem>>[vector<16xi32>, vector<16xi32>], vector<16xf32>,
      %mul3A_624 = arith.mulf %gather3A_622, %gather3A_622 : vector<16xf32>
      %add3A_625 = arith.addf %add3A_619, %mul3A_624 : vector<16xf32>
      %mul3A_626 = arith.mulf %gather3A_623, %gather3A_623 : vector<16xf32>
      %add3A_627 = arith.addf %add3A_621, %mul3A_626 : vector<16xf32>
      %gather3A_628 = tpu.vector_load_idx %arg11[%add3A_396, %broadcast_in_dim3A_336] : memref<512x64xf32, #tpu.memory_space<vmem>>[vector<16xi32>, vector<16xi32>], vector<16xf32>,
      %gather3A_629 = tpu.vector_load_idx %arg13[%add3A_396, %broadcast_in_dim3A_336] : memref<512x64xf32, #tpu.memory_space<vmem>>[vector<16xi32>, vector<16xi32>], vector<16xf32>,
      %mul3A_630 = arith.mulf %gather3A_628, %gather3A_628 : vector<16xf32>
      %add3A_631 = arith.addf %add3A_625, %mul3A_630 : vector<16xf32>
      %mul3A_632 = arith.mulf %gather3A_629, %gather3A_629 : vector<16xf32>
      %add3A_633 = arith.addf %add3A_627, %mul3A_632 : vector<16xf32>
      %gather3A_634 = tpu.vector_load_idx %arg11[%add3A_396, %broadcast_in_dim3A_338] : memref<512x64xf32, #tpu.memory_space<vmem>>[vector<16xi32>, vector<16xi32>], vector<16xf32>,
      %gather3A_635 = tpu.vector_load_idx %arg13[%add3A_396, %broadcast_in_dim3A_338] : memref<512x64xf32, #tpu.memory_space<vmem>>[vector<16xi32>, vector<16xi32>], vector<16xf32>,
      %mul3A_636 = arith.mulf %gather3A_634, %gather3A_634 : vector<16xf32>
      %add3A_637 = arith.addf %add3A_631, %mul3A_636 : vector<16xf32>
      %mul3A_638 = arith.mulf %gather3A_635, %gather3A_635 : vector<16xf32>
      %add3A_639 = arith.addf %add3A_633, %mul3A_638 : vector<16xf32>
      %gather3A_640 = tpu.vector_load_idx %arg11[%add3A_396, %broadcast_in_dim3A_340] : memref<512x64xf32, #tpu.memory_space<vmem>>[vector<16xi32>, vector<16xi32>], vector<16xf32>,
      %gather3A_641 = tpu.vector_load_idx %arg13[%add3A_396, %broadcast_in_dim3A_340] : memref<512x64xf32, #tpu.memory_space<vmem>>[vector<16xi32>, vector<16xi32>], vector<16xf32>,
      %mul3A_642 = arith.mulf %gather3A_640, %gather3A_640 : vector<16xf32>
      %add3A_643 = arith.addf %add3A_637, %mul3A_642 : vector<16xf32>
      %mul3A_644 = arith.mulf %gather3A_641, %gather3A_641 : vector<16xf32>
      %add3A_645 = arith.addf %add3A_639, %mul3A_644 : vector<16xf32>
      %gather3A_646 = tpu.vector_load_idx %arg11[%add3A_396, %broadcast_in_dim3A_342] : memref<512x64xf32, #tpu.memory_space<vmem>>[vector<16xi32>, vector<16xi32>], vector<16xf32>,
      %gather3A_647 = tpu.vector_load_idx %arg13[%add3A_396, %broadcast_in_dim3A_342] : memref<512x64xf32, #tpu.memory_space<vmem>>[vector<16xi32>, vector<16xi32>], vector<16xf32>,
      %mul3A_648 = arith.mulf %gather3A_646, %gather3A_646 : vector<16xf32>
      %add3A_649 = arith.addf %add3A_643, %mul3A_648 : vector<16xf32>
      %mul3A_650 = arith.mulf %gather3A_647, %gather3A_647 : vector<16xf32>
      %add3A_651 = arith.addf %add3A_645, %mul3A_650 : vector<16xf32>
      %gather3A_652 = tpu.vector_load_idx %arg11[%add3A_396, %broadcast_in_dim3A_344] : memref<512x64xf32, #tpu.memory_space<vmem>>[vector<16xi32>, vector<16xi32>], vector<16xf32>,
      %gather3A_653 = tpu.vector_load_idx %arg13[%add3A_396, %broadcast_in_dim3A_344] : memref<512x64xf32, #tpu.memory_space<vmem>>[vector<16xi32>, vector<16xi32>], vector<16xf32>,
      %mul3A_654 = arith.mulf %gather3A_652, %gather3A_652 : vector<16xf32>
      %add3A_655 = arith.addf %add3A_649, %mul3A_654 : vector<16xf32>
      %mul3A_656 = arith.mulf %gather3A_653, %gather3A_653 : vector<16xf32>
      %add3A_657 = arith.addf %add3A_651, %mul3A_656 : vector<16xf32>
      %gather3A_658 = tpu.vector_load_idx %arg11[%add3A_396, %broadcast_in_dim3A_346] : memref<512x64xf32, #tpu.memory_space<vmem>>[vector<16xi32>, vector<16xi32>], vector<16xf32>,
      %gather3A_659 = tpu.vector_load_idx %arg13[%add3A_396, %broadcast_in_dim3A_346] : memref<512x64xf32, #tpu.memory_space<vmem>>[vector<16xi32>, vector<16xi32>], vector<16xf32>,
      %mul3A_660 = arith.mulf %gather3A_658, %gather3A_658 : vector<16xf32>
      %add3A_661 = arith.addf %add3A_655, %mul3A_660 : vector<16xf32>
      %mul3A_662 = arith.mulf %gather3A_659, %gather3A_659 : vector<16xf32>
      %add3A_663 = arith.addf %add3A_657, %mul3A_662 : vector<16xf32>
      %gather3A_664 = tpu.vector_load_idx %arg11[%add3A_396, %broadcast_in_dim3A_348] : memref<512x64xf32, #tpu.memory_space<vmem>>[vector<16xi32>, vector<16xi32>], vector<16xf32>,
      %gather3A_665 = tpu.vector_load_idx %arg13[%add3A_396, %broadcast_in_dim3A_348] : memref<512x64xf32, #tpu.memory_space<vmem>>[vector<16xi32>, vector<16xi32>], vector<16xf32>,
      %mul3A_666 = arith.mulf %gather3A_664, %gather3A_664 : vector<16xf32>
      %add3A_667 = arith.addf %add3A_661, %mul3A_666 : vector<16xf32>
      %mul3A_668 = arith.mulf %gather3A_665, %gather3A_665 : vector<16xf32>
      %add3A_669 = arith.addf %add3A_663, %mul3A_668 : vector<16xf32>
      %gather3A_670 = tpu.vector_load_idx %arg11[%add3A_396, %broadcast_in_dim3A_350] : memref<512x64xf32, #tpu.memory_space<vmem>>[vector<16xi32>, vector<16xi32>], vector<16xf32>,
      %gather3A_671 = tpu.vector_load_idx %arg13[%add3A_396, %broadcast_in_dim3A_350] : memref<512x64xf32, #tpu.memory_space<vmem>>[vector<16xi32>, vector<16xi32>], vector<16xf32>,
      %mul3A_672 = arith.mulf %gather3A_670, %gather3A_670 : vector<16xf32>
      %add3A_673 = arith.addf %add3A_667, %mul3A_672 : vector<16xf32>
      %mul3A_674 = arith.mulf %gather3A_671, %gather3A_671 : vector<16xf32>
      %add3A_675 = arith.addf %add3A_669, %mul3A_674 : vector<16xf32>
      %gather3A_676 = tpu.vector_load_idx %arg11[%add3A_396, %broadcast_in_dim3A_352] : memref<512x64xf32, #tpu.memory_space<vmem>>[vector<16xi32>, vector<16xi32>], vector<16xf32>,
      %gather3A_677 = tpu.vector_load_idx %arg13[%add3A_396, %broadcast_in_dim3A_352] : memref<512x64xf32, #tpu.memory_space<vmem>>[vector<16xi32>, vector<16xi32>], vector<16xf32>,
      %mul3A_678 = arith.mulf %gather3A_676, %gather3A_676 : vector<16xf32>
      %add3A_679 = arith.addf %add3A_673, %mul3A_678 : vector<16xf32>
      %mul3A_680 = arith.mulf %gather3A_677, %gather3A_677 : vector<16xf32>
      %add3A_681 = arith.addf %add3A_675, %mul3A_680 : vector<16xf32>
      %gather3A_682 = tpu.vector_load_idx %arg11[%add3A_396, %broadcast_in_dim3A_354] : memref<512x64xf32, #tpu.memory_space<vmem>>[vector<16xi32>, vector<16xi32>], vector<16xf32>,
      %gather3A_683 = tpu.vector_load_idx %arg13[%add3A_396, %broadcast_in_dim3A_354] : memref<512x64xf32, #tpu.memory_space<vmem>>[vector<16xi32>, vector<16xi32>], vector<16xf32>,
      %mul3A_684 = arith.mulf %gather3A_682, %gather3A_682 : vector<16xf32>
      %add3A_685 = arith.addf %add3A_679, %mul3A_684 : vector<16xf32>
      %mul3A_686 = arith.mulf %gather3A_683, %gather3A_683 : vector<16xf32>
      %add3A_687 = arith.addf %add3A_681, %mul3A_686 : vector<16xf32>
      %gather3A_688 = tpu.vector_load_idx %arg11[%add3A_396, %broadcast_in_dim3A_356] : memref<512x64xf32, #tpu.memory_space<vmem>>[vector<16xi32>, vector<16xi32>], vector<16xf32>,
      %gather3A_689 = tpu.vector_load_idx %arg13[%add3A_396, %broadcast_in_dim3A_356] : memref<512x64xf32, #tpu.memory_space<vmem>>[vector<16xi32>, vector<16xi32>], vector<16xf32>,
      %mul3A_690 = arith.mulf %gather3A_688, %gather3A_688 : vector<16xf32>
      %add3A_691 = arith.addf %add3A_685, %mul3A_690 : vector<16xf32>
      %mul3A_692 = arith.mulf %gather3A_689, %gather3A_689 : vector<16xf32>
      %add3A_693 = arith.addf %add3A_687, %mul3A_692 : vector<16xf32>
      %gather3A_694 = tpu.vector_load_idx %arg11[%add3A_396, %broadcast_in_dim3A_358] : memref<512x64xf32, #tpu.memory_space<vmem>>[vector<16xi32>, vector<16xi32>], vector<16xf32>,
      %gather3A_695 = tpu.vector_load_idx %arg13[%add3A_396, %broadcast_in_dim3A_358] : memref<512x64xf32, #tpu.memory_space<vmem>>[vector<16xi32>, vector<16xi32>], vector<16xf32>,
      %mul3A_696 = arith.mulf %gather3A_694, %gather3A_694 : vector<16xf32>
      %add3A_697 = arith.addf %add3A_691, %mul3A_696 : vector<16xf32>
      %mul3A_698 = arith.mulf %gather3A_695, %gather3A_695 : vector<16xf32>
      %add3A_699 = arith.addf %add3A_693, %mul3A_698 : vector<16xf32>
      %gather3A_700 = tpu.vector_load_idx %arg11[%add3A_396, %broadcast_in_dim3A_360] : memref<512x64xf32, #tpu.memory_space<vmem>>[vector<16xi32>, vector<16xi32>], vector<16xf32>,
      %gather3A_701 = tpu.vector_load_idx %arg13[%add3A_396, %broadcast_in_dim3A_360] : memref<512x64xf32, #tpu.memory_space<vmem>>[vector<16xi32>, vector<16xi32>], vector<16xf32>,
      %mul3A_702 = arith.mulf %gather3A_700, %gather3A_700 : vector<16xf32>
      %add3A_703 = arith.addf %add3A_697, %mul3A_702 : vector<16xf32>
      %mul3A_704 = arith.mulf %gather3A_701, %gather3A_701 : vector<16xf32>
      %add3A_705 = arith.addf %add3A_699, %mul3A_704 : vector<16xf32>
      %gather3A_706 = tpu.vector_load_idx %arg11[%add3A_396, %broadcast_in_dim3A_362] : memref<512x64xf32, #tpu.memory_space<vmem>>[vector<16xi32>, vector<16xi32>], vector<16xf32>,
      %gather3A_707 = tpu.vector_load_idx %arg13[%add3A_396, %broadcast_in_dim3A_362] : memref<512x64xf32, #tpu.memory_space<vmem>>[vector<16xi32>, vector<16xi32>], vector<16xf32>,
      %mul3A_708 = arith.mulf %gather3A_706, %gather3A_706 : vector<16xf32>
      %add3A_709 = arith.addf %add3A_703, %mul3A_708 : vector<16xf32>
      %mul3A_710 = arith.mulf %gather3A_707, %gather3A_707 : vector<16xf32>
      %add3A_711 = arith.addf %add3A_705, %mul3A_710 : vector<16xf32>
      %gather3A_712 = tpu.vector_load_idx %arg11[%add3A_396, %broadcast_in_dim3A_364] : memref<512x64xf32, #tpu.memory_space<vmem>>[vector<16xi32>, vector<16xi32>], vector<16xf32>,
      %gather3A_713 = tpu.vector_load_idx %arg13[%add3A_396, %broadcast_in_dim3A_364] : memref<512x64xf32, #tpu.memory_space<vmem>>[vector<16xi32>, vector<16xi32>], vector<16xf32>,
      %mul3A_714 = arith.mulf %gather3A_712, %gather3A_712 : vector<16xf32>
      %add3A_715 = arith.addf %add3A_709, %mul3A_714 : vector<16xf32>
      %mul3A_716 = arith.mulf %gather3A_713, %gather3A_713 : vector<16xf32>
      %add3A_717 = arith.addf %add3A_711, %mul3A_716 : vector<16xf32>
      %gather3A_718 = tpu.vector_load_idx %arg11[%add3A_396, %broadcast_in_dim3A_366] : memref<512x64xf32, #tpu.memory_space<vmem>>[vector<16xi32>, vector<16xi32>], vector<16xf32>,
      %gather3A_719 = tpu.vector_load_idx %arg13[%add3A_396, %broadcast_in_dim3A_366] : memref<512x64xf32, #tpu.memory_space<vmem>>[vector<16xi32>, vector<16xi32>], vector<16xf32>,
      %mul3A_720 = arith.mulf %gather3A_718, %gather3A_718 : vector<16xf32>
      %add3A_721 = arith.addf %add3A_715, %mul3A_720 : vector<16xf32>
      %mul3A_722 = arith.mulf %gather3A_719, %gather3A_719 : vector<16xf32>
      %add3A_723 = arith.addf %add3A_717, %mul3A_722 : vector<16xf32>
      %gather3A_724 = tpu.vector_load_idx %arg11[%add3A_396, %broadcast_in_dim3A_368] : memref<512x64xf32, #tpu.memory_space<vmem>>[vector<16xi32>, vector<16xi32>], vector<16xf32>,
      %gather3A_725 = tpu.vector_load_idx %arg13[%add3A_396, %broadcast_in_dim3A_368] : memref<512x64xf32, #tpu.memory_space<vmem>>[vector<16xi32>, vector<16xi32>], vector<16xf32>,
      %mul3A_726 = arith.mulf %gather3A_724, %gather3A_724 : vector<16xf32>
      %add3A_727 = arith.addf %add3A_721, %mul3A_726 : vector<16xf32>
      %mul3A_728 = arith.mulf %gather3A_725, %gather3A_725 : vector<16xf32>
      %add3A_729 = arith.addf %add3A_723, %mul3A_728 : vector<16xf32>
      %gather3A_730 = tpu.vector_load_idx %arg11[%add3A_396, %broadcast_in_dim3A_370] : memref<512x64xf32, #tpu.memory_space<vmem>>[vector<16xi32>, vector<16xi32>], vector<16xf32>,
      %gather3A_731 = tpu.vector_load_idx %arg13[%add3A_396, %broadcast_in_dim3A_370] : memref<512x64xf32, #tpu.memory_space<vmem>>[vector<16xi32>, vector<16xi32>], vector<16xf32>,
      %mul3A_732 = arith.mulf %gather3A_730, %gather3A_730 : vector<16xf32>
      %add3A_733 = arith.addf %add3A_727, %mul3A_732 : vector<16xf32>
      %mul3A_734 = arith.mulf %gather3A_731, %gather3A_731 : vector<16xf32>
      %add3A_735 = arith.addf %add3A_729, %mul3A_734 : vector<16xf32>
      %gather3A_736 = tpu.vector_load_idx %arg11[%add3A_396, %broadcast_in_dim3A_372] : memref<512x64xf32, #tpu.memory_space<vmem>>[vector<16xi32>, vector<16xi32>], vector<16xf32>,
      %gather3A_737 = tpu.vector_load_idx %arg13[%add3A_396, %broadcast_in_dim3A_372] : memref<512x64xf32, #tpu.memory_space<vmem>>[vector<16xi32>, vector<16xi32>], vector<16xf32>,
      %mul3A_738 = arith.mulf %gather3A_736, %gather3A_736 : vector<16xf32>
      %add3A_739 = arith.addf %add3A_733, %mul3A_738 : vector<16xf32>
      %mul3A_740 = arith.mulf %gather3A_737, %gather3A_737 : vector<16xf32>
      %add3A_741 = arith.addf %add3A_735, %mul3A_740 : vector<16xf32>
      %gather3A_742 = tpu.vector_load_idx %arg11[%add3A_396, %broadcast_in_dim3A_374] : memref<512x64xf32, #tpu.memory_space<vmem>>[vector<16xi32>, vector<16xi32>], vector<16xf32>,
      %gather3A_743 = tpu.vector_load_idx %arg13[%add3A_396, %broadcast_in_dim3A_374] : memref<512x64xf32, #tpu.memory_space<vmem>>[vector<16xi32>, vector<16xi32>], vector<16xf32>,
      %mul3A_744 = arith.mulf %gather3A_742, %gather3A_742 : vector<16xf32>
      %add3A_745 = arith.addf %add3A_739, %mul3A_744 : vector<16xf32>
      %mul3A_746 = arith.mulf %gather3A_743, %gather3A_743 : vector<16xf32>
      %add3A_747 = arith.addf %add3A_741, %mul3A_746 : vector<16xf32>
      %gather3A_748 = tpu.vector_load_idx %arg11[%add3A_396, %broadcast_in_dim3A_376] : memref<512x64xf32, #tpu.memory_space<vmem>>[vector<16xi32>, vector<16xi32>], vector<16xf32>,
      %gather3A_749 = tpu.vector_load_idx %arg13[%add3A_396, %broadcast_in_dim3A_376] : memref<512x64xf32, #tpu.memory_space<vmem>>[vector<16xi32>, vector<16xi32>], vector<16xf32>,
      %mul3A_750 = arith.mulf %gather3A_748, %gather3A_748 : vector<16xf32>
      %add3A_751 = arith.addf %add3A_745, %mul3A_750 : vector<16xf32>
      %mul3A_752 = arith.mulf %gather3A_749, %gather3A_749 : vector<16xf32>
      %add3A_753 = arith.addf %add3A_747, %mul3A_752 : vector<16xf32>
      %gather3A_754 = tpu.vector_load_idx %arg11[%add3A_396, %broadcast_in_dim3A_378] : memref<512x64xf32, #tpu.memory_space<vmem>>[vector<16xi32>, vector<16xi32>], vector<16xf32>,
      %gather3A_755 = tpu.vector_load_idx %arg13[%add3A_396, %broadcast_in_dim3A_378] : memref<512x64xf32, #tpu.memory_space<vmem>>[vector<16xi32>, vector<16xi32>], vector<16xf32>,
      %mul3A_756 = arith.mulf %gather3A_754, %gather3A_754 : vector<16xf32>
      %add3A_757 = arith.addf %add3A_751, %mul3A_756 : vector<16xf32>
      %mul3A_758 = arith.mulf %gather3A_755, %gather3A_755 : vector<16xf32>
      %add3A_759 = arith.addf %add3A_753, %mul3A_758 : vector<16xf32>
      %gather3A_760 = tpu.vector_load_idx %arg11[%add3A_396, %broadcast_in_dim3A_380] : memref<512x64xf32, #tpu.memory_space<vmem>>[vector<16xi32>, vector<16xi32>], vector<16xf32>,
      %gather3A_761 = tpu.vector_load_idx %arg13[%add3A_396, %broadcast_in_dim3A_380] : memref<512x64xf32, #tpu.memory_space<vmem>>[vector<16xi32>, vector<16xi32>], vector<16xf32>,
      %mul3A_762 = arith.mulf %gather3A_760, %gather3A_760 : vector<16xf32>
      %add3A_763 = arith.addf %add3A_757, %mul3A_762 : vector<16xf32>
      %mul3A_764 = arith.mulf %gather3A_761, %gather3A_761 : vector<16xf32>
      %add3A_765 = arith.addf %add3A_759, %mul3A_764 : vector<16xf32>
      %gather3A_766 = tpu.vector_load_idx %arg11[%add3A_396, %broadcast_in_dim3A_382] : memref<512x64xf32, #tpu.memory_space<vmem>>[vector<16xi32>, vector<16xi32>], vector<16xf32>,
      %gather3A_767 = tpu.vector_load_idx %arg13[%add3A_396, %broadcast_in_dim3A_382] : memref<512x64xf32, #tpu.memory_space<vmem>>[vector<16xi32>, vector<16xi32>], vector<16xf32>,
      %mul3A_768 = arith.mulf %gather3A_766, %gather3A_766 : vector<16xf32>
      %add3A_769 = arith.addf %add3A_763, %mul3A_768 : vector<16xf32>
      %mul3A_770 = arith.mulf %gather3A_767, %gather3A_767 : vector<16xf32>
      %add3A_771 = arith.addf %add3A_765, %mul3A_770 : vector<16xf32>
      %gather3A_772 = tpu.vector_load_idx %arg11[%add3A_396, %broadcast_in_dim3A_384] : memref<512x64xf32, #tpu.memory_space<vmem>>[vector<16xi32>, vector<16xi32>], vector<16xf32>,
      %gather3A_773 = tpu.vector_load_idx %arg13[%add3A_396, %broadcast_in_dim3A_384] : memref<512x64xf32, #tpu.memory_space<vmem>>[vector<16xi32>, vector<16xi32>], vector<16xf32>,
      %mul3A_774 = arith.mulf %gather3A_772, %gather3A_772 : vector<16xf32>
      %add3A_775 = arith.addf %add3A_769, %mul3A_774 : vector<16xf32>
      %mul3A_776 = arith.mulf %gather3A_773, %gather3A_773 : vector<16xf32>
      %add3A_777 = arith.addf %add3A_771, %mul3A_776 : vector<16xf32>
      %gather3A_778 = tpu.vector_load_idx %arg11[%add3A_396, %broadcast_in_dim3A_386] : memref<512x64xf32, #tpu.memory_space<vmem>>[vector<16xi32>, vector<16xi32>], vector<16xf32>,
      %gather3A_779 = tpu.vector_load_idx %arg13[%add3A_396, %broadcast_in_dim3A_386] : memref<512x64xf32, #tpu.memory_space<vmem>>[vector<16xi32>, vector<16xi32>], vector<16xf32>,
      %mul3A_780 = arith.mulf %gather3A_778, %gather3A_778 : vector<16xf32>
      %add3A_781 = arith.addf %add3A_775, %mul3A_780 : vector<16xf32>
      %mul3A_782 = arith.mulf %gather3A_779, %gather3A_779 : vector<16xf32>
      %add3A_783 = arith.addf %add3A_777, %mul3A_782 : vector<16xf32>
      %max3A = arith.constant 1.000000e-24 : f32
      %max3A_784 = vector.broadcast %max3A : f32 to vector<16xf32>
      %max3A_785 = arith.maximumf %add3A_781, %max3A_784 : vector<16xf32>
      %bitcast_convert_type3A = tpu.bitcast %max3A_785 : vector<16xf32> -> vector<16xi32>
      %shift_right_logical3A = arith.constant 1 : i32
      %shift_right_logical3A_786 = vector.broadcast %shift_right_logical3A : i32 to vector<16xi32>
      %shift_right_logical3A_787 = arith.shrui %bitcast_convert_type3A, %shift_right_logical3A_786 : vector<16xi32>
      %sub3A = arith.constant 1597463007 : i32
      %sub3A_788 = vector.broadcast %sub3A : i32 to vector<16xi32>
      %sub3A_789 = arith.subi %sub3A_788, %shift_right_logical3A_787 : vector<16xi32>
      %bitcast_convert_type3A_790 = tpu.bitcast %sub3A_789 : vector<16xi32> -> vector<16xf32>
      %mul3A_791 = arith.constant 5.000000e-01 : f32
      %mul3A_792 = vector.broadcast %mul3A_791 : f32 to vector<16xf32>
      %mul3A_793 = arith.mulf %mul3A_792, %max3A_785 : vector<16xf32>
      %mul3A_794 = arith.mulf %mul3A_793, %bitcast_convert_type3A_790 : vector<16xf32>
      %mul3A_795 = arith.mulf %mul3A_794, %bitcast_convert_type3A_790 : vector<16xf32>
      %sub3A_796 = arith.constant 1.500000e+00 : f32
      %sub3A_797 = vector.broadcast %sub3A_796 : f32 to vector<16xf32>
      %sub3A_798 = arith.subf %sub3A_797, %mul3A_795 : vector<16xf32>
      %mul3A_799 = arith.mulf %bitcast_convert_type3A_790, %sub3A_798 : vector<16xf32>
      %mul3A_800 = arith.constant 5.000000e-01 : f32
      %mul3A_801 = vector.broadcast %mul3A_800 : f32 to vector<16xf32>
      %mul3A_802 = arith.mulf %mul3A_801, %max3A_785 : vector<16xf32>
      %mul3A_803 = arith.mulf %mul3A_802, %mul3A_799 : vector<16xf32>
      %mul3A_804 = arith.mulf %mul3A_803, %mul3A_799 : vector<16xf32>
      %sub3A_805 = arith.constant 1.500000e+00 : f32
      %sub3A_806 = vector.broadcast %sub3A_805 : f32 to vector<16xf32>
      %sub3A_807 = arith.subf %sub3A_806, %mul3A_804 : vector<16xf32>
      %mul3A_808 = arith.mulf %mul3A_799, %sub3A_807 : vector<16xf32>
      %mul3A_809 = arith.constant 5.000000e-01 : f32
      %mul3A_810 = vector.broadcast %mul3A_809 : f32 to vector<16xf32>
      %mul3A_811 = arith.mulf %mul3A_810, %max3A_785 : vector<16xf32>
      %mul3A_812 = arith.mulf %mul3A_811, %mul3A_808 : vector<16xf32>
      %mul3A_813 = arith.mulf %mul3A_812, %mul3A_808 : vector<16xf32>
      %sub3A_814 = arith.constant 1.500000e+00 : f32
      %sub3A_815 = vector.broadcast %sub3A_814 : f32 to vector<16xf32>
      %sub3A_816 = arith.subf %sub3A_815, %mul3A_813 : vector<16xf32>
      %mul3A_817 = arith.mulf %mul3A_808, %sub3A_816 : vector<16xf32>
      %max3A_818 = arith.constant 1.000000e-24 : f32
      %max3A_819 = vector.broadcast %max3A_818 : f32 to vector<16xf32>
      %max3A_820 = arith.maximumf %add3A_783, %max3A_819 : vector<16xf32>
      %bitcast_convert_type3A_821 = tpu.bitcast %max3A_820 : vector<16xf32> -> vector<16xi32>
      %shift_right_logical3A_822 = arith.constant 1 : i32
      %shift_right_logical3A_823 = vector.broadcast %shift_right_logical3A_822 : i32 to vector<16xi32>
      %shift_right_logical3A_824 = arith.shrui %bitcast_convert_type3A_821, %shift_right_logical3A_823 : vector<16xi32>
      %sub3A_825 = arith.constant 1597463007 : i32
      %sub3A_826 = vector.broadcast %sub3A_825 : i32 to vector<16xi32>
      %sub3A_827 = arith.subi %sub3A_826, %shift_right_logical3A_824 : vector<16xi32>
      %bitcast_convert_type3A_828 = tpu.bitcast %sub3A_827 : vector<16xi32> -> vector<16xf32>
      %mul3A_829 = arith.constant 5.000000e-01 : f32
      %mul3A_830 = vector.broadcast %mul3A_829 : f32 to vector<16xf32>
      %mul3A_831 = arith.mulf %mul3A_830, %max3A_820 : vector<16xf32>
      %mul3A_832 = arith.mulf %mul3A_831, %bitcast_convert_type3A_828 : vector<16xf32>
      %mul3A_833 = arith.mulf %mul3A_832, %bitcast_convert_type3A_828 : vector<16xf32>
      %sub3A_834 = arith.constant 1.500000e+00 : f32
      %sub3A_835 = vector.broadcast %sub3A_834 : f32 to vector<16xf32>
      %sub3A_836 = arith.subf %sub3A_835, %mul3A_833 : vector<16xf32>
      %mul3A_837 = arith.mulf %bitcast_convert_type3A_828, %sub3A_836 : vector<16xf32>
      %mul3A_838 = arith.constant 5.000000e-01 : f32
      %mul3A_839 = vector.broadcast %mul3A_838 : f32 to vector<16xf32>
      %mul3A_840 = arith.mulf %mul3A_839, %max3A_820 : vector<16xf32>
      %mul3A_841 = arith.mulf %mul3A_840, %mul3A_837 : vector<16xf32>
      %mul3A_842 = arith.mulf %mul3A_841, %mul3A_837 : vector<16xf32>
      %sub3A_843 = arith.constant 1.500000e+00 : f32
      %sub3A_844 = vector.broadcast %sub3A_843 : f32 to vector<16xf32>
      %sub3A_845 = arith.subf %sub3A_844, %mul3A_842 : vector<16xf32>
      %mul3A_846 = arith.mulf %mul3A_837, %sub3A_845 : vector<16xf32>
      %mul3A_847 = arith.constant 5.000000e-01 : f32
      %mul3A_848 = vector.broadcast %mul3A_847 : f32 to vector<16xf32>
      %mul3A_849 = arith.mulf %mul3A_848, %max3A_820 : vector<16xf32>
      %mul3A_850 = arith.mulf %mul3A_849, %mul3A_846 : vector<16xf32>
      %mul3A_851 = arith.mulf %mul3A_850, %mul3A_846 : vector<16xf32>
      %sub3A_852 = arith.constant 1.500000e+00 : f32
      %sub3A_853 = vector.broadcast %sub3A_852 : f32 to vector<16xf32>
      %sub3A_854 = arith.subf %sub3A_853, %mul3A_851 : vector<16xf32>
      %mul3A_855 = arith.mulf %mul3A_846, %sub3A_854 : vector<16xf32>
      %broadcast_in_dim3A_856 = arith.constant 0.000000e+00 : f32
      %broadcast_in_dim3A_857 = vector.broadcast %broadcast_in_dim3A_856 : f32 to vector<16xf32>
      %gather3A_858 = tpu.vector_load_idx %arg11[%add3A_396, %broadcast_in_dim3A_260] : memref<512x64xf32, #tpu.memory_space<vmem>>[vector<16xi32>, vector<16xi32>], vector<16xf32>,
      %gather3A_859 = tpu.vector_load_idx %arg12[%add3A_396, %broadcast_in_dim3A_260] : memref<512x64xf32, #tpu.memory_space<vmem>>[vector<16xi32>, vector<16xi32>], vector<16xf32>,
      %gather3A_860 = tpu.vector_load_idx %arg13[%add3A_396, %broadcast_in_dim3A_260] : memref<512x64xf32, #tpu.memory_space<vmem>>[vector<16xi32>, vector<16xi32>], vector<16xf32>,
      %mul3A_861 = arith.mulf %gather3A_858, %mul3A_817 : vector<16xf32>
      %add3A_862 = arith.addf %mul3A_861, %gather3A_859 : vector<16xf32>
      %mul3A_863 = arith.mulf %gather3A_860, %mul3A_855 : vector<16xf32>
      %sub3A_864 = arith.subf %add3A_862, %mul3A_863 : vector<16xf32>
      %abs3A = math.absf %sub3A_864 : vector<16xf32>
      %add3A_865 = arith.addf %broadcast_in_dim3A_857, %abs3A : vector<16xf32>
      %gather3A_866 = tpu.vector_load_idx %arg11[%add3A_396, %broadcast_in_dim3A_262] : memref<512x64xf32, #tpu.memory_space<vmem>>[vector<16xi32>, vector<16xi32>], vector<16xf32>,
      %gather3A_867 = tpu.vector_load_idx %arg12[%add3A_396, %broadcast_in_dim3A_262] : memref<512x64xf32, #tpu.memory_space<vmem>>[vector<16xi32>, vector<16xi32>], vector<16xf32>,
      %gather3A_868 = tpu.vector_load_idx %arg13[%add3A_396, %broadcast_in_dim3A_262] : memref<512x64xf32, #tpu.memory_space<vmem>>[vector<16xi32>, vector<16xi32>], vector<16xf32>,
      %mul3A_869 = arith.mulf %gather3A_866, %mul3A_817 : vector<16xf32>
      %add3A_870 = arith.addf %mul3A_869, %gather3A_867 : vector<16xf32>
      %mul3A_871 = arith.mulf %gather3A_868, %mul3A_855 : vector<16xf32>
      %sub3A_872 = arith.subf %add3A_870, %mul3A_871 : vector<16xf32>
      %abs3A_873 = math.absf %sub3A_872 : vector<16xf32>
      %add3A_874 = arith.addf %add3A_865, %abs3A_873 : vector<16xf32>
      %gather3A_875 = tpu.vector_load_idx %arg11[%add3A_396, %broadcast_in_dim3A_264] : memref<512x64xf32, #tpu.memory_space<vmem>>[vector<16xi32>, vector<16xi32>], vector<16xf32>,
      %gather3A_876 = tpu.vector_load_idx %arg12[%add3A_396, %broadcast_in_dim3A_264] : memref<512x64xf32, #tpu.memory_space<vmem>>[vector<16xi32>, vector<16xi32>], vector<16xf32>,
      %gather3A_877 = tpu.vector_load_idx %arg13[%add3A_396, %broadcast_in_dim3A_264] : memref<512x64xf32, #tpu.memory_space<vmem>>[vector<16xi32>, vector<16xi32>], vector<16xf32>,
      %mul3A_878 = arith.mulf %gather3A_875, %mul3A_817 : vector<16xf32>
      %add3A_879 = arith.addf %mul3A_878, %gather3A_876 : vector<16xf32>
      %mul3A_880 = arith.mulf %gather3A_877, %mul3A_855 : vector<16xf32>
      %sub3A_881 = arith.subf %add3A_879, %mul3A_880 : vector<16xf32>
      %abs3A_882 = math.absf %sub3A_881 : vector<16xf32>
      %add3A_883 = arith.addf %add3A_874, %abs3A_882 : vector<16xf32>
      %gather3A_884 = tpu.vector_load_idx %arg11[%add3A_396, %broadcast_in_dim3A_266] : memref<512x64xf32, #tpu.memory_space<vmem>>[vector<16xi32>, vector<16xi32>], vector<16xf32>,
      %gather3A_885 = tpu.vector_load_idx %arg12[%add3A_396, %broadcast_in_dim3A_266] : memref<512x64xf32, #tpu.memory_space<vmem>>[vector<16xi32>, vector<16xi32>], vector<16xf32>,
      %gather3A_886 = tpu.vector_load_idx %arg13[%add3A_396, %broadcast_in_dim3A_266] : memref<512x64xf32, #tpu.memory_space<vmem>>[vector<16xi32>, vector<16xi32>], vector<16xf32>,
      %mul3A_887 = arith.mulf %gather3A_884, %mul3A_817 : vector<16xf32>
      %add3A_888 = arith.addf %mul3A_887, %gather3A_885 : vector<16xf32>
      %mul3A_889 = arith.mulf %gather3A_886, %mul3A_855 : vector<16xf32>
      %sub3A_890 = arith.subf %add3A_888, %mul3A_889 : vector<16xf32>
      %abs3A_891 = math.absf %sub3A_890 : vector<16xf32>
      %add3A_892 = arith.addf %add3A_883, %abs3A_891 : vector<16xf32>
      %gather3A_893 = tpu.vector_load_idx %arg11[%add3A_396, %broadcast_in_dim3A_268] : memref<512x64xf32, #tpu.memory_space<vmem>>[vector<16xi32>, vector<16xi32>], vector<16xf32>,
      %gather3A_894 = tpu.vector_load_idx %arg12[%add3A_396, %broadcast_in_dim3A_268] : memref<512x64xf32, #tpu.memory_space<vmem>>[vector<16xi32>, vector<16xi32>], vector<16xf32>,
      %gather3A_895 = tpu.vector_load_idx %arg13[%add3A_396, %broadcast_in_dim3A_268] : memref<512x64xf32, #tpu.memory_space<vmem>>[vector<16xi32>, vector<16xi32>], vector<16xf32>,
      %mul3A_896 = arith.mulf %gather3A_893, %mul3A_817 : vector<16xf32>
      %add3A_897 = arith.addf %mul3A_896, %gather3A_894 : vector<16xf32>
      %mul3A_898 = arith.mulf %gather3A_895, %mul3A_855 : vector<16xf32>
      %sub3A_899 = arith.subf %add3A_897, %mul3A_898 : vector<16xf32>
      %abs3A_900 = math.absf %sub3A_899 : vector<16xf32>
      %add3A_901 = arith.addf %add3A_892, %abs3A_900 : vector<16xf32>
      %gather3A_902 = tpu.vector_load_idx %arg11[%add3A_396, %broadcast_in_dim3A_270] : memref<512x64xf32, #tpu.memory_space<vmem>>[vector<16xi32>, vector<16xi32>], vector<16xf32>,
      %gather3A_903 = tpu.vector_load_idx %arg12[%add3A_396, %broadcast_in_dim3A_270] : memref<512x64xf32, #tpu.memory_space<vmem>>[vector<16xi32>, vector<16xi32>], vector<16xf32>,
      %gather3A_904 = tpu.vector_load_idx %arg13[%add3A_396, %broadcast_in_dim3A_270] : memref<512x64xf32, #tpu.memory_space<vmem>>[vector<16xi32>, vector<16xi32>], vector<16xf32>,
      %mul3A_905 = arith.mulf %gather3A_902, %mul3A_817 : vector<16xf32>
      %add3A_906 = arith.addf %mul3A_905, %gather3A_903 : vector<16xf32>
      %mul3A_907 = arith.mulf %gather3A_904, %mul3A_855 : vector<16xf32>
      %sub3A_908 = arith.subf %add3A_906, %mul3A_907 : vector<16xf32>
      %abs3A_909 = math.absf %sub3A_908 : vector<16xf32>
      %add3A_910 = arith.addf %add3A_901, %abs3A_909 : vector<16xf32>
      %gather3A_911 = tpu.vector_load_idx %arg11[%add3A_396, %broadcast_in_dim3A_272] : memref<512x64xf32, #tpu.memory_space<vmem>>[vector<16xi32>, vector<16xi32>], vector<16xf32>,
      %gather3A_912 = tpu.vector_load_idx %arg12[%add3A_396, %broadcast_in_dim3A_272] : memref<512x64xf32, #tpu.memory_space<vmem>>[vector<16xi32>, vector<16xi32>], vector<16xf32>,
      %gather3A_913 = tpu.vector_load_idx %arg13[%add3A_396, %broadcast_in_dim3A_272] : memref<512x64xf32, #tpu.memory_space<vmem>>[vector<16xi32>, vector<16xi32>], vector<16xf32>,
      %mul3A_914 = arith.mulf %gather3A_911, %mul3A_817 : vector<16xf32>
      %add3A_915 = arith.addf %mul3A_914, %gather3A_912 : vector<16xf32>
      %mul3A_916 = arith.mulf %gather3A_913, %mul3A_855 : vector<16xf32>
      %sub3A_917 = arith.subf %add3A_915, %mul3A_916 : vector<16xf32>
      %abs3A_918 = math.absf %sub3A_917 : vector<16xf32>
      %add3A_919 = arith.addf %add3A_910, %abs3A_918 : vector<16xf32>
      %gather3A_920 = tpu.vector_load_idx %arg11[%add3A_396, %broadcast_in_dim3A_274] : memref<512x64xf32, #tpu.memory_space<vmem>>[vector<16xi32>, vector<16xi32>], vector<16xf32>,
      %gather3A_921 = tpu.vector_load_idx %arg12[%add3A_396, %broadcast_in_dim3A_274] : memref<512x64xf32, #tpu.memory_space<vmem>>[vector<16xi32>, vector<16xi32>], vector<16xf32>,
      %gather3A_922 = tpu.vector_load_idx %arg13[%add3A_396, %broadcast_in_dim3A_274] : memref<512x64xf32, #tpu.memory_space<vmem>>[vector<16xi32>, vector<16xi32>], vector<16xf32>,
      %mul3A_923 = arith.mulf %gather3A_920, %mul3A_817 : vector<16xf32>
      %add3A_924 = arith.addf %mul3A_923, %gather3A_921 : vector<16xf32>
      %mul3A_925 = arith.mulf %gather3A_922, %mul3A_855 : vector<16xf32>
      %sub3A_926 = arith.subf %add3A_924, %mul3A_925 : vector<16xf32>
      %abs3A_927 = math.absf %sub3A_926 : vector<16xf32>
      %add3A_928 = arith.addf %add3A_919, %abs3A_927 : vector<16xf32>
      %gather3A_929 = tpu.vector_load_idx %arg11[%add3A_396, %broadcast_in_dim3A_276] : memref<512x64xf32, #tpu.memory_space<vmem>>[vector<16xi32>, vector<16xi32>], vector<16xf32>,
      %gather3A_930 = tpu.vector_load_idx %arg12[%add3A_396, %broadcast_in_dim3A_276] : memref<512x64xf32, #tpu.memory_space<vmem>>[vector<16xi32>, vector<16xi32>], vector<16xf32>,
      %gather3A_931 = tpu.vector_load_idx %arg13[%add3A_396, %broadcast_in_dim3A_276] : memref<512x64xf32, #tpu.memory_space<vmem>>[vector<16xi32>, vector<16xi32>], vector<16xf32>,
      %mul3A_932 = arith.mulf %gather3A_929, %mul3A_817 : vector<16xf32>
      %add3A_933 = arith.addf %mul3A_932, %gather3A_930 : vector<16xf32>
      %mul3A_934 = arith.mulf %gather3A_931, %mul3A_855 : vector<16xf32>
      %sub3A_935 = arith.subf %add3A_933, %mul3A_934 : vector<16xf32>
      %abs3A_936 = math.absf %sub3A_935 : vector<16xf32>
      %add3A_937 = arith.addf %add3A_928, %abs3A_936 : vector<16xf32>
      %gather3A_938 = tpu.vector_load_idx %arg11[%add3A_396, %broadcast_in_dim3A_278] : memref<512x64xf32, #tpu.memory_space<vmem>>[vector<16xi32>, vector<16xi32>], vector<16xf32>,
      %gather3A_939 = tpu.vector_load_idx %arg12[%add3A_396, %broadcast_in_dim3A_278] : memref<512x64xf32, #tpu.memory_space<vmem>>[vector<16xi32>, vector<16xi32>], vector<16xf32>,
      %gather3A_940 = tpu.vector_load_idx %arg13[%add3A_396, %broadcast_in_dim3A_278] : memref<512x64xf32, #tpu.memory_space<vmem>>[vector<16xi32>, vector<16xi32>], vector<16xf32>,
      %mul3A_941 = arith.mulf %gather3A_938, %mul3A_817 : vector<16xf32>
      %add3A_942 = arith.addf %mul3A_941, %gather3A_939 : vector<16xf32>
      %mul3A_943 = arith.mulf %gather3A_940, %mul3A_855 : vector<16xf32>
      %sub3A_944 = arith.subf %add3A_942, %mul3A_943 : vector<16xf32>
      %abs3A_945 = math.absf %sub3A_944 : vector<16xf32>
      %add3A_946 = arith.addf %add3A_937, %abs3A_945 : vector<16xf32>
      %gather3A_947 = tpu.vector_load_idx %arg11[%add3A_396, %broadcast_in_dim3A_280] : memref<512x64xf32, #tpu.memory_space<vmem>>[vector<16xi32>, vector<16xi32>], vector<16xf32>,
      %gather3A_948 = tpu.vector_load_idx %arg12[%add3A_396, %broadcast_in_dim3A_280] : memref<512x64xf32, #tpu.memory_space<vmem>>[vector<16xi32>, vector<16xi32>], vector<16xf32>,
      %gather3A_949 = tpu.vector_load_idx %arg13[%add3A_396, %broadcast_in_dim3A_280] : memref<512x64xf32, #tpu.memory_space<vmem>>[vector<16xi32>, vector<16xi32>], vector<16xf32>,
      %mul3A_950 = arith.mulf %gather3A_947, %mul3A_817 : vector<16xf32>
      %add3A_951 = arith.addf %mul3A_950, %gather3A_948 : vector<16xf32>
      %mul3A_952 = arith.mulf %gather3A_949, %mul3A_855 : vector<16xf32>
      %sub3A_953 = arith.subf %add3A_951, %mul3A_952 : vector<16xf32>
      %abs3A_954 = math.absf %sub3A_953 : vector<16xf32>
      %add3A_955 = arith.addf %add3A_946, %abs3A_954 : vector<16xf32>
      %gather3A_956 = tpu.vector_load_idx %arg11[%add3A_396, %broadcast_in_dim3A_282] : memref<512x64xf32, #tpu.memory_space<vmem>>[vector<16xi32>, vector<16xi32>], vector<16xf32>,
      %gather3A_957 = tpu.vector_load_idx %arg12[%add3A_396, %broadcast_in_dim3A_282] : memref<512x64xf32, #tpu.memory_space<vmem>>[vector<16xi32>, vector<16xi32>], vector<16xf32>,
      %gather3A_958 = tpu.vector_load_idx %arg13[%add3A_396, %broadcast_in_dim3A_282] : memref<512x64xf32, #tpu.memory_space<vmem>>[vector<16xi32>, vector<16xi32>], vector<16xf32>,
      %mul3A_959 = arith.mulf %gather3A_956, %mul3A_817 : vector<16xf32>
      %add3A_960 = arith.addf %mul3A_959, %gather3A_957 : vector<16xf32>
      %mul3A_961 = arith.mulf %gather3A_958, %mul3A_855 : vector<16xf32>
      %sub3A_962 = arith.subf %add3A_960, %mul3A_961 : vector<16xf32>
      %abs3A_963 = math.absf %sub3A_962 : vector<16xf32>
      %add3A_964 = arith.addf %add3A_955, %abs3A_963 : vector<16xf32>
      %gather3A_965 = tpu.vector_load_idx %arg11[%add3A_396, %broadcast_in_dim3A_284] : memref<512x64xf32, #tpu.memory_space<vmem>>[vector<16xi32>, vector<16xi32>], vector<16xf32>,
      %gather3A_966 = tpu.vector_load_idx %arg12[%add3A_396, %broadcast_in_dim3A_284] : memref<512x64xf32, #tpu.memory_space<vmem>>[vector<16xi32>, vector<16xi32>], vector<16xf32>,
      %gather3A_967 = tpu.vector_load_idx %arg13[%add3A_396, %broadcast_in_dim3A_284] : memref<512x64xf32, #tpu.memory_space<vmem>>[vector<16xi32>, vector<16xi32>], vector<16xf32>,
      %mul3A_968 = arith.mulf %gather3A_965, %mul3A_817 : vector<16xf32>
      %add3A_969 = arith.addf %mul3A_968, %gather3A_966 : vector<16xf32>
      %mul3A_970 = arith.mulf %gather3A_967, %mul3A_855 : vector<16xf32>
      %sub3A_971 = arith.subf %add3A_969, %mul3A_970 : vector<16xf32>
      %abs3A_972 = math.absf %sub3A_971 : vector<16xf32>
      %add3A_973 = arith.addf %add3A_964, %abs3A_972 : vector<16xf32>
      %gather3A_974 = tpu.vector_load_idx %arg11[%add3A_396, %broadcast_in_dim3A_286] : memref<512x64xf32, #tpu.memory_space<vmem>>[vector<16xi32>, vector<16xi32>], vector<16xf32>,
      %gather3A_975 = tpu.vector_load_idx %arg12[%add3A_396, %broadcast_in_dim3A_286] : memref<512x64xf32, #tpu.memory_space<vmem>>[vector<16xi32>, vector<16xi32>], vector<16xf32>,
      %gather3A_976 = tpu.vector_load_idx %arg13[%add3A_396, %broadcast_in_dim3A_286] : memref<512x64xf32, #tpu.memory_space<vmem>>[vector<16xi32>, vector<16xi32>], vector<16xf32>,
      %mul3A_977 = arith.mulf %gather3A_974, %mul3A_817 : vector<16xf32>
      %add3A_978 = arith.addf %mul3A_977, %gather3A_975 : vector<16xf32>
      %mul3A_979 = arith.mulf %gather3A_976, %mul3A_855 : vector<16xf32>
      %sub3A_980 = arith.subf %add3A_978, %mul3A_979 : vector<16xf32>
      %abs3A_981 = math.absf %sub3A_980 : vector<16xf32>
      %add3A_982 = arith.addf %add3A_973, %abs3A_981 : vector<16xf32>
      %gather3A_983 = tpu.vector_load_idx %arg11[%add3A_396, %broadcast_in_dim3A_288] : memref<512x64xf32, #tpu.memory_space<vmem>>[vector<16xi32>, vector<16xi32>], vector<16xf32>,
      %gather3A_984 = tpu.vector_load_idx %arg12[%add3A_396, %broadcast_in_dim3A_288] : memref<512x64xf32, #tpu.memory_space<vmem>>[vector<16xi32>, vector<16xi32>], vector<16xf32>,
      %gather3A_985 = tpu.vector_load_idx %arg13[%add3A_396, %broadcast_in_dim3A_288] : memref<512x64xf32, #tpu.memory_space<vmem>>[vector<16xi32>, vector<16xi32>], vector<16xf32>,
      %mul3A_986 = arith.mulf %gather3A_983, %mul3A_817 : vector<16xf32>
      %add3A_987 = arith.addf %mul3A_986, %gather3A_984 : vector<16xf32>
      %mul3A_988 = arith.mulf %gather3A_985, %mul3A_855 : vector<16xf32>
      %sub3A_989 = arith.subf %add3A_987, %mul3A_988 : vector<16xf32>
      %abs3A_990 = math.absf %sub3A_989 : vector<16xf32>
      %add3A_991 = arith.addf %add3A_982, %abs3A_990 : vector<16xf32>
      %gather3A_992 = tpu.vector_load_idx %arg11[%add3A_396, %broadcast_in_dim3A_290] : memref<512x64xf32, #tpu.memory_space<vmem>>[vector<16xi32>, vector<16xi32>], vector<16xf32>,
      %gather3A_993 = tpu.vector_load_idx %arg12[%add3A_396, %broadcast_in_dim3A_290] : memref<512x64xf32, #tpu.memory_space<vmem>>[vector<16xi32>, vector<16xi32>], vector<16xf32>,
      %gather3A_994 = tpu.vector_load_idx %arg13[%add3A_396, %broadcast_in_dim3A_290] : memref<512x64xf32, #tpu.memory_space<vmem>>[vector<16xi32>, vector<16xi32>], vector<16xf32>,
      %mul3A_995 = arith.mulf %gather3A_992, %mul3A_817 : vector<16xf32>
      %add3A_996 = arith.addf %mul3A_995, %gather3A_993 : vector<16xf32>
      %mul3A_997 = arith.mulf %gather3A_994, %mul3A_855 : vector<16xf32>
      %sub3A_998 = arith.subf %add3A_996, %mul3A_997 : vector<16xf32>
      %abs3A_999 = math.absf %sub3A_998 : vector<16xf32>
      %add3A_1000 = arith.addf %add3A_991, %abs3A_999 : vector<16xf32>
      %gather3A_1001 = tpu.vector_load_idx %arg11[%add3A_396, %broadcast_in_dim3A_292] : memref<512x64xf32, #tpu.memory_space<vmem>>[vector<16xi32>, vector<16xi32>], vector<16xf32>,
      %gather3A_1002 = tpu.vector_load_idx %arg12[%add3A_396, %broadcast_in_dim3A_292] : memref<512x64xf32, #tpu.memory_space<vmem>>[vector<16xi32>, vector<16xi32>], vector<16xf32>,
      %gather3A_1003 = tpu.vector_load_idx %arg13[%add3A_396, %broadcast_in_dim3A_292] : memref<512x64xf32, #tpu.memory_space<vmem>>[vector<16xi32>, vector<16xi32>], vector<16xf32>,
      %mul3A_1004 = arith.mulf %gather3A_1001, %mul3A_817 : vector<16xf32>
      %add3A_1005 = arith.addf %mul3A_1004, %gather3A_1002 : vector<16xf32>
      %mul3A_1006 = arith.mulf %gather3A_1003, %mul3A_855 : vector<16xf32>
      %sub3A_1007 = arith.subf %add3A_1005, %mul3A_1006 : vector<16xf32>
      %abs3A_1008 = math.absf %sub3A_1007 : vector<16xf32>
      %add3A_1009 = arith.addf %add3A_1000, %abs3A_1008 : vector<16xf32>
      %gather3A_1010 = tpu.vector_load_idx %arg11[%add3A_396, %broadcast_in_dim3A_294] : memref<512x64xf32, #tpu.memory_space<vmem>>[vector<16xi32>, vector<16xi32>], vector<16xf32>,
      %gather3A_1011 = tpu.vector_load_idx %arg12[%add3A_396, %broadcast_in_dim3A_294] : memref<512x64xf32, #tpu.memory_space<vmem>>[vector<16xi32>, vector<16xi32>], vector<16xf32>,
      %gather3A_1012 = tpu.vector_load_idx %arg13[%add3A_396, %broadcast_in_dim3A_294] : memref<512x64xf32, #tpu.memory_space<vmem>>[vector<16xi32>, vector<16xi32>], vector<16xf32>,
      %mul3A_1013 = arith.mulf %gather3A_1010, %mul3A_817 : vector<16xf32>
      %add3A_1014 = arith.addf %mul3A_1013, %gather3A_1011 : vector<16xf32>
      %mul3A_1015 = arith.mulf %gather3A_1012, %mul3A_855 : vector<16xf32>
      %sub3A_1016 = arith.subf %add3A_1014, %mul3A_1015 : vector<16xf32>
      %abs3A_1017 = math.absf %sub3A_1016 : vector<16xf32>
      %add3A_1018 = arith.addf %add3A_1009, %abs3A_1017 : vector<16xf32>
      %gather3A_1019 = tpu.vector_load_idx %arg11[%add3A_396, %broadcast_in_dim3A_296] : memref<512x64xf32, #tpu.memory_space<vmem>>[vector<16xi32>, vector<16xi32>], vector<16xf32>,
      %gather3A_1020 = tpu.vector_load_idx %arg12[%add3A_396, %broadcast_in_dim3A_296] : memref<512x64xf32, #tpu.memory_space<vmem>>[vector<16xi32>, vector<16xi32>], vector<16xf32>,
      %gather3A_1021 = tpu.vector_load_idx %arg13[%add3A_396, %broadcast_in_dim3A_296] : memref<512x64xf32, #tpu.memory_space<vmem>>[vector<16xi32>, vector<16xi32>], vector<16xf32>,
      %mul3A_1022 = arith.mulf %gather3A_1019, %mul3A_817 : vector<16xf32>
      %add3A_1023 = arith.addf %mul3A_1022, %gather3A_1020 : vector<16xf32>
      %mul3A_1024 = arith.mulf %gather3A_1021, %mul3A_855 : vector<16xf32>
      %sub3A_1025 = arith.subf %add3A_1023, %mul3A_1024 : vector<16xf32>
      %abs3A_1026 = math.absf %sub3A_1025 : vector<16xf32>
      %add3A_1027 = arith.addf %add3A_1018, %abs3A_1026 : vector<16xf32>
      %gather3A_1028 = tpu.vector_load_idx %arg11[%add3A_396, %broadcast_in_dim3A_298] : memref<512x64xf32, #tpu.memory_space<vmem>>[vector<16xi32>, vector<16xi32>], vector<16xf32>,
      %gather3A_1029 = tpu.vector_load_idx %arg12[%add3A_396, %broadcast_in_dim3A_298] : memref<512x64xf32, #tpu.memory_space<vmem>>[vector<16xi32>, vector<16xi32>], vector<16xf32>,
      %gather3A_1030 = tpu.vector_load_idx %arg13[%add3A_396, %broadcast_in_dim3A_298] : memref<512x64xf32, #tpu.memory_space<vmem>>[vector<16xi32>, vector<16xi32>], vector<16xf32>,
      %mul3A_1031 = arith.mulf %gather3A_1028, %mul3A_817 : vector<16xf32>
      %add3A_1032 = arith.addf %mul3A_1031, %gather3A_1029 : vector<16xf32>
      %mul3A_1033 = arith.mulf %gather3A_1030, %mul3A_855 : vector<16xf32>
      %sub3A_1034 = arith.subf %add3A_1032, %mul3A_1033 : vector<16xf32>
      %abs3A_1035 = math.absf %sub3A_1034 : vector<16xf32>
      %add3A_1036 = arith.addf %add3A_1027, %abs3A_1035 : vector<16xf32>
      %gather3A_1037 = tpu.vector_load_idx %arg11[%add3A_396, %broadcast_in_dim3A_300] : memref<512x64xf32, #tpu.memory_space<vmem>>[vector<16xi32>, vector<16xi32>], vector<16xf32>,
      %gather3A_1038 = tpu.vector_load_idx %arg12[%add3A_396, %broadcast_in_dim3A_300] : memref<512x64xf32, #tpu.memory_space<vmem>>[vector<16xi32>, vector<16xi32>], vector<16xf32>,
      %gather3A_1039 = tpu.vector_load_idx %arg13[%add3A_396, %broadcast_in_dim3A_300] : memref<512x64xf32, #tpu.memory_space<vmem>>[vector<16xi32>, vector<16xi32>], vector<16xf32>,
      %mul3A_1040 = arith.mulf %gather3A_1037, %mul3A_817 : vector<16xf32>
      %add3A_1041 = arith.addf %mul3A_1040, %gather3A_1038 : vector<16xf32>
      %mul3A_1042 = arith.mulf %gather3A_1039, %mul3A_855 : vector<16xf32>
      %sub3A_1043 = arith.subf %add3A_1041, %mul3A_1042 : vector<16xf32>
      %abs3A_1044 = math.absf %sub3A_1043 : vector<16xf32>
      %add3A_1045 = arith.addf %add3A_1036, %abs3A_1044 : vector<16xf32>
      %gather3A_1046 = tpu.vector_load_idx %arg11[%add3A_396, %broadcast_in_dim3A_302] : memref<512x64xf32, #tpu.memory_space<vmem>>[vector<16xi32>, vector<16xi32>], vector<16xf32>,
      %gather3A_1047 = tpu.vector_load_idx %arg12[%add3A_396, %broadcast_in_dim3A_302] : memref<512x64xf32, #tpu.memory_space<vmem>>[vector<16xi32>, vector<16xi32>], vector<16xf32>,
      %gather3A_1048 = tpu.vector_load_idx %arg13[%add3A_396, %broadcast_in_dim3A_302] : memref<512x64xf32, #tpu.memory_space<vmem>>[vector<16xi32>, vector<16xi32>], vector<16xf32>,
      %mul3A_1049 = arith.mulf %gather3A_1046, %mul3A_817 : vector<16xf32>
      %add3A_1050 = arith.addf %mul3A_1049, %gather3A_1047 : vector<16xf32>
      %mul3A_1051 = arith.mulf %gather3A_1048, %mul3A_855 : vector<16xf32>
      %sub3A_1052 = arith.subf %add3A_1050, %mul3A_1051 : vector<16xf32>
      %abs3A_1053 = math.absf %sub3A_1052 : vector<16xf32>
      %add3A_1054 = arith.addf %add3A_1045, %abs3A_1053 : vector<16xf32>
      %gather3A_1055 = tpu.vector_load_idx %arg11[%add3A_396, %broadcast_in_dim3A_304] : memref<512x64xf32, #tpu.memory_space<vmem>>[vector<16xi32>, vector<16xi32>], vector<16xf32>,
      %gather3A_1056 = tpu.vector_load_idx %arg12[%add3A_396, %broadcast_in_dim3A_304] : memref<512x64xf32, #tpu.memory_space<vmem>>[vector<16xi32>, vector<16xi32>], vector<16xf32>,
      %gather3A_1057 = tpu.vector_load_idx %arg13[%add3A_396, %broadcast_in_dim3A_304] : memref<512x64xf32, #tpu.memory_space<vmem>>[vector<16xi32>, vector<16xi32>], vector<16xf32>,
      %mul3A_1058 = arith.mulf %gather3A_1055, %mul3A_817 : vector<16xf32>
      %add3A_1059 = arith.addf %mul3A_1058, %gather3A_1056 : vector<16xf32>
      %mul3A_1060 = arith.mulf %gather3A_1057, %mul3A_855 : vector<16xf32>
      %sub3A_1061 = arith.subf %add3A_1059, %mul3A_1060 : vector<16xf32>
      %abs3A_1062 = math.absf %sub3A_1061 : vector<16xf32>
      %add3A_1063 = arith.addf %add3A_1054, %abs3A_1062 : vector<16xf32>
      %gather3A_1064 = tpu.vector_load_idx %arg11[%add3A_396, %broadcast_in_dim3A_306] : memref<512x64xf32, #tpu.memory_space<vmem>>[vector<16xi32>, vector<16xi32>], vector<16xf32>,
      %gather3A_1065 = tpu.vector_load_idx %arg12[%add3A_396, %broadcast_in_dim3A_306] : memref<512x64xf32, #tpu.memory_space<vmem>>[vector<16xi32>, vector<16xi32>], vector<16xf32>,
      %gather3A_1066 = tpu.vector_load_idx %arg13[%add3A_396, %broadcast_in_dim3A_306] : memref<512x64xf32, #tpu.memory_space<vmem>>[vector<16xi32>, vector<16xi32>], vector<16xf32>,
      %mul3A_1067 = arith.mulf %gather3A_1064, %mul3A_817 : vector<16xf32>
      %add3A_1068 = arith.addf %mul3A_1067, %gather3A_1065 : vector<16xf32>
      %mul3A_1069 = arith.mulf %gather3A_1066, %mul3A_855 : vector<16xf32>
      %sub3A_1070 = arith.subf %add3A_1068, %mul3A_1069 : vector<16xf32>
      %abs3A_1071 = math.absf %sub3A_1070 : vector<16xf32>
      %add3A_1072 = arith.addf %add3A_1063, %abs3A_1071 : vector<16xf32>
      %gather3A_1073 = tpu.vector_load_idx %arg11[%add3A_396, %broadcast_in_dim3A_308] : memref<512x64xf32, #tpu.memory_space<vmem>>[vector<16xi32>, vector<16xi32>], vector<16xf32>,
      %gather3A_1074 = tpu.vector_load_idx %arg12[%add3A_396, %broadcast_in_dim3A_308] : memref<512x64xf32, #tpu.memory_space<vmem>>[vector<16xi32>, vector<16xi32>], vector<16xf32>,
      %gather3A_1075 = tpu.vector_load_idx %arg13[%add3A_396, %broadcast_in_dim3A_308] : memref<512x64xf32, #tpu.memory_space<vmem>>[vector<16xi32>, vector<16xi32>], vector<16xf32>,
      %mul3A_1076 = arith.mulf %gather3A_1073, %mul3A_817 : vector<16xf32>
      %add3A_1077 = arith.addf %mul3A_1076, %gather3A_1074 : vector<16xf32>
      %mul3A_1078 = arith.mulf %gather3A_1075, %mul3A_855 : vector<16xf32>
      %sub3A_1079 = arith.subf %add3A_1077, %mul3A_1078 : vector<16xf32>
      %abs3A_1080 = math.absf %sub3A_1079 : vector<16xf32>
      %add3A_1081 = arith.addf %add3A_1072, %abs3A_1080 : vector<16xf32>
      %gather3A_1082 = tpu.vector_load_idx %arg11[%add3A_396, %broadcast_in_dim3A_310] : memref<512x64xf32, #tpu.memory_space<vmem>>[vector<16xi32>, vector<16xi32>], vector<16xf32>,
      %gather3A_1083 = tpu.vector_load_idx %arg12[%add3A_396, %broadcast_in_dim3A_310] : memref<512x64xf32, #tpu.memory_space<vmem>>[vector<16xi32>, vector<16xi32>], vector<16xf32>,
      %gather3A_1084 = tpu.vector_load_idx %arg13[%add3A_396, %broadcast_in_dim3A_310] : memref<512x64xf32, #tpu.memory_space<vmem>>[vector<16xi32>, vector<16xi32>], vector<16xf32>,
      %mul3A_1085 = arith.mulf %gather3A_1082, %mul3A_817 : vector<16xf32>
      %add3A_1086 = arith.addf %mul3A_1085, %gather3A_1083 : vector<16xf32>
      %mul3A_1087 = arith.mulf %gather3A_1084, %mul3A_855 : vector<16xf32>
      %sub3A_1088 = arith.subf %add3A_1086, %mul3A_1087 : vector<16xf32>
      %abs3A_1089 = math.absf %sub3A_1088 : vector<16xf32>
      %add3A_1090 = arith.addf %add3A_1081, %abs3A_1089 : vector<16xf32>
      %gather3A_1091 = tpu.vector_load_idx %arg11[%add3A_396, %broadcast_in_dim3A_312] : memref<512x64xf32, #tpu.memory_space<vmem>>[vector<16xi32>, vector<16xi32>], vector<16xf32>,
      %gather3A_1092 = tpu.vector_load_idx %arg12[%add3A_396, %broadcast_in_dim3A_312] : memref<512x64xf32, #tpu.memory_space<vmem>>[vector<16xi32>, vector<16xi32>], vector<16xf32>,
      %gather3A_1093 = tpu.vector_load_idx %arg13[%add3A_396, %broadcast_in_dim3A_312] : memref<512x64xf32, #tpu.memory_space<vmem>>[vector<16xi32>, vector<16xi32>], vector<16xf32>,
      %mul3A_1094 = arith.mulf %gather3A_1091, %mul3A_817 : vector<16xf32>
      %add3A_1095 = arith.addf %mul3A_1094, %gather3A_1092 : vector<16xf32>
      %mul3A_1096 = arith.mulf %gather3A_1093, %mul3A_855 : vector<16xf32>
      %sub3A_1097 = arith.subf %add3A_1095, %mul3A_1096 : vector<16xf32>
      %abs3A_1098 = math.absf %sub3A_1097 : vector<16xf32>
      %add3A_1099 = arith.addf %add3A_1090, %abs3A_1098 : vector<16xf32>
      %gather3A_1100 = tpu.vector_load_idx %arg11[%add3A_396, %broadcast_in_dim3A_314] : memref<512x64xf32, #tpu.memory_space<vmem>>[vector<16xi32>, vector<16xi32>], vector<16xf32>,
      %gather3A_1101 = tpu.vector_load_idx %arg12[%add3A_396, %broadcast_in_dim3A_314] : memref<512x64xf32, #tpu.memory_space<vmem>>[vector<16xi32>, vector<16xi32>], vector<16xf32>,
      %gather3A_1102 = tpu.vector_load_idx %arg13[%add3A_396, %broadcast_in_dim3A_314] : memref<512x64xf32, #tpu.memory_space<vmem>>[vector<16xi32>, vector<16xi32>], vector<16xf32>,
      %mul3A_1103 = arith.mulf %gather3A_1100, %mul3A_817 : vector<16xf32>
      %add3A_1104 = arith.addf %mul3A_1103, %gather3A_1101 : vector<16xf32>
      %mul3A_1105 = arith.mulf %gather3A_1102, %mul3A_855 : vector<16xf32>
      %sub3A_1106 = arith.subf %add3A_1104, %mul3A_1105 : vector<16xf32>
      %abs3A_1107 = math.absf %sub3A_1106 : vector<16xf32>
      %add3A_1108 = arith.addf %add3A_1099, %abs3A_1107 : vector<16xf32>
      %gather3A_1109 = tpu.vector_load_idx %arg11[%add3A_396, %broadcast_in_dim3A_316] : memref<512x64xf32, #tpu.memory_space<vmem>>[vector<16xi32>, vector<16xi32>], vector<16xf32>,
      %gather3A_1110 = tpu.vector_load_idx %arg12[%add3A_396, %broadcast_in_dim3A_316] : memref<512x64xf32, #tpu.memory_space<vmem>>[vector<16xi32>, vector<16xi32>], vector<16xf32>,
      %gather3A_1111 = tpu.vector_load_idx %arg13[%add3A_396, %broadcast_in_dim3A_316] : memref<512x64xf32, #tpu.memory_space<vmem>>[vector<16xi32>, vector<16xi32>], vector<16xf32>,
      %mul3A_1112 = arith.mulf %gather3A_1109, %mul3A_817 : vector<16xf32>
      %add3A_1113 = arith.addf %mul3A_1112, %gather3A_1110 : vector<16xf32>
      %mul3A_1114 = arith.mulf %gather3A_1111, %mul3A_855 : vector<16xf32>
      %sub3A_1115 = arith.subf %add3A_1113, %mul3A_1114 : vector<16xf32>
      %abs3A_1116 = math.absf %sub3A_1115 : vector<16xf32>
      %add3A_1117 = arith.addf %add3A_1108, %abs3A_1116 : vector<16xf32>
      %gather3A_1118 = tpu.vector_load_idx %arg11[%add3A_396, %broadcast_in_dim3A_318] : memref<512x64xf32, #tpu.memory_space<vmem>>[vector<16xi32>, vector<16xi32>], vector<16xf32>,
      %gather3A_1119 = tpu.vector_load_idx %arg12[%add3A_396, %broadcast_in_dim3A_318] : memref<512x64xf32, #tpu.memory_space<vmem>>[vector<16xi32>, vector<16xi32>], vector<16xf32>,
      %gather3A_1120 = tpu.vector_load_idx %arg13[%add3A_396, %broadcast_in_dim3A_318] : memref<512x64xf32, #tpu.memory_space<vmem>>[vector<16xi32>, vector<16xi32>], vector<16xf32>,
      %mul3A_1121 = arith.mulf %gather3A_1118, %mul3A_817 : vector<16xf32>
      %add3A_1122 = arith.addf %mul3A_1121, %gather3A_1119 : vector<16xf32>
      %mul3A_1123 = arith.mulf %gather3A_1120, %mul3A_855 : vector<16xf32>
      %sub3A_1124 = arith.subf %add3A_1122, %mul3A_1123 : vector<16xf32>
      %abs3A_1125 = math.absf %sub3A_1124 : vector<16xf32>
      %add3A_1126 = arith.addf %add3A_1117, %abs3A_1125 : vector<16xf32>
      %gather3A_1127 = tpu.vector_load_idx %arg11[%add3A_396, %broadcast_in_dim3A_320] : memref<512x64xf32, #tpu.memory_space<vmem>>[vector<16xi32>, vector<16xi32>], vector<16xf32>,
      %gather3A_1128 = tpu.vector_load_idx %arg12[%add3A_396, %broadcast_in_dim3A_320] : memref<512x64xf32, #tpu.memory_space<vmem>>[vector<16xi32>, vector<16xi32>], vector<16xf32>,
      %gather3A_1129 = tpu.vector_load_idx %arg13[%add3A_396, %broadcast_in_dim3A_320] : memref<512x64xf32, #tpu.memory_space<vmem>>[vector<16xi32>, vector<16xi32>], vector<16xf32>,
      %mul3A_1130 = arith.mulf %gather3A_1127, %mul3A_817 : vector<16xf32>
      %add3A_1131 = arith.addf %mul3A_1130, %gather3A_1128 : vector<16xf32>
      %mul3A_1132 = arith.mulf %gather3A_1129, %mul3A_855 : vector<16xf32>
      %sub3A_1133 = arith.subf %add3A_1131, %mul3A_1132 : vector<16xf32>
      %abs3A_1134 = math.absf %sub3A_1133 : vector<16xf32>
      %add3A_1135 = arith.addf %add3A_1126, %abs3A_1134 : vector<16xf32>
      %gather3A_1136 = tpu.vector_load_idx %arg11[%add3A_396, %broadcast_in_dim3A_322] : memref<512x64xf32, #tpu.memory_space<vmem>>[vector<16xi32>, vector<16xi32>], vector<16xf32>,
      %gather3A_1137 = tpu.vector_load_idx %arg12[%add3A_396, %broadcast_in_dim3A_322] : memref<512x64xf32, #tpu.memory_space<vmem>>[vector<16xi32>, vector<16xi32>], vector<16xf32>,
      %gather3A_1138 = tpu.vector_load_idx %arg13[%add3A_396, %broadcast_in_dim3A_322] : memref<512x64xf32, #tpu.memory_space<vmem>>[vector<16xi32>, vector<16xi32>], vector<16xf32>,
      %mul3A_1139 = arith.mulf %gather3A_1136, %mul3A_817 : vector<16xf32>
      %add3A_1140 = arith.addf %mul3A_1139, %gather3A_1137 : vector<16xf32>
      %mul3A_1141 = arith.mulf %gather3A_1138, %mul3A_855 : vector<16xf32>
      %sub3A_1142 = arith.subf %add3A_1140, %mul3A_1141 : vector<16xf32>
      %abs3A_1143 = math.absf %sub3A_1142 : vector<16xf32>
      %add3A_1144 = arith.addf %add3A_1135, %abs3A_1143 : vector<16xf32>
      %gather3A_1145 = tpu.vector_load_idx %arg11[%add3A_396, %broadcast_in_dim3A_324] : memref<512x64xf32, #tpu.memory_space<vmem>>[vector<16xi32>, vector<16xi32>], vector<16xf32>,
      %gather3A_1146 = tpu.vector_load_idx %arg12[%add3A_396, %broadcast_in_dim3A_324] : memref<512x64xf32, #tpu.memory_space<vmem>>[vector<16xi32>, vector<16xi32>], vector<16xf32>,
      %gather3A_1147 = tpu.vector_load_idx %arg13[%add3A_396, %broadcast_in_dim3A_324] : memref<512x64xf32, #tpu.memory_space<vmem>>[vector<16xi32>, vector<16xi32>], vector<16xf32>,
      %mul3A_1148 = arith.mulf %gather3A_1145, %mul3A_817 : vector<16xf32>
      %add3A_1149 = arith.addf %mul3A_1148, %gather3A_1146 : vector<16xf32>
      %mul3A_1150 = arith.mulf %gather3A_1147, %mul3A_855 : vector<16xf32>
      %sub3A_1151 = arith.subf %add3A_1149, %mul3A_1150 : vector<16xf32>
      %abs3A_1152 = math.absf %sub3A_1151 : vector<16xf32>
      %add3A_1153 = arith.addf %add3A_1144, %abs3A_1152 : vector<16xf32>
      %gather3A_1154 = tpu.vector_load_idx %arg11[%add3A_396, %broadcast_in_dim3A_326] : memref<512x64xf32, #tpu.memory_space<vmem>>[vector<16xi32>, vector<16xi32>], vector<16xf32>,
      %gather3A_1155 = tpu.vector_load_idx %arg12[%add3A_396, %broadcast_in_dim3A_326] : memref<512x64xf32, #tpu.memory_space<vmem>>[vector<16xi32>, vector<16xi32>], vector<16xf32>,
      %gather3A_1156 = tpu.vector_load_idx %arg13[%add3A_396, %broadcast_in_dim3A_326] : memref<512x64xf32, #tpu.memory_space<vmem>>[vector<16xi32>, vector<16xi32>], vector<16xf32>,
      %mul3A_1157 = arith.mulf %gather3A_1154, %mul3A_817 : vector<16xf32>
      %add3A_1158 = arith.addf %mul3A_1157, %gather3A_1155 : vector<16xf32>
      %mul3A_1159 = arith.mulf %gather3A_1156, %mul3A_855 : vector<16xf32>
      %sub3A_1160 = arith.subf %add3A_1158, %mul3A_1159 : vector<16xf32>
      %abs3A_1161 = math.absf %sub3A_1160 : vector<16xf32>
      %add3A_1162 = arith.addf %add3A_1153, %abs3A_1161 : vector<16xf32>
      %gather3A_1163 = tpu.vector_load_idx %arg11[%add3A_396, %broadcast_in_dim3A_328] : memref<512x64xf32, #tpu.memory_space<vmem>>[vector<16xi32>, vector<16xi32>], vector<16xf32>,
      %gather3A_1164 = tpu.vector_load_idx %arg12[%add3A_396, %broadcast_in_dim3A_328] : memref<512x64xf32, #tpu.memory_space<vmem>>[vector<16xi32>, vector<16xi32>], vector<16xf32>,
      %gather3A_1165 = tpu.vector_load_idx %arg13[%add3A_396, %broadcast_in_dim3A_328] : memref<512x64xf32, #tpu.memory_space<vmem>>[vector<16xi32>, vector<16xi32>], vector<16xf32>,
      %mul3A_1166 = arith.mulf %gather3A_1163, %mul3A_817 : vector<16xf32>
      %add3A_1167 = arith.addf %mul3A_1166, %gather3A_1164 : vector<16xf32>
      %mul3A_1168 = arith.mulf %gather3A_1165, %mul3A_855 : vector<16xf32>
      %sub3A_1169 = arith.subf %add3A_1167, %mul3A_1168 : vector<16xf32>
      %abs3A_1170 = math.absf %sub3A_1169 : vector<16xf32>
      %add3A_1171 = arith.addf %add3A_1162, %abs3A_1170 : vector<16xf32>
      %gather3A_1172 = tpu.vector_load_idx %arg11[%add3A_396, %broadcast_in_dim3A_330] : memref<512x64xf32, #tpu.memory_space<vmem>>[vector<16xi32>, vector<16xi32>], vector<16xf32>,
      %gather3A_1173 = tpu.vector_load_idx %arg12[%add3A_396, %broadcast_in_dim3A_330] : memref<512x64xf32, #tpu.memory_space<vmem>>[vector<16xi32>, vector<16xi32>], vector<16xf32>,
      %gather3A_1174 = tpu.vector_load_idx %arg13[%add3A_396, %broadcast_in_dim3A_330] : memref<512x64xf32, #tpu.memory_space<vmem>>[vector<16xi32>, vector<16xi32>], vector<16xf32>,
      %mul3A_1175 = arith.mulf %gather3A_1172, %mul3A_817 : vector<16xf32>
      %add3A_1176 = arith.addf %mul3A_1175, %gather3A_1173 : vector<16xf32>
      %mul3A_1177 = arith.mulf %gather3A_1174, %mul3A_855 : vector<16xf32>
      %sub3A_1178 = arith.subf %add3A_1176, %mul3A_1177 : vector<16xf32>
      %abs3A_1179 = math.absf %sub3A_1178 : vector<16xf32>
      %add3A_1180 = arith.addf %add3A_1171, %abs3A_1179 : vector<16xf32>
      %gather3A_1181 = tpu.vector_load_idx %arg11[%add3A_396, %broadcast_in_dim3A_332] : memref<512x64xf32, #tpu.memory_space<vmem>>[vector<16xi32>, vector<16xi32>], vector<16xf32>,
      %gather3A_1182 = tpu.vector_load_idx %arg12[%add3A_396, %broadcast_in_dim3A_332] : memref<512x64xf32, #tpu.memory_space<vmem>>[vector<16xi32>, vector<16xi32>], vector<16xf32>,
      %gather3A_1183 = tpu.vector_load_idx %arg13[%add3A_396, %broadcast_in_dim3A_332] : memref<512x64xf32, #tpu.memory_space<vmem>>[vector<16xi32>, vector<16xi32>], vector<16xf32>,
      %mul3A_1184 = arith.mulf %gather3A_1181, %mul3A_817 : vector<16xf32>
      %add3A_1185 = arith.addf %mul3A_1184, %gather3A_1182 : vector<16xf32>
      %mul3A_1186 = arith.mulf %gather3A_1183, %mul3A_855 : vector<16xf32>
      %sub3A_1187 = arith.subf %add3A_1185, %mul3A_1186 : vector<16xf32>
      %abs3A_1188 = math.absf %sub3A_1187 : vector<16xf32>
      %add3A_1189 = arith.addf %add3A_1180, %abs3A_1188 : vector<16xf32>
      %gather3A_1190 = tpu.vector_load_idx %arg11[%add3A_396, %broadcast_in_dim3A_334] : memref<512x64xf32, #tpu.memory_space<vmem>>[vector<16xi32>, vector<16xi32>], vector<16xf32>,
      %gather3A_1191 = tpu.vector_load_idx %arg12[%add3A_396, %broadcast_in_dim3A_334] : memref<512x64xf32, #tpu.memory_space<vmem>>[vector<16xi32>, vector<16xi32>], vector<16xf32>,
      %gather3A_1192 = tpu.vector_load_idx %arg13[%add3A_396, %broadcast_in_dim3A_334] : memref<512x64xf32, #tpu.memory_space<vmem>>[vector<16xi32>, vector<16xi32>], vector<16xf32>,
      %mul3A_1193 = arith.mulf %gather3A_1190, %mul3A_817 : vector<16xf32>
      %add3A_1194 = arith.addf %mul3A_1193, %gather3A_1191 : vector<16xf32>
      %mul3A_1195 = arith.mulf %gather3A_1192, %mul3A_855 : vector<16xf32>
      %sub3A_1196 = arith.subf %add3A_1194, %mul3A_1195 : vector<16xf32>
      %abs3A_1197 = math.absf %sub3A_1196 : vector<16xf32>
      %add3A_1198 = arith.addf %add3A_1189, %abs3A_1197 : vector<16xf32>
      %gather3A_1199 = tpu.vector_load_idx %arg11[%add3A_396, %broadcast_in_dim3A_336] : memref<512x64xf32, #tpu.memory_space<vmem>>[vector<16xi32>, vector<16xi32>], vector<16xf32>,
      %gather3A_1200 = tpu.vector_load_idx %arg12[%add3A_396, %broadcast_in_dim3A_336] : memref<512x64xf32, #tpu.memory_space<vmem>>[vector<16xi32>, vector<16xi32>], vector<16xf32>,
      %gather3A_1201 = tpu.vector_load_idx %arg13[%add3A_396, %broadcast_in_dim3A_336] : memref<512x64xf32, #tpu.memory_space<vmem>>[vector<16xi32>, vector<16xi32>], vector<16xf32>,
      %mul3A_1202 = arith.mulf %gather3A_1199, %mul3A_817 : vector<16xf32>
      %add3A_1203 = arith.addf %mul3A_1202, %gather3A_1200 : vector<16xf32>
      %mul3A_1204 = arith.mulf %gather3A_1201, %mul3A_855 : vector<16xf32>
      %sub3A_1205 = arith.subf %add3A_1203, %mul3A_1204 : vector<16xf32>
      %abs3A_1206 = math.absf %sub3A_1205 : vector<16xf32>
      %add3A_1207 = arith.addf %add3A_1198, %abs3A_1206 : vector<16xf32>
      %gather3A_1208 = tpu.vector_load_idx %arg11[%add3A_396, %broadcast_in_dim3A_338] : memref<512x64xf32, #tpu.memory_space<vmem>>[vector<16xi32>, vector<16xi32>], vector<16xf32>,
      %gather3A_1209 = tpu.vector_load_idx %arg12[%add3A_396, %broadcast_in_dim3A_338] : memref<512x64xf32, #tpu.memory_space<vmem>>[vector<16xi32>, vector<16xi32>], vector<16xf32>,
      %gather3A_1210 = tpu.vector_load_idx %arg13[%add3A_396, %broadcast_in_dim3A_338] : memref<512x64xf32, #tpu.memory_space<vmem>>[vector<16xi32>, vector<16xi32>], vector<16xf32>,
      %mul3A_1211 = arith.mulf %gather3A_1208, %mul3A_817 : vector<16xf32>
      %add3A_1212 = arith.addf %mul3A_1211, %gather3A_1209 : vector<16xf32>
      %mul3A_1213 = arith.mulf %gather3A_1210, %mul3A_855 : vector<16xf32>
      %sub3A_1214 = arith.subf %add3A_1212, %mul3A_1213 : vector<16xf32>
      %abs3A_1215 = math.absf %sub3A_1214 : vector<16xf32>
      %add3A_1216 = arith.addf %add3A_1207, %abs3A_1215 : vector<16xf32>
      %gather3A_1217 = tpu.vector_load_idx %arg11[%add3A_396, %broadcast_in_dim3A_340] : memref<512x64xf32, #tpu.memory_space<vmem>>[vector<16xi32>, vector<16xi32>], vector<16xf32>,
      %gather3A_1218 = tpu.vector_load_idx %arg12[%add3A_396, %broadcast_in_dim3A_340] : memref<512x64xf32, #tpu.memory_space<vmem>>[vector<16xi32>, vector<16xi32>], vector<16xf32>,
      %gather3A_1219 = tpu.vector_load_idx %arg13[%add3A_396, %broadcast_in_dim3A_340] : memref<512x64xf32, #tpu.memory_space<vmem>>[vector<16xi32>, vector<16xi32>], vector<16xf32>,
      %mul3A_1220 = arith.mulf %gather3A_1217, %mul3A_817 : vector<16xf32>
      %add3A_1221 = arith.addf %mul3A_1220, %gather3A_1218 : vector<16xf32>
      %mul3A_1222 = arith.mulf %gather3A_1219, %mul3A_855 : vector<16xf32>
      %sub3A_1223 = arith.subf %add3A_1221, %mul3A_1222 : vector<16xf32>
      %abs3A_1224 = math.absf %sub3A_1223 : vector<16xf32>
      %add3A_1225 = arith.addf %add3A_1216, %abs3A_1224 : vector<16xf32>
      %gather3A_1226 = tpu.vector_load_idx %arg11[%add3A_396, %broadcast_in_dim3A_342] : memref<512x64xf32, #tpu.memory_space<vmem>>[vector<16xi32>, vector<16xi32>], vector<16xf32>,
      %gather3A_1227 = tpu.vector_load_idx %arg12[%add3A_396, %broadcast_in_dim3A_342] : memref<512x64xf32, #tpu.memory_space<vmem>>[vector<16xi32>, vector<16xi32>], vector<16xf32>,
      %gather3A_1228 = tpu.vector_load_idx %arg13[%add3A_396, %broadcast_in_dim3A_342] : memref<512x64xf32, #tpu.memory_space<vmem>>[vector<16xi32>, vector<16xi32>], vector<16xf32>,
      %mul3A_1229 = arith.mulf %gather3A_1226, %mul3A_817 : vector<16xf32>
      %add3A_1230 = arith.addf %mul3A_1229, %gather3A_1227 : vector<16xf32>
      %mul3A_1231 = arith.mulf %gather3A_1228, %mul3A_855 : vector<16xf32>
      %sub3A_1232 = arith.subf %add3A_1230, %mul3A_1231 : vector<16xf32>
      %abs3A_1233 = math.absf %sub3A_1232 : vector<16xf32>
      %add3A_1234 = arith.addf %add3A_1225, %abs3A_1233 : vector<16xf32>
      %gather3A_1235 = tpu.vector_load_idx %arg11[%add3A_396, %broadcast_in_dim3A_344] : memref<512x64xf32, #tpu.memory_space<vmem>>[vector<16xi32>, vector<16xi32>], vector<16xf32>,
      %gather3A_1236 = tpu.vector_load_idx %arg12[%add3A_396, %broadcast_in_dim3A_344] : memref<512x64xf32, #tpu.memory_space<vmem>>[vector<16xi32>, vector<16xi32>], vector<16xf32>,
      %gather3A_1237 = tpu.vector_load_idx %arg13[%add3A_396, %broadcast_in_dim3A_344] : memref<512x64xf32, #tpu.memory_space<vmem>>[vector<16xi32>, vector<16xi32>], vector<16xf32>,
      %mul3A_1238 = arith.mulf %gather3A_1235, %mul3A_817 : vector<16xf32>
      %add3A_1239 = arith.addf %mul3A_1238, %gather3A_1236 : vector<16xf32>
      %mul3A_1240 = arith.mulf %gather3A_1237, %mul3A_855 : vector<16xf32>
      %sub3A_1241 = arith.subf %add3A_1239, %mul3A_1240 : vector<16xf32>
      %abs3A_1242 = math.absf %sub3A_1241 : vector<16xf32>
      %add3A_1243 = arith.addf %add3A_1234, %abs3A_1242 : vector<16xf32>
      %gather3A_1244 = tpu.vector_load_idx %arg11[%add3A_396, %broadcast_in_dim3A_346] : memref<512x64xf32, #tpu.memory_space<vmem>>[vector<16xi32>, vector<16xi32>], vector<16xf32>,
      %gather3A_1245 = tpu.vector_load_idx %arg12[%add3A_396, %broadcast_in_dim3A_346] : memref<512x64xf32, #tpu.memory_space<vmem>>[vector<16xi32>, vector<16xi32>], vector<16xf32>,
      %gather3A_1246 = tpu.vector_load_idx %arg13[%add3A_396, %broadcast_in_dim3A_346] : memref<512x64xf32, #tpu.memory_space<vmem>>[vector<16xi32>, vector<16xi32>], vector<16xf32>,
      %mul3A_1247 = arith.mulf %gather3A_1244, %mul3A_817 : vector<16xf32>
      %add3A_1248 = arith.addf %mul3A_1247, %gather3A_1245 : vector<16xf32>
      %mul3A_1249 = arith.mulf %gather3A_1246, %mul3A_855 : vector<16xf32>
      %sub3A_1250 = arith.subf %add3A_1248, %mul3A_1249 : vector<16xf32>
      %abs3A_1251 = math.absf %sub3A_1250 : vector<16xf32>
      %add3A_1252 = arith.addf %add3A_1243, %abs3A_1251 : vector<16xf32>
      %gather3A_1253 = tpu.vector_load_idx %arg11[%add3A_396, %broadcast_in_dim3A_348] : memref<512x64xf32, #tpu.memory_space<vmem>>[vector<16xi32>, vector<16xi32>], vector<16xf32>,
      %gather3A_1254 = tpu.vector_load_idx %arg12[%add3A_396, %broadcast_in_dim3A_348] : memref<512x64xf32, #tpu.memory_space<vmem>>[vector<16xi32>, vector<16xi32>], vector<16xf32>,
      %gather3A_1255 = tpu.vector_load_idx %arg13[%add3A_396, %broadcast_in_dim3A_348] : memref<512x64xf32, #tpu.memory_space<vmem>>[vector<16xi32>, vector<16xi32>], vector<16xf32>,
      %mul3A_1256 = arith.mulf %gather3A_1253, %mul3A_817 : vector<16xf32>
      %add3A_1257 = arith.addf %mul3A_1256, %gather3A_1254 : vector<16xf32>
      %mul3A_1258 = arith.mulf %gather3A_1255, %mul3A_855 : vector<16xf32>
      %sub3A_1259 = arith.subf %add3A_1257, %mul3A_1258 : vector<16xf32>
      %abs3A_1260 = math.absf %sub3A_1259 : vector<16xf32>
      %add3A_1261 = arith.addf %add3A_1252, %abs3A_1260 : vector<16xf32>
      %gather3A_1262 = tpu.vector_load_idx %arg11[%add3A_396, %broadcast_in_dim3A_350] : memref<512x64xf32, #tpu.memory_space<vmem>>[vector<16xi32>, vector<16xi32>], vector<16xf32>,
      %gather3A_1263 = tpu.vector_load_idx %arg12[%add3A_396, %broadcast_in_dim3A_350] : memref<512x64xf32, #tpu.memory_space<vmem>>[vector<16xi32>, vector<16xi32>], vector<16xf32>,
      %gather3A_1264 = tpu.vector_load_idx %arg13[%add3A_396, %broadcast_in_dim3A_350] : memref<512x64xf32, #tpu.memory_space<vmem>>[vector<16xi32>, vector<16xi32>], vector<16xf32>,
      %mul3A_1265 = arith.mulf %gather3A_1262, %mul3A_817 : vector<16xf32>
      %add3A_1266 = arith.addf %mul3A_1265, %gather3A_1263 : vector<16xf32>
      %mul3A_1267 = arith.mulf %gather3A_1264, %mul3A_855 : vector<16xf32>
      %sub3A_1268 = arith.subf %add3A_1266, %mul3A_1267 : vector<16xf32>
      %abs3A_1269 = math.absf %sub3A_1268 : vector<16xf32>
      %add3A_1270 = arith.addf %add3A_1261, %abs3A_1269 : vector<16xf32>
      %gather3A_1271 = tpu.vector_load_idx %arg11[%add3A_396, %broadcast_in_dim3A_352] : memref<512x64xf32, #tpu.memory_space<vmem>>[vector<16xi32>, vector<16xi32>], vector<16xf32>,
      %gather3A_1272 = tpu.vector_load_idx %arg12[%add3A_396, %broadcast_in_dim3A_352] : memref<512x64xf32, #tpu.memory_space<vmem>>[vector<16xi32>, vector<16xi32>], vector<16xf32>,
      %gather3A_1273 = tpu.vector_load_idx %arg13[%add3A_396, %broadcast_in_dim3A_352] : memref<512x64xf32, #tpu.memory_space<vmem>>[vector<16xi32>, vector<16xi32>], vector<16xf32>,
      %mul3A_1274 = arith.mulf %gather3A_1271, %mul3A_817 : vector<16xf32>
      %add3A_1275 = arith.addf %mul3A_1274, %gather3A_1272 : vector<16xf32>
      %mul3A_1276 = arith.mulf %gather3A_1273, %mul3A_855 : vector<16xf32>
      %sub3A_1277 = arith.subf %add3A_1275, %mul3A_1276 : vector<16xf32>
      %abs3A_1278 = math.absf %sub3A_1277 : vector<16xf32>
      %add3A_1279 = arith.addf %add3A_1270, %abs3A_1278 : vector<16xf32>
      %gather3A_1280 = tpu.vector_load_idx %arg11[%add3A_396, %broadcast_in_dim3A_354] : memref<512x64xf32, #tpu.memory_space<vmem>>[vector<16xi32>, vector<16xi32>], vector<16xf32>,
      %gather3A_1281 = tpu.vector_load_idx %arg12[%add3A_396, %broadcast_in_dim3A_354] : memref<512x64xf32, #tpu.memory_space<vmem>>[vector<16xi32>, vector<16xi32>], vector<16xf32>,
      %gather3A_1282 = tpu.vector_load_idx %arg13[%add3A_396, %broadcast_in_dim3A_354] : memref<512x64xf32, #tpu.memory_space<vmem>>[vector<16xi32>, vector<16xi32>], vector<16xf32>,
      %mul3A_1283 = arith.mulf %gather3A_1280, %mul3A_817 : vector<16xf32>
      %add3A_1284 = arith.addf %mul3A_1283, %gather3A_1281 : vector<16xf32>
      %mul3A_1285 = arith.mulf %gather3A_1282, %mul3A_855 : vector<16xf32>
      %sub3A_1286 = arith.subf %add3A_1284, %mul3A_1285 : vector<16xf32>
      %abs3A_1287 = math.absf %sub3A_1286 : vector<16xf32>
      %add3A_1288 = arith.addf %add3A_1279, %abs3A_1287 : vector<16xf32>
      %gather3A_1289 = tpu.vector_load_idx %arg11[%add3A_396, %broadcast_in_dim3A_356] : memref<512x64xf32, #tpu.memory_space<vmem>>[vector<16xi32>, vector<16xi32>], vector<16xf32>,
      %gather3A_1290 = tpu.vector_load_idx %arg12[%add3A_396, %broadcast_in_dim3A_356] : memref<512x64xf32, #tpu.memory_space<vmem>>[vector<16xi32>, vector<16xi32>], vector<16xf32>,
      %gather3A_1291 = tpu.vector_load_idx %arg13[%add3A_396, %broadcast_in_dim3A_356] : memref<512x64xf32, #tpu.memory_space<vmem>>[vector<16xi32>, vector<16xi32>], vector<16xf32>,
      %mul3A_1292 = arith.mulf %gather3A_1289, %mul3A_817 : vector<16xf32>
      %add3A_1293 = arith.addf %mul3A_1292, %gather3A_1290 : vector<16xf32>
      %mul3A_1294 = arith.mulf %gather3A_1291, %mul3A_855 : vector<16xf32>
      %sub3A_1295 = arith.subf %add3A_1293, %mul3A_1294 : vector<16xf32>
      %abs3A_1296 = math.absf %sub3A_1295 : vector<16xf32>
      %add3A_1297 = arith.addf %add3A_1288, %abs3A_1296 : vector<16xf32>
      %gather3A_1298 = tpu.vector_load_idx %arg11[%add3A_396, %broadcast_in_dim3A_358] : memref<512x64xf32, #tpu.memory_space<vmem>>[vector<16xi32>, vector<16xi32>], vector<16xf32>,
      %gather3A_1299 = tpu.vector_load_idx %arg12[%add3A_396, %broadcast_in_dim3A_358] : memref<512x64xf32, #tpu.memory_space<vmem>>[vector<16xi32>, vector<16xi32>], vector<16xf32>,
      %gather3A_1300 = tpu.vector_load_idx %arg13[%add3A_396, %broadcast_in_dim3A_358] : memref<512x64xf32, #tpu.memory_space<vmem>>[vector<16xi32>, vector<16xi32>], vector<16xf32>,
      %mul3A_1301 = arith.mulf %gather3A_1298, %mul3A_817 : vector<16xf32>
      %add3A_1302 = arith.addf %mul3A_1301, %gather3A_1299 : vector<16xf32>
      %mul3A_1303 = arith.mulf %gather3A_1300, %mul3A_855 : vector<16xf32>
      %sub3A_1304 = arith.subf %add3A_1302, %mul3A_1303 : vector<16xf32>
      %abs3A_1305 = math.absf %sub3A_1304 : vector<16xf32>
      %add3A_1306 = arith.addf %add3A_1297, %abs3A_1305 : vector<16xf32>
      %gather3A_1307 = tpu.vector_load_idx %arg11[%add3A_396, %broadcast_in_dim3A_360] : memref<512x64xf32, #tpu.memory_space<vmem>>[vector<16xi32>, vector<16xi32>], vector<16xf32>,
      %gather3A_1308 = tpu.vector_load_idx %arg12[%add3A_396, %broadcast_in_dim3A_360] : memref<512x64xf32, #tpu.memory_space<vmem>>[vector<16xi32>, vector<16xi32>], vector<16xf32>,
      %gather3A_1309 = tpu.vector_load_idx %arg13[%add3A_396, %broadcast_in_dim3A_360] : memref<512x64xf32, #tpu.memory_space<vmem>>[vector<16xi32>, vector<16xi32>], vector<16xf32>,
      %mul3A_1310 = arith.mulf %gather3A_1307, %mul3A_817 : vector<16xf32>
      %add3A_1311 = arith.addf %mul3A_1310, %gather3A_1308 : vector<16xf32>
      %mul3A_1312 = arith.mulf %gather3A_1309, %mul3A_855 : vector<16xf32>
      %sub3A_1313 = arith.subf %add3A_1311, %mul3A_1312 : vector<16xf32>
      %abs3A_1314 = math.absf %sub3A_1313 : vector<16xf32>
      %add3A_1315 = arith.addf %add3A_1306, %abs3A_1314 : vector<16xf32>
      %gather3A_1316 = tpu.vector_load_idx %arg11[%add3A_396, %broadcast_in_dim3A_362] : memref<512x64xf32, #tpu.memory_space<vmem>>[vector<16xi32>, vector<16xi32>], vector<16xf32>,
      %gather3A_1317 = tpu.vector_load_idx %arg12[%add3A_396, %broadcast_in_dim3A_362] : memref<512x64xf32, #tpu.memory_space<vmem>>[vector<16xi32>, vector<16xi32>], vector<16xf32>,
      %gather3A_1318 = tpu.vector_load_idx %arg13[%add3A_396, %broadcast_in_dim3A_362] : memref<512x64xf32, #tpu.memory_space<vmem>>[vector<16xi32>, vector<16xi32>], vector<16xf32>,
      %mul3A_1319 = arith.mulf %gather3A_1316, %mul3A_817 : vector<16xf32>
      %add3A_1320 = arith.addf %mul3A_1319, %gather3A_1317 : vector<16xf32>
      %mul3A_1321 = arith.mulf %gather3A_1318, %mul3A_855 : vector<16xf32>
      %sub3A_1322 = arith.subf %add3A_1320, %mul3A_1321 : vector<16xf32>
      %abs3A_1323 = math.absf %sub3A_1322 : vector<16xf32>
      %add3A_1324 = arith.addf %add3A_1315, %abs3A_1323 : vector<16xf32>
      %gather3A_1325 = tpu.vector_load_idx %arg11[%add3A_396, %broadcast_in_dim3A_364] : memref<512x64xf32, #tpu.memory_space<vmem>>[vector<16xi32>, vector<16xi32>], vector<16xf32>,
      %gather3A_1326 = tpu.vector_load_idx %arg12[%add3A_396, %broadcast_in_dim3A_364] : memref<512x64xf32, #tpu.memory_space<vmem>>[vector<16xi32>, vector<16xi32>], vector<16xf32>,
      %gather3A_1327 = tpu.vector_load_idx %arg13[%add3A_396, %broadcast_in_dim3A_364] : memref<512x64xf32, #tpu.memory_space<vmem>>[vector<16xi32>, vector<16xi32>], vector<16xf32>,
      %mul3A_1328 = arith.mulf %gather3A_1325, %mul3A_817 : vector<16xf32>
      %add3A_1329 = arith.addf %mul3A_1328, %gather3A_1326 : vector<16xf32>
      %mul3A_1330 = arith.mulf %gather3A_1327, %mul3A_855 : vector<16xf32>
      %sub3A_1331 = arith.subf %add3A_1329, %mul3A_1330 : vector<16xf32>
      %abs3A_1332 = math.absf %sub3A_1331 : vector<16xf32>
      %add3A_1333 = arith.addf %add3A_1324, %abs3A_1332 : vector<16xf32>
      %gather3A_1334 = tpu.vector_load_idx %arg11[%add3A_396, %broadcast_in_dim3A_366] : memref<512x64xf32, #tpu.memory_space<vmem>>[vector<16xi32>, vector<16xi32>], vector<16xf32>,
      %gather3A_1335 = tpu.vector_load_idx %arg12[%add3A_396, %broadcast_in_dim3A_366] : memref<512x64xf32, #tpu.memory_space<vmem>>[vector<16xi32>, vector<16xi32>], vector<16xf32>,
      %gather3A_1336 = tpu.vector_load_idx %arg13[%add3A_396, %broadcast_in_dim3A_366] : memref<512x64xf32, #tpu.memory_space<vmem>>[vector<16xi32>, vector<16xi32>], vector<16xf32>,
      %mul3A_1337 = arith.mulf %gather3A_1334, %mul3A_817 : vector<16xf32>
      %add3A_1338 = arith.addf %mul3A_1337, %gather3A_1335 : vector<16xf32>
      %mul3A_1339 = arith.mulf %gather3A_1336, %mul3A_855 : vector<16xf32>
      %sub3A_1340 = arith.subf %add3A_1338, %mul3A_1339 : vector<16xf32>
      %abs3A_1341 = math.absf %sub3A_1340 : vector<16xf32>
      %add3A_1342 = arith.addf %add3A_1333, %abs3A_1341 : vector<16xf32>
      %gather3A_1343 = tpu.vector_load_idx %arg11[%add3A_396, %broadcast_in_dim3A_368] : memref<512x64xf32, #tpu.memory_space<vmem>>[vector<16xi32>, vector<16xi32>], vector<16xf32>,
      %gather3A_1344 = tpu.vector_load_idx %arg12[%add3A_396, %broadcast_in_dim3A_368] : memref<512x64xf32, #tpu.memory_space<vmem>>[vector<16xi32>, vector<16xi32>], vector<16xf32>,
      %gather3A_1345 = tpu.vector_load_idx %arg13[%add3A_396, %broadcast_in_dim3A_368] : memref<512x64xf32, #tpu.memory_space<vmem>>[vector<16xi32>, vector<16xi32>], vector<16xf32>,
      %mul3A_1346 = arith.mulf %gather3A_1343, %mul3A_817 : vector<16xf32>
      %add3A_1347 = arith.addf %mul3A_1346, %gather3A_1344 : vector<16xf32>
      %mul3A_1348 = arith.mulf %gather3A_1345, %mul3A_855 : vector<16xf32>
      %sub3A_1349 = arith.subf %add3A_1347, %mul3A_1348 : vector<16xf32>
      %abs3A_1350 = math.absf %sub3A_1349 : vector<16xf32>
      %add3A_1351 = arith.addf %add3A_1342, %abs3A_1350 : vector<16xf32>
      %gather3A_1352 = tpu.vector_load_idx %arg11[%add3A_396, %broadcast_in_dim3A_370] : memref<512x64xf32, #tpu.memory_space<vmem>>[vector<16xi32>, vector<16xi32>], vector<16xf32>,
      %gather3A_1353 = tpu.vector_load_idx %arg12[%add3A_396, %broadcast_in_dim3A_370] : memref<512x64xf32, #tpu.memory_space<vmem>>[vector<16xi32>, vector<16xi32>], vector<16xf32>,
      %gather3A_1354 = tpu.vector_load_idx %arg13[%add3A_396, %broadcast_in_dim3A_370] : memref<512x64xf32, #tpu.memory_space<vmem>>[vector<16xi32>, vector<16xi32>], vector<16xf32>,
      %mul3A_1355 = arith.mulf %gather3A_1352, %mul3A_817 : vector<16xf32>
      %add3A_1356 = arith.addf %mul3A_1355, %gather3A_1353 : vector<16xf32>
      %mul3A_1357 = arith.mulf %gather3A_1354, %mul3A_855 : vector<16xf32>
      %sub3A_1358 = arith.subf %add3A_1356, %mul3A_1357 : vector<16xf32>
      %abs3A_1359 = math.absf %sub3A_1358 : vector<16xf32>
      %add3A_1360 = arith.addf %add3A_1351, %abs3A_1359 : vector<16xf32>
      %gather3A_1361 = tpu.vector_load_idx %arg11[%add3A_396, %broadcast_in_dim3A_372] : memref<512x64xf32, #tpu.memory_space<vmem>>[vector<16xi32>, vector<16xi32>], vector<16xf32>,
      %gather3A_1362 = tpu.vector_load_idx %arg12[%add3A_396, %broadcast_in_dim3A_372] : memref<512x64xf32, #tpu.memory_space<vmem>>[vector<16xi32>, vector<16xi32>], vector<16xf32>,
      %gather3A_1363 = tpu.vector_load_idx %arg13[%add3A_396, %broadcast_in_dim3A_372] : memref<512x64xf32, #tpu.memory_space<vmem>>[vector<16xi32>, vector<16xi32>], vector<16xf32>,
      %mul3A_1364 = arith.mulf %gather3A_1361, %mul3A_817 : vector<16xf32>
      %add3A_1365 = arith.addf %mul3A_1364, %gather3A_1362 : vector<16xf32>
      %mul3A_1366 = arith.mulf %gather3A_1363, %mul3A_855 : vector<16xf32>
      %sub3A_1367 = arith.subf %add3A_1365, %mul3A_1366 : vector<16xf32>
      %abs3A_1368 = math.absf %sub3A_1367 : vector<16xf32>
      %add3A_1369 = arith.addf %add3A_1360, %abs3A_1368 : vector<16xf32>
      %gather3A_1370 = tpu.vector_load_idx %arg11[%add3A_396, %broadcast_in_dim3A_374] : memref<512x64xf32, #tpu.memory_space<vmem>>[vector<16xi32>, vector<16xi32>], vector<16xf32>,
      %gather3A_1371 = tpu.vector_load_idx %arg12[%add3A_396, %broadcast_in_dim3A_374] : memref<512x64xf32, #tpu.memory_space<vmem>>[vector<16xi32>, vector<16xi32>], vector<16xf32>,
      %gather3A_1372 = tpu.vector_load_idx %arg13[%add3A_396, %broadcast_in_dim3A_374] : memref<512x64xf32, #tpu.memory_space<vmem>>[vector<16xi32>, vector<16xi32>], vector<16xf32>,
      %mul3A_1373 = arith.mulf %gather3A_1370, %mul3A_817 : vector<16xf32>
      %add3A_1374 = arith.addf %mul3A_1373, %gather3A_1371 : vector<16xf32>
      %mul3A_1375 = arith.mulf %gather3A_1372, %mul3A_855 : vector<16xf32>
      %sub3A_1376 = arith.subf %add3A_1374, %mul3A_1375 : vector<16xf32>
      %abs3A_1377 = math.absf %sub3A_1376 : vector<16xf32>
      %add3A_1378 = arith.addf %add3A_1369, %abs3A_1377 : vector<16xf32>
      %gather3A_1379 = tpu.vector_load_idx %arg11[%add3A_396, %broadcast_in_dim3A_376] : memref<512x64xf32, #tpu.memory_space<vmem>>[vector<16xi32>, vector<16xi32>], vector<16xf32>,
      %gather3A_1380 = tpu.vector_load_idx %arg12[%add3A_396, %broadcast_in_dim3A_376] : memref<512x64xf32, #tpu.memory_space<vmem>>[vector<16xi32>, vector<16xi32>], vector<16xf32>,
      %gather3A_1381 = tpu.vector_load_idx %arg13[%add3A_396, %broadcast_in_dim3A_376] : memref<512x64xf32, #tpu.memory_space<vmem>>[vector<16xi32>, vector<16xi32>], vector<16xf32>,
      %mul3A_1382 = arith.mulf %gather3A_1379, %mul3A_817 : vector<16xf32>
      %add3A_1383 = arith.addf %mul3A_1382, %gather3A_1380 : vector<16xf32>
      %mul3A_1384 = arith.mulf %gather3A_1381, %mul3A_855 : vector<16xf32>
      %sub3A_1385 = arith.subf %add3A_1383, %mul3A_1384 : vector<16xf32>
      %abs3A_1386 = math.absf %sub3A_1385 : vector<16xf32>
      %add3A_1387 = arith.addf %add3A_1378, %abs3A_1386 : vector<16xf32>
      %gather3A_1388 = tpu.vector_load_idx %arg11[%add3A_396, %broadcast_in_dim3A_378] : memref<512x64xf32, #tpu.memory_space<vmem>>[vector<16xi32>, vector<16xi32>], vector<16xf32>,
      %gather3A_1389 = tpu.vector_load_idx %arg12[%add3A_396, %broadcast_in_dim3A_378] : memref<512x64xf32, #tpu.memory_space<vmem>>[vector<16xi32>, vector<16xi32>], vector<16xf32>,
      %gather3A_1390 = tpu.vector_load_idx %arg13[%add3A_396, %broadcast_in_dim3A_378] : memref<512x64xf32, #tpu.memory_space<vmem>>[vector<16xi32>, vector<16xi32>], vector<16xf32>,
      %mul3A_1391 = arith.mulf %gather3A_1388, %mul3A_817 : vector<16xf32>
      %add3A_1392 = arith.addf %mul3A_1391, %gather3A_1389 : vector<16xf32>
      %mul3A_1393 = arith.mulf %gather3A_1390, %mul3A_855 : vector<16xf32>
      %sub3A_1394 = arith.subf %add3A_1392, %mul3A_1393 : vector<16xf32>
      %abs3A_1395 = math.absf %sub3A_1394 : vector<16xf32>
      %add3A_1396 = arith.addf %add3A_1387, %abs3A_1395 : vector<16xf32>
      %gather3A_1397 = tpu.vector_load_idx %arg11[%add3A_396, %broadcast_in_dim3A_380] : memref<512x64xf32, #tpu.memory_space<vmem>>[vector<16xi32>, vector<16xi32>], vector<16xf32>,
      %gather3A_1398 = tpu.vector_load_idx %arg12[%add3A_396, %broadcast_in_dim3A_380] : memref<512x64xf32, #tpu.memory_space<vmem>>[vector<16xi32>, vector<16xi32>], vector<16xf32>,
      %gather3A_1399 = tpu.vector_load_idx %arg13[%add3A_396, %broadcast_in_dim3A_380] : memref<512x64xf32, #tpu.memory_space<vmem>>[vector<16xi32>, vector<16xi32>], vector<16xf32>,
      %mul3A_1400 = arith.mulf %gather3A_1397, %mul3A_817 : vector<16xf32>
      %add3A_1401 = arith.addf %mul3A_1400, %gather3A_1398 : vector<16xf32>
      %mul3A_1402 = arith.mulf %gather3A_1399, %mul3A_855 : vector<16xf32>
      %sub3A_1403 = arith.subf %add3A_1401, %mul3A_1402 : vector<16xf32>
      %abs3A_1404 = math.absf %sub3A_1403 : vector<16xf32>
      %add3A_1405 = arith.addf %add3A_1396, %abs3A_1404 : vector<16xf32>
      %gather3A_1406 = tpu.vector_load_idx %arg11[%add3A_396, %broadcast_in_dim3A_382] : memref<512x64xf32, #tpu.memory_space<vmem>>[vector<16xi32>, vector<16xi32>], vector<16xf32>,
      %gather3A_1407 = tpu.vector_load_idx %arg12[%add3A_396, %broadcast_in_dim3A_382] : memref<512x64xf32, #tpu.memory_space<vmem>>[vector<16xi32>, vector<16xi32>], vector<16xf32>,
      %gather3A_1408 = tpu.vector_load_idx %arg13[%add3A_396, %broadcast_in_dim3A_382] : memref<512x64xf32, #tpu.memory_space<vmem>>[vector<16xi32>, vector<16xi32>], vector<16xf32>,
      %mul3A_1409 = arith.mulf %gather3A_1406, %mul3A_817 : vector<16xf32>
      %add3A_1410 = arith.addf %mul3A_1409, %gather3A_1407 : vector<16xf32>
      %mul3A_1411 = arith.mulf %gather3A_1408, %mul3A_855 : vector<16xf32>
      %sub3A_1412 = arith.subf %add3A_1410, %mul3A_1411 : vector<16xf32>
      %abs3A_1413 = math.absf %sub3A_1412 : vector<16xf32>
      %add3A_1414 = arith.addf %add3A_1405, %abs3A_1413 : vector<16xf32>
      %gather3A_1415 = tpu.vector_load_idx %arg11[%add3A_396, %broadcast_in_dim3A_384] : memref<512x64xf32, #tpu.memory_space<vmem>>[vector<16xi32>, vector<16xi32>], vector<16xf32>,
      %gather3A_1416 = tpu.vector_load_idx %arg12[%add3A_396, %broadcast_in_dim3A_384] : memref<512x64xf32, #tpu.memory_space<vmem>>[vector<16xi32>, vector<16xi32>], vector<16xf32>,
      %gather3A_1417 = tpu.vector_load_idx %arg13[%add3A_396, %broadcast_in_dim3A_384] : memref<512x64xf32, #tpu.memory_space<vmem>>[vector<16xi32>, vector<16xi32>], vector<16xf32>,
      %mul3A_1418 = arith.mulf %gather3A_1415, %mul3A_817 : vector<16xf32>
      %add3A_1419 = arith.addf %mul3A_1418, %gather3A_1416 : vector<16xf32>
      %mul3A_1420 = arith.mulf %gather3A_1417, %mul3A_855 : vector<16xf32>
      %sub3A_1421 = arith.subf %add3A_1419, %mul3A_1420 : vector<16xf32>
      %abs3A_1422 = math.absf %sub3A_1421 : vector<16xf32>
      %add3A_1423 = arith.addf %add3A_1414, %abs3A_1422 : vector<16xf32>
      %gather3A_1424 = tpu.vector_load_idx %arg11[%add3A_396, %broadcast_in_dim3A_386] : memref<512x64xf32, #tpu.memory_space<vmem>>[vector<16xi32>, vector<16xi32>], vector<16xf32>,
      %gather3A_1425 = tpu.vector_load_idx %arg12[%add3A_396, %broadcast_in_dim3A_386] : memref<512x64xf32, #tpu.memory_space<vmem>>[vector<16xi32>, vector<16xi32>], vector<16xf32>,
      %gather3A_1426 = tpu.vector_load_idx %arg13[%add3A_396, %broadcast_in_dim3A_386] : memref<512x64xf32, #tpu.memory_space<vmem>>[vector<16xi32>, vector<16xi32>], vector<16xf32>,
      %mul3A_1427 = arith.mulf %gather3A_1424, %mul3A_817 : vector<16xf32>
      %add3A_1428 = arith.addf %mul3A_1427, %gather3A_1425 : vector<16xf32>
      %mul3A_1429 = arith.mulf %gather3A_1426, %mul3A_855 : vector<16xf32>
      %sub3A_1430 = arith.subf %add3A_1428, %mul3A_1429 : vector<16xf32>
      %abs3A_1431 = math.absf %sub3A_1430 : vector<16xf32>
      %add3A_1432 = arith.addf %add3A_1423, %abs3A_1431 : vector<16xf32>
      %neg3A = arith.constant 0.000000e+00 : f32
      %neg3A_1433 = vector.broadcast %neg3A : f32 to vector<16xf32>
      %neg3A_1434 = arith.subf %neg3A_1433, %add3A_1432 : vector<16xf32>
      %mul3A_1435 = arith.constant 16 : i32
      %mul3A_1436 = arith.muli %scan3A_392, %mul3A_1435 : i32
      %multiple_of3A = tpu.assume_multiple %mul3A_1436, 16 : i32
      %swap3A = arith.index_cast %multiple_of3A : i32 to index
      %swap3A_1437 = tpu.vector_load %arg14[%swap3A] {strides = array<i32>} : memref<512xf32, #tpu.memory_space<vmem>>, vector<16xf32>,
      tpu.vector_store %arg14[%swap3A], %neg3A_1434 {strides = array<i32>} : memref<512xf32, #tpu.memory_space<vmem>>, vector<16xf32>,
    }
    %scan3A_391 = arith.constant 32 : i32
    "tpu.region"() ({
      %run_scoped3A_392 = tpu.sem_alloc : memref<!tpu.dma_semaphore, #tpu.memory_space<semaphore_mem>>
      %dma_start3A_393 = tpu.memref_slice %arg7[%mul3A_2] : memref<16384xf32, #tpu.memory_space<hbm>> -> memref<512xf32, #tpu.memory_space<hbm>>
      %dma_start3A_394 = tpu.memref_slice %arg7[%mul3A_2] : memref<16384xf32, #tpu.memory_space<hbm>> -> memref<512xf32, #tpu.memory_space<hbm>>
      tpu.enqueue_dma source(%arg14 : memref<512xf32, #tpu.memory_space<vmem>>) target(%dma_start3A_394 : memref<512xf32, #tpu.memory_space<hbm>>) target_semaphore(%run_scoped3A_392 : memref<!tpu.dma_semaphore, #tpu.memory_space<semaphore_mem>>)
      %dma_wait3A_395 = tpu.memref_slice %arg7[%mul3A_2] : memref<16384xf32, #tpu.memory_space<hbm>> -> memref<512xf32, #tpu.memory_space<hbm>>
      %dma_wait3A_396 = tpu.memref_slice %arg7[%mul3A_2] : memref<16384xf32, #tpu.memory_space<hbm>> -> memref<512xf32, #tpu.memory_space<hbm>>
      tpu.wait_dma2 semaphore(%run_scoped3A_392 : memref<!tpu.dma_semaphore, #tpu.memory_space<semaphore_mem>>) src(%arg14 : memref<512xf32, #tpu.memory_space<vmem>>) dst(%dma_wait3A_396 : memref<512xf32, #tpu.memory_space<hbm>>)
      tpu.yield
    }) : () -> ()
    return
  }
}

</mosaic_0001>

<sc_bundles>
// kernel: kernel.3.cloned.1.call-start
scs
__scs_entry_jumppad:
0x0: {  	(pc) =	sbr.rel $0x88, $3  }
0x1: {  	(tag) =	ssettag $0x0;
	lr =	simm.s32 $0x1  }
0x2: {  	[smem:$0x3F9C] =	sst lr;
	_ =	strace $0xD0000000  }
0x3: {  	_ = 	snop  }
0x4: {  	_ = 	snop  }
0x5: {  	_ = 	snop  }
0x6: {  	_ = 	snop  }
0x7: {  	_ = 	snop  }
__scs_overlays_trampoline_lowered:
0x8: {  	[smem:$0x3FAB] =	sst s0  }
0x9: {  	[smem:$0x3FAC] =	sst s1  }
0xa: {  	[smem:$0x3FAD] =	sst s2  }
0xb: {  	[smem:$0x3FAE] =	sst s3  }
0xc: {  	[smem:$0x3FAF] =	sst s4  }
0xd: {  	[smem:$0x3FB0] =	sst s5  }
0xe: {  	[smem:$0x3FB1] =	sst s6  }
0xf: {  	[smem:$0x3FB2] =	sst s7  }
0x10: {  	[smem:$0x3FB3] =	sst s8  }
0x11: {  	[smem:$0x3FB4] =	sst s9;
	s0 =	simm.s32 @!p0 $0x0  }
0x12: {  	s1 =	sld [smem:$0x3F9A];
	s0 =	simm.s32 @p0 $0x1  }
0x13: {  	[smem:$0x3FB5] =	sst s0;
	s0 =	simm.s32 @!p1 $0x0  }
0x14: {  	s2 =	sld [smem:$0x3F99];
	s0 =	simm.s32 @p1 $0x1  }
0x15: {  	[smem:$0x3FB6] =	sst s0;
	s0 =	simm.s32 @!p2 $0x0  }
0x16: {  	s3 =	sld [smem:$0x3FDB];
	s0 =	simm.s32 @p2 $0x1  }
0x17: {  	s4 =	simm.s32 $0x1BF5;
	[smem:$0x3FB8] =	sst s0  }
0x18: {  	s0 =	sld [smem:$0x3F9B];
	_ =	swait.ge [sflag:s4], $0x0  }
0x19: {  	s7 =	sld [smem:$0x3F9C]  }
0x1a: {  	s8 =	sadd.s32 $0xFFFFE003, lr  }
0x1b: {  	s9 =	sadd.s32 $0xFFFFFEF7, lr;
	s5 =	simm.s32 $0xFFFFFFFF;
	p2 =	slt.u32 s8, $0xFFFFF086  }
0x1c: {  	p1 =	slt.u32 s9, $0xF7A;
	s5 =	simm.s32 @!p2 $0x0  }
0x1d: {  	s5 =	simm.s32 @p1 $0x1;
	p0 =	seq.s32 s7, s2  }
0x1e: {  	s7 =	smul.u32 @!p0 $0xF7A, s2;
	p2 =	seq.s32 @!p0 s5, $0x0  }
0x1f: {  	s9 =	smul.u32 $0xF7A, s1;
	s8 =	simm.s32 @!p0 $0x1BF5;
	p2 =	por !p2, p0  }
0x20: {  	[sflag:s8] =	ssyncset.s32 @!p0 $0xFFFFF086;
	s6 =	sadd.s32 @!p0 s3, s7;
	s7 =	simm.s32 @!p0 $0x108  }
0x21: {  	s3 =	sadd.s32 s3, s9;
	s6 =	sadd.s32 @!p0 $0x88, s6;
	s7 =	simm.s32 @p2 $0x1082  }
0x22: {  	[simem:s7], [sflag:s8] =	dma.local @!p0 [hbm:s6], $0xF7A  }
0x23: {  	s9 =	sor.u32 $0xD0000000, s2;
	s6 =	simm.s32 $0x108;
	_ =	swait.ge @!p0 [sflag:s8], $0x0  }
0x24: {  	s3 =	sadd.s32 $0x88, s3;
	s6 =	simm.s32 @!p1 $0x1082;
	[sflag:s4] =	ssyncset.s32 $0xFFFFF086  }
0x25: {  	[simem:s6], [sflag:s4] =	dma.local [hbm:s3], $0xF7A  }
0x26: {  	[smem:$0x3F9C] =	sst s1;
	(tag) =	ssettag s2;
	_ =	strace s9  }
0x27: {  	s1 =	sld [smem:$0x3FAC]  }
0x28: {  	s2 =	sld [smem:$0x3FAD]  }
0x29: {  	s4 =	sld [smem:$0x3FAF]  }
0x2a: {  	p0 =	seq.s32 s5, $0x0;
	s5 =	sld [smem:$0x3FB0]  }
0x2b: {  	s6 =	sld [smem:$0x3FB1]  }
0x2c: {  	s7 =	sld [smem:$0x3FB2]  }
0x2d: {  	s3 =	simm.s32 $0x108;
	s8 =	sld [smem:$0x3FB3]  }
0x2e: {  	s3 =	simm.s32 @!p0 $0x1082;
	s9 =	sld [smem:$0x3FB4]  }
0x2f: {  	lr =	sadd.s32 s0, s3;
	s0 =	sld [smem:$0x3FAB]  }
0x30: {  	s3 =	sld [smem:$0x3FAE]  }
0x31: {  	[smem:$0x3FB7] =	sst s10  }
0x32: {  	s10 =	sld [smem:$0x3FB5];
	_ =	sdelay $0x3  }
0x33: {  	p0 =	seq.s32 s10, $0x1;
	s10 =	sld [smem:$0x3FB7];
	_ =	sdelay $0x3  }
0x34: {  	[smem:$0x3FB7] =	sst s10  }
0x35: {  	s10 =	sld [smem:$0x3FB6];
	_ =	sdelay $0x3  }
0x36: {  	p1 =	seq.s32 s10, $0x1;
	s10 =	sld [smem:$0x3FB7];
	_ =	sdelay $0x3  }
0x37: {  	[smem:$0x3FB7] =	sst s10  }
0x38: {  	s10 =	sld [smem:$0x3FB8]  }
0x39: {  	_ = 	snop;
	(pc) =	sbr.ind lr, $3  }
0x3a: {  	_ = 	snop  }
0x3b: {  	_ = 	snop  }
0x3c: {  	p2 =	seq.s32 s10, $0x1;
	s10 =	sld [smem:$0x3FB7]  }
0x3d: {  	_ =	shalt  }
0x3e: {  	_ =	shalt  }
0x3f: {  	_ =	shalt  }
0x40: {  	_ =	shalt  }
0x41: {  	_ =	shalt  }
0x42: {  	_ =	shalt  }
0x43: {  	_ =	shalt  }
0x44: {  	_ =	shalt  }
0x45: {  	_ =	shalt  }
0x46: {  	_ =	shalt  }
0x47: {  	_ =	shalt  }
0x48: {  	_ =	shalt  }
0x49: {  	_ =	shalt  }
0x4a: {  	_ =	shalt  }
0x4b: {  	_ =	shalt  }
0x4c: {  	_ =	shalt  }
0x4d: {  	_ =	shalt  }
0x4e: {  	_ =	shalt  }
0x4f: {  	_ =	shalt  }
0x50: {  	_ =	shalt  }
0x51: {  	_ =	shalt  }
0x52: {  	_ =	shalt  }
0x53: {  	_ =	shalt  }
0x54: {  	_ =	shalt  }
0x55: {  	_ =	shalt  }
0x56: {  	_ =	shalt  }
0x57: {  	_ =	shalt  }
0x58: {  	_ =	shalt  }
0x59: {  	_ =	shalt  }
0x5a: {  	_ =	shalt  }
0x5b: {  	_ =	shalt  }
0x5c: {  	_ =	shalt  }
0x5d: {  	_ =	shalt  }
0x5e: {  	_ =	shalt  }
0x5f: {  	_ =	shalt  }
0x60: {  	_ =	shalt  }
0x61: {  	_ =	shalt  }
0x62: {  	_ =	shalt  }
0x63: {  	_ =	shalt  }
0x64: {  	_ =	shalt  }
0x65: {  	_ =	shalt  }
0x66: {  	_ =	shalt  }
0x67: {  	_ =	shalt  }
0x68: {  	_ =	shalt  }
0x69: {  	_ =	shalt  }
0x6a: {  	_ =	shalt  }
0x6b: {  	_ =	shalt  }
0x6c: {  	_ =	shalt  }
0x6d: {  	_ =	shalt  }
0x6e: {  	_ =	shalt  }
0x6f: {  	_ =	shalt  }
0x70: {  	_ =	shalt  }
0x71: {  	_ =	shalt  }
0x72: {  	_ =	shalt  }
0x73: {  	_ =	shalt  }
0x74: {  	_ =	shalt  }
0x75: {  	_ =	shalt  }
0x76: {  	_ =	shalt  }
0x77: {  	_ =	shalt  }
0x78: {  	_ =	shalt  }
0x79: {  	_ =	shalt  }
0x7a: {  	_ =	shalt  }
0x7b: {  	_ =	shalt  }
0x7c: {  	_ =	shalt  }
0x7d: {  	_ =	shalt  }
0x7e: {  	_ =	shalt  }
0x7f: {  	_ =	shalt  }
0x80: {  	_ =	shalt  }
0x81: {  	_ =	shalt  }
0x82: {  	_ =	shalt  }
0x83: {  	_ =	shalt  }
0x84: {  	_ =	shalt  }
0x85: {  	_ =	shalt  }
0x86: {  	_ =	shalt  }
0x87: {  	_ =	shalt  }
.Lfunc_end0:
.L_simem_size_0:
called_computation_lowered:
.L_overlay_start_0:
0x88: {  	s2 =	sld [smem:$0x3FD9]  }
0x89: {  	s3 =	sld [smem:$0x3FFE];
	_ =	sdelay $0x1  }
0x8a: {  	s1 =	srdreg.scid  }
0x8b: {  	s0 =	sand.u32 $0x1, s1  }
0x8c: {  	s17 =	sshll.u32 s0, $0xA;
	s2 =	sadd.s32 s3, s2  }
0x8d: {  	s2 =	sadd.s32 s2, s17  }
0x8e: {  	[smem:$0x3FC3] =	sst s2  }
0x8f: {  	_ = 	snop  }
0x90: {  	s2 =	sld [smem:$0x3FC9]  }
0x91: {  	s18 =	sld [smem:$0x3FC8]  }
0x92: {  	s4 =	sld [smem:$0x3FC7]  }
0x93: {  	s5 =	sld [smem:$0x3FD0];
	(tm) =	ssettm $0x1  }
0x94: {  	s6 =	sld [smem:$0x3FFB];
	_ =	sdelay $0x3  }
0x95: {  	_ =	strace s6  }
0x96: {  	s6 =	sld [smem:$0x3FFC];
	_ =	sdelay $0x3  }
0x97: {  	_ =	strace s6  }
0x98: {  	s6 =	sld [smem:$0x3FFD];
	_ =	sdelay $0x3  }
0x99: {  	_ =	strace s6  }
0x9a: {  	_ =	strace $0x8FFFFFFF  }
0x9b: {  	s19 =	sld [smem:$0x3FDB];
	_ =	sdelay $0x1  }
0x9c: {  	s7 =	simm.s32 $_scs_section_size  }
0x9d: {  	s8 =	simm.s32 $_size__tile_overlayer_lowered;
	s9 =	simm.s32 $_tile_overlayer_lowered  }
0x9e: {  	s22 =	simm.s32 $0x1BFF;
	s21 =	sshll.u32 s9, $0x1;
	s6 =	sadd.s32 s7, s19  }
0x9f: {  	s10 =	simm.s32 $0x0;
	s20 =	sshll.u32 s8, $0x1;
	s8 =	sadd.s32 s21, s6  }
0xa0: {  	[timem:s10], [sflag:s22] =	dma.local [hbm:s8], s20  }
0xa1: {  	_ =	swait.ge [sflag:s22], s20  }
0xa2: {  	s7 =	ssub.s32 $0x0, s20;
	[sflag:s22] =	ssyncset.done $0x0  }
0xa3: {  	[sflag:s22] =	ssyncadd.s32 s7;
	_ =	sdelay $0x1  }
0xa4: {  	s23 =	simm.s32 $0x1B8B  }
0xa5: {  	_ =	swait.ge [sflag:s23], $0x1  }
0xa6: {  	[sflag:s23] =	ssyncset.done $0x0  }
0xa7: {  	s25 =	simm.s32 $0x1B8E;
	s24 =	sld [smem:$0x3FFE];
	[sflag:s23] =	ssyncadd.s32 $0xFFFFFFFF  }
0xa8: {  	s26 =	simm.s32 $execute0_lowered;
	[smem:$0x3FD2] =	sst s25  }
0xa9: {  	s8 =	sshll.u32 s26, $0x1;
	_ =	strace $0x80000046;
	[dreg:$0x1] =	wrdreg $0xFFFFFFFF  }
0xaa: {  	s28 =	simm.s32 $_size_execute0_lowered;
	s6 =	sadd.s32 s6, s8;
	[dreg:$0x0] =	wrdreg $0x0  }
0xab: {  	s8 =	sshll.u32 s28, $0x1;
	[dreg:$0x2] =	wrdreg s6  }
0xac: {  	[dreg:$0x3] =	wrdreg s8  }
0xad: {  	[dreg:$0x4] =	wrdreg $0xC0  }
0xae: {  	_ =	task [dreg:s10], $0x5FFFF  }
0xaf: {  	[dreg:$0x1] =	wrdreg $0xFFFFFFFF  }
0xb0: {  	[dreg:$0x0] =	wrdreg $0x60  }
0xb1: {  	[dreg:$0x2] =	wrdreg s2  }
0xb2: {  	[dreg:$0x3] =	wrdreg s18  }
0xb3: {  	[dreg:$0x4] =	wrdreg s4  }
0xb4: {  	[dreg:$0x5] =	wrdreg s24  }
0xb5: {  	[dreg:$0x6] =	wrdreg s5  }
0xb6: {  	[dreg:$0x7] =	wrdreg $0x9  }
0xb7: {  	_ =	task.clear_ibuf [dreg:s10], $0x8FFFF;
	_ =	strace $0x90000046  }
0xb8: {  	s29 =	simm.s32 $0x9;
	_ =	strace $0x80000048  }
0xb9: {  	_ =	swait.ge [sflag:s29], $0x1  }
0xba: {  	[sflag:s29] =	ssyncadd.s32 $0xFFFFFFFF  }
0xbb: {  	_ =	strace $0x90000048  }
0xbc: {  	_ =	sfence  }
0xbd: {  	s30 =	sld [smem:$0x0];
	_ =	sdelay $0x2  }
0xbe: {  	s31 =	sshll.u32 s1, $0xD;
	s1 =	sshrl.u32 s1, $0x2  }
0xbf: {  	s3 =	sand.u32 $0x4000, s31;
	s1 =	sadd.s32 s1, s30  }
0xc0: {  	s0 =	sor.u32 s3, s0;
	s1 =	sshll.u32 s1, $0x11  }
0xc1: {  	s0 =	sor.u32 s1, s0  }
0xc2: {  	s0 =	sadd.s32 $0x8F2B, s0  }
0xc3: {  	[sflag:s0] =	ssyncadd.remote.s32 $0x1  }
0xc4: {  	_ =	sfence.sel $0xFFFF  }
0xc5: {  	[dreg:$0x0] =	wrdreg $0xFFFFFFFF;
	(pc) =	sbr.abs _section_cstart, $3  }
0xc6: {  	[dreg:$0x1] =	wrdreg $0xFFFFFFFF  }
0xc7: {  	_ =	task.clear_ibuf [dreg:s10], $0x2FFFF;
	_ =	strace $0x9FFFFFFF  }
0xc8: {  	(tm) =	ssettm $0x7FFFFFFF  }
0xc9: {  	_ =	shalt  }
tec
execute0_lowered:
.L_overlay_start_1:
0x0: {  	(tag) =	ssettag $0x1  }
0x1: {  	s0 =	rddreg [dreg:$0x0]  }
0x2: {  	s2 =	rddreg [dreg:$0x1]  }
0x3: {  	s16 =	rddreg [dreg:$0x2]  }
0x4: {  	s4 =	rddreg [dreg:$0x3]  }
0x5: {  	s17 =	rddreg [dreg:$0x4];
	s1 =	simm.s32 $0x0;
	s5 =	srdreg.scid  }
0x6: {  	s7 =	stileid.u32;
	s22 =	simm.s32 $0x80;
	s21 =	simm.s32 $0x1  }
0x7: {  	s24 =	simm.s32 $0x0;
	s28 =	simm.s32 $0x280;
	s29 =	simm.s32 $0x480  }
0x8: {  	s30 =	simm.s32 $0x100;
	s31 =	simm.s32 $0x300;
	[smem:$0x7FF] =	sst s1  }
0x9: {  	s3 =	sadd.s32 $0xF42A00, s4;
	s5 =	sand.u32 $0x1, s5;
	s7 =	sshll.u32 s7, $0x7  }
0xa: {  	s4 =	sadd.s32 $0x600, s4;
	s6 =	ssub.s32 $0x2, s5;
	s5 =	sshll.u32 s5, $0x6  }
0xb: {  	_ =	strace $0x80000047;
	s8 =	sshrl.u32 s6, $0x1;
	s18 =	sor.u32 s5, s7  }
0xc: {  	s7 =	simm.s32 $0x580;
	s19 =	ssub.s32 s6, s8;
	s5 =	sadd.s32 s0, s18  }
0xd: {  	s10 =	sor.u32 $0x10, s18;
	s25 =	sadd.s32 s2, s18;
	s26 =	sadd.s32 s16, s18  }
0xe: {  	s13 =	sor.u32 $0x20, s18;
	s20 =	sor.u32 $0x30, s18;
	[dreg:$0x6] =	wrdreg s5  }
0xf: {  	s17 =	sadd.s32 s17, s18;
	s6 =	simm.s32 $0x380;
	[dreg:$0x7] =	wrdreg s25  }
0x10: {  	[dreg:$0x8] =	wrdreg s26;
	s8 =	sadd.s32 s0, s10;
	s9 =	sadd.s32 s2, s10  }
0x11: {  	v0 =	vlaneseq.u32;
	s10 =	sadd.s32 s16, s10;
	s11 =	sadd.s32 s0, s13;
	s12 =	sadd.s32 s2, s13  }
0x12: {  	v1 =	vmul.u32 $0x40, v0;
	s13 =	sadd.s32 s16, s13;
	s14 =	sadd.s32 s0, s20;
	s15 =	sadd.s32 s2, s20  }
0x13: {  	s16 =	sadd.s32 s16, s20;
	s18 =	smax.u32 s19, $0x1;
	s19 =	simm.s32 $0x2  }
0x14: {  	[tilespmem:$0x1FFF0] =	vst v1;
	s0 =	simm.s32 $0x600;
	s2 =	simm.s32 $0x10600;
	s20 =	simm.s32 $0x8600  }
.LBB2_1:
0x15: {  	s5 =	rddreg [dreg:$0x6]  }
0x16: {  	[tilespmem:s1], [sflag:$0x2] =	stream.linear.gather [hbm4b:s5+s1], $0x80, $0x38;
	[tilespmem:$0x18800] =	vst v63  }
0x17: {  	_ =	swait.ge [sflag:s19], $0x80  }
0x18: {  	[sflag:s19] =	ssyncset.done $0x0  }
0x19: {  	s25 =	simm.s32 $0x200;
	s26 =	rddreg [dreg:$0x7];
	[sflag:s19] =	ssyncadd.s32 $0xFFFFFF80  }
0x1a: {  	[tilespmem:s25], [sflag:$0x2] =	stream.linear.gather [hbm4b:s26+s1], $0x80, $0x38;
	[tilespmem:$0x18800] =	vst v63  }
0x1b: {  	_ =	swait.ge [sflag:s19], $0x80  }
0x1c: {  	[sflag:s19] =	ssyncset.done $0x0  }
0x1d: {  	s26 =	simm.s32 $0x400;
	s23 =	rddreg [dreg:$0x8];
	[sflag:s19] =	ssyncadd.s32 $0xFFFFFF80  }
0x1e: {  	[tilespmem:s26], [sflag:$0x2] =	stream.linear.gather [hbm4b:s23+s1], $0x80, $0x38;
	[tilespmem:$0x18800] =	vst v63  }
0x1f: {  	_ =	swait.ge [sflag:s19], $0x80  }
0x20: {  	[sflag:s19] =	ssyncset.done $0x0  }
0x21: {  	[sflag:s19] =	ssyncadd.s32 $0xFFFFFF80  }
0x22: {  	[tilespmem:s22], [sflag:$0x2] =	stream.linear.gather [hbm4b:s8+s1], $0x80, $0x38;
	[tilespmem:$0x18800] =	vst v63  }
0x23: {  	_ =	swait.ge [sflag:s19], $0x80  }
0x24: {  	[sflag:s19] =	ssyncset.done $0x0  }
0x25: {  	[sflag:s19] =	ssyncadd.s32 $0xFFFFFF80  }
0x26: {  	[tilespmem:s28], [sflag:$0x2] =	stream.linear.gather [hbm4b:s9+s1], $0x80, $0x38;
	[tilespmem:$0x18800] =	vst v63  }
0x27: {  	_ =	swait.ge [sflag:s19], $0x80  }
0x28: {  	[sflag:s19] =	ssyncset.done $0x0  }
0x29: {  	[sflag:s19] =	ssyncadd.s32 $0xFFFFFF80  }
0x2a: {  	[tilespmem:s29], [sflag:$0x2] =	stream.linear.gather [hbm4b:s10+s1], $0x80, $0x38;
	[tilespmem:$0x18800] =	vst v63  }
0x2b: {  	_ =	swait.ge [sflag:s19], $0x80  }
0x2c: {  	[sflag:s19] =	ssyncset.done $0x0  }
0x2d: {  	[sflag:s19] =	ssyncadd.s32 $0xFFFFFF80  }
0x2e: {  	[tilespmem:s30], [sflag:$0x2] =	stream.linear.gather [hbm4b:s11+s1], $0x80, $0x38;
	[tilespmem:$0x18800] =	vst v63  }
0x2f: {  	_ =	swait.ge [sflag:s19], $0x80  }
0x30: {  	[sflag:s19] =	ssyncset.done $0x0  }
0x31: {  	[sflag:s19] =	ssyncadd.s32 $0xFFFFFF80  }
0x32: {  	[tilespmem:s31], [sflag:$0x2] =	stream.linear.gather [hbm4b:s12+s1], $0x80, $0x38;
	[tilespmem:$0x18800] =	vst v63  }
0x33: {  	_ =	swait.ge [sflag:s19], $0x80  }
0x34: {  	[sflag:s19] =	ssyncset.done $0x0  }
0x35: {  	s23 =	simm.s32 $0x500;
	[sflag:s19] =	ssyncadd.s32 $0xFFFFFF80  }
0x36: {  	[tilespmem:s23], [sflag:$0x2] =	stream.linear.gather [hbm4b:s13+s1], $0x80, $0x38;
	[tilespmem:$0x18800] =	vst v63  }
0x37: {  	_ =	swait.ge [sflag:s19], $0x80  }
0x38: {  	[sflag:s19] =	ssyncset.done $0x0  }
0x39: {  	s5 =	simm.s32 $0x180;
	[sflag:s19] =	ssyncadd.s32 $0xFFFFFF80  }
0x3a: {  	[tilespmem:s5], [sflag:$0x2] =	stream.linear.gather [hbm4b:s14+s1], $0x80, $0x38;
	[tilespmem:$0x18800] =	vst v63  }
0x3b: {  	_ =	swait.ge [sflag:s19], $0x80  }
0x3c: {  	[sflag:s19] =	ssyncset.done $0x0  }
0x3d: {  	[sflag:s19] =	ssyncadd.s32 $0xFFFFFF80  }
0x3e: {  	[tilespmem:s6], [sflag:$0x2] =	stream.linear.gather [hbm4b:s15+s1], $0x80, $0x38;
	[tilespmem:$0x18800] =	vst v63  }
0x3f: {  	_ =	swait.ge [sflag:s19], $0x80  }
0x40: {  	[sflag:s19] =	ssyncset.done $0x0  }
0x41: {  	[sflag:s19] =	ssyncadd.s32 $0xFFFFFF80  }
0x42: {  	[tilespmem:s7], [sflag:$0x2] =	stream.linear.gather [hbm4b:s16+s1], $0x80, $0x38;
	[tilespmem:$0x18800] =	vst v63  }
0x43: {  	_ =	swait.ge [sflag:s19], $0x80  }
0x44: {  	[sflag:s19] =	ssyncset.done $0x0  }
0x45: {  	[sflag:s19] =	ssyncadd.s32 $0xFFFFFF80  }
0x46: {  	[tilespmem:s0], [sflag:$0x1] =	stream.indirect.gather [hbm4b:s3+s22], $0x40, s1, s22, $0xb8;
	[tilespmem:$0x18800] =	vst v63  }
0x47: {  	_ = 	snop  }
0x48: {  	[tilespmem:s2], [sflag:$0x1] =	stream.indirect.gather [hbm4b:s3+s22], $0x40, s26, s22, $0xb8;
	[tilespmem:$0x18800] =	vst v63  }
0x49: {  	_ = 	snop  }
0x4a: {  	[tilespmem:s20], [sflag:$0x1] =	stream.indirect.gather [hbm4b:s4+s22], $0x40, s25, s22, $0xb8;
	[tilespmem:$0x18800] =	vst v63  }
0x4b: {  	s26 =	simm.s32 $0x2600  }
0x4c: {  	[tilespmem:s26], [sflag:$0x1] =	stream.indirect.gather [hbm4b:s3+s22], $0x40, s22, s22, $0xb8;
	[tilespmem:$0x18800] =	vst v63  }
0x4d: {  	s26 =	simm.s32 $0x12600  }
0x4e: {  	[tilespmem:s26], [sflag:$0x1] =	stream.indirect.gather [hbm4b:s3+s22], $0x40, s29, s22, $0xb8;
	[tilespmem:$0x18800] =	vst v63  }
0x4f: {  	s26 =	simm.s32 $0xA600  }
0x50: {  	[tilespmem:s26], [sflag:$0x1] =	stream.indirect.gather [hbm4b:s4+s22], $0x40, s28, s22, $0xb8;
	[tilespmem:$0x18800] =	vst v63  }
0x51: {  	s26 =	simm.s32 $0x4600  }
0x52: {  	[tilespmem:s26], [sflag:$0x1] =	stream.indirect.gather [hbm4b:s3+s22], $0x40, s30, s22, $0xb8;
	[tilespmem:$0x18800] =	vst v63  }
0x53: {  	s26 =	simm.s32 $0x14600  }
0x54: {  	[tilespmem:s26], [sflag:$0x1] =	stream.indirect.gather [hbm4b:s3+s22], $0x40, s23, s22, $0xb8;
	[tilespmem:$0x18800] =	vst v63  }
0x55: {  	s25 =	simm.s32 $0xC600  }
0x56: {  	[tilespmem:s25], [sflag:$0x1] =	stream.indirect.gather [hbm4b:s4+s22], $0x40, s31, s22, $0xb8;
	[tilespmem:$0x18800] =	vst v63  }
0x57: {  	s26 =	simm.s32 $0x6600  }
0x58: {  	[tilespmem:s26], [sflag:$0x1] =	stream.indirect.gather [hbm4b:s3+s22], $0x40, s5, s22, $0xb8;
	[tilespmem:$0x18800] =	vst v63  }
0x59: {  	s25 =	simm.s32 $0x16600  }
0x5a: {  	[tilespmem:s25], [sflag:$0x1] =	stream.indirect.gather [hbm4b:s3+s22], $0x40, s7, s22, $0xb8;
	[tilespmem:$0x18800] =	vst v63  }
0x5b: {  	s26 =	simm.s32 $0xE600  }
0x5c: {  	[tilespmem:s26], [sflag:$0x1] =	stream.indirect.gather [hbm4b:s4+s22], $0x40, s6, s22, $0xb8;
	[tilespmem:$0x18800] =	vst v63  }
0x5d: {  	_ =	swait.ge [sflag:s21], $0x2000  }
0x5e: {  	[sflag:s21] =	ssyncset.done $0x0  }
0x5f: {  	[sflag:s21] =	ssyncadd.s32 $0xFFFFE000  }
0x60: {  	_ =	swait.ge [sflag:s21], $0x2000  }
0x61: {  	[sflag:s21] =	ssyncset.done $0x0  }
0x62: {  	[sflag:s21] =	ssyncadd.s32 $0xFFFFE000  }
0x63: {  	_ =	swait.ge [sflag:s21], $0x2000  }
0x64: {  	[sflag:s21] =	ssyncset.done $0x0  }
0x65: {  	[sflag:s21] =	ssyncadd.s32 $0xFFFFE000  }
0x66: {  	_ =	swait.ge [sflag:s21], $0x2000  }
0x67: {  	[sflag:s21] =	ssyncset.done $0x0  }
0x68: {  	[sflag:s21] =	ssyncadd.s32 $0xFFFFE000  }
0x69: {  	_ =	swait.ge [sflag:s21], $0x2000  }
0x6a: {  	[sflag:s21] =	ssyncset.done $0x0  }
0x6b: {  	[sflag:s21] =	ssyncadd.s32 $0xFFFFE000  }
0x6c: {  	_ =	swait.ge [sflag:s21], $0x2000  }
0x6d: {  	[sflag:s21] =	ssyncset.done $0x0  }
0x6e: {  	[sflag:s21] =	ssyncadd.s32 $0xFFFFE000  }
0x6f: {  	_ =	swait.ge [sflag:s21], $0x2000  }
0x70: {  	[sflag:s21] =	ssyncset.done $0x0  }
0x71: {  	[sflag:s21] =	ssyncadd.s32 $0xFFFFE000  }
0x72: {  	_ =	swait.ge [sflag:s21], $0x2000  }
0x73: {  	[sflag:s21] =	ssyncset.done $0x0  }
0x74: {  	[sflag:s21] =	ssyncadd.s32 $0xFFFFE000  }
0x75: {  	_ =	swait.ge [sflag:s21], $0x2000  }
0x76: {  	[sflag:s21] =	ssyncset.done $0x0  }
0x77: {  	[sflag:s21] =	ssyncadd.s32 $0xFFFFE000  }
0x78: {  	_ =	swait.ge [sflag:s21], $0x2000  }
0x79: {  	v0 =	vmov s1;
	[sflag:s21] =	ssyncset.done $0x0  }
0x7a: {  	v0 =	vshll.u32 v0, $0x6;
	[sflag:s21] =	ssyncadd.s32 $0xFFFFE000  }
0x7b: {  	v0 =	vor.u32 v1, v0;
	_ =	swait.ge [sflag:s21], $0x2000  }
0x7c: {  	v21 =	vor.u32 $0x1, v0;
	[sflag:s21] =	ssyncset.done $0x0  }
0x7d: {  	[sflag:s21] =	ssyncadd.s32 $0xFFFFE000  }
0x7e: {  	_ =	swait.ge [sflag:s21], $0x2000  }
0x7f: {  	v19 =	vor.u32 $0x2, v0;
	[sflag:s21] =	ssyncset.done $0x0  }
0x80: {  	[sflag:s21] =	ssyncadd.s32 $0xFFFFE000  }
0x81: {  	v20 =	vor.u32 $0x3, v0;
	v2 =	vld.idx.msk [tilespmem:v21+s0+$0x0], $0xffff  }
0x82: {  	v3 =	vld.idx.msk [tilespmem:v0+s0+$0x0], $0xffff  }
0x83: {  	v22 =	vor.u32 $0x4, v0;
	v26 =	vor.u32 $0xE, v0;
	v1 =	vld.idx.msk [tilespmem:v21+s2+$0x0], $0xffff  }
0x84: {  	v58 =	vor.u32 $0x5, v0;
	v37 =	vor.u32 $0x11, v0;
	[tilespmem:$0x1F060] =	vst v26;
	v7 =	vld.idx.msk [tilespmem:v19+s0+$0x0], $0xffff  }
0x85: {  	[tilespmem:$0x1F0E0] =	vst v37;
	v9 =	vld.idx.msk [tilespmem:v0+s2+$0x0], $0xffff  }
0x86: {  	v59 =	vor.u32 $0x6, v0;
	v10 =	vld.idx.msk [tilespmem:v20+s0+$0x0], $0xffff;
	[tilespmem:$0x1EEA0] =	vst v2  }
0x87: {  	v4 =	vld.idx.msk [tilespmem:v19+s2+$0x0], $0xffff;
	[tilespmem:$0x1EE90] =	vst v3  }
0x88: {  	v60 =	vor.u32 $0x7, v0;
	v13 =	vld.idx.msk [tilespmem:v22+s0+$0x0], $0xffff;
	[tilespmem:$0x1EED0] =	vst v1  }
0x89: {  	v12 =	vld.idx.msk [tilespmem:v58+s0+$0x0], $0xffff;
	[tilespmem:$0x1EEB0] =	vst v7  }
0x8a: {  	v61 =	vor.u32 $0xA, v0;
	v11 =	vld.idx.msk [tilespmem:v22+s2+$0x0], $0xffff;
	[tilespmem:$0x1EEC0] =	vst v9  }
0x8b: {  	v63 =	vor.u32 $0xB, v0;
	v45 =	vld.idx.msk [tilespmem:v59+s0+$0x0], $0xffff;
	[tilespmem:$0x1EEE0] =	vst v10  }
0x8c: {  	v46 =	vld.idx.msk [tilespmem:v58+s2+$0x0], $0xffff;
	[tilespmem:$0x1EEF0] =	vst v4  }
0x8d: {  	v49 =	vld.idx.msk [tilespmem:v60+s0+$0x0], $0xffff;
	[tilespmem:$0x1EF00] =	vst v13  }
0x8e: {  	v62 =	vor.u32 $0xD, v0;
	v53 =	vld.idx.msk [tilespmem:v60+s2+$0x0], $0xffff;
	[tilespmem:$0x1EF20] =	vst v12  }
0x8f: {  	v18 =	vld.idx.msk [tilespmem:v61+s0+$0x0], $0xffff;
	[tilespmem:$0x1EF30] =	vst v11  }
0x90: {  	v24 =	vld.idx.msk [tilespmem:v63+s0+$0x0], $0xffff;
	[tilespmem:$0x1EF40] =	vst v45  }
0x91: {  	v25 =	vld.idx.msk [tilespmem:v61+s2+$0x0], $0xffff;
	[tilespmem:$0x1EF50] =	vst v46  }
0x92: {  	v30 =	vld.idx.msk [tilespmem:v63+s2+$0x0], $0xffff;
	[tilespmem:$0x1EF60] =	vst v49  }
0x93: {  	v14 =	vld.idx.msk [tilespmem:v62+s0+$0x0], $0xffff;
	[tilespmem:$0x1EFB0] =	vst v53  }
0x94: {  	v35 =	vld.idx.msk [tilespmem:v26+s0+$0x0], $0xffff;
	[tilespmem:$0x1EFE0] =	vst v18  }
0x95: {  	v36 =	vld.idx.msk [tilespmem:v62+s2+$0x0], $0xffff;
	[tilespmem:$0x1F000] =	vst v24  }
0x96: {  	v41 =	vld.idx.msk [tilespmem:v26+s2+$0x0], $0xffff;
	[tilespmem:$0x1F020] =	vst v25  }
0x97: {  	v5 =	vmul.f32 v3, v3;
	v3 =	vld.idx.msk [tilespmem:v20+s2+$0x0], $0xffff;
	[tilespmem:$0x1F040] =	vst v30  }
0x98: {  	v6 =	vmul.f32 v2, v2;
	v7 =	vmul.f32 v7, v7;
	v2 =	vor.u32 $0x8, v0;
	[tilespmem:$0x1F050] =	vst v14  }
0x99: {  	v8 =	vmul.f32 v9, v9;
	v42 =	vmul.f32 v1, v1;
	v1 =	vor.u32 $0x9, v0;
	[tilespmem:$0x1F080] =	vst v35  }
0x9a: {  	v43 =	vmul.f32 v10, v10;
	v44 =	vmul.f32 v4, v4;
	[tilespmem:$0x1F0A0] =	vst v36  }
0x9b: {  	v33 =	vmul.f32 v24, v24;
	[tilespmem:$0x1F0C0] =	vst v41;
	v24 =	vor.u32 $0x13, v0;
	v6 =	vadd.f32 v6, v5  }
0x9c: {  	v47 =	vmul.f32 v13, v13;
	[tilespmem:$0x1EF10] =	vst v3;
	v48 =	vmul.f32 v3, v3;
	v3 =	vld.idx.msk [tilespmem:v59+s2+$0x0], $0xffff  }
0x9d: {  	[tilespmem:$0x1EF70] =	vst v2;
	v8 =	vadd.f32 v42, v8;
	v6 =	vadd.f32 v7, v6;
	v52 =	vld.idx.msk [tilespmem:v2+s0+$0x0], $0xffff  }
0x9e: {  	v50 =	vmul.f32 v12, v12;
	v39 =	vmul.f32 v30, v30;
	v30 =	vor.u32 $0x18, v0;
	[tilespmem:$0x1EFA0] =	vst v1;
	v56 =	vld.idx.msk [tilespmem:v1+s0+$0x0], $0xffff  }
0x9f: {  	[tilespmem:$0x1F200] =	vst v30;
	v8 =	vadd.f32 v44, v8;
	v57 =	vld.idx.msk [tilespmem:v2+s2+$0x0], $0xffff;
	v2 =	vor.u32 $0xC, v0;
	v6 =	vadd.f32 v43, v6  }
0xa0: {  	v51 =	vmul.f32 v11, v11;
	v31 =	vmul.f32 v18, v18;
	v18 =	vld.idx.msk [tilespmem:v24+s2+$0x0], $0xffff;
	[tilespmem:$0x1F010] =	vst v2  }
0xa1: {  	v54 =	vmul.f32 v45, v45;
	v8 =	vadd.f32 v48, v8;
	v7 =	vadd.f32 v47, v6;
	[tilespmem:$0x1EF80] =	vst v3  }
0xa2: {  	v26 =	vor.u32 $0x1A, v0;
	v55 =	vmul.f32 v46, v46;
	v16 =	vmul.f32 v49, v49;
	[tilespmem:$0x1EF90] =	vst v52  }
0xa3: {  	v48 =	vld.idx.msk [tilespmem:v37+s0+$0x0], $0xffff;
	v47 =	vmov v37;
	v8 =	vadd.f32 v51, v8;
	v7 =	vadd.f32 v50, v7;
	[tilespmem:$0x1EFC0] =	vst v56  }
0xa4: {  	v23 =	vmul.f32 v53, v53;
	[tilespmem:$0x1EFD0] =	vst v57;
	v17 =	vmul.f32 v3, v3;
	v3 =	vld.idx.msk [tilespmem:v1+s2+$0x0], $0xffff;
	v1 =	vmov v2  }
0xa5: {  	v29 =	vld.idx.msk [tilespmem:v2+s0+$0x0], $0xffff;
	v2 =	vor.u32 $0xF, v0;
	[tilespmem:$0x1F1A0] =	vst v18;
	v8 =	vadd.f32 v55, v8;
	v7 =	vadd.f32 v54, v7  }
0xa6: {  	v45 =	vmul.f32 v35, v35;
	v28 =	vmul.f32 v57, v57;
	v50 =	vor.u32 $0x14, v0;
	v57 =	vld.idx.msk [tilespmem:v24+s0+$0x0], $0xffff;
	[tilespmem:$0x1F090] =	vst v2  }
0xa7: {  	v11 =	vmul.f32 v52, v52;
	[tilespmem:$0x1F160] =	vst v50;
	v8 =	vadd.f32 v17, v8;
	v10 =	vadd.f32 v16, v7  }
0xa8: {  	v27 =	vmul.f32 v56, v56;
	[tilespmem:$0x1F100] =	vst v48;
	v54 =	vld.idx.msk [tilespmem:v47+s2+$0x0], $0xffff;
	v7 =	vmul.f32 v48, v48  }
0xa9: {  	v35 =	vor.u32 $0x1C, v0;
	v48 =	vld.idx.msk [tilespmem:v26+s0+$0x0], $0xffff;
	[tilespmem:$0x1EFF0] =	vst v3;
	v8 =	vadd.f32 v23, v8;
	v10 =	vadd.f32 v11, v10  }
0xaa: {  	[tilespmem:$0x1F030] =	vst v29;
	v32 =	vmul.f32 v3, v3;
	v3 =	vld.idx.msk [tilespmem:v1+s2+$0x0], $0xffff;
	v23 =	vor.u32 $0x10, v0;
	v1 =	vmov v2  }
0xab: {  	v40 =	vld.idx.msk [tilespmem:v2+s0+$0x0], $0xffff;
	v2 =	vor.u32 $0x12, v0;
	[tilespmem:$0x1F150] =	vst v57;
	v8 =	vadd.f32 v28, v8;
	v10 =	vadd.f32 v27, v10  }
0xac: {  	v34 =	vmul.f32 v25, v25;
	v38 =	vmul.f32 v29, v29;
	v17 =	vld.idx.msk [tilespmem:v50+s0+$0x0], $0xffff;
	[tilespmem:$0x1F110] =	vst v2  }
0xad: {  	v29 =	vld.idx.msk [tilespmem:v50+s2+$0x0], $0xffff;
	[tilespmem:$0x1F140] =	vst v54;
	v9 =	vadd.f32 v32, v8;
	v10 =	vadd.f32 v31, v10  }
0xae: {  	v42 =	vmul.f32 v14, v14;
	v14 =	vmul.f32 v57, v57;
	v57 =	vld.idx.msk [tilespmem:v35+s2+$0x0], $0xffff;
	[tilespmem:$0x1F260] =	vst v48  }
0xaf: {  	[tilespmem:$0x1F070] =	vst v3;
	v9 =	vadd.f32 v34, v9;
	v10 =	vadd.f32 v33, v10  }
0xb0: {  	v25 =	vor.u32 $0x17, v0;
	[tilespmem:$0x1F0B0] =	vst v40;
	v43 =	vmul.f32 v3, v3;
	v44 =	vld.idx.msk [tilespmem:v23+s0+$0x0], $0xffff  }
0xb1: {  	v3 =	vld.idx.msk [tilespmem:v1+s2+$0x0], $0xffff;
	v1 =	vmov v2;
	[tilespmem:$0x1F180] =	vst v17;
	v9 =	vadd.f32 v39, v9;
	v10 =	vadd.f32 v38, v10  }
0xb2: {  	v46 =	vmul.f32 v36, v36;
	v53 =	vld.idx.msk [tilespmem:v2+s0+$0x0], $0xffff;
	v2 =	vor.u32 $0x15, v0;
	[tilespmem:$0x1F1C0] =	vst v29  }
0xb3: {  	v49 =	vld.idx.msk [tilespmem:v23+s2+$0x0], $0xffff;
	[tilespmem:$0x1F2D0] =	vst v57;
	v12 =	vadd.f32 v43, v9;
	v10 =	vadd.f32 v42, v10  }
0xb4: {  	v52 =	vmul.f32 v41, v41;
	v51 =	vmul.f32 v40, v40;
	[tilespmem:$0x1F190] =	vst v2  }
0xb5: {  	v39 =	vld.idx.msk [tilespmem:v25+s0+$0x0], $0xffff;
	[tilespmem:$0x1F0D0] =	vst v44;
	v12 =	vadd.f32 v46, v12;
	v10 =	vadd.f32 v45, v10  }
0xb6: {  	v34 =	vor.u32 $0x19, v0;
	v33 =	vor.u32 $0x16, v0;
	[tilespmem:$0x1F0F0] =	vst v3;
	v56 =	vmul.f32 v3, v3;
	v3 =	vld.idx.msk [tilespmem:v1+s2+$0x0], $0xffff  }
0xb7: {  	v55 =	vmul.f32 v44, v44;
	v1 =	vld.idx.msk [tilespmem:v2+s0+$0x0], $0xffff;
	v12 =	vadd.f32 v52, v12;
	v10 =	vadd.f32 v51, v10  }
0xb8: {  	[tilespmem:$0x1F120] =	vst v49;
	v2 =	vld.idx.msk [tilespmem:v2+s2+$0x0], $0xffff  }
0xb9: {  	v16 =	vmul.f32 v49, v49;
	v43 =	vld.idx.msk [tilespmem:v25+s2+$0x0], $0xffff;
	v12 =	vadd.f32 v56, v12;
	v10 =	vadd.f32 v55, v10  }
0xba: {  	v28 =	vmul.f32 v54, v54;
	[tilespmem:$0x1F130] =	vst v53;
	v27 =	vmul.f32 v53, v53;
	v53 =	vld.idx.msk [tilespmem:v35+s0+$0x0], $0xffff  }
0xbb: {  	v36 =	vld.idx.msk [tilespmem:v33+s0+$0x0], $0xffff;
	[tilespmem:$0x1F1F0] =	vst v39;
	v12 =	vadd.f32 v16, v12;
	v10 =	vadd.f32 v7, v10  }
0xbc: {  	v37 =	vmul.f32 v17, v17;
	v49 =	vld.idx.msk [tilespmem:v34+s2+$0x0], $0xffff;
	[tilespmem:$0x1F170] =	vst v3  }
0xbd: {  	[tilespmem:$0x1F1B0] =	vst v1;
	v31 =	vmul.f32 v3, v3;
	v12 =	vadd.f32 v28, v12;
	v11 =	vadd.f32 v27, v10  }
0xbe: {  	v38 =	vmul.f32 v18, v18;
	v42 =	vmul.f32 v29, v29;
	v40 =	vld.idx.msk [tilespmem:v33+s2+$0x0], $0xffff;
	[tilespmem:$0x1F1E0] =	vst v2  }
0xbf: {  	v29 =	vor.u32 $0x23, v0;
	v3 =	vld.idx.msk [tilespmem:v30+s0+$0x0], $0xffff;
	[tilespmem:$0x1F230] =	vst v43;
	v12 =	vadd.f32 v31, v12;
	v11 =	vadd.f32 v14, v11  }
0xc0: {  	v41 =	vmul.f32 v1, v1;
	[tilespmem:$0x1F2A0] =	vst v53;
	v15 =	vmul.f32 v36, v36  }
0xc1: {  	v45 =	vld.idx.msk [tilespmem:v34+s0+$0x0], $0xffff;
	[tilespmem:$0x1F1D0] =	vst v36;
	v36 =	vor.u32 $0x1F, v0;
	v12 =	vadd.f32 v38, v12;
	v11 =	vadd.f32 v37, v11  }
0xc2: {  	v46 =	vmul.f32 v39, v39;
	v44 =	vmul.f32 v2, v2;
	v1 =	vld.idx.msk [tilespmem:v30+s2+$0x0], $0xffff;
	[tilespmem:$0x1F270] =	vst v49;
	v27 =	vor.u32 $0x1D, v0  }
0xc3: {  	[tilespmem:$0x1F210] =	vst v40;
	v12 =	vadd.f32 v42, v12;
	v14 =	vadd.f32 v41, v11;
	v11 =	vor.u32 $0x1B, v0  }
0xc4: {  	v47 =	vmul.f32 v40, v40;
	v55 =	vmul.f32 v49, v49;
	v49 =	vld.idx.msk [tilespmem:v29+s0+$0x0], $0xffff;
	[tilespmem:$0x1F220] =	vst v3  }
0xc5: {  	v50 =	vmul.f32 v3, v3;
	v3 =	vld.idx.msk [tilespmem:v26+s2+$0x0], $0xffff;
	v12 =	vadd.f32 v44, v12;
	v14 =	vadd.f32 v15, v14  }
0xc6: {  	[tilespmem:$0x1F240] =	vst v45;
	v16 =	vmul.f32 v43, v43;
	v28 =	vor.u32 $0x20, v0;
	v32 =	vld.idx.msk [tilespmem:v36+s0+$0x0], $0xffff  }
0xc7: {  	[tilespmem:$0x1F250] =	vst v1;
	v10 =	vor.u32 $0x21, v0;
	v56 =	vld.idx.msk [tilespmem:v27+s0+$0x0], $0xffff;
	v13 =	vadd.f32 v47, v12;
	v14 =	vadd.f32 v46, v14  }
0xc8: {  	v51 =	vmul.f32 v45, v45;
	v52 =	vmul.f32 v1, v1;
	[tilespmem:$0x1F330] =	vst v10;
	v2 =	vld.idx.msk [tilespmem:v11+s0+$0x0], $0xffff  }
0xc9: {  	[tilespmem:$0x1F390] =	vst v49;
	v12 =	vor.u32 $0x1E, v0;
	v13 =	vadd.f32 v16, v13;
	v1 =	vld.idx.msk [tilespmem:v11+s2+$0x0], $0xffff;
	v14 =	vadd.f32 v50, v14  }
0xca: {  	v54 =	vmul.f32 v48, v48;
	[tilespmem:$0x1F290] =	vst v3;
	v17 =	vmul.f32 v3, v3;
	v3 =	vld.idx.msk [tilespmem:v27+s2+$0x0], $0xffff  }
0xcb: {  	v42 =	vld.idx.msk [tilespmem:v36+s2+$0x0], $0xffff;
	[tilespmem:$0x1F300] =	vst v32;
	v13 =	vadd.f32 v52, v13;
	v14 =	vadd.f32 v51, v14  }
0xcc: {  	v37 =	vor.u32 $0x22, v0;
	v41 =	vld.idx.msk [tilespmem:v28+s0+$0x0], $0xffff;
	[tilespmem:$0x1F2C0] =	vst v56  }
0xcd: {  	v16 =	vadd.f32 v55, v13;
	[tilespmem:$0x1F280] =	vst v2;
	v14 =	vadd.f32 v54, v14;
	v9 =	vmul.f32 v2, v2  }
0xce: {  	v30 =	vmul.f32 v53, v53;
	v40 =	vmul.f32 v57, v57;
	[tilespmem:$0x1F2B0] =	vst v1;
	v2 =	vld.idx.msk [tilespmem:v12+s0+$0x0], $0xffff  }
0xcf: {  	v31 =	vmul.f32 v1, v1;
	v1 =	vld.idx.msk [tilespmem:v12+s2+$0x0], $0xffff;
	v16 =	vadd.f32 v17, v16;
	v14 =	vadd.f32 v9, v14  }
0xd0: {  	[tilespmem:$0x1F2F0] =	vst v3;
	v39 =	vmul.f32 v56, v56;
	v44 =	vmul.f32 v3, v3;
	v3 =	vld.idx.msk [tilespmem:v28+s2+$0x0], $0xffff  }
0xd1: {  	[tilespmem:$0x1F340] =	vst v42;
	v46 =	vld.idx.msk [tilespmem:v37+s0+$0x0], $0xffff;
	v16 =	vadd.f32 v31, v16;
	v14 =	vadd.f32 v30, v14  }
0xd2: {  	v38 =	vor.u32 $0x25, v0;
	[tilespmem:$0x1F320] =	vst v41;
	v50 =	vld.idx.msk [tilespmem:v37+s2+$0x0], $0xffff  }
0xd3: {  	[tilespmem:$0x1F2E0] =	vst v2;
	v43 =	vmul.f32 v2, v2;
	v16 =	vadd.f32 v40, v16;
	v14 =	vadd.f32 v39, v14  }
0xd4: {  	v18 =	vmul.f32 v32, v32;
	v30 =	vor.u32 $0x26, v0;
	[tilespmem:$0x1F310] =	vst v1;
	v2 =	vld.idx.msk [tilespmem:v10+s0+$0x0], $0xffff  }
0xd5: {  	v45 =	vmul.f32 v1, v1;
	v1 =	vld.idx.msk [tilespmem:v10+s2+$0x0], $0xffff;
	v16 =	vadd.f32 v44, v16;
	v15 =	vadd.f32 v43, v14  }
0xd6: {  	v48 =	vmul.f32 v42, v42;
	v47 =	vmul.f32 v41, v41;
	[tilespmem:$0x1F360] =	vst v3;
	v14 =	vor.u32 $0x24, v0  }
0xd7: {  	v52 =	vmul.f32 v3, v3;
	v3 =	vld.idx.msk [tilespmem:v29+s2+$0x0], $0xffff;
	v16 =	vadd.f32 v45, v16;
	v15 =	vadd.f32 v18, v15  }
0xd8: {  	[tilespmem:$0x1F370] =	vst v46;
	v54 =	vld.idx.msk [tilespmem:v38+s0+$0x0], $0xffff  }
0xd9: {  	v9 =	vld.idx.msk [tilespmem:v38+s2+$0x0], $0xffff;
	v51 =	vmul.f32 v2, v2;
	v16 =	vadd.f32 v48, v16;
	v15 =	vadd.f32 v47, v15  }
0xda: {  	[tilespmem:$0x1F3A0] =	vst v50;
	v39 =	vor.u32 $0x28, v0;
	v57 =	vld.idx.msk [tilespmem:v30+s0+$0x0], $0xffff;
	v53 =	vmul.f32 v1, v1  }
0xdb: {  	[tilespmem:$0x1F350] =	vst v2;
	v2 =	vld.idx.msk [tilespmem:v14+s0+$0x0], $0xffff;
	v16 =	vadd.f32 v52, v16;
	v18 =	vadd.f32 v51, v15;
	v15 =	vor.u32 $0x27, v0  }
0xdc: {  	v31 =	vmul.f32 v46, v46;
	[tilespmem:$0x1F380] =	vst v1;
	v1 =	vld.idx.msk [tilespmem:v14+s2+$0x0], $0xffff  }
0xdd: {  	v55 =	vmul.f32 v49, v49;
	v56 =	vmul.f32 v50, v50;
	[tilespmem:$0x1F3C0] =	vst v3;
	v16 =	vadd.f32 v53, v16  }
0xde: {  	[tilespmem:$0x1F3D0] =	vst v54;
	v40 =	vmul.f32 v3, v3;
	v3 =	vld.idx.msk [tilespmem:v30+s2+$0x0], $0xffff;
	v18 =	vadd.f32 v31, v18;
	v31 =	vor.u32 $0x29, v0  }
0xdf: {  	v10 =	vmul.f32 v54, v54;
	[tilespmem:$0x1F400] =	vst v9;
	v13 =	vld.idx.msk [tilespmem:v39+s0+$0x0], $0xffff;
	v17 =	vadd.f32 v56, v16  }
0xe0: {  	v16 =	vor.u32 $0x2A, v0;
	[tilespmem:$0x1F3B0] =	vst v2;
	v18 =	vadd.f32 v55, v18;
	v32 =	vmul.f32 v2, v2;
	v2 =	vld.idx.msk [tilespmem:v15+s0+$0x0], $0xffff  }
0xe1: {  	v48 =	vld.idx.msk [tilespmem:v39+s2+$0x0], $0xffff;
	[tilespmem:$0x1F3F0] =	vst v57;
	v41 =	vmul.f32 v1, v1;
	v17 =	vadd.f32 v40, v17;
	v40 =	vor.u32 $0x2B, v0  }
0xe2: {  	v46 =	vmul.f32 v9, v9;
	[tilespmem:$0x1F3E0] =	vst v1;
	v1 =	vld.idx.msk [tilespmem:v15+s2+$0x0], $0xffff;
	v18 =	vadd.f32 v32, v18  }
0xe3: {  	[tilespmem:$0x1F420] =	vst v3;
	v45 =	vmul.f32 v57, v57;
	v17 =	vadd.f32 v41, v17;
	v47 =	vld.idx.msk [tilespmem:v31+s0+$0x0], $0xffff  }
0xe4: {  	v43 =	vmul.f32 v3, v3;
	[tilespmem:$0x1F430] =	vst v13;
	v3 =	vld.idx.msk [tilespmem:v31+s2+$0x0], $0xffff;
	v18 =	vadd.f32 v10, v18  }
0xe5: {  	v32 =	vor.u32 $0x2C, v0;
	v41 =	vadd.f32 v46, v17;
	[tilespmem:$0x1F410] =	vst v2;
	v42 =	vmul.f32 v2, v2;
	v2 =	vld.idx.msk [tilespmem:v16+s0+$0x0], $0xffff  }
0xe6: {  	[tilespmem:$0x1F460] =	vst v48;
	v18 =	vadd.f32 v45, v18;
	v51 =	vld.idx.msk [tilespmem:v40+s0+$0x0], $0xffff  }
0xe7: {  	v17 =	vor.u32 $0x2D, v0;
	[tilespmem:$0x1F440] =	vst v1;
	v50 =	vmul.f32 v1, v1;
	v41 =	vadd.f32 v43, v41  }
0xe8: {  	v49 =	vmul.f32 v13, v13;
	v1 =	vld.idx.msk [tilespmem:v16+s2+$0x0], $0xffff;
	[tilespmem:$0x1F450] =	vst v47;
	v18 =	vadd.f32 v42, v18  }
0xe9: {  	v45 =	vmul.f32 v48, v48;
	v53 =	vld.idx.msk [tilespmem:v40+s2+$0x0], $0xffff;
	[tilespmem:$0x1F480] =	vst v3;
	v43 =	vadd.f32 v50, v41;
	v41 =	vor.u32 $0x2F, v0  }
0xea: {  	v52 =	vld.idx.msk [tilespmem:v32+s0+$0x0], $0xffff;
	v44 =	vmul.f32 v47, v47;
	v42 =	vadd.f32 v49, v18;
	v18 =	vor.u32 $0x2E, v0;
	[tilespmem:$0x1F470] =	vst v2  }
0xeb: {  	v55 =	vmul.f32 v3, v3;
	v3 =	vld.idx.msk [tilespmem:v32+s2+$0x0], $0xffff;
	[tilespmem:$0x1F490] =	vst v51;
	v43 =	vadd.f32 v45, v43  }
0xec: {  	v54 =	vmul.f32 v2, v2;
	v2 =	vld.idx.msk [tilespmem:v17+s0+$0x0], $0xffff;
	v46 =	vmul.f32 v51, v51;
	v42 =	vadd.f32 v44, v42  }
0xed: {  	[tilespmem:$0x1F4A0] =	vst v1;
	v47 =	vmul.f32 v1, v1;
	v1 =	vld.idx.msk [tilespmem:v17+s2+$0x0], $0xffff;
	v45 =	vadd.f32 v55, v43;
	v43 =	vor.u32 $0x31, v0  }
0xee: {  	[tilespmem:$0x1F4C0] =	vst v53;
	v8 =	vmul.f32 v53, v53;
	v44 =	vadd.f32 v54, v42;
	v42 =	vor.u32 $0x30, v0;
	v9 =	vld.idx.msk [tilespmem:v41+s0+$0x0], $0xffff  }
0xef: {  	[tilespmem:$0x1F4B0] =	vst v52;
	v57 =	vmul.f32 v52, v52;
	v56 =	vld.idx.msk [tilespmem:v18+s0+$0x0], $0xffff;
	v45 =	vadd.f32 v47, v45  }
0xf0: {  	[tilespmem:$0x1F4E0] =	vst v3;
	v49 =	vmul.f32 v3, v3;
	v10 =	vld.idx.msk [tilespmem:v18+s2+$0x0], $0xffff;
	v44 =	vadd.f32 v46, v44  }
0xf1: {  	[tilespmem:$0x1F4D0] =	vst v2;
	v48 =	vmul.f32 v2, v2;
	v2 =	vld.idx.msk [tilespmem:v41+s2+$0x0], $0xffff;
	v47 =	vadd.f32 v8, v45;
	v45 =	vor.u32 $0x33, v0  }
0xf2: {  	[tilespmem:$0x1F500] =	vst v1;
	v46 =	vadd.f32 v57, v44;
	v44 =	vor.u32 $0x32, v0;
	v55 =	vld.idx.msk [tilespmem:v43+s0+$0x0], $0xffff  }
0xf3: {  	v54 =	vmul.f32 v1, v1;
	[tilespmem:$0x1F510] =	vst v9;
	v13 =	vld.idx.msk [tilespmem:v42+s0+$0x0], $0xffff;
	v47 =	vadd.f32 v49, v47  }
0xf4: {  	v1 =	vld.idx.msk [tilespmem:v42+s2+$0x0], $0xffff;
	[tilespmem:$0x1F4F0] =	vst v56;
	v46 =	vadd.f32 v48, v46;
	v53 =	vmul.f32 v56, v56  }
0xf5: {  	v3 =	vld.idx.msk [tilespmem:v43+s2+$0x0], $0xffff;
	v50 =	vmul.f32 v9, v9;
	[tilespmem:$0x1F520] =	vst v10;
	v49 =	vadd.f32 v54, v47;
	v47 =	vor.u32 $0x35, v0  }
0xf6: {  	v51 =	vmul.f32 v10, v10;
	[tilespmem:$0x1F540] =	vst v2;
	v48 =	vadd.f32 v53, v46;
	v46 =	vor.u32 $0x34, v0;
	v9 =	vld.idx.msk [tilespmem:v45+s0+$0x0], $0xffff  }
0xf7: {  	v8 =	vmul.f32 v2, v2;
	[tilespmem:$0x1F550] =	vst v55;
	v56 =	vld.idx.msk [tilespmem:v44+s0+$0x0], $0xffff  }
0xf8: {  	v49 =	vadd.f32 v51, v49;
	v2 =	vld.idx.msk [tilespmem:v44+s2+$0x0], $0xffff;
	v48 =	vadd.f32 v50, v48;
	v57 =	vmul.f32 v13, v13  }
0xf9: {  	[tilespmem:$0x1F560] =	vst v1;
	v53 =	vmul.f32 v1, v1;
	v1 =	vld.idx.msk [tilespmem:v45+s2+$0x0], $0xffff  }
0xfa: {  	[tilespmem:$0x1F580] =	vst v3;
	v51 =	vadd.f32 v8, v49;
	v49 =	vor.u32 $0x37, v0;
	v50 =	vadd.f32 v57, v48;
	v57 =	vld.idx.msk [tilespmem:v47+s0+$0x0], $0xffff  }
0xfb: {  	v52 =	vmul.f32 v55, v55;
	[tilespmem:$0x1F530] =	vst v13;
	v48 =	vor.u32 $0x36, v0;
	v6 =	vld.idx.msk [tilespmem:v46+s0+$0x0], $0xffff  }
0xfc: {  	v13 =	vmul.f32 v3, v3;
	[tilespmem:$0x1F590] =	vst v9;
	v51 =	vadd.f32 v53, v51;
	v3 =	vld.idx.msk [tilespmem:v46+s2+$0x0], $0xffff  }
0xfd: {  	v54 =	vmul.f32 v9, v9;
	[tilespmem:$0x1F570] =	vst v56;
	v50 =	vadd.f32 v52, v50;
	v10 =	vmul.f32 v56, v56  }
0xfe: {  	[tilespmem:$0x1F5A0] =	vst v2;
	v55 =	vmul.f32 v2, v2;
	v2 =	vld.idx.msk [tilespmem:v47+s2+$0x0], $0xffff;
	v53 =	vadd.f32 v13, v51;
	v51 =	vor.u32 $0x39, v0  }
0xff: {  	[tilespmem:$0x1F5C0] =	vst v1;
	v13 =	vmul.f32 v1, v1;
	v52 =	vadd.f32 v10, v50;
	v50 =	vor.u32 $0x38, v0;
	v1 =	vld.idx.msk [tilespmem:v49+s0+$0x0], $0xffff  }
0x100: {  	[tilespmem:$0x1F5D0] =	vst v57;
	v9 =	vld.idx.msk [tilespmem:v48+s0+$0x0], $0xffff  }
0x101: {  	v53 =	vadd.f32 v55, v53;
	v4 =	vld.idx.msk [tilespmem:v48+s2+$0x0], $0xffff;
	v52 =	vadd.f32 v54, v52;
	v10 =	vmul.f32 v6, v6  }
0x102: {  	v56 =	vmul.f32 v57, v57;
	[tilespmem:$0x1F5E0] =	vst v3;
	v57 =	vmul.f32 v3, v3;
	v3 =	vld.idx.msk [tilespmem:v49+s2+$0x0], $0xffff  }
0x103: {  	v55 =	vadd.f32 v13, v53;
	v54 =	vadd.f32 v10, v52;
	v52 =	vor.u32 $0x3A, v0;
	v8 =	vld.idx.msk [tilespmem:v51+s0+$0x0], $0xffff  }
0x104: {  	[tilespmem:$0x1F600] =	vst v2;
	v53 =	vor.u32 $0x3B, v0;
	v13 =	vmul.f32 v2, v2;
	v7 =	vld.idx.msk [tilespmem:v50+s0+$0x0], $0xffff  }
0x105: {  	[tilespmem:$0x1F610] =	vst v1;
	v55 =	vadd.f32 v57, v55;
	v54 =	vadd.f32 v56, v54;
	v5 =	vmul.f32 v9, v9  }
0x106: {  	v1 =	vmul.f32 v1, v1;
	[tilespmem:$0x1F620] =	vst v4;
	v2 =	vmul.f32 v4, v4;
	v4 =	vld.idx.msk [tilespmem:v51+s2+$0x0], $0xffff  }
0x107: {  	[tilespmem:$0x1F5B0] =	vst v6;
	v57 =	vadd.f32 v13, v55;
	v56 =	vadd.f32 v5, v54;
	v5 =	vld.idx.msk [tilespmem:v50+s2+$0x0], $0xffff;
	v54 =	vor.u32 $0x3C, v0  }
0x108: {  	[tilespmem:$0x1F5F0] =	vst v9;
	v55 =	vor.u32 $0x3D, v0;
	v6 =	vld.idx.msk [tilespmem:v52+s0+$0x0], $0xffff  }
0x109: {  	v13 =	vadd.f32 v2, v57;
	v2 =	vld.idx.msk [tilespmem:v52+s2+$0x0], $0xffff;
	v1 =	vadd.f32 v1, v56;
	v10 =	vmul.f32 v7, v7  }
0x10a: {  	v57 =	vmul.f32 v3, v3;
	[tilespmem:$0x1F630] =	vst v7;
	v7 =	vld.idx.msk [tilespmem:v53+s0+$0x0], $0xffff  }
0x10b: {  	[tilespmem:$0x1F640] =	vst v3;
	v3 =	vmul.f32 v8, v8;
	v56 =	vor.u32 $0x3E, v0;
	v9 =	vadd.f32 v10, v1  }
0x10c: {  	[tilespmem:$0x1F650] =	vst v8;
	v8 =	vadd.f32 v57, v13;
	v57 =	vmul.f32 v5, v5;
	v1 =	vld.idx.msk [tilespmem:v54+s0+$0x0], $0xffff  }
0x10d: {  	v13 =	vor.u32 $0x3F, v0;
	[tilespmem:$0x1F660] =	vst v5;
	v5 =	vld.idx.msk [tilespmem:v53+s2+$0x0], $0xffff;
	v3 =	vadd.f32 v3, v9;
	v9 =	vmul.f32 v6, v6  }
0x10e: {  	[tilespmem:$0x1F670] =	vst v6;
	v6 =	vld.idx.msk [tilespmem:v55+s0+$0x0], $0xffff;
	v10 =	vadd.f32 v57, v8;
	v57 =	vmul.f32 v4, v4  }
0x10f: {  	[tilespmem:$0x1F6A0] =	vst v2;
	v8 =	vadd.f32 v9, v3;
	v3 =	vld.idx.msk [tilespmem:v54+s2+$0x0], $0xffff;
	v9 =	vmul.f32 v7, v7  }
0x110: {  	[tilespmem:$0x1F690] =	vst v7;
	v7 =	vadd.f32 v57, v10;
	v57 =	vmul.f32 v2, v2;
	v2 =	vld.idx.msk [tilespmem:v56+s0+$0x0], $0xffff  }
0x111: {  	[tilespmem:$0x1F680] =	vst v4;
	v4 =	vld.idx.msk [tilespmem:v55+s2+$0x0], $0xffff;
	v8 =	vadd.f32 v9, v8;
	v9 =	vmul.f32 v1, v1  }
0x112: {  	[tilespmem:$0x1F6B0] =	vst v1;
	v1 =	vld.idx.msk [tilespmem:v13+s0+$0x0], $0xffff;
	v7 =	vadd.f32 v57, v7;
	v57 =	vmul.f32 v5, v5  }
0x113: {  	[tilespmem:$0x1F6C0] =	vst v5;
	v5 =	vld.idx.msk [tilespmem:v56+s2+$0x0], $0xffff;
	v9 =	vadd.f32 v9, v8;
	v8 =	vmul.f32 v6, v6  }
0x114: {  	[tilespmem:$0x1F6D0] =	vst v6;
	v7 =	vadd.f32 v57, v7;
	v57 =	vmul.f32 v3, v3  }
0x115: {  	[tilespmem:$0x1F6E0] =	vst v3;
	v6 =	vadd.f32 v8, v9;
	v8 =	vld.idx.msk [tilespmem:v13+s2+$0x0], $0xffff;
	v3 =	vmul.f32 v2, v2  }
0x116: {  	[tilespmem:$0x1F6F0] =	vst v2;
	v9 =	vmul.f32 v4, v4;
	v2 =	vadd.f32 v57, v7  }
0x117: {  	v10 =	vadd.f32 v3, v6;
	v3 =	vmul.f32 v1, v1  }
0x118: {  	v7 =	vmul.f32 v5, v5;
	v2 =	vadd.f32 v9, v2  }
0x119: {  	[tilespmem:$0x1F710] =	vst v1;
	v1 =	vadd.f32 v3, v10  }
0x11a: {  	v2 =	vadd.f32 v7, v2;
	v3 =	vmul.f32 v8, v8  }
0x11b: {  	v1 =	vmax.f32 v1, $1.000000020e-24  }
0x11c: {  	v2 =	vadd.f32 v3, v2;
	v3 =	vshrl.u32 v1, $0x1;
	v1 =	vmul.f32 $5.000000000e-01, v1  }
0x11d: {  	v3 =	vsub.s32 $0x5F3759DF, v3  }
0x11e: {  	v9 =	vmul.f32 v3, v1;
	_ =	sdelay $0x1  }
0x11f: {  	v57 =	vmul.f32 v3, v9  }
0x120: {  	v2 =	vmax.f32 v2, $1.000000020e-24  }
0x121: {  	v10 =	vshrl.u32 v2, $0x1;
	v2 =	vmul.f32 $5.000000000e-01, v2;
	v57 =	vsub.f32 $1.500000000e+00, v57  }
0x122: {  	[tilespmem:$0x1F700] =	vst v4;
	v4 =	vsub.s32 $0x5F3759DF, v10  }
0x123: {  	[tilespmem:$0x1F730] =	vst v8;
	v8 =	vmul.f32 v4, v2;
	v3 =	vmul.f32 v3, v57;
	_ =	sdelay $0x1  }
0x124: {  	[tilespmem:$0x1F720] =	vst v5;
	v5 =	vmul.f32 v4, v8;
	v57 =	vmul.f32 v3, v1;
	_ =	sdelay $0x1  }
0x125: {  	v5 =	vsub.f32 $1.500000000e+00, v5;
	v9 =	vmul.f32 v57, v3;
	_ =	sdelay $0x1  }
0x126: {  	v4 =	vmul.f32 v4, v5;
	v5 =	vsub.f32 $1.500000000e+00, v9;
	_ =	sdelay $0x1  }
0x127: {  	v3 =	vmul.f32 v5, v3;
	_ =	sdelay $0x1  }
0x128: {  	v1 =	vmul.f32 v3, v1  }
0x129: {  	v10 =	vmul.f32 v4, v2  }
0x12a: {  	v1 =	vmul.f32 v1, v3  }
0x12b: {  	v57 =	vmul.f32 v10, v4  }
0x12c: {  	v9 =	vld [tilespmem:$0x1EE90];
	v1 =	vsub.f32 $1.500000000e+00, v1  }
0x12d: {  	v5 =	vld.idx.msk [tilespmem:v0+s20+$0x0], $0xffff;
	v8 =	vsub.f32 $1.500000000e+00, v57  }
0x12e: {  	v0 =	vmul.f32 v1, v3;
	v3 =	vld.idx.msk [tilespmem:v21+s20+$0x0], $0xffff  }
0x12f: {  	v4 =	vmul.f32 v8, v4;
	v21 =	vld [tilespmem:$0x1EEA0];
	_ =	sdelay $0x1  }
0x130: {  	v2 =	vmul.f32 v4, v2;
	v10 =	vmul.f32 v0, v9;
	v9 =	vld [tilespmem:$0x1EEB0];
	_ =	sdelay $0x1  }
0x131: {  	v2 =	vmul.f32 v2, v4  }
0x132: {  	v57 =	vmul.f32 v0, v21;
	v21 =	vld [tilespmem:$0x1EED0]  }
0x133: {  	v1 =	vsub.f32 $1.500000000e+00, v2;
	v2 =	vld.idx.msk [tilespmem:v19+s20+$0x0], $0xffff  }
0x134: {  	v5 =	vadd.f32 v10, v5;
	v10 =	vmul.f32 v0, v9;
	v9 =	vld [tilespmem:$0x1EEE0]  }
0x135: {  	v1 =	vmul.f32 v1, v4;
	v4 =	vld.idx.msk [tilespmem:v20+s20+$0x0], $0xffff  }
0x136: {  	v20 =	vld [tilespmem:$0x1EEC0]  }
0x137: {  	v3 =	vadd.f32 v57, v3;
	v57 =	vmul.f32 v1, v21;
	v21 =	vld [tilespmem:$0x1EEF0];
	_ =	sdelay $0x1  }
0x138: {  	v2 =	vadd.f32 v10, v2;
	v10 =	vmul.f32 v0, v9;
	v9 =	vld [tilespmem:$0x1EF00];
	_ =	sdelay $0x1  }
0x139: {  	v22 =	vld.idx.msk [tilespmem:v22+s20+$0x0], $0xffff;
	v20 =	vmul.f32 v1, v20  }
0x13a: {  	v3 =	vsub.f32 v3, v57;
	v57 =	vmul.f32 v1, v21;
	v21 =	vld.idx.msk [tilespmem:v58+s20+$0x0], $0xffff  }
0x13b: {  	v5 =	vsub.f32 v5, v20;
	v58 =	vld [tilespmem:$0x1EF20]  }
0x13c: {  	v4 =	vadd.f32 v10, v4;
	v10 =	vmul.f32 v0, v9;
	v9 =	vld [tilespmem:$0x1EF30]  }
0x13d: {  	v5 =	vand.u32 $0x7FFFFFFF, v5;
	v3 =	vand.u32 $0x7FFFFFFF, v3;
	v2 =	vsub.f32 v2, v57;
	v57 =	vld [tilespmem:$0x1EF10]  }
0x13e: {  	v3 =	vadd.f32 v3, v5;
	v5 =	vadd.f32 v10, v22;
	v22 =	vld.idx.msk [tilespmem:v59+s20+$0x0], $0xffff  }
0x13f: {  	v59 =	vld [tilespmem:$0x1EF50]  }
0x140: {  	v20 =	vmul.f32 v0, v58;
	v58 =	vld [tilespmem:$0x1EF40]  }
0x141: {  	v10 =	vmul.f32 v1, v9;
	v9 =	vld [tilespmem:$0x1EF70]  }
0x142: {  	v63 =	vld.idx.msk [tilespmem:v63+s20+$0x0], $0xffff;
	v2 =	vand.u32 $0x7FFFFFFF, v2  }
0x143: {  	v2 =	vadd.f32 v3, v2;
	v3 =	vld.idx.msk [tilespmem:v60+s20+$0x0], $0xffff  }
0x144: {  	v19 =	vmul.f32 v1, v57;
	v60 =	vmul.f32 v1, v59;
	v59 =	vld [tilespmem:$0x1EFA0]  }
0x145: {  	v8 =	vld [tilespmem:$0x1EF60]  }
0x146: {  	v57 =	vld [tilespmem:$0x1F090];
	v4 =	vsub.f32 v4, v19;
	v19 =	vadd.f32 v20, v21;
	v20 =	vmul.f32 v0, v58  }
0x147: {  	v58 =	vld [tilespmem:$0x1EF90]  }
0x148: {  	v5 =	vsub.f32 v5, v10;
	v4 =	vand.u32 $0x7FFFFFFF, v4;
	v20 =	vadd.f32 v20, v22;
	v22 =	vld [tilespmem:$0x1EF80]  }
0x149: {  	v2 =	vadd.f32 v2, v4;
	v10 =	vld.idx.msk [tilespmem:v9+s20+$0x0], $0xffff  }
0x14a: {  	v19 =	vsub.f32 v19, v60;
	v5 =	vand.u32 $0x7FFFFFFF, v5;
	v9 =	vld [tilespmem:$0x1EFC0]  }
0x14b: {  	v60 =	vld [tilespmem:$0x1EFB0];
	v2 =	vadd.f32 v2, v5  }
0x14c: {  	v4 =	vmul.f32 v0, v8;
	v19 =	vand.u32 $0x7FFFFFFF, v19;
	v21 =	vld.idx.msk [tilespmem:v59+s20+$0x0], $0xffff  }
0x14d: {  	v5 =	vmul.f32 v0, v58;
	v2 =	vadd.f32 v2, v19;
	v19 =	vld.idx.msk [tilespmem:v61+s20+$0x0], $0xffff  }
0x14e: {  	v3 =	vadd.f32 v4, v3;
	v61 =	vld [tilespmem:$0x1EFE0]  }
0x14f: {  	v4 =	vmul.f32 v1, v22;
	v59 =	vld [tilespmem:$0x1EFD0];
	v5 =	vadd.f32 v5, v10;
	v10 =	vmul.f32 v0, v9  }
0x150: {  	v9 =	vld [tilespmem:$0x1F000]  }
0x151: {  	v8 =	vmul.f32 v1, v60;
	v4 =	vsub.f32 v20, v4;
	v20 =	vadd.f32 v10, v21;
	v21 =	vld [tilespmem:$0x1F010]  }
0x152: {  	v22 =	vld [tilespmem:$0x1F020]  }
0x153: {  	v3 =	vsub.f32 v3, v8;
	v8 =	vld [tilespmem:$0x1EFF0]  }
0x154: {  	v60 =	vmul.f32 v1, v59;
	v59 =	vld.idx.msk [tilespmem:v62+s20+$0x0], $0xffff  }
0x155: {  	v10 =	vmul.f32 v0, v9;
	v9 =	vld [tilespmem:$0x1F060]  }
0x156: {  	v4 =	vand.u32 $0x7FFFFFFF, v4;
	v62 =	vld [tilespmem:$0x1F040]  }
0x157: {  	v2 =	vadd.f32 v2, v4;
	v4 =	vmul.f32 v0, v61;
	v5 =	vsub.f32 v5, v60;
	v60 =	vld [tilespmem:$0x1F030]  }
0x158: {  	v3 =	vand.u32 $0x7FFFFFFF, v3;
	v58 =	vmul.f32 v1, v22;
	v22 =	vld [tilespmem:$0x1F080]  }
0x159: {  	v2 =	vadd.f32 v2, v3;
	v3 =	vadd.f32 v4, v19;
	v21 =	vld.idx.msk [tilespmem:v21+s20+$0x0], $0xffff  }
0x15a: {  	v4 =	vmul.f32 v1, v8;
	v8 =	vld [tilespmem:$0x1F050]  }
0x15b: {  	v3 =	vsub.f32 v3, v58;
	v58 =	vld [tilespmem:$0x1F0A0]  }
0x15c: {  	v19 =	vadd.f32 v10, v63;
	v63 =	vmul.f32 v1, v62;
	v62 =	vld [tilespmem:$0x1F0C0];
	v61 =	vmul.f32 v0, v60  }
0x15d: {  	v5 =	vand.u32 $0x7FFFFFFF, v5;
	v4 =	vsub.f32 v20, v4;
	v10 =	vld.idx.msk [tilespmem:v9+s20+$0x0], $0xffff  }
0x15e: {  	v2 =	vadd.f32 v2, v5;
	v20 =	vadd.f32 v61, v21;
	v21 =	vld [tilespmem:$0x1F070]  }
0x15f: {  	v5 =	vmul.f32 v0, v22;
	v22 =	vld.idx.msk [tilespmem:v34+s20+$0x0], $0xffff;
	v4 =	vand.u32 $0x7FFFFFFF, v4  }
0x160: {  	v34 =	vld [tilespmem:$0x1F240];
	v2 =	vadd.f32 v2, v4;
	v4 =	vmul.f32 v0, v8  }
0x161: {  	v3 =	vand.u32 $0x7FFFFFFF, v3;
	v19 =	vsub.f32 v19, v63;
	v60 =	vld [tilespmem:$0x1F0B0]  }
0x162: {  	v2 =	vadd.f32 v2, v3;
	v3 =	vadd.f32 v4, v59;
	v59 =	vmul.f32 v1, v58;
	v58 =	vld [tilespmem:$0x1F0E0]  }
0x163: {  	v63 =	vmul.f32 v1, v62;
	v5 =	vadd.f32 v5, v10;
	v4 =	vmul.f32 v1, v21;
	v21 =	vld.idx.msk [tilespmem:v57+s20+$0x0], $0xffff  }
0x164: {  	v57 =	vld [tilespmem:$0x1F0D0]  }
0x165: {  	v19 =	vand.u32 $0x7FFFFFFF, v19;
	v5 =	vsub.f32 v5, v63;
	v63 =	vld [tilespmem:$0x1F110]  }
0x166: {  	v2 =	vadd.f32 v2, v19;
	v19 =	vld.idx.msk [tilespmem:v23+s20+$0x0], $0xffff  }
0x167: {  	v9 =	vld [tilespmem:$0x1F120];
	v61 =	vmul.f32 v0, v60;
	v4 =	vsub.f32 v20, v4  }
0x168: {  	v60 =	vld [tilespmem:$0x1F0F0]  }
0x169: {  	v4 =	vand.u32 $0x7FFFFFFF, v4;
	v7 =	vadd.f32 v61, v21;
	v61 =	vld [tilespmem:$0x1F100]  }
0x16a: {  	v2 =	vadd.f32 v2, v4;
	v4 =	vmul.f32 v0, v57;
	v57 =	vld [tilespmem:$0x1F130]  }
0x16b: {  	v3 =	vsub.f32 v3, v59;
	v59 =	vld.idx.msk [tilespmem:v58+s20+$0x0], $0xffff  }
0x16c: {  	v23 =	vld.idx.msk [tilespmem:v24+s20+$0x0], $0xffff  }
0x16d: {  	v3 =	vand.u32 $0x7FFFFFFF, v3;
	v20 =	vld.idx.msk [tilespmem:v63+s20+$0x0], $0xffff  }
0x16e: {  	v2 =	vadd.f32 v2, v3;
	v62 =	vmul.f32 v0, v61;
	v61 =	vld [tilespmem:$0x1F150]  }
0x16f: {  	v3 =	vadd.f32 v4, v19;
	v4 =	vmul.f32 v1, v60;
	v58 =	vmul.f32 v0, v57;
	v57 =	vld [tilespmem:$0x1F180]  }
0x170: {  	v10 =	vmul.f32 v1, v9;
	v24 =	vadd.f32 v62, v59;
	v59 =	vld [tilespmem:$0x1F140]  }
0x171: {  	v5 =	vand.u32 $0x7FFFFFFF, v5;
	v4 =	vsub.f32 v7, v4;
	v62 =	vld [tilespmem:$0x1F160]  }
0x172: {  	v2 =	vadd.f32 v2, v5;
	v3 =	vsub.f32 v3, v10;
	v10 =	vld [tilespmem:$0x1F310]  }
0x173: {  	v4 =	vand.u32 $0x7FFFFFFF, v4;
	v8 =	vadd.f32 v20, v58;
	v58 =	vld [tilespmem:$0x1F190]  }
0x174: {  	v2 =	vadd.f32 v2, v4;
	v4 =	vmul.f32 v0, v61;
	v61 =	vld.idx.msk [tilespmem:v33+s20+$0x0], $0xffff  }
0x175: {  	v5 =	vmul.f32 v0, v57;
	v57 =	vld [tilespmem:$0x1F1D0]  }
0x176: {  	v3 =	vand.u32 $0x7FFFFFFF, v3;
	v60 =	vmul.f32 v1, v59;
	v59 =	vld [tilespmem:$0x1F1A0]  }
0x177: {  	v2 =	vadd.f32 v2, v3;
	v3 =	vadd.f32 v23, v4;
	v23 =	vld [tilespmem:$0x1F220]  }
0x178: {  	v7 =	vsub.f32 v24, v60;
	v24 =	vld [tilespmem:$0x1F170]  }
0x179: {  	v63 =	vld.idx.msk [tilespmem:v62+s20+$0x0], $0xffff  }
0x17a: {  	v62 =	vld [tilespmem:$0x1F1B0]  }
0x17b: {  	v19 =	vld.idx.msk [tilespmem:v58+s20+$0x0], $0xffff  }
0x17c: {  	v58 =	vld.idx.msk [tilespmem:v25+s20+$0x0], $0xffff  }
0x17d: {  	v25 =	vld [tilespmem:$0x1F230];
	v60 =	vmul.f32 v1, v59  }
0x17e: {  	v59 =	vld [tilespmem:$0x1F1E0];
	v4 =	vmul.f32 v1, v24  }
0x17f: {  	v7 =	vand.u32 $0x7FFFFFFF, v7;
	v3 =	vsub.f32 v3, v60;
	v24 =	vld [tilespmem:$0x1F1C0]  }
0x180: {  	v60 =	vld [tilespmem:$0x1F1F0];
	v5 =	vadd.f32 v63, v5;
	v63 =	vmul.f32 v0, v62;
	v4 =	vsub.f32 v8, v4  }
0x181: {  	v2 =	vadd.f32 v2, v7;
	v62 =	vld [tilespmem:$0x1F200]  }
0x182: {  	v8 =	vadd.f32 v19, v63;
	v19 =	vld [tilespmem:$0x1F210];
	v4 =	vand.u32 $0x7FFFFFFF, v4  }
0x183: {  	v2 =	vadd.f32 v2, v4;
	v4 =	vmul.f32 v0, v57;
	v57 =	vld.idx.msk [tilespmem:v26+s20+$0x0], $0xffff  }
0x184: {  	v33 =	vmul.f32 v1, v24;
	v24 =	vmul.f32 v0, v23;
	v23 =	vld [tilespmem:$0x1F2A0]  }
0x185: {  	v3 =	vand.u32 $0x7FFFFFFF, v3;
	v26 =	vld [tilespmem:$0x1F2C0]  }
0x186: {  	v2 =	vadd.f32 v2, v3;
	v3 =	vadd.f32 v61, v4;
	v4 =	vmul.f32 v1, v59;
	v59 =	vld [tilespmem:$0x1F260]  }
0x187: {  	v61 =	vmul.f32 v0, v60;
	v60 =	vld.idx.msk [tilespmem:v11+s20+$0x0], $0xffff  }
0x188: {  	v5 =	vsub.f32 v5, v33;
	v33 =	vmul.f32 v1, v25;
	v25 =	vld [tilespmem:$0x1F2B0]  }
0x189: {  	v21 =	vmul.f32 v1, v19;
	v19 =	vld [tilespmem:$0x1F280]  }
0x18a: {  	v63 =	vld.idx.msk [tilespmem:v62+s20+$0x0], $0xffff  }
0x18b: {  	v7 =	vadd.f32 v58, v61;
	v58 =	vld [tilespmem:$0x1F250]  }
0x18c: {  	v61 =	vld [tilespmem:$0x1F270]  }
0x18d: {  	v5 =	vand.u32 $0x7FFFFFFF, v5;
	v4 =	vsub.f32 v8, v4;
	v3 =	vsub.f32 v3, v21;
	v21 =	vld [tilespmem:$0x1F290]  }
0x18e: {  	v2 =	vadd.f32 v2, v5;
	v7 =	vsub.f32 v7, v33;
	v33 =	vld.idx.msk [tilespmem:v12+s20+$0x0], $0xffff  }
0x18f: {  	v4 =	vand.u32 $0x7FFFFFFF, v4;
	v12 =	vld [tilespmem:$0x1F320]  }
0x190: {  	v2 =	vadd.f32 v2, v4;
	v4 =	vmul.f32 v0, v34;
	v34 =	vld [tilespmem:$0x1F2D0]  }
0x191: {  	v20 =	vmul.f32 v0, v19;
	v19 =	vld [tilespmem:$0x1F330]  }
0x192: {  	v5 =	vmul.f32 v0, v59;
	v8 =	vadd.f32 v63, v24;
	v63 =	vld.idx.msk [tilespmem:v35+s20+$0x0], $0xffff  }
0x193: {  	v24 =	vld.idx.msk [tilespmem:v27+s20+$0x0], $0xffff  }
0x194: {  	v3 =	vand.u32 $0x7FFFFFFF, v3;
	v5 =	vadd.f32 v57, v5;
	v57 =	vld.idx.msk [tilespmem:v36+s20+$0x0], $0xffff  }
0x195: {  	v2 =	vadd.f32 v2, v3;
	v3 =	vadd.f32 v22, v4;
	v4 =	vmul.f32 v1, v58;
	v58 =	vld [tilespmem:$0x1F2E0]  }
0x196: {  	v7 =	vand.u32 $0x7FFFFFFF, v7;
	v27 =	vmul.f32 v0, v26;
	v26 =	vld [tilespmem:$0x1F360]  }
0x197: {  	v62 =	vmul.f32 v1, v61;
	v22 =	vmul.f32 v1, v21;
	v21 =	vld [tilespmem:$0x1F340];
	v4 =	vsub.f32 v8, v4  }
0x198: {  	v2 =	vadd.f32 v2, v7;
	v8 =	vadd.f32 v60, v20;
	v60 =	vld [tilespmem:$0x1F2F0]  }
0x199: {  	v3 =	vsub.f32 v3, v62;
	v62 =	vld [tilespmem:$0x1F300];
	v4 =	vand.u32 $0x7FFFFFFF, v4  }
0x19a: {  	v35 =	vmul.f32 v1, v34;
	v34 =	vld [tilespmem:$0x1F380];
	v2 =	vadd.f32 v2, v4;
	v4 =	vmul.f32 v0, v23  }
0x19b: {  	v5 =	vsub.f32 v5, v22;
	v3 =	vand.u32 $0x7FFFFFFF, v3;
	v7 =	vadd.f32 v24, v27;
	v23 =	vld.idx.msk [tilespmem:v37+s20+$0x0], $0xffff  }
0x19c: {  	v24 =	vld [tilespmem:$0x1F350];
	v2 =	vadd.f32 v2, v3;
	v3 =	vadd.f32 v63, v4;
	v4 =	vmul.f32 v1, v25  }
0x19d: {  	v37 =	vld.idx.msk [tilespmem:v14+s20+$0x0], $0xffff  }
0x19e: {  	v5 =	vand.u32 $0x7FFFFFFF, v5;
	v14 =	vld.idx.msk [tilespmem:v30+s20+$0x0], $0xffff;
	v4 =	vsub.f32 v8, v4  }
0x19f: {  	v59 =	vmul.f32 v0, v58;
	v30 =	vld.idx.msk [tilespmem:v31+s20+$0x0], $0xffff;
	v2 =	vadd.f32 v2, v5  }
0x1a0: {  	v31 =	vld [tilespmem:$0x1F440];
	v61 =	vmul.f32 v1, v60;
	v3 =	vsub.f32 v3, v35;
	v4 =	vand.u32 $0x7FFFFFFF, v4  }
0x1a1: {  	v63 =	vld.idx.msk [tilespmem:v28+s20+$0x0], $0xffff;
	v2 =	vadd.f32 v2, v4;
	v4 =	vmul.f32 v0, v62  }
0x1a2: {  	v20 =	vld.idx.msk [tilespmem:v19+s20+$0x0], $0xffff;
	v7 =	vsub.f32 v7, v61;
	v8 =	vadd.f32 v33, v59;
	v3 =	vand.u32 $0x7FFFFFFF, v3  }
0x1a3: {  	v28 =	vld [tilespmem:$0x1F370];
	v2 =	vadd.f32 v2, v3;
	v3 =	vadd.f32 v57, v4;
	v4 =	vmul.f32 v1, v10  }
0x1a4: {  	v22 =	vmul.f32 v1, v21;
	v60 =	vld [tilespmem:$0x1F3B0]  }
0x1a5: {  	v19 =	vld [tilespmem:$0x1F3E0];
	v5 =	vmul.f32 v0, v12;
	v7 =	vand.u32 $0x7FFFFFFF, v7;
	v4 =	vsub.f32 v8, v4  }
0x1a6: {  	v27 =	vmul.f32 v1, v26;
	v35 =	vld [tilespmem:$0x1F390];
	v25 =	vmul.f32 v0, v24;
	v2 =	vadd.f32 v2, v7  }
0x1a7: {  	v5 =	vadd.f32 v63, v5;
	v57 =	vld [tilespmem:$0x1F3A0];
	v3 =	vsub.f32 v3, v22;
	v4 =	vand.u32 $0x7FFFFFFF, v4  }
0x1a8: {  	v33 =	vld.idx.msk [tilespmem:v29+s20+$0x0], $0xffff;
	v2 =	vadd.f32 v2, v4;
	v4 =	vmul.f32 v0, v28  }
0x1a9: {  	v62 =	vld [tilespmem:$0x1F3C0];
	v5 =	vsub.f32 v5, v27;
	v8 =	vadd.f32 v20, v25;
	v3 =	vand.u32 $0x7FFFFFFF, v3  }
0x1aa: {  	v12 =	vld [tilespmem:$0x1F3D0];
	v2 =	vadd.f32 v2, v3;
	v3 =	vadd.f32 v23, v4;
	v4 =	vmul.f32 v1, v34  }
0x1ab: {  	v59 =	vld.idx.msk [tilespmem:v38+s20+$0x0], $0xffff;
	v36 =	vmul.f32 v0, v35  }
0x1ac: {  	v27 =	vld [tilespmem:$0x1F420];
	v5 =	vand.u32 $0x7FFFFFFF, v5;
	v58 =	vmul.f32 v1, v57;
	v4 =	vsub.f32 v8, v4  }
0x1ad: {  	v61 =	vmul.f32 v0, v60;
	v7 =	vadd.f32 v33, v36;
	v22 =	vld [tilespmem:$0x1F400];
	v2 =	vadd.f32 v2, v5  }
0x1ae: {  	v20 =	vld [tilespmem:$0x1F3F0];
	v63 =	vmul.f32 v1, v62;
	v3 =	vsub.f32 v3, v58;
	v4 =	vand.u32 $0x7FFFFFFF, v4  }
0x1af: {  	v25 =	vld [tilespmem:$0x1F410];
	v2 =	vadd.f32 v2, v4;
	v4 =	vmul.f32 v0, v12  }
0x1b0: {  	v21 =	vld.idx.msk [tilespmem:v15+s20+$0x0], $0xffff;
	v7 =	vsub.f32 v7, v63;
	v8 =	vadd.f32 v37, v61;
	v3 =	vand.u32 $0x7FFFFFFF, v3  }
0x1b1: {  	v29 =	vld [tilespmem:$0x1F430];
	v2 =	vadd.f32 v2, v3;
	v3 =	vadd.f32 v59, v4;
	v4 =	vmul.f32 v1, v19  }
0x1b2: {  	v24 =	vld.idx.msk [tilespmem:v39+s20+$0x0], $0xffff;
	v23 =	vmul.f32 v1, v22  }
0x1b3: {  	v39 =	vld [tilespmem:$0x1F470];
	v7 =	vand.u32 $0x7FFFFFFF, v7;
	v5 =	vmul.f32 v0, v20;
	v4 =	vsub.f32 v8, v4  }
0x1b4: {  	v33 =	vld [tilespmem:$0x1F450];
	v28 =	vmul.f32 v1, v27;
	v26 =	vmul.f32 v0, v25;
	v2 =	vadd.f32 v2, v7  }
0x1b5: {  	v36 =	vld [tilespmem:$0x1F460];
	v5 =	vadd.f32 v14, v5;
	v3 =	vsub.f32 v3, v23;
	v4 =	vand.u32 $0x7FFFFFFF, v4  }
0x1b6: {  	v57 =	vld [tilespmem:$0x1F480];
	v2 =	vadd.f32 v2, v4;
	v4 =	vmul.f32 v0, v29  }
0x1b7: {  	v38 =	vld.idx.msk [tilespmem:v40+s20+$0x0], $0xffff;
	v5 =	vsub.f32 v5, v28;
	v8 =	vadd.f32 v21, v26;
	v3 =	vand.u32 $0x7FFFFFFF, v3  }
0x1b8: {  	v59 =	vld [tilespmem:$0x1F490];
	v2 =	vadd.f32 v2, v3;
	v3 =	vadd.f32 v24, v4;
	v4 =	vmul.f32 v1, v31  }
0x1b9: {  	v35 =	vld.idx.msk [tilespmem:v16+s20+$0x0], $0xffff;
	v34 =	vmul.f32 v0, v33  }
0x1ba: {  	v37 =	vmul.f32 v1, v36;
	v61 =	vld [tilespmem:$0x1F4A0];
	v5 =	vand.u32 $0x7FFFFFFF, v5;
	v4 =	vsub.f32 v8, v4  }
0x1bb: {  	v40 =	vmul.f32 v0, v39;
	v58 =	vmul.f32 v1, v57;
	v2 =	vadd.f32 v2, v5  }
0x1bc: {  	v16 =	vld [tilespmem:$0x1F4C0];
	v7 =	vadd.f32 v30, v34;
	v3 =	vsub.f32 v3, v37;
	v4 =	vand.u32 $0x7FFFFFFF, v4  }
0x1bd: {  	v2 =	vadd.f32 v2, v4;
	v4 =	vmul.f32 v0, v59  }
0x1be: {  	v60 =	vld.idx.msk [tilespmem:v32+s20+$0x0], $0xffff;
	v7 =	vsub.f32 v7, v58;
	v8 =	vadd.f32 v35, v40;
	v3 =	vand.u32 $0x7FFFFFFF, v3  }
0x1bf: {  	v62 =	vld [tilespmem:$0x1F4B0];
	v2 =	vadd.f32 v2, v3;
	v3 =	vadd.f32 v38, v4;
	v4 =	vmul.f32 v1, v61  }
0x1c0: {  	v63 =	vld.idx.msk [tilespmem:v17+s20+$0x0], $0xffff  }
0x1c1: {  	v17 =	vmul.f32 v1, v16;
	v22 =	vld [tilespmem:$0x1F4E0];
	v7 =	vand.u32 $0x7FFFFFFF, v7;
	v4 =	vsub.f32 v8, v4  }
0x1c2: {  	v20 =	vld [tilespmem:$0x1F4D0];
	v2 =	vadd.f32 v2, v7  }
0x1c3: {  	v27 =	vld [tilespmem:$0x1F500];
	v3 =	vsub.f32 v3, v17;
	v4 =	vand.u32 $0x7FFFFFFF, v4  }
0x1c4: {  	v24 =	vld [tilespmem:$0x1F4F0];
	v5 =	vmul.f32 v0, v62;
	v2 =	vadd.f32 v2, v4  }
0x1c5: {  	v19 =	vld.idx.msk [tilespmem:v18+s20+$0x0], $0xffff;
	v3 =	vand.u32 $0x7FFFFFFF, v3  }
0x1c6: {  	v23 =	vmul.f32 v1, v22;
	v5 =	vadd.f32 v60, v5;
	v2 =	vadd.f32 v2, v3;
	v3 =	vld [tilespmem:$0x1F520]  }
0x1c7: {  	v21 =	vmul.f32 v0, v20  }
0x1c8: {  	v39 =	vld [tilespmem:$0x1F560];
	v5 =	vsub.f32 v5, v23  }
0x1c9: {  	v28 =	vld [tilespmem:$0x1F510];
	v25 =	vmul.f32 v0, v24;
	v8 =	vadd.f32 v63, v21;
	v4 =	vmul.f32 v1, v27  }
0x1ca: {  	v26 =	vld.idx.msk [tilespmem:v41+s20+$0x0], $0xffff;
	v5 =	vand.u32 $0x7FFFFFFF, v5  }
0x1cb: {  	v34 =	vld [tilespmem:$0x1F540];
	v7 =	vadd.f32 v19, v25;
	v4 =	vsub.f32 v8, v4;
	v3 =	vmul.f32 v1, v3  }
0x1cc: {  	v31 =	vld [tilespmem:$0x1F530];
	v2 =	vadd.f32 v2, v5  }
0x1cd: {  	v36 =	vld [tilespmem:$0x1F550];
	v4 =	vand.u32 $0x7FFFFFFF, v4;
	v3 =	vsub.f32 v7, v3  }
0x1ce: {  	v30 =	vld.idx.msk [tilespmem:v42+s20+$0x0], $0xffff;
	v2 =	vadd.f32 v2, v4  }
0x1cf: {  	v33 =	vld.idx.msk [tilespmem:v43+s20+$0x0], $0xffff;
	v29 =	vmul.f32 v0, v28;
	v3 =	vand.u32 $0x7FFFFFFF, v3  }
0x1d0: {  	v2 =	vadd.f32 v2, v3;
	v3 =	vld [tilespmem:$0x1F580]  }
0x1d1: {  	v35 =	vadd.f32 v26, v29;
	v32 =	vmul.f32 v0, v31;
	v5 =	vmul.f32 v1, v34  }
0x1d2: {  	v43 =	vld.idx.msk [tilespmem:v45+s20+$0x0], $0xffff;
	v37 =	vmul.f32 v0, v36  }
0x1d3: {  	v41 =	vld [tilespmem:$0x1F570];
	v40 =	vadd.f32 v30, v32;
	v4 =	vmul.f32 v1, v39;
	v5 =	vsub.f32 v35, v5  }
0x1d4: {  	v38 =	vld.idx.msk [tilespmem:v44+s20+$0x0], $0xffff;
	v44 =	vadd.f32 v33, v37  }
0x1d5: {  	v45 =	vld [tilespmem:$0x1F590];
	v5 =	vand.u32 $0x7FFFFFFF, v5;
	v4 =	vsub.f32 v40, v4;
	v3 =	vmul.f32 v1, v3  }
0x1d6: {  	v59 =	vld [tilespmem:$0x1F5A0];
	v2 =	vadd.f32 v2, v5  }
0x1d7: {  	v61 =	vld [tilespmem:$0x1F5B0];
	v4 =	vand.u32 $0x7FFFFFFF, v4;
	v3 =	vsub.f32 v44, v3  }
0x1d8: {  	v15 =	vld [tilespmem:$0x1F5C0];
	v2 =	vadd.f32 v2, v4  }
0x1d9: {  	v58 =	vld.idx.msk [tilespmem:v46+s20+$0x0], $0xffff;
	v42 =	vmul.f32 v0, v41;
	v3 =	vand.u32 $0x7FFFFFFF, v3  }
0x1da: {  	v2 =	vadd.f32 v2, v3;
	v3 =	vld [tilespmem:$0x1F5E0]  }
0x1db: {  	v57 =	vmul.f32 v0, v45;
	v24 =	vld [tilespmem:$0x1F600];
	v60 =	vadd.f32 v38, v42;
	v5 =	vmul.f32 v1, v59  }
0x1dc: {  	v23 =	vld.idx.msk [tilespmem:v49+s20+$0x0], $0xffff;
	v62 =	vmul.f32 v0, v61  }
0x1dd: {  	v16 =	vadd.f32 v43, v57;
	v17 =	vld [tilespmem:$0x1F5D0];
	v4 =	vmul.f32 v1, v15;
	v5 =	vsub.f32 v60, v5  }
0x1de: {  	v63 =	vld.idx.msk [tilespmem:v47+s20+$0x0], $0xffff;
	v20 =	vadd.f32 v58, v62  }
0x1df: {  	v19 =	vld.idx.msk [tilespmem:v48+s20+$0x0], $0xffff;
	v5 =	vand.u32 $0x7FFFFFFF, v5;
	v4 =	vsub.f32 v16, v4;
	v3 =	vmul.f32 v1, v3  }
0x1e0: {  	v21 =	vld [tilespmem:$0x1F5F0];
	v2 =	vadd.f32 v2, v5  }
0x1e1: {  	v4 =	vand.u32 $0x7FFFFFFF, v4;
	v26 =	vld [tilespmem:$0x1F610];
	v3 =	vsub.f32 v20, v3  }
0x1e2: {  	v18 =	vmul.f32 v0, v17;
	v29 =	vld [tilespmem:$0x1F620];
	v2 =	vadd.f32 v2, v4  }
0x1e3: {  	v3 =	vand.u32 $0x7FFFFFFF, v3  }
0x1e4: {  	v25 =	vadd.f32 v63, v18;
	v5 =	vmul.f32 v1, v24;
	v2 =	vadd.f32 v2, v3;
	v3 =	vld [tilespmem:$0x1F640]  }
0x1e5: {  	v22 =	vmul.f32 v0, v21;
	v28 =	vld.idx.msk [tilespmem:v50+s20+$0x0], $0xffff  }
0x1e6: {  	v31 =	vld [tilespmem:$0x1F630];
	v5 =	vsub.f32 v25, v5  }
0x1e7: {  	v30 =	vadd.f32 v19, v22;
	v33 =	vld.idx.msk [tilespmem:v51+s20+$0x0], $0xffff;
	v27 =	vmul.f32 v0, v26;
	v4 =	vmul.f32 v1, v29  }
0x1e8: {  	v35 =	vld [tilespmem:$0x1F650];
	v5 =	vand.u32 $0x7FFFFFFF, v5  }
0x1e9: {  	v37 =	vld.idx.msk [tilespmem:v52+s20+$0x0], $0xffff;
	v4 =	vsub.f32 v30, v4;
	v34 =	vadd.f32 v23, v27;
	v3 =	vmul.f32 v1, v3  }
0x1ea: {  	v38 =	vld [tilespmem:$0x1F660];
	v2 =	vadd.f32 v2, v5  }
0x1eb: {  	v40 =	vld [tilespmem:$0x1F670];
	v4 =	vand.u32 $0x7FFFFFFF, v4;
	v3 =	vsub.f32 v34, v3  }
0x1ec: {  	v43 =	vld [tilespmem:$0x1F680];
	v2 =	vadd.f32 v2, v4  }
0x1ed: {  	v42 =	vld.idx.msk [tilespmem:v53+s20+$0x0], $0xffff;
	v32 =	vmul.f32 v0, v31;
	v3 =	vand.u32 $0x7FFFFFFF, v3  }
0x1ee: {  	v2 =	vadd.f32 v2, v3;
	v3 =	vld [tilespmem:$0x1F6A0]  }
0x1ef: {  	v45 =	vld [tilespmem:$0x1F690];
	v36 =	vmul.f32 v0, v35;
	v39 =	vadd.f32 v28, v32;
	v5 =	vmul.f32 v1, v38  }
0x1f0: {  	v47 =	vld.idx.msk [tilespmem:v54+s20+$0x0], $0xffff;
	v41 =	vmul.f32 v0, v40  }
0x1f1: {  	v49 =	vld [tilespmem:$0x1F6B0];
	v44 =	vadd.f32 v33, v36;
	v4 =	vmul.f32 v1, v43;
	v5 =	vsub.f32 v39, v5  }
0x1f2: {  	v51 =	vld.idx.msk [tilespmem:v55+s20+$0x0], $0xffff;
	v48 =	vadd.f32 v37, v41  }
0x1f3: {  	v52 =	vld [tilespmem:$0x1F6C0];
	v5 =	vand.u32 $0x7FFFFFFF, v5;
	v4 =	vsub.f32 v44, v4;
	v3 =	vmul.f32 v1, v3  }
0x1f4: {  	v54 =	vld [tilespmem:$0x1F6D0];
	v2 =	vadd.f32 v2, v5  }
0x1f5: {  	v56 =	vld.idx.msk [tilespmem:v56+s20+$0x0], $0xffff;
	v4 =	vand.u32 $0x7FFFFFFF, v4;
	v3 =	vsub.f32 v48, v3  }
0x1f6: {  	v57 =	vld [tilespmem:$0x1F6E0];
	v2 =	vadd.f32 v2, v4  }
0x1f7: {  	v59 =	vld [tilespmem:$0x1F6F0];
	v46 =	vmul.f32 v0, v45;
	v3 =	vand.u32 $0x7FFFFFFF, v3  }
0x1f8: {  	v2 =	vadd.f32 v2, v3;
	v3 =	vld [tilespmem:$0x1F700]  }
0x1f9: {  	v63 =	vld [tilespmem:$0x1F710];
	v50 =	vmul.f32 v0, v49;
	v53 =	vadd.f32 v42, v46;
	v5 =	vmul.f32 v1, v52  }
0x1fa: {  	v61 =	vld.idx.msk [tilespmem:v13+s20+$0x0], $0xffff;
	v55 =	vmul.f32 v0, v54  }
0x1fb: {  	v11 =	vld [tilespmem:$0x1F720];
	v58 =	vadd.f32 v47, v50;
	v4 =	vmul.f32 v1, v57;
	v5 =	vsub.f32 v53, v5  }
0x1fc: {  	v14 =	vld [tilespmem:$0x1F730];
	v60 =	vmul.f32 v0, v59;
	v62 =	vadd.f32 v51, v55  }
0x1fd: {  	v5 =	vand.u32 $0x7FFFFFFF, v5;
	v4 =	vsub.f32 v58, v4;
	v3 =	vmul.f32 v1, v3  }
0x1fe: {  	v0 =	vmul.f32 v0, v63;
	v2 =	vadd.f32 v2, v5  }
0x1ff: {  	v13 =	vadd.f32 v56, v60;
	v4 =	vand.u32 $0x7FFFFFFF, v4;
	v3 =	vsub.f32 v62, v3  }
0x200: {  	v0 =	vadd.f32 v61, v0;
	v2 =	vadd.f32 v2, v4  }
0x201: {  	s23 =	simm.s32 $0x10;
	v5 =	vmul.f32 v1, v11;
	v1 =	vmul.f32 v1, v14;
	v3 =	vand.u32 $0x7FFFFFFF, v3  }
0x202: {  	v2 =	vadd.f32 v2, v3;
	v3 =	vmov s23  }
0x203: {  	v15 =	vsub.f32 v13, v5;
	v1 =	vsub.f32 v0, v1;
	v0 =	vshll.u32 v3, $0x6;
	v3 =	vld [tilespmem:$0x1FFF0];
	_ =	sdelay $0x1  }
0x204: {  	v4 =	vand.u32 $0x7FFFFFFF, v15  }
0x205: {  	v2 =	vadd.f32 v2, v4  }
0x206: {  	v1 =	vand.u32 $0x7FFFFFFF, v1  }
0x207: {  	v1 =	vadd.f32 v2, v1;
	v0 =	vor.u32 v3, v0;
	_ =	sdelay $0x1  }
0x208: {  	v2 =	vsub.f32 $0.0e+00, v1;
	v30 =	vor.u32 $0x1, v0  }
0x209: {  	s5 =	simm.s32 $0x18600  }
0x20a: {  	v28 =	vor.u32 $0x2, v0;
	[tilespmem:s5+$0x0] =	vst v2  }
0x20b: {  	v29 =	vor.u32 $0x3, v0;
	v16 =	vld.idx.msk [tilespmem:v0+s0+$0x0], $0xffff  }
0x20c: {  	v18 =	vld.idx.msk [tilespmem:v0+s2+$0x0], $0xffff  }
0x20d: {  	v2 =	vld.idx.msk [tilespmem:v30+s0+$0x0], $0xffff  }
0x20e: {  	v58 =	vor.u32 $0x5, v0;
	v1 =	vld.idx.msk [tilespmem:v30+s2+$0x0], $0xffff  }
0x20f: {  	v31 =	vor.u32 $0x4, v0;
	v17 =	vld.idx.msk [tilespmem:v28+s0+$0x0], $0xffff  }
0x210: {  	v3 =	vld.idx.msk [tilespmem:v29+s0+$0x0], $0xffff;
	[tilespmem:$0x1F740] =	vst v16  }
0x211: {  	v59 =	vor.u32 $0x7, v0;
	v19 =	vld.idx.msk [tilespmem:v28+s2+$0x0], $0xffff;
	[tilespmem:$0x1F770] =	vst v18  }
0x212: {  	v62 =	vor.u32 $0x6, v0;
	v21 =	vld.idx.msk [tilespmem:v29+s2+$0x0], $0xffff;
	[tilespmem:$0x1F750] =	vst v2  }
0x213: {  	v25 =	vld.idx.msk [tilespmem:v58+s0+$0x0], $0xffff;
	[tilespmem:$0x1F780] =	vst v1  }
0x214: {  	v60 =	vor.u32 $0x9, v0;
	v26 =	vld.idx.msk [tilespmem:v31+s2+$0x0], $0xffff;
	[tilespmem:$0x1F760] =	vst v17  }
0x215: {  	v33 =	vld.idx.msk [tilespmem:v58+s2+$0x0], $0xffff;
	[tilespmem:$0x1F7A0] =	vst v3  }
0x216: {  	v61 =	vor.u32 $0xB, v0;
	v36 =	vld.idx.msk [tilespmem:v59+s0+$0x0], $0xffff;
	[tilespmem:$0x1F790] =	vst v19  }
0x217: {  	v37 =	vld.idx.msk [tilespmem:v62+s2+$0x0], $0xffff;
	[tilespmem:$0x1F7B0] =	vst v21  }
0x218: {  	v41 =	vld.idx.msk [tilespmem:v59+s2+$0x0], $0xffff;
	[tilespmem:$0x1F7D0] =	vst v25  }
0x219: {  	v44 =	vld.idx.msk [tilespmem:v60+s0+$0x0], $0xffff;
	[tilespmem:$0x1F7E0] =	vst v26  }
0x21a: {  	v48 =	vld.idx.msk [tilespmem:v60+s2+$0x0], $0xffff;
	[tilespmem:$0x1F7F0] =	vst v33  }
0x21b: {  	v51 =	vld.idx.msk [tilespmem:v61+s0+$0x0], $0xffff;
	[tilespmem:$0x1F810] =	vst v36  }
0x21c: {  	v55 =	vld.idx.msk [tilespmem:v61+s2+$0x0], $0xffff;
	[tilespmem:$0x1F830] =	vst v37  }
0x21d: {  	v5 =	vmul.f32 v16, v16;
	v23 =	vmul.f32 v18, v18;
	[tilespmem:$0x1F840] =	vst v41  }
0x21e: {  	v20 =	vmul.f32 v2, v2;
	v22 =	vmul.f32 v17, v17;
	[tilespmem:$0x1F860] =	vst v44  }
0x21f: {  	v24 =	vmul.f32 v1, v1;
	v1 =	vor.u32 $0x8, v0;
	v27 =	vmul.f32 v3, v3;
	[tilespmem:$0x1F890] =	vst v48  }
0x220: {  	v2 =	vld.idx.msk [tilespmem:v31+s0+$0x0], $0xffff;
	v32 =	vmul.f32 v19, v19;
	v35 =	vmul.f32 v21, v21;
	[tilespmem:$0x1F8B0] =	vst v51  }
0x221: {  	v3 =	vld.idx.msk [tilespmem:v62+s0+$0x0], $0xffff;
	v43 =	vmul.f32 v33, v33;
	[tilespmem:$0x1F8E0] =	vst v55;
	v33 =	vor.u32 $0xF, v0;
	v7 =	vadd.f32 v24, v23  }
0x222: {  	v17 =	vor.u32 $0x10, v0;
	v18 =	vmul.f32 v51, v51;
	[tilespmem:$0x1F820] =	vst v1;
	v5 =	vadd.f32 v20, v5  }
0x223: {  	v51 =	vor.u32 $0x16, v0;
	[tilespmem:$0x1F960] =	vst v17;
	v7 =	vadd.f32 v32, v7;
	v32 =	vor.u32 $0xD, v0  }
0x224: {  	v38 =	vmul.f32 v25, v25;
	[tilespmem:$0x1FA50] =	vst v51;
	v5 =	vadd.f32 v22, v5;
	v40 =	vld.idx.msk [tilespmem:v1+s0+$0x0], $0xffff  }
0x225: {  	v39 =	vmul.f32 v26, v26;
	[tilespmem:$0x1F7C0] =	vst v2;
	v34 =	vmul.f32 v2, v2;
	v2 =	vor.u32 $0xA, v0;
	v1 =	vld.idx.msk [tilespmem:v1+s2+$0x0], $0xffff  }
0x226: {  	v45 =	vmul.f32 v36, v36;
	[tilespmem:$0x1F800] =	vst v3;
	v23 =	vld.idx.msk [tilespmem:v33+s0+$0x0], $0xffff;
	v5 =	vadd.f32 v27, v5  }
0x227: {  	v42 =	vmul.f32 v3, v3;
	v3 =	vor.u32 $0xC, v0;
	v7 =	vadd.f32 v35, v7;
	[tilespmem:$0x1F870] =	vst v2;
	v27 =	vld.idx.msk [tilespmem:v33+s2+$0x0], $0xffff  }
0x228: {  	v46 =	vmul.f32 v37, v37;
	[tilespmem:$0x1F8C0] =	vst v3;
	v5 =	vadd.f32 v34, v5;
	v63 =	vld.idx.msk [tilespmem:v32+s0+$0x0], $0xffff  }
0x229: {  	v50 =	vmul.f32 v41, v41;
	v7 =	vadd.f32 v39, v7;
	v20 =	vld.idx.msk [tilespmem:v32+s2+$0x0], $0xffff;
	[tilespmem:$0x1F850] =	vst v40  }
0x22a: {  	v53 =	vmul.f32 v44, v44;
	v34 =	vor.u32 $0x11, v0;
	v5 =	vadd.f32 v38, v5;
	[tilespmem:$0x1F880] =	vst v1;
	v47 =	vld.idx.msk [tilespmem:v2+s0+$0x0], $0xffff  }
0x22b: {  	v35 =	vor.u32 $0x13, v0;
	v7 =	vadd.f32 v43, v7;
	v52 =	vld.idx.msk [tilespmem:v2+s2+$0x0], $0xffff;
	v2 =	vor.u32 $0xE, v0;
	[tilespmem:$0x1F950] =	vst v23  }
0x22c: {  	v54 =	vmul.f32 v1, v1;
	v1 =	vmov v3;
	[tilespmem:$0x1F910] =	vst v2;
	v5 =	vadd.f32 v42, v5  }
0x22d: {  	v3 =	vld.idx.msk [tilespmem:v3+s0+$0x0], $0xffff;
	v44 =	vmul.f32 v23, v23;
	v23 =	vor.u32 $0x1A, v0;
	[tilespmem:$0x1F980] =	vst v27;
	v7 =	vadd.f32 v46, v7  }
0x22e: {  	v49 =	vmul.f32 v40, v40;
	v43 =	vld.idx.msk [tilespmem:v17+s2+$0x0], $0xffff;
	[tilespmem:$0x1FAF0] =	vst v23;
	v5 =	vadd.f32 v45, v5  }
0x22f: {  	v42 =	vld.idx.msk [tilespmem:v34+s0+$0x0], $0xffff;
	v7 =	vadd.f32 v50, v7;
	[tilespmem:$0x1F900] =	vst v63  }
0x230: {  	[tilespmem:$0x1F930] =	vst v20;
	v50 =	vld.idx.msk [tilespmem:v35+s0+$0x0], $0xffff;
	v5 =	vadd.f32 v49, v5  }
0x231: {  	v57 =	vmul.f32 v48, v48;
	[tilespmem:$0x1F8A0] =	vst v47;
	v16 =	vld.idx.msk [tilespmem:v1+s2+$0x0], $0xffff;
	v1 =	vmov v2;
	v7 =	vadd.f32 v54, v7  }
0x232: {  	[tilespmem:$0x1F8D0] =	vst v52;
	v56 =	vmul.f32 v47, v47;
	v5 =	vadd.f32 v53, v5  }
0x233: {  	[tilespmem:$0x1F8F0] =	vst v3;
	v19 =	vmul.f32 v52, v52;
	v2 =	vld.idx.msk [tilespmem:v2+s0+$0x0], $0xffff;
	v7 =	vadd.f32 v57, v7  }
0x234: {  	v37 =	vor.u32 $0x17, v0;
	v21 =	vmul.f32 v3, v3;
	v3 =	vld.idx.msk [tilespmem:v17+s0+$0x0], $0xffff;
	[tilespmem:$0x1F9C0] =	vst v43;
	v5 =	vadd.f32 v56, v5  }
0x235: {  	v36 =	vor.u32 $0x15, v0;
	v22 =	vmul.f32 v55, v55;
	v47 =	vld.idx.msk [tilespmem:v34+s2+$0x0], $0xffff;
	[tilespmem:$0x1F9A0] =	vst v42;
	v7 =	vadd.f32 v19, v7  }
0x236: {  	v25 =	vmul.f32 v63, v63;
	[tilespmem:$0x1F9F0] =	vst v50;
	v24 =	vld.idx.msk [tilespmem:v1+s2+$0x0], $0xffff;
	v6 =	vadd.f32 v18, v5  }
0x237: {  	[tilespmem:$0x1F920] =	vst v16;
	v1 =	vor.u32 $0x12, v0;
	v26 =	vmul.f32 v16, v16;
	v7 =	vadd.f32 v22, v7  }
0x238: {  	v41 =	vmul.f32 v20, v20;
	v54 =	vld.idx.msk [tilespmem:v35+s2+$0x0], $0xffff;
	[tilespmem:$0x1F940] =	vst v2;
	v6 =	vadd.f32 v21, v6  }
0x239: {  	v49 =	vmul.f32 v27, v27;
	v27 =	vld.idx.msk [tilespmem:v37+s2+$0x0], $0xffff;
	[tilespmem:$0x1F990] =	vst v3;
	v7 =	vadd.f32 v26, v7  }
0x23a: {  	v57 =	vld.idx.msk [tilespmem:v36+s0+$0x0], $0xffff;
	v40 =	vmul.f32 v2, v2;
	[tilespmem:$0x1F9D0] =	vst v47;
	v9 =	vadd.f32 v25, v6  }
0x23b: {  	v2 =	vor.u32 $0x14, v0;
	v19 =	vld.idx.msk [tilespmem:v36+s2+$0x0], $0xffff;
	[tilespmem:$0x1F9B0] =	vst v1;
	v45 =	vmul.f32 v24, v24;
	v7 =	vadd.f32 v41, v7  }
0x23c: {  	v48 =	vmul.f32 v3, v3;
	[tilespmem:$0x1FA00] =	vst v2;
	v46 =	vld.idx.msk [tilespmem:v1+s0+$0x0], $0xffff;
	v9 =	vadd.f32 v40, v9  }
0x23d: {  	v16 =	vor.u32 $0x18, v0;
	[tilespmem:$0x1FA20] =	vst v54;
	v3 =	vld.idx.msk [tilespmem:v1+s2+$0x0], $0xffff;
	v1 =	vmov v2;
	v8 =	vadd.f32 v45, v7  }
0x23e: {  	[tilespmem:$0x1FAA0] =	vst v16;
	v22 =	vld.idx.msk [tilespmem:v37+s0+$0x0], $0xffff;
	v26 =	vmov v16;
	v9 =	vadd.f32 v44, v9  }
0x23f: {  	v53 =	vmul.f32 v43, v43;
	[tilespmem:$0x1FAC0] =	vst v27;
	v8 =	vadd.f32 v49, v8  }
0x240: {  	v52 =	vmul.f32 v42, v42;
	[tilespmem:$0x1FA40] =	vst v57;
	v2 =	vld.idx.msk [tilespmem:v2+s0+$0x0], $0xffff;
	v9 =	vadd.f32 v48, v9  }
0x241: {  	v17 =	vmul.f32 v50, v50;
	v56 =	vmul.f32 v47, v47;
	[tilespmem:$0x1F970] =	vst v24;
	v11 =	vadd.f32 v53, v8  }
0x242: {  	v38 =	vor.u32 $0x19, v0;
	[tilespmem:$0x1FA70] =	vst v19;
	v55 =	vmul.f32 v46, v46;
	v63 =	vld.idx.msk [tilespmem:v1+s2+$0x0], $0xffff;
	v9 =	vadd.f32 v52, v9  }
0x243: {  	v39 =	vor.u32 $0x1B, v0;
	[tilespmem:$0x1FA90] =	vst v22;
	v4 =	vld.idx.msk [tilespmem:v26+s2+$0x0], $0xffff;
	v18 =	vmul.f32 v3, v3;
	v11 =	vadd.f32 v56, v11  }
0x244: {  	v21 =	vmul.f32 v54, v54;
	v41 =	vor.u32 $0x1F, v0;
	[tilespmem:$0x1F9E0] =	vst v46;
	v1 =	vld.idx.msk [tilespmem:v51+s0+$0x0], $0xffff;
	v9 =	vadd.f32 v55, v9  }
0x245: {  	v40 =	vor.u32 $0x1D, v0;
	[tilespmem:$0x1FA10] =	vst v3;
	v20 =	vmul.f32 v2, v2;
	v3 =	vld.idx.msk [tilespmem:v51+s2+$0x0], $0xffff;
	v11 =	vadd.f32 v18, v11  }
0x246: {  	[tilespmem:$0x1FA30] =	vst v2;
	v2 =	vld.idx.msk [tilespmem:v16+s0+$0x0], $0xffff;
	v51 =	vmul.f32 v27, v27;
	v27 =	vor.u32 $0x22, v0;
	v9 =	vadd.f32 v17, v9  }
0x247: {  	v46 =	vld.idx.msk [tilespmem:v38+s0+$0x0], $0xffff;
	[tilespmem:$0x1FC00] =	vst v27;
	v25 =	vmul.f32 v63, v63;
	v11 =	vadd.f32 v21, v11  }
0x248: {  	v24 =	vmul.f32 v57, v57;
	v49 =	vld.idx.msk [tilespmem:v38+s2+$0x0], $0xffff;
	[tilespmem:$0x1FB00] =	vst v4;
	v10 =	vadd.f32 v20, v9  }
0x249: {  	v45 =	vmul.f32 v19, v19;
	v26 =	vld.idx.msk [tilespmem:v41+s0+$0x0], $0xffff;
	[tilespmem:$0x1FA60] =	vst v63;
	v11 =	vadd.f32 v25, v11  }
0x24a: {  	v52 =	vld.idx.msk [tilespmem:v39+s0+$0x0], $0xffff;
	[tilespmem:$0x1FA80] =	vst v1;
	v44 =	vmul.f32 v1, v1;
	v10 =	vadd.f32 v24, v10  }
0x24b: {  	v43 =	vor.u32 $0x23, v0;
	[tilespmem:$0x1FAB0] =	vst v3;
	v48 =	vmul.f32 v3, v3;
	v63 =	vld.idx.msk [tilespmem:v40+s0+$0x0], $0xffff;
	v11 =	vadd.f32 v45, v11  }
0x24c: {  	v47 =	vmul.f32 v22, v22;
	[tilespmem:$0x1FAD0] =	vst v2;
	v1 =	vld.idx.msk [tilespmem:v23+s0+$0x0], $0xffff;
	v13 =	vadd.f32 v44, v10;
	v10 =	vor.u32 $0x1C, v0  }
0x24d: {  	v54 =	vmul.f32 v4, v4;
	[tilespmem:$0x1FAE0] =	vst v46;
	v3 =	vld.idx.msk [tilespmem:v23+s2+$0x0], $0xffff;
	v12 =	vadd.f32 v48, v11  }
0x24e: {  	v42 =	vor.u32 $0x21, v0;
	[tilespmem:$0x1FB10] =	vst v49;
	v50 =	vmul.f32 v2, v2;
	v55 =	vld.idx.msk [tilespmem:v39+s2+$0x0], $0xffff;
	v13 =	vadd.f32 v47, v13  }
0x24f: {  	v53 =	vmul.f32 v46, v46;
	v23 =	vld.idx.msk [tilespmem:v40+s2+$0x0], $0xffff;
	[tilespmem:$0x1FBB0] =	vst v26;
	v12 =	vadd.f32 v51, v12  }
0x250: {  	[tilespmem:$0x1FB70] =	vst v63;
	v46 =	vmul.f32 v63, v63;
	v63 =	vld.idx.msk [tilespmem:v43+s0+$0x0], $0xffff;
	v11 =	vor.u32 $0x1E, v0;
	v13 =	vadd.f32 v50, v13  }
0x251: {  	v57 =	vmul.f32 v49, v49;
	[tilespmem:$0x1FB30] =	vst v52;
	v15 =	vadd.f32 v54, v12;
	v2 =	vld.idx.msk [tilespmem:v10+s0+$0x0], $0xffff  }
0x252: {  	v56 =	vmul.f32 v1, v1;
	v22 =	vmul.f32 v3, v3;
	v20 =	vld.idx.msk [tilespmem:v10+s2+$0x0], $0xffff;
	v13 =	vadd.f32 v53, v13  }
0x253: {  	[tilespmem:$0x1FB50] =	vst v55;
	v25 =	vmul.f32 v55, v55;
	v55 =	vld.idx.msk [tilespmem:v42+s2+$0x0], $0xffff;
	v15 =	vadd.f32 v57, v15  }
0x254: {  	v21 =	vmul.f32 v52, v52;
	[tilespmem:$0x1FB20] =	vst v1;
	v51 =	vld.idx.msk [tilespmem:v42+s0+$0x0], $0xffff;
	v12 =	vor.u32 $0x20, v0;
	v13 =	vadd.f32 v56, v13  }
0x255: {  	[tilespmem:$0x1FB40] =	vst v3;
	v1 =	vld.idx.msk [tilespmem:v11+s0+$0x0], $0xffff;
	v15 =	vadd.f32 v22, v15  }
0x256: {  	[tilespmem:$0x1FB90] =	vst v23;
	v44 =	vor.u32 $0x25, v0;
	v3 =	vld.idx.msk [tilespmem:v11+s2+$0x0], $0xffff;
	v13 =	vadd.f32 v21, v13;
	v24 =	vmul.f32 v2, v2  }
0x257: {  	v48 =	vld.idx.msk [tilespmem:v41+s2+$0x0], $0xffff;
	[tilespmem:$0x1FC40] =	vst v63;
	v15 =	vadd.f32 v25, v15;
	v47 =	vmul.f32 v20, v20  }
0x258: {  	[tilespmem:$0x1FC20] =	vst v55;
	v14 =	vadd.f32 v24, v13  }
0x259: {  	v50 =	vmul.f32 v23, v23;
	[tilespmem:$0x1FB60] =	vst v2;
	v2 =	vld.idx.msk [tilespmem:v12+s0+$0x0], $0xffff;
	v15 =	vadd.f32 v47, v15  }
0x25a: {  	[tilespmem:$0x1FBF0] =	vst v51;
	v52 =	vld.idx.msk [tilespmem:v12+s2+$0x0], $0xffff;
	v49 =	vmul.f32 v1, v1;
	v14 =	vadd.f32 v46, v14  }
0x25b: {  	v22 =	vmul.f32 v51, v51;
	v51 =	vld.idx.msk [tilespmem:v44+s2+$0x0], $0xffff;
	v54 =	vmul.f32 v3, v3;
	v15 =	vadd.f32 v50, v15  }
0x25c: {  	[tilespmem:$0x1FBD0] =	vst v48;
	v53 =	vmul.f32 v26, v26;
	v17 =	vadd.f32 v49, v14;
	v14 =	vor.u32 $0x24, v0  }
0x25d: {  	v57 =	vmul.f32 v48, v48;
	[tilespmem:$0x1FBA0] =	vst v1;
	v1 =	vld.idx.msk [tilespmem:v27+s0+$0x0], $0xffff;
	v16 =	vadd.f32 v54, v15  }
0x25e: {  	v45 =	vor.u32 $0x27, v0;
	[tilespmem:$0x1FBC0] =	vst v3;
	v3 =	vld.idx.msk [tilespmem:v27+s2+$0x0], $0xffff;
	v56 =	vmul.f32 v2, v2;
	v17 =	vadd.f32 v53, v17  }
0x25f: {  	[tilespmem:$0x1FB80] =	vst v20;
	v27 =	vld.idx.msk [tilespmem:v44+s0+$0x0], $0xffff;
	v23 =	vmul.f32 v52, v52;
	v16 =	vadd.f32 v57, v16  }
0x260: {  	v24 =	vld.idx.msk [tilespmem:v43+s2+$0x0], $0xffff;
	[tilespmem:$0x1FCA0] =	vst v51;
	v15 =	vor.u32 $0x26, v0;
	v17 =	vadd.f32 v56, v17  }
0x261: {  	v26 =	vmul.f32 v55, v55;
	[tilespmem:$0x1FBE0] =	vst v2;
	v19 =	vadd.f32 v23, v16;
	v2 =	vld.idx.msk [tilespmem:v14+s0+$0x0], $0xffff  }
0x262: {  	[tilespmem:$0x1FC10] =	vst v52;
	v46 =	vor.u32 $0x29, v0;
	v25 =	vmul.f32 v1, v1;
	v48 =	vld.idx.msk [tilespmem:v14+s2+$0x0], $0xffff;
	v17 =	vadd.f32 v22, v17  }
0x263: {  	[tilespmem:$0x1FC30] =	vst v1;
	v50 =	vmul.f32 v3, v3;
	v54 =	vld.idx.msk [tilespmem:v45+s0+$0x0], $0xffff;
	v19 =	vadd.f32 v26, v19  }
0x264: {  	[tilespmem:$0x1FC50] =	vst v3;
	v49 =	vmul.f32 v63, v63;
	v57 =	vld.idx.msk [tilespmem:v45+s2+$0x0], $0xffff;
	v16 =	vor.u32 $0x28, v0;
	v17 =	vadd.f32 v25, v17  }
0x265: {  	[tilespmem:$0x1FC80] =	vst v27;
	v53 =	vmul.f32 v24, v24;
	v1 =	vld.idx.msk [tilespmem:v15+s0+$0x0], $0xffff;
	v19 =	vadd.f32 v50, v19  }
0x266: {  	v47 =	vor.u32 $0x2B, v0;
	[tilespmem:$0x1FC60] =	vst v24;
	v3 =	vld.idx.msk [tilespmem:v15+s2+$0x0], $0xffff;
	v17 =	vadd.f32 v49, v17;
	v52 =	vmul.f32 v2, v2  }
0x267: {  	v13 =	vld.idx.msk [tilespmem:v46+s0+$0x0], $0xffff;
	[tilespmem:$0x1FC90] =	vst v48;
	v19 =	vadd.f32 v53, v19;
	v56 =	vmul.f32 v48, v48;
	v48 =	vor.u32 $0x2D, v0  }
0x268: {  	v55 =	vmul.f32 v27, v27;
	v27 =	vld.idx.msk [tilespmem:v46+s2+$0x0], $0xffff;
	[tilespmem:$0x1FCC0] =	vst v54;
	v18 =	vadd.f32 v52, v17;
	v17 =	vor.u32 $0x2A, v0  }
0x269: {  	v9 =	vmul.f32 v51, v51;
	[tilespmem:$0x1FC70] =	vst v2;
	v2 =	vld.idx.msk [tilespmem:v16+s0+$0x0], $0xffff;
	v19 =	vadd.f32 v56, v19  }
0x26a: {  	v25 =	vmul.f32 v54, v54;
	v24 =	vld.idx.msk [tilespmem:v16+s2+$0x0], $0xffff;
	v63 =	vmul.f32 v1, v1;
	v18 =	vadd.f32 v55, v18  }
0x26b: {  	[tilespmem:$0x1FCE0] =	vst v57;
	v54 =	vld.idx.msk [tilespmem:v47+s0+$0x0], $0xffff;
	v50 =	vor.u32 $0x31, v0;
	v26 =	vmul.f32 v3, v3;
	v19 =	vadd.f32 v9, v19  }
0x26c: {  	[tilespmem:$0x1FD00] =	vst v13;
	v55 =	vmul.f32 v13, v13;
	v13 =	vld.idx.msk [tilespmem:v48+s0+$0x0], $0xffff;
	v21 =	vadd.f32 v63, v18;
	v18 =	vor.u32 $0x2C, v0  }
0x26d: {  	[tilespmem:$0x1FCB0] =	vst v1;
	v53 =	vmul.f32 v57, v57;
	v20 =	vadd.f32 v26, v19;
	v1 =	vld.idx.msk [tilespmem:v17+s0+$0x0], $0xffff  }
0x26e: {  	[tilespmem:$0x1FCD0] =	vst v3;
	v49 =	vor.u32 $0x2F, v0;
	v52 =	vmul.f32 v2, v2;
	v3 =	vld.idx.msk [tilespmem:v17+s2+$0x0], $0xffff;
	v21 =	vadd.f32 v25, v21  }
0x26f: {  	[tilespmem:$0x1FD20] =	vst v27;
	v57 =	vld.idx.msk [tilespmem:v47+s2+$0x0], $0xffff;
	v56 =	vmul.f32 v24, v24;
	v20 =	vadd.f32 v53, v20  }
0x270: {  	[tilespmem:$0x1FD40] =	vst v54;
	v5 =	vld.idx.msk [tilespmem:v50+s0+$0x0], $0xffff;
	v9 =	vmul.f32 v27, v27;
	v19 =	vor.u32 $0x2E, v0;
	v21 =	vadd.f32 v52, v21  }
0x271: {  	[tilespmem:$0x1FCF0] =	vst v2;
	v53 =	vmul.f32 v54, v54;
	v23 =	vadd.f32 v56, v20;
	v2 =	vld.idx.msk [tilespmem:v18+s0+$0x0], $0xffff  }
0x272: {  	[tilespmem:$0x1FD80] =	vst v13;
	v52 =	vld.idx.msk [tilespmem:v18+s2+$0x0], $0xffff;
	v21 =	vadd.f32 v55, v21;
	v63 =	vmul.f32 v1, v1  }
0x273: {  	v7 =	vmul.f32 v13, v13;
	v13 =	vld.idx.msk [tilespmem:v49+s2+$0x0], $0xffff;
	v23 =	vadd.f32 v9, v23;
	v54 =	vmul.f32 v3, v3  }
0x274: {  	[tilespmem:$0x1FD60] =	vst v57;
	v20 =	vor.u32 $0x30, v0;
	v55 =	vld.idx.msk [tilespmem:v48+s2+$0x0], $0xffff;
	v21 =	vadd.f32 v63, v21  }
0x275: {  	v57 =	vmul.f32 v57, v57;
	[tilespmem:$0x1FD30] =	vst v1;
	v1 =	vld.idx.msk [tilespmem:v19+s0+$0x0], $0xffff;
	v23 =	vadd.f32 v54, v23  }
0x276: {  	[tilespmem:$0x1FD50] =	vst v3;
	v3 =	vld.idx.msk [tilespmem:v19+s2+$0x0], $0xffff;
	v21 =	vadd.f32 v53, v21;
	v56 =	vmul.f32 v2, v2  }
0x277: {  	v51 =	vor.u32 $0x33, v0;
	[tilespmem:$0x1FD10] =	vst v24;
	v63 =	vld.idx.msk [tilespmem:v49+s0+$0x0], $0xffff;
	v23 =	vadd.f32 v57, v23;
	v9 =	vmul.f32 v52, v52  }
0x278: {  	v8 =	vld.idx.msk [tilespmem:v50+s2+$0x0], $0xffff;
	[tilespmem:$0x1FD70] =	vst v2;
	v22 =	vadd.f32 v56, v21;
	v21 =	vor.u32 $0x32, v0  }
0x279: {  	v2 =	vld.idx.msk [tilespmem:v20+s0+$0x0], $0xffff;
	[tilespmem:$0x1FDA0] =	vst v55;
	v55 =	vmul.f32 v55, v55;
	v23 =	vadd.f32 v9, v23  }
0x27a: {  	v4 =	vld.idx.msk [tilespmem:v20+s2+$0x0], $0xffff;
	[tilespmem:$0x1FD90] =	vst v52;
	v52 =	vor.u32 $0x35, v0;
	v54 =	vmul.f32 v1, v1;
	v22 =	vadd.f32 v7, v22  }
0x27b: {  	[tilespmem:$0x1FDE0] =	vst v13;
	v57 =	vmul.f32 v3, v3;
	v9 =	vmul.f32 v13, v13;
	v23 =	vadd.f32 v55, v23  }
0x27c: {  	[tilespmem:$0x1FDB0] =	vst v1;
	v13 =	vld.idx.msk [tilespmem:v51+s0+$0x0], $0xffff;
	v56 =	vmul.f32 v63, v63;
	v25 =	vadd.f32 v54, v22;
	v22 =	vor.u32 $0x34, v0  }
0x27d: {  	[tilespmem:$0x1FDD0] =	vst v3;
	v24 =	vadd.f32 v57, v23;
	v1 =	vld.idx.msk [tilespmem:v21+s0+$0x0], $0xffff  }
0x27e: {  	[tilespmem:$0x1FDC0] =	vst v63;
	v63 =	vmul.f32 v2, v2;
	v3 =	vld.idx.msk [tilespmem:v21+s2+$0x0], $0xffff;
	v25 =	vadd.f32 v56, v25  }
0x27f: {  	[tilespmem:$0x1FE00] =	vst v5;
	v7 =	vld.idx.msk [tilespmem:v51+s2+$0x0], $0xffff;
	v57 =	vmul.f32 v4, v4;
	v24 =	vadd.f32 v9, v24  }
0x280: {  	[tilespmem:$0x1FE20] =	vst v8;
	v23 =	vor.u32 $0x36, v0;
	v56 =	vmul.f32 v5, v5;
	v5 =	vld.idx.msk [tilespmem:v52+s0+$0x0], $0xffff;
	v25 =	vadd.f32 v63, v25  }
0x281: {  	v8 =	vmul.f32 v8, v8;
	[tilespmem:$0x1FDF0] =	vst v2;
	v27 =	vadd.f32 v57, v24;
	v24 =	vor.u32 $0x38, v0;
	v2 =	vld.idx.msk [tilespmem:v22+s0+$0x0], $0xffff  }
0x282: {  	v53 =	vor.u32 $0x37, v0;
	[tilespmem:$0x1FE10] =	vst v4;
	v4 =	vld.idx.msk [tilespmem:v22+s2+$0x0], $0xffff;
	v25 =	vadd.f32 v56, v25;
	v63 =	vmul.f32 v1, v1  }
0x283: {  	[tilespmem:$0x1FE40] =	vst v13;
	v9 =	vmul.f32 v13, v13;
	v27 =	vadd.f32 v8, v27;
	v13 =	vmul.f32 v3, v3  }
0x284: {  	[tilespmem:$0x1FE60] =	vst v7;
	v8 =	vld.idx.msk [tilespmem:v52+s2+$0x0], $0xffff;
	v25 =	vadd.f32 v63, v25  }
0x285: {  	[tilespmem:$0x1FE30] =	vst v1;
	v1 =	vld.idx.msk [tilespmem:v23+s0+$0x0], $0xffff;
	v27 =	vadd.f32 v13, v27;
	v63 =	vmul.f32 v7, v7  }
0x286: {  	v54 =	vor.u32 $0x39, v0;
	[tilespmem:$0x1FE50] =	vst v3;
	v3 =	vld.idx.msk [tilespmem:v24+s0+$0x0], $0xffff;
	v25 =	vadd.f32 v9, v25;
	v57 =	vmul.f32 v2, v2  }
0x287: {  	[tilespmem:$0x1FE80] =	vst v5;
	v9 =	vld.idx.msk [tilespmem:v53+s0+$0x0], $0xffff;
	v27 =	vadd.f32 v63, v27;
	v63 =	vmul.f32 v4, v4  }
0x288: {  	v13 =	vmul.f32 v5, v5;
	[tilespmem:$0x1FE70] =	vst v2;
	v2 =	vld.idx.msk [tilespmem:v23+s2+$0x0], $0xffff;
	v26 =	vadd.f32 v57, v25;
	v25 =	vor.u32 $0x3A, v0  }
0x289: {  	v5 =	vld.idx.msk [tilespmem:v24+s2+$0x0], $0xffff;
	[tilespmem:$0x1FEA0] =	vst v8;
	v8 =	vmul.f32 v8, v8;
	v27 =	vadd.f32 v63, v27  }
0x28a: {  	v55 =	vor.u32 $0x3B, v0;
	[tilespmem:$0x1FE90] =	vst v4;
	v4 =	vld.idx.msk [tilespmem:v53+s2+$0x0], $0xffff;
	v7 =	vmul.f32 v1, v1;
	v26 =	vadd.f32 v13, v26  }
0x28b: {  	[tilespmem:$0x1FEB0] =	vst v1;
	v1 =	vld.idx.msk [tilespmem:v54+s0+$0x0], $0xffff;
	v27 =	vadd.f32 v8, v27  }
0x28c: {  	v8 =	vld.idx.msk [tilespmem:v54+s2+$0x0], $0xffff;
	[tilespmem:$0x1FEC0] =	vst v9;
	v9 =	vmul.f32 v9, v9;
	v56 =	vadd.f32 v7, v26;
	v26 =	vor.u32 $0x3C, v0  }
0x28d: {  	[tilespmem:$0x1FED0] =	vst v2;
	v57 =	vmul.f32 v2, v2;
	v2 =	vld.idx.msk [tilespmem:v25+s0+$0x0], $0xffff  }
0x28e: {  	[tilespmem:$0x1FEF0] =	vst v3;
	v13 =	vmul.f32 v3, v3;
	v3 =	vld.idx.msk [tilespmem:v25+s2+$0x0], $0xffff;
	v63 =	vadd.f32 v9, v56;
	v56 =	vor.u32 $0x3D, v0  }
0x28f: {  	[tilespmem:$0x1FEE0] =	vst v4;
	v57 =	vadd.f32 v57, v27;
	v9 =	vmul.f32 v4, v4;
	v4 =	vld.idx.msk [tilespmem:v55+s0+$0x0], $0xffff  }
0x290: {  	[tilespmem:$0x1FF00] =	vst v1;
	v7 =	vadd.f32 v13, v63;
	v63 =	vor.u32 $0x3E, v0;
	v13 =	vmul.f32 v1, v1;
	v1 =	vld.idx.msk [tilespmem:v55+s2+$0x0], $0xffff  }
0x291: {  	v9 =	vadd.f32 v9, v57;
	v57 =	vmul.f32 v5, v5;
	v27 =	vld.idx.msk [tilespmem:v26+s0+$0x0], $0xffff  }
0x292: {  	[tilespmem:$0x1FF10] =	vst v5;
	v7 =	vadd.f32 v13, v7;
	v13 =	vor.u32 $0x3F, v0;
	v6 =	vmul.f32 v2, v2  }
0x293: {  	[tilespmem:$0x1FF30] =	vst v2;
	v9 =	vadd.f32 v57, v9;
	v57 =	vmul.f32 v8, v8;
	v2 =	vld.idx.msk [tilespmem:v56+s0+$0x0], $0xffff  }
0x294: {  	[tilespmem:$0x1FF20] =	vst v8;
	v5 =	vld.idx.msk [tilespmem:v26+s2+$0x0], $0xffff;
	v6 =	vadd.f32 v6, v7;
	v7 =	vmul.f32 v4, v4  }
0x295: {  	[tilespmem:$0x1FF50] =	vst v3;
	v8 =	vadd.f32 v57, v9;
	v57 =	vmul.f32 v3, v3;
	v3 =	vld.idx.msk [tilespmem:v63+s0+$0x0], $0xffff  }
0x296: {  	[tilespmem:$0x1FF60] =	vst v1;
	v6 =	vadd.f32 v7, v6;
	v9 =	vmul.f32 v27, v27  }
0x297: {  	[tilespmem:$0x1FF70] =	vst v27;
	v27 =	vadd.f32 v57, v8;
	v57 =	vmul.f32 v1, v1;
	v1 =	vld.idx.msk [tilespmem:v13+s0+$0x0], $0xffff  }
0x298: {  	v8 =	vadd.f32 v9, v6;
	v6 =	vmul.f32 v2, v2  }
0x299: {  	[tilespmem:$0x1FF90] =	vst v5;
	v7 =	vld.idx.msk [tilespmem:v56+s2+$0x0], $0xffff  }
0x29a: {  	[tilespmem:$0x1FF80] =	vst v2;
	v9 =	vmul.f32 v5, v5;
	v5 =	vadd.f32 v6, v8;
	v2 =	vmul.f32 v3, v3  }
0x29b: {  	[tilespmem:$0x1FF40] =	vst v4;
	v4 =	vld.idx.msk [tilespmem:v63+s2+$0x0], $0xffff  }
0x29c: {  	v27 =	vadd.f32 v57, v27;
	[tilespmem:$0x1FFB0] =	vst v3;
	v3 =	vadd.f32 v2, v5;
	v2 =	vmul.f32 v1, v1  }
0x29d: {  	v6 =	vld.idx.msk [tilespmem:v13+s2+$0x0], $0xffff  }
0x29e: {  	v27 =	vadd.f32 v9, v27;
	v9 =	vmul.f32 v7, v7;
	[tilespmem:$0x1FFC0] =	vst v1;
	v1 =	vadd.f32 v2, v3;
	_ =	sdelay $0x1  }
0x29f: {  	v5 =	vmul.f32 v4, v4;
	v27 =	vadd.f32 v9, v27;
	v1 =	vmax.f32 v1, $1.000000020e-24  }
0x2a0: {  	[tilespmem:$0x1FFA0] =	vst v7;
	v7 =	vshrl.u32 v1, $0x1;
	v1 =	vmul.f32 $5.000000000e-01, v1  }
0x2a1: {  	[tilespmem:$0x1FFE0] =	vst v6;
	v2 =	vadd.f32 v5, v27;
	v6 =	vmul.f32 v6, v6;
	v27 =	vsub.s32 $0x5F3759DF, v7  }
0x2a2: {  	v8 =	vmul.f32 v27, v1  }
0x2a3: {  	v2 =	vadd.f32 v6, v2  }
0x2a4: {  	v57 =	vmul.f32 v27, v8  }
0x2a5: {  	v2 =	vmax.f32 v2, $1.000000020e-24  }
0x2a6: {  	v3 =	vshrl.u32 v2, $0x1;
	v2 =	vmul.f32 $5.000000000e-01, v2;
	v57 =	vsub.f32 $1.500000000e+00, v57  }
0x2a7: {  	v3 =	vsub.s32 $0x5F3759DF, v3  }
0x2a8: {  	v9 =	vmul.f32 v3, v2;
	v27 =	vmul.f32 v27, v57;
	_ =	sdelay $0x1  }
0x2a9: {  	[tilespmem:$0x1FFD0] =	vst v4;
	v4 =	vmul.f32 v3, v9;
	v57 =	vmul.f32 v27, v1;
	_ =	sdelay $0x1  }
0x2aa: {  	v4 =	vsub.f32 $1.500000000e+00, v4;
	v8 =	vmul.f32 v57, v27;
	_ =	sdelay $0x1  }
0x2ab: {  	v3 =	vmul.f32 v3, v4;
	v4 =	vsub.f32 $1.500000000e+00, v8;
	_ =	sdelay $0x1  }
0x2ac: {  	v4 =	vmul.f32 v4, v27;
	_ =	sdelay $0x1  }
0x2ad: {  	v1 =	vmul.f32 v4, v1  }
0x2ae: {  	v9 =	vmul.f32 v3, v2  }
0x2af: {  	v1 =	vmul.f32 v1, v4  }
0x2b0: {  	v57 =	vmul.f32 v9, v3  }
0x2b1: {  	v8 =	vld [tilespmem:$0x1F740];
	v1 =	vsub.f32 $1.500000000e+00, v1  }
0x2b2: {  	v27 =	vld.idx.msk [tilespmem:v0+s20+$0x0], $0xffff;
	v7 =	vsub.f32 $1.500000000e+00, v57  }
0x2b3: {  	v0 =	vmul.f32 v1, v4;
	v4 =	vld.idx.msk [tilespmem:v30+s20+$0x0], $0xffff  }
0x2b4: {  	v3 =	vmul.f32 v7, v3;
	v30 =	vld [tilespmem:$0x1F750];
	_ =	sdelay $0x1  }
0x2b5: {  	v2 =	vmul.f32 v3, v2  }
0x2b6: {  	v9 =	vmul.f32 v0, v8;
	v8 =	vld [tilespmem:$0x1F760]  }
0x2b7: {  	v2 =	vmul.f32 v2, v3  }
0x2b8: {  	v57 =	vmul.f32 v0, v30  }
0x2b9: {  	v1 =	vsub.f32 $1.500000000e+00, v2;
	v2 =	vld.idx.msk [tilespmem:v28+s20+$0x0], $0xffff  }
0x2ba: {  	v4 =	vadd.f32 v57, v4;
	v57 =	vld [tilespmem:$0x1F790]  }
0x2bb: {  	v27 =	vadd.f32 v9, v27;
	v9 =	vmul.f32 v0, v8;
	v8 =	vld [tilespmem:$0x1F7A0]  }
0x2bc: {  	v1 =	vmul.f32 v1, v3;
	v3 =	vld.idx.msk [tilespmem:v29+s20+$0x0], $0xffff  }
0x2bd: {  	v29 =	vld [tilespmem:$0x1F770]  }
0x2be: {  	v28 =	vld.idx.msk [tilespmem:v31+s20+$0x0], $0xffff  }
0x2bf: {  	v30 =	vld [tilespmem:$0x1F780];
	v2 =	vadd.f32 v9, v2;
	v31 =	vmul.f32 v1, v57  }
0x2c0: {  	v9 =	vmul.f32 v0, v8;
	v8 =	vld [tilespmem:$0x1F7B0]  }
0x2c1: {  	v2 =	vsub.f32 v2, v31;
	v31 =	vld [tilespmem:$0x1F7C0]  }
0x2c2: {  	v29 =	vmul.f32 v1, v29;
	_ =	sdelay $0x1  }
0x2c3: {  	v27 =	vsub.f32 v27, v29;
	v29 =	vld.idx.msk [tilespmem:v58+s20+$0x0], $0xffff  }
0x2c4: {  	v3 =	vadd.f32 v9, v3;
	v9 =	vmul.f32 v1, v8;
	v8 =	vld [tilespmem:$0x1F7E0]  }
0x2c5: {  	v30 =	vmul.f32 v1, v30;
	v58 =	vld [tilespmem:$0x1F7D0];
	v57 =	vmul.f32 v0, v31  }
0x2c6: {  	v31 =	vld [tilespmem:$0x1F810]  }
0x2c7: {  	v4 =	vsub.f32 v4, v30;
	v28 =	vadd.f32 v57, v28;
	v57 =	vld.idx.msk [tilespmem:v59+s20+$0x0], $0xffff  }
0x2c8: {  	v27 =	vand.u32 $0x7FFFFFFF, v27;
	v59 =	vld [tilespmem:$0x1F7F0]  }
0x2c9: {  	v4 =	vand.u32 $0x7FFFFFFF, v4;
	v3 =	vsub.f32 v3, v9;
	v9 =	vmul.f32 v1, v8;
	v8 =	vld [tilespmem:$0x1F800]  }
0x2ca: {  	v4 =	vadd.f32 v4, v27  }
0x2cb: {  	v30 =	vld.idx.msk [tilespmem:v62+s20+$0x0], $0xffff;
	v27 =	vmul.f32 v0, v58;
	v2 =	vand.u32 $0x7FFFFFFF, v2  }
0x2cc: {  	v2 =	vadd.f32 v4, v2;
	v4 =	vmul.f32 v0, v31;
	v31 =	vld.idx.msk [tilespmem:v60+s20+$0x0], $0xffff  }
0x2cd: {  	v58 =	vadd.f32 v27, v29;
	v62 =	vmul.f32 v1, v59;
	v59 =	vld [tilespmem:$0x1F830]  }
0x2ce: {  	v3 =	vand.u32 $0x7FFFFFFF, v3;
	v28 =	vsub.f32 v28, v9;
	v9 =	vmul.f32 v0, v8;
	v8 =	vld [tilespmem:$0x1F840]  }
0x2cf: {  	v2 =	vadd.f32 v2, v3;
	v3 =	vsub.f32 v58, v62;
	v58 =	vld [tilespmem:$0x1F820]  }
0x2d0: {  	v60 =	vld [tilespmem:$0x1F880]  }
0x2d1: {  	v29 =	vadd.f32 v9, v30;
	v30 =	vld [tilespmem:$0x1F850]  }
0x2d2: {  	v62 =	vmul.f32 v1, v59;
	v59 =	vld [tilespmem:$0x1F870];
	_ =	sdelay $0x1  }
0x2d3: {  	v9 =	vmul.f32 v1, v8;
	v8 =	vld [tilespmem:$0x1F890]  }
0x2d4: {  	v29 =	vsub.f32 v29, v62;
	v62 =	vmul.f32 v1, v60;
	v60 =	vld [tilespmem:$0x1F8C0]  }
0x2d5: {  	v28 =	vand.u32 $0x7FFFFFFF, v28;
	v4 =	vadd.f32 v4, v57;
	v57 =	vmul.f32 v0, v30;
	v30 =	vld [tilespmem:$0x1FB70]  }
0x2d6: {  	v2 =	vadd.f32 v2, v28;
	v27 =	vld.idx.msk [tilespmem:v58+s20+$0x0], $0xffff  }
0x2d7: {  	v3 =	vand.u32 $0x7FFFFFFF, v3;
	v58 =	vld [tilespmem:$0x1F860]  }
0x2d8: {  	v2 =	vadd.f32 v2, v3;
	v3 =	vsub.f32 v4, v9;
	v9 =	vmul.f32 v1, v8;
	v8 =	vld [tilespmem:$0x1F8E0]  }
0x2d9: {  	v28 =	vld.idx.msk [tilespmem:v59+s20+$0x0], $0xffff  }
0x2da: {  	v59 =	vld [tilespmem:$0x1F8B0]  }
0x2db: {  	v29 =	vand.u32 $0x7FFFFFFF, v29;
	v27 =	vadd.f32 v57, v27;
	v57 =	vld.idx.msk [tilespmem:v61+s20+$0x0], $0xffff  }
0x2dc: {  	v2 =	vadd.f32 v2, v29;
	v4 =	vmul.f32 v0, v58;
	v29 =	vld.idx.msk [tilespmem:v60+s20+$0x0], $0xffff  }
0x2dd: {  	v61 =	vld [tilespmem:$0x1F8D0]  }
0x2de: {  	v60 =	vld [tilespmem:$0x1F910];
	v4 =	vadd.f32 v4, v31  }
0x2df: {  	v3 =	vand.u32 $0x7FFFFFFF, v3;
	v31 =	vld [tilespmem:$0x1F8A0]  }
0x2e0: {  	v2 =	vadd.f32 v2, v3;
	v3 =	vsub.f32 v4, v9;
	v4 =	vmul.f32 v0, v59;
	v59 =	vld [tilespmem:$0x1F900]  }
0x2e1: {  	v27 =	vsub.f32 v27, v62;
	v9 =	vmul.f32 v1, v8;
	v8 =	vld [tilespmem:$0x1F930]  }
0x2e2: {  	v62 =	vmul.f32 v1, v61;
	v61 =	vld [tilespmem:$0x1F920]  }
0x2e3: {  	v27 =	vand.u32 $0x7FFFFFFF, v27;
	v4 =	vadd.f32 v4, v57;
	v57 =	vld [tilespmem:$0x1F8F0]  }
0x2e4: {  	v2 =	vadd.f32 v2, v27;
	v58 =	vmul.f32 v0, v31;
	v31 =	vld.idx.msk [tilespmem:v32+s20+$0x0], $0xffff  }
0x2e5: {  	v3 =	vand.u32 $0x7FFFFFFF, v3;
	v32 =	vld.idx.msk [tilespmem:v33+s20+$0x0], $0xffff  }
0x2e6: {  	v2 =	vadd.f32 v2, v3;
	v33 =	vld [tilespmem:$0x1F940]  }
0x2e7: {  	v3 =	vsub.f32 v4, v9;
	v28 =	vadd.f32 v58, v28;
	v4 =	vmul.f32 v0, v59;
	v59 =	vld [tilespmem:$0x1F960]  }
0x2e8: {  	v27 =	vld.idx.msk [tilespmem:v60+s20+$0x0], $0xffff  }
0x2e9: {  	v9 =	vmul.f32 v1, v8;
	v8 =	vld [tilespmem:$0x1F980];
	v28 =	vsub.f32 v28, v62;
	v58 =	vmul.f32 v0, v57  }
0x2ea: {  	v62 =	vmul.f32 v1, v61;
	v61 =	vld [tilespmem:$0x1F970]  }
0x2eb: {  	v57 =	vmul.f32 v0, v33;
	v29 =	vadd.f32 v58, v29;
	v28 =	vand.u32 $0x7FFFFFFF, v28;
	v58 =	vld [tilespmem:$0x1F950]  }
0x2ec: {  	v4 =	vadd.f32 v4, v31;
	v33 =	vld [tilespmem:$0x1F990];
	v2 =	vadd.f32 v2, v28  }
0x2ed: {  	v3 =	vand.u32 $0x7FFFFFFF, v3;
	v27 =	vadd.f32 v57, v27;
	v57 =	vld [tilespmem:$0x1F9A0]  }
0x2ee: {  	v2 =	vadd.f32 v2, v3;
	v3 =	vsub.f32 v4, v9;
	v9 =	vmul.f32 v1, v8;
	v8 =	vld [tilespmem:$0x1F9D0]  }
0x2ef: {  	v29 =	vsub.f32 v29, v62;
	v62 =	vmul.f32 v1, v61;
	v60 =	vld.idx.msk [tilespmem:v59+s20+$0x0], $0xffff  }
0x2f0: {  	v4 =	vmul.f32 v0, v58;
	v58 =	vld [tilespmem:$0x1F9B0]  }
0x2f1: {  	v27 =	vsub.f32 v27, v62;
	v62 =	vld.idx.msk [tilespmem:v35+s20+$0x0], $0xffff  }
0x2f2: {  	v35 =	vld [tilespmem:$0x1FA00]  }
0x2f3: {  	v31 =	vld.idx.msk [tilespmem:v34+s20+$0x0], $0xffff;
	v29 =	vand.u32 $0x7FFFFFFF, v29;
	v34 =	vmul.f32 v0, v33  }
0x2f4: {  	v2 =	vadd.f32 v2, v29;
	v4 =	vadd.f32 v4, v32;
	v32 =	vld [tilespmem:$0x1FA90]  }
0x2f5: {  	v3 =	vand.u32 $0x7FFFFFFF, v3;
	v28 =	vadd.f32 v34, v60;
	v60 =	vld [tilespmem:$0x1F9C0]  }
0x2f6: {  	v2 =	vadd.f32 v2, v3;
	v3 =	vsub.f32 v4, v9;
	v4 =	vmul.f32 v0, v57;
	v34 =	vld [tilespmem:$0x1F9F0]  }
0x2f7: {  	v9 =	vmul.f32 v1, v8;
	v8 =	vld [tilespmem:$0x1FA30]  }
0x2f8: {  	v4 =	vadd.f32 v4, v31;
	v31 =	vld [tilespmem:$0x1F9E0]  }
0x2f9: {  	v59 =	vld.idx.msk [tilespmem:v58+s20+$0x0], $0xffff  }
0x2fa: {  	v27 =	vand.u32 $0x7FFFFFFF, v27;
	v57 =	vld.idx.msk [tilespmem:v35+s20+$0x0], $0xffff  }
0x2fb: {  	v2 =	vadd.f32 v2, v27;
	v58 =	vld [tilespmem:$0x1FA10]  }
0x2fc: {  	v3 =	vand.u32 $0x7FFFFFFF, v3;
	v61 =	vmul.f32 v1, v60;
	v60 =	vld.idx.msk [tilespmem:v36+s20+$0x0], $0xffff  }
0x2fd: {  	v2 =	vadd.f32 v2, v3;
	v3 =	vsub.f32 v4, v9;
	v4 =	vmul.f32 v0, v34;
	v34 =	vld [tilespmem:$0x1FA50]  }
0x2fe: {  	v36 =	vld [tilespmem:$0x1FA60]  }
0x2ff: {  	v28 =	vsub.f32 v28, v61;
	v61 =	vld [tilespmem:$0x1FA20]  }
0x300: {  	v33 =	vmul.f32 v0, v31;
	v31 =	vld.idx.msk [tilespmem:v11+s20+$0x0], $0xffff  }
0x301: {  	v11 =	vld [tilespmem:$0x1FD70]  }
0x302: {  	v29 =	vadd.f32 v59, v33;
	v33 =	vld [tilespmem:$0x1FA40]  }
0x303: {  	v59 =	vmul.f32 v1, v58;
	v58 =	vld.idx.msk [tilespmem:v37+s20+$0x0], $0xffff  }
0x304: {  	v28 =	vand.u32 $0x7FFFFFFF, v28;
	v37 =	vld.idx.msk [tilespmem:v38+s20+$0x0], $0xffff  }
0x305: {  	v2 =	vadd.f32 v2, v28;
	v28 =	vld [tilespmem:$0x1FB60]  }
0x306: {  	v29 =	vsub.f32 v29, v59;
	v59 =	vld [tilespmem:$0x1FA70]  }
0x307: {  	v3 =	vand.u32 $0x7FFFFFFF, v3;
	v4 =	vadd.f32 v62, v4;
	v62 =	vmul.f32 v1, v61;
	v61 =	vld [tilespmem:$0x1FA80]  }
0x308: {  	v9 =	vmul.f32 v0, v8;
	v38 =	vld [tilespmem:$0x1FAC0];
	v2 =	vadd.f32 v2, v3  }
0x309: {  	v35 =	vld.idx.msk [tilespmem:v34+s20+$0x0], $0xffff;
	v29 =	vand.u32 $0x7FFFFFFF, v29;
	v3 =	vsub.f32 v4, v62;
	v4 =	vmul.f32 v0, v33  }
0x30a: {  	v27 =	vadd.f32 v57, v9;
	v57 =	vmul.f32 v1, v36;
	v2 =	vadd.f32 v2, v29;
	v33 =	vld [tilespmem:$0x1FAA0]  }
0x30b: {  	v29 =	vmul.f32 v0, v28;
	v28 =	vld [tilespmem:$0x1FC00];
	v4 =	vadd.f32 v60, v4;
	v60 =	vmul.f32 v1, v59  }
0x30c: {  	v27 =	vsub.f32 v27, v57;
	v3 =	vand.u32 $0x7FFFFFFF, v3;
	v62 =	vmul.f32 v0, v61;
	v61 =	vld [tilespmem:$0x1FAF0]  }
0x30d: {  	v2 =	vadd.f32 v2, v3;
	v3 =	vsub.f32 v4, v60;
	v60 =	vld [tilespmem:$0x1FAE0]  }
0x30e: {  	v4 =	vmul.f32 v0, v32;
	v32 =	vld [tilespmem:$0x1FB00]  }
0x30f: {  	v27 =	vand.u32 $0x7FFFFFFF, v27;
	v7 =	vadd.f32 v35, v62;
	v35 =	vld [tilespmem:$0x1FAB0]  }
0x310: {  	v2 =	vadd.f32 v2, v27;
	v27 =	vld [tilespmem:$0x1FBF0]  }
0x311: {  	v57 =	vmul.f32 v1, v38;
	v4 =	vadd.f32 v58, v4;
	v58 =	vld [tilespmem:$0x1FAD0]  }
0x312: {  	v3 =	vand.u32 $0x7FFFFFFF, v3;
	v34 =	vld.idx.msk [tilespmem:v33+s20+$0x0], $0xffff  }
0x313: {  	v2 =	vadd.f32 v2, v3;
	v3 =	vsub.f32 v4, v57;
	v57 =	vld.idx.msk [tilespmem:v10+s20+$0x0], $0xffff  }
0x314: {  	v4 =	vmul.f32 v0, v60;
	v60 =	vld.idx.msk [tilespmem:v40+s20+$0x0], $0xffff  }
0x315: {  	v33 =	vmul.f32 v1, v32;
	v32 =	vld [tilespmem:$0x1FB80]  }
0x316: {  	v40 =	vld.idx.msk [tilespmem:v12+s20+$0x0], $0xffff  }
0x317: {  	v36 =	vmul.f32 v1, v35;
	v35 =	vld [tilespmem:$0x1FB10]  }
0x318: {  	v62 =	vld.idx.msk [tilespmem:v61+s20+$0x0], $0xffff  }
0x319: {  	v4 =	vadd.f32 v37, v4;
	v37 =	vld [tilespmem:$0x1FB20]  }
0x31a: {  	v59 =	vmul.f32 v0, v58;
	v58 =	vld [tilespmem:$0x1FB40]  }
0x31b: {  	v61 =	vld [tilespmem:$0x1FB50]  }
0x31c: {  	v7 =	vsub.f32 v7, v36;
	v8 =	vadd.f32 v34, v59;
	v34 =	vld.idx.msk [tilespmem:v39+s20+$0x0], $0xffff  }
0x31d: {  	v39 =	vld [tilespmem:$0x1FB30]  }
0x31e: {  	v7 =	vand.u32 $0x7FFFFFFF, v7;
	v36 =	vmul.f32 v1, v35;
	v35 =	vld [tilespmem:$0x1FB90]  }
0x31f: {  	v2 =	vadd.f32 v2, v7;
	v7 =	vadd.f32 v57, v29;
	v29 =	vld.idx.msk [tilespmem:v28+s20+$0x0], $0xffff  }
0x320: {  	v8 =	vsub.f32 v8, v33;
	v33 =	vmul.f32 v1, v32;
	v32 =	vld.idx.msk [tilespmem:v43+s20+$0x0], $0xffff  }
0x321: {  	v38 =	vmul.f32 v0, v37;
	v37 =	vld [tilespmem:$0x1FBA0]  }
0x322: {  	v59 =	vmul.f32 v1, v58;
	v58 =	vld.idx.msk [tilespmem:v42+s20+$0x0], $0xffff  }
0x323: {  	v42 =	vld [tilespmem:$0x1FC60]  }
0x324: {  	v3 =	vand.u32 $0x7FFFFFFF, v3;
	v7 =	vsub.f32 v7, v33;
	v33 =	vld [tilespmem:$0x1FC20]  }
0x325: {  	v2 =	vadd.f32 v2, v3;
	v3 =	vsub.f32 v4, v36;
	v4 =	vmul.f32 v0, v39;
	v39 =	vld [tilespmem:$0x1FBB0]  }
0x326: {  	v9 =	vadd.f32 v62, v38;
	v62 =	vmul.f32 v1, v61;
	v61 =	vld [tilespmem:$0x1FBE0]  }
0x327: {  	v4 =	vadd.f32 v34, v4;
	v34 =	vld.idx.msk [tilespmem:v41+s20+$0x0], $0xffff  }
0x328: {  	v41 =	vld [tilespmem:$0x1FBC0]  }
0x329: {  	v9 =	vsub.f32 v9, v59;
	v59 =	vld [tilespmem:$0x1FBD0]  }
0x32a: {  	v36 =	vmul.f32 v1, v35;
	v35 =	vld [tilespmem:$0x1FC30]  }
0x32b: {  	v8 =	vand.u32 $0x7FFFFFFF, v8;
	v38 =	vmul.f32 v0, v37;
	v37 =	vld [tilespmem:$0x1FC40]  }
0x32c: {  	v2 =	vadd.f32 v2, v8;
	v43 =	vmul.f32 v1, v42;
	v42 =	vld.idx.msk [tilespmem:v47+s20+$0x0], $0xffff  }
0x32d: {  	v3 =	vand.u32 $0x7FFFFFFF, v3;
	v47 =	vld [tilespmem:$0x1FD40]  }
0x32e: {  	v2 =	vadd.f32 v2, v3;
	v3 =	vsub.f32 v4, v62;
	v4 =	vmul.f32 v0, v30;
	v30 =	vld [tilespmem:$0x1FC10]  }
0x32f: {  	v8 =	vadd.f32 v31, v38;
	v38 =	vld.idx.msk [tilespmem:v14+s20+$0x0], $0xffff  }
0x330: {  	v14 =	vld [tilespmem:$0x1FCA0]  }
0x331: {  	v57 =	vmul.f32 v1, v41;
	v41 =	vld.idx.msk [tilespmem:v44+s20+$0x0], $0xffff  }
0x332: {  	v62 =	vmul.f32 v0, v61;
	v44 =	vld [tilespmem:$0x1FC70]  }
0x333: {  	v9 =	vand.u32 $0x7FFFFFFF, v9;
	v4 =	vadd.f32 v60, v4;
	v60 =	vmul.f32 v1, v59;
	v59 =	vld.idx.msk [tilespmem:v15+s20+$0x0], $0xffff  }
0x334: {  	v2 =	vadd.f32 v2, v9;
	v9 =	vadd.f32 v40, v62;
	v62 =	vld.idx.msk [tilespmem:v45+s20+$0x0], $0xffff  }
0x335: {  	v3 =	vand.u32 $0x7FFFFFFF, v3;
	v45 =	vld [tilespmem:$0x1FD30]  }
0x336: {  	v2 =	vadd.f32 v2, v3;
	v3 =	vsub.f32 v4, v36;
	v4 =	vmul.f32 v0, v39;
	v39 =	vld [tilespmem:$0x1FC50]  }
0x337: {  	v31 =	vmul.f32 v1, v30;
	v30 =	vld.idx.msk [tilespmem:v16+s20+$0x0], $0xffff  }
0x338: {  	v16 =	vld.idx.msk [tilespmem:v19+s20+$0x0], $0xffff  }
0x339: {  	v36 =	vmul.f32 v0, v35;
	v19 =	vld.idx.msk [tilespmem:v49+s20+$0x0], $0xffff  }
0x33a: {  	v7 =	vand.u32 $0x7FFFFFFF, v7;
	v49 =	vld [tilespmem:$0x1FE40]  }
0x33b: {  	v2 =	vadd.f32 v2, v7;
	v7 =	vadd.f32 v29, v36;
	v29 =	vld [tilespmem:$0x1FCC0]  }
0x33c: {  	v4 =	vadd.f32 v34, v4;
	v34 =	vmul.f32 v1, v33;
	v33 =	vld.idx.msk [tilespmem:v46+s20+$0x0], $0xffff  }
0x33d: {  	v36 =	vld [tilespmem:$0x1FCF0]  }
0x33e: {  	v15 =	vmul.f32 v1, v14;
	v14 =	vmul.f32 v0, v11;
	v11 =	vld [tilespmem:$0x1FE80]  }
0x33f: {  	v3 =	vand.u32 $0x7FFFFFFF, v3;
	v9 =	vsub.f32 v9, v31;
	v31 =	vld [tilespmem:$0x1FCD0]  }
0x340: {  	v2 =	vadd.f32 v2, v3;
	v3 =	vsub.f32 v4, v60;
	v60 =	vld [tilespmem:$0x1FC90]  }
0x341: {  	v4 =	vmul.f32 v0, v27;
	v27 =	vld [tilespmem:$0x1FCB0]  }
0x342: {  	v46 =	vmul.f32 v0, v45;
	v45 =	vld [tilespmem:$0x1FE20]  }
0x343: {  	v8 =	vsub.f32 v8, v57;
	v40 =	vmul.f32 v1, v39;
	v39 =	vld.idx.msk [tilespmem:v17+s20+$0x0], $0xffff  }
0x344: {  	v57 =	vmul.f32 v0, v44;
	v17 =	vld [tilespmem:$0x1FD90]  }
0x345: {  	v8 =	vand.u32 $0x7FFFFFFF, v8;
	v4 =	vadd.f32 v58, v4;
	v58 =	vld [tilespmem:$0x1FC80]  }
0x346: {  	v2 =	vadd.f32 v2, v8;
	v8 =	vadd.f32 v38, v57;
	v38 =	vld [tilespmem:$0x1FD00]  }
0x347: {  	v57 =	vld.idx.msk [tilespmem:v18+s20+$0x0], $0xffff  }
0x348: {  	v3 =	vand.u32 $0x7FFFFFFF, v3;
	v7 =	vsub.f32 v7, v40;
	v40 =	vld [tilespmem:$0x1FD10]  }
0x349: {  	v2 =	vadd.f32 v2, v3;
	v3 =	vsub.f32 v4, v34;
	v34 =	vld [tilespmem:$0x1FCE0]  }
0x34a: {  	v4 =	vmul.f32 v0, v37;
	v37 =	vmul.f32 v0, v36;
	v36 =	vld [tilespmem:$0x1FDE0]  }
0x34b: {  	v9 =	vand.u32 $0x7FFFFFFF, v9;
	v61 =	vmul.f32 v1, v60;
	v60 =	vld.idx.msk [tilespmem:v48+s20+$0x0], $0xffff  }
0x34c: {  	v2 =	vadd.f32 v2, v9;
	v28 =	vmul.f32 v0, v27;
	v27 =	vld [tilespmem:$0x1FDA0]  }
0x34d: {  	v4 =	vadd.f32 v32, v4;
	v3 =	vand.u32 $0x7FFFFFFF, v3;
	v32 =	vmul.f32 v1, v31;
	v31 =	vld [tilespmem:$0x1FDC0]  }
0x34e: {  	v18 =	vmul.f32 v1, v17;
	v17 =	vld.idx.msk [tilespmem:v53+s20+$0x0], $0xffff;
	v2 =	vadd.f32 v2, v3  }
0x34f: {  	v7 =	vand.u32 $0x7FFFFFFF, v7;
	v53 =	vld [tilespmem:$0x1FF90];
	v3 =	vsub.f32 v4, v43;
	v4 =	vmul.f32 v0, v58  }
0x350: {  	v8 =	vsub.f32 v8, v61;
	v61 =	vld [tilespmem:$0x1FD60];
	v2 =	vadd.f32 v2, v7  }
0x351: {  	v9 =	vadd.f32 v59, v28;
	v43 =	vld [tilespmem:$0x1FD20];
	v4 =	vadd.f32 v41, v4;
	v3 =	vand.u32 $0x7FFFFFFF, v3  }
0x352: {  	v58 =	vld [tilespmem:$0x1FD50];
	v8 =	vand.u32 $0x7FFFFFFF, v8;
	v2 =	vadd.f32 v2, v3  }
0x353: {  	v9 =	vsub.f32 v9, v32;
	v32 =	vld.idx.msk [tilespmem:v20+s20+$0x0], $0xffff;
	v3 =	vsub.f32 v4, v15;
	v4 =	vmul.f32 v0, v29  }
0x354: {  	v35 =	vmul.f32 v1, v34;
	v20 =	vld [tilespmem:$0x1FEB0];
	v2 =	vadd.f32 v2, v8  }
0x355: {  	v41 =	vmul.f32 v1, v40;
	v40 =	vld [tilespmem:$0x1FE00];
	v4 =	vadd.f32 v62, v4;
	v3 =	vand.u32 $0x7FFFFFFF, v3  }
0x356: {  	v7 =	vadd.f32 v30, v37;
	v15 =	vld [tilespmem:$0x1FD80];
	v2 =	vadd.f32 v2, v3  }
0x357: {  	v9 =	vand.u32 $0x7FFFFFFF, v9;
	v29 =	vld [tilespmem:$0x1FDB0];
	v3 =	vsub.f32 v4, v35;
	v4 =	vmul.f32 v0, v38  }
0x358: {  	v7 =	vsub.f32 v7, v41;
	v41 =	vld.idx.msk [tilespmem:v21+s20+$0x0], $0xffff;
	v44 =	vmul.f32 v1, v43;
	v2 =	vadd.f32 v2, v9  }
0x359: {  	v59 =	vmul.f32 v1, v58;
	v58 =	vld.idx.msk [tilespmem:v52+s20+$0x0], $0xffff;
	v4 =	vadd.f32 v33, v4;
	v3 =	vand.u32 $0x7FFFFFFF, v3  }
0x35a: {  	v8 =	vadd.f32 v39, v46;
	v52 =	vld.idx.msk [tilespmem:v63+s20+$0x0], $0xffff;
	v7 =	vand.u32 $0x7FFFFFFF, v7;
	v2 =	vadd.f32 v2, v3  }
0x35b: {  	v62 =	vmul.f32 v1, v61;
	v61 =	vld [tilespmem:$0x1FE70];
	v3 =	vsub.f32 v4, v44;
	v4 =	vmul.f32 v0, v47  }
0x35c: {  	v8 =	vsub.f32 v8, v59;
	v59 =	vld [tilespmem:$0x1FE60];
	v2 =	vadd.f32 v2, v7  }
0x35d: {  	v35 =	vld.idx.msk [tilespmem:v50+s20+$0x0], $0xffff;
	v4 =	vadd.f32 v42, v4;
	v3 =	vand.u32 $0x7FFFFFFF, v3  }
0x35e: {  	v9 =	vadd.f32 v57, v14;
	v33 =	vld [tilespmem:$0x1FDD0];
	v2 =	vadd.f32 v2, v3  }
0x35f: {  	v38 =	vld [tilespmem:$0x1FDF0];
	v8 =	vand.u32 $0x7FFFFFFF, v8;
	v3 =	vsub.f32 v4, v62;
	v4 =	vmul.f32 v0, v15  }
0x360: {  	v50 =	vld.idx.msk [tilespmem:v22+s20+$0x0], $0xffff;
	v30 =	vmul.f32 v0, v29;
	v9 =	vsub.f32 v9, v18;
	v2 =	vadd.f32 v2, v8  }
0x361: {  	v28 =	vmul.f32 v1, v27;
	v42 =	vld [tilespmem:$0x1FE10];
	v4 =	vadd.f32 v60, v4;
	v3 =	vand.u32 $0x7FFFFFFF, v3  }
0x362: {  	v22 =	vld [tilespmem:$0x1FEC0];
	v7 =	vadd.f32 v16, v30;
	v9 =	vand.u32 $0x7FFFFFFF, v9;
	v2 =	vadd.f32 v2, v3  }
0x363: {  	v47 =	vld [tilespmem:$0x1FE30];
	v34 =	vmul.f32 v1, v33;
	v3 =	vsub.f32 v4, v28;
	v4 =	vmul.f32 v0, v31  }
0x364: {  	v37 =	vmul.f32 v1, v36;
	v44 =	vld.idx.msk [tilespmem:v51+s20+$0x0], $0xffff;
	v39 =	vmul.f32 v0, v38;
	v2 =	vadd.f32 v2, v9  }
0x365: {  	v51 =	vld [tilespmem:$0x1FE50];
	v7 =	vsub.f32 v7, v34;
	v4 =	vadd.f32 v19, v4;
	v3 =	vand.u32 $0x7FFFFFFF, v3  }
0x366: {  	v14 =	vld.idx.msk [tilespmem:v23+s20+$0x0], $0xffff;
	v8 =	vadd.f32 v32, v39;
	v43 =	vmul.f32 v1, v42;
	v2 =	vadd.f32 v2, v3  }
0x367: {  	v23 =	vld.idx.msk [tilespmem:v24+s20+$0x0], $0xffff;
	v7 =	vand.u32 $0x7FFFFFFF, v7;
	v3 =	vsub.f32 v4, v37;
	v4 =	vmul.f32 v0, v40  }
0x368: {  	v46 =	vmul.f32 v1, v45;
	v24 =	vld [tilespmem:$0x1FED0];
	v48 =	vmul.f32 v0, v47;
	v2 =	vadd.f32 v2, v7  }
0x369: {  	v15 =	vld [tilespmem:$0x1FE90];
	v8 =	vsub.f32 v8, v43;
	v4 =	vadd.f32 v35, v4;
	v3 =	vand.u32 $0x7FFFFFFF, v3  }
0x36a: {  	v29 =	vld [tilespmem:$0x1FEE0];
	v57 =	vmul.f32 v1, v51;
	v9 =	vadd.f32 v41, v48;
	v2 =	vadd.f32 v2, v3  }
0x36b: {  	v18 =	vld [tilespmem:$0x1FEA0];
	v8 =	vand.u32 $0x7FFFFFFF, v8;
	v3 =	vsub.f32 v4, v46;
	v4 =	vmul.f32 v0, v49  }
0x36c: {  	v38 =	vld [tilespmem:$0x1FF20];
	v62 =	vmul.f32 v0, v61;
	v60 =	vmul.f32 v1, v59;
	v2 =	vadd.f32 v2, v8  }
0x36d: {  	v33 =	vld [tilespmem:$0x1FF00];
	v9 =	vsub.f32 v9, v57;
	v4 =	vadd.f32 v44, v4;
	v3 =	vand.u32 $0x7FFFFFFF, v3  }
0x36e: {  	v34 =	vld.idx.msk [tilespmem:v25+s20+$0x0], $0xffff;
	v16 =	vmul.f32 v1, v15;
	v7 =	vadd.f32 v50, v62;
	v2 =	vadd.f32 v2, v3  }
0x36f: {  	v31 =	vld [tilespmem:$0x1FEF0];
	v9 =	vand.u32 $0x7FFFFFFF, v9;
	v3 =	vsub.f32 v4, v60;
	v4 =	vmul.f32 v0, v11  }
0x370: {  	v21 =	vmul.f32 v0, v20;
	v47 =	vld [tilespmem:$0x1FF60];
	v19 =	vmul.f32 v1, v18;
	v2 =	vadd.f32 v2, v9  }
0x371: {  	v35 =	vld [tilespmem:$0x1FF10];
	v7 =	vsub.f32 v7, v16;
	v4 =	vadd.f32 v58, v4;
	v3 =	vand.u32 $0x7FFFFFFF, v3  }
0x372: {  	v27 =	vmul.f32 v1, v24;
	v51 =	vld [tilespmem:$0x1FF80];
	v8 =	vadd.f32 v14, v21;
	v2 =	vadd.f32 v2, v3  }
0x373: {  	v40 =	vld [tilespmem:$0x1FF30];
	v7 =	vand.u32 $0x7FFFFFFF, v7;
	v3 =	vsub.f32 v4, v19;
	v4 =	vmul.f32 v0, v22  }
0x374: {  	v30 =	vmul.f32 v1, v29;
	v28 =	vld.idx.msk [tilespmem:v54+s20+$0x0], $0xffff;
	v32 =	vmul.f32 v0, v31;
	v2 =	vadd.f32 v2, v7  }
0x375: {  	v44 =	vld [tilespmem:$0x1FF50];
	v8 =	vsub.f32 v8, v27;
	v4 =	vadd.f32 v17, v4;
	v3 =	vand.u32 $0x7FFFFFFF, v3  }
0x376: {  	v42 =	vld [tilespmem:$0x1FF40];
	v36 =	vmul.f32 v1, v35;
	v9 =	vadd.f32 v23, v32;
	v2 =	vadd.f32 v2, v3  }
0x377: {  	v49 =	vld [tilespmem:$0x1FF70];
	v8 =	vand.u32 $0x7FFFFFFF, v8;
	v3 =	vsub.f32 v4, v30;
	v4 =	vmul.f32 v0, v33  }
0x378: {  	v39 =	vmul.f32 v1, v38;
	v37 =	vld.idx.msk [tilespmem:v55+s20+$0x0], $0xffff;
	v41 =	vmul.f32 v0, v40;
	v2 =	vadd.f32 v2, v8  }
0x379: {  	v43 =	vld.idx.msk [tilespmem:v26+s20+$0x0], $0xffff;
	v9 =	vsub.f32 v9, v36;
	v4 =	vadd.f32 v28, v4;
	v3 =	vand.u32 $0x7FFFFFFF, v3  }
0x37a: {  	v57 =	vld [tilespmem:$0x1FFB0];
	v45 =	vmul.f32 v1, v44;
	v7 =	vadd.f32 v34, v41;
	v2 =	vadd.f32 v2, v3  }
0x37b: {  	v46 =	vld.idx.msk [tilespmem:v56+s20+$0x0], $0xffff;
	v9 =	vand.u32 $0x7FFFFFFF, v9;
	v3 =	vsub.f32 v4, v39;
	v4 =	vmul.f32 v0, v42  }
0x37c: {  	v48 =	vmul.f32 v1, v47;
	v56 =	vld [tilespmem:$0x1FFA0];
	v50 =	vmul.f32 v0, v49;
	v2 =	vadd.f32 v2, v9  }
0x37d: {  	v60 =	vld [tilespmem:$0x1FFD0];
	v7 =	vsub.f32 v7, v45;
	v4 =	vadd.f32 v37, v4;
	v3 =	vand.u32 $0x7FFFFFFF, v3  }
0x37e: {  	v54 =	vmul.f32 v1, v53;
	v58 =	vld [tilespmem:$0x1FFC0];
	v8 =	vadd.f32 v43, v50;
	v2 =	vadd.f32 v2, v3  }
0x37f: {  	v62 =	vld [tilespmem:$0x1FFE0];
	v7 =	vand.u32 $0x7FFFFFFF, v7;
	v3 =	vsub.f32 v4, v48;
	v4 =	vmul.f32 v0, v51  }
0x380: {  	v55 =	vld.idx.msk [tilespmem:v13+s20+$0x0], $0xffff;
	v8 =	vsub.f32 v8, v54;
	v9 =	vmul.f32 v0, v57;
	v2 =	vadd.f32 v2, v7  }
0x381: {  	v7 =	vmul.f32 v1, v56;
	v4 =	vadd.f32 v46, v4;
	v3 =	vand.u32 $0x7FFFFFFF, v3  }
0x382: {  	v6 =	vmul.f32 v1, v60;
	v61 =	vand.u32 $0x7FFFFFFF, v8;
	v2 =	vadd.f32 v2, v3  }
0x383: {  	v59 =	vadd.f32 v52, v9;
	v0 =	vmul.f32 v0, v58;
	v3 =	vsub.f32 v4, v7  }
0x384: {  	v1 =	vmul.f32 v1, v62;
	v2 =	vadd.f32 v2, v61  }
0x385: {  	v0 =	vadd.f32 v55, v0;
	v4 =	vsub.f32 v59, v6;
	v3 =	vand.u32 $0x7FFFFFFF, v3  }
0x386: {  	s26 =	simm.s32 $0x20;
	v2 =	vadd.f32 v2, v3  }
0x387: {  	v3 =	vsub.f32 v0, v1;
	v0 =	vmov s26;
	v1 =	vand.u32 $0x7FFFFFFF, v4  }
0x388: {  	v63 =	vshll.u32 v0, $0x6;
	v0 =	vadd.f32 v2, v1;
	v1 =	vld [tilespmem:$0x1FFF0];
	_ =	sdelay $0x4  }
0x389: {  	s25 =	simm.s32 $0x18600;
	s26 =	simm.s32 $0x30;
	v2 =	vand.u32 $0x7FFFFFFF, v3;
	v61 =	vor.u32 v1, v63  }
.LBB2_2:
0x38a: {  	_ = 	snop  }
0x38b: {  	v1 =	vor.u32 $0x1, v61;
	v0 =	vadd.f32 v0, v2;
	_ =	sdelay $0x1  }
0x38c: {  	v3 =	vsub.f32 $0.0e+00, v0  }
0x38d: {  	s25 =	sadd.s32 $0x10, s25;
	v2 =	vor.u32 $0x2, v61  }
0x38e: {  	[tilespmem:s25+$0x0] =	vst v3  }
0x38f: {  	[tilespmem:$0x1E5C0] =	vst v1;
	v0 =	vmov v1;
	v1 =	vld.idx.msk [tilespmem:v1+s2+$0x0], $0xffff  }
0x390: {  	v42 =	vor.u32 $0x9, v61;
	v5 =	vld.idx.msk [tilespmem:v61+s0+$0x0], $0xffff  }
0x391: {  	[tilespmem:$0x1E740] =	vst v42;
	v8 =	vld.idx.msk [tilespmem:v61+s2+$0x0], $0xffff  }
0x392: {  	[tilespmem:$0x1E5D0] =	vst v2;
	v3 =	vor.u32 $0x4, v61;
	v9 =	vld.idx.msk [tilespmem:v2+s0+$0x0], $0xffff  }
0x393: {  	[tilespmem:$0x1E640] =	vst v3;
	v4 =	vld.idx.msk [tilespmem:v2+s2+$0x0], $0xffff;
	v2 =	vor.u32 $0x5, v61  }
0x394: {  	[tilespmem:$0x1E680] =	vst v2  }
0x395: {  	v7 =	vld.idx.msk [tilespmem:v0+s0+$0x0], $0xffff;
	v0 =	vor.u32 $0x3, v61;
	[tilespmem:$0x1E630] =	vst v1  }
0x396: {  	v50 =	vld.idx.msk [tilespmem:v42+s0+$0x0], $0xffff;
	[tilespmem:$0x1E5E0] =	vst v0  }
0x397: {  	v14 =	vld.idx.msk [tilespmem:v3+s0+$0x0], $0xffff;
	[tilespmem:$0x1E5F0] =	vst v5  }
0x398: {  	v11 =	vld.idx.msk [tilespmem:v3+s2+$0x0], $0xffff;
	[tilespmem:$0x1E610] =	vst v8  }
0x399: {  	[tilespmem:$0x1E620] =	vst v9;
	v3 =	vld.idx.msk [tilespmem:v2+s0+$0x0], $0xffff  }
0x39a: {  	[tilespmem:$0x1E650] =	vst v4;
	v12 =	vld.idx.msk [tilespmem:v2+s2+$0x0], $0xffff  }
0x39b: {  	v5 =	vmul.f32 v5, v5;
	v35 =	vmul.f32 v1, v1;
	v1 =	vor.u32 $0x7, v61;
	[tilespmem:$0x1E760] =	vst v50;
	v13 =	vld.idx.msk [tilespmem:v0+s0+$0x0], $0xffff  }
0x39c: {  	v2 =	vor.u32 $0x8, v61;
	[tilespmem:$0x1E6E0] =	vst v1;
	v10 =	vld.idx.msk [tilespmem:v0+s2+$0x0], $0xffff;
	v0 =	vor.u32 $0x6, v61;
	v6 =	vmul.f32 v7, v7  }
0x39d: {  	v34 =	vmul.f32 v8, v8;
	[tilespmem:$0x1E710] =	vst v2  }
0x39e: {  	v36 =	vmul.f32 v9, v9;
	[tilespmem:$0x1E600] =	vst v7;
	v5 =	vadd.f32 v6, v5  }
0x39f: {  	v37 =	vmul.f32 v4, v4;
	[tilespmem:$0x1E670] =	vst v14;
	v7 =	vadd.f32 v35, v34  }
0x3a0: {  	[tilespmem:$0x1E6C0] =	vst v11;
	v44 =	vld.idx.msk [tilespmem:v1+s0+$0x0], $0xffff;
	v6 =	vadd.f32 v36, v5;
	v38 =	vmul.f32 v13, v13  }
0x3a1: {  	[tilespmem:$0x1E6B0] =	vst v0;
	v7 =	vadd.f32 v37, v7;
	v39 =	vld.idx.msk [tilespmem:v0+s0+$0x0], $0xffff;
	v40 =	vmul.f32 v10, v10  }
0x3a2: {  	v43 =	vmul.f32 v14, v14;
	[tilespmem:$0x1E6A0] =	vst v3;
	v41 =	vld.idx.msk [tilespmem:v0+s2+$0x0], $0xffff;
	v9 =	vadd.f32 v38, v6  }
0x3a3: {  	v45 =	vmul.f32 v11, v11;
	[tilespmem:$0x1E6F0] =	vst v12;
	v46 =	vld.idx.msk [tilespmem:v1+s2+$0x0], $0xffff;
	v1 =	vor.u32 $0xA, v61;
	v7 =	vadd.f32 v40, v7  }
0x3a4: {  	v47 =	vmul.f32 v3, v3;
	v3 =	vld.idx.msk [tilespmem:v2+s0+$0x0], $0xffff;
	[tilespmem:$0x1E770] =	vst v1;
	v9 =	vadd.f32 v43, v9  }
0x3a5: {  	v48 =	vmul.f32 v12, v12;
	v2 =	vld.idx.msk [tilespmem:v2+s2+$0x0], $0xffff;
	[tilespmem:$0x1E660] =	vst v13;
	v8 =	vadd.f32 v45, v7  }
0x3a6: {  	[tilespmem:$0x1E690] =	vst v10;
	v0 =	vor.u32 $0xB, v61;
	v49 =	vmul.f32 v39, v39;
	v9 =	vadd.f32 v47, v9  }
0x3a7: {  	v5 =	vld.idx.msk [tilespmem:v42+s2+$0x0], $0xffff;
	[tilespmem:$0x1E700] =	vst v44;
	v51 =	vmul.f32 v41, v41;
	v11 =	vadd.f32 v48, v8  }
0x3a8: {  	[tilespmem:$0x1E750] =	vst v46;
	v52 =	vmul.f32 v44, v44;
	v8 =	vor.u32 $0xC, v61;
	v10 =	vadd.f32 v49, v9  }
0x3a9: {  	[tilespmem:$0x1E730] =	vst v3;
	v53 =	vld.idx.msk [tilespmem:v1+s0+$0x0], $0xffff;
	v54 =	vmul.f32 v46, v46;
	v11 =	vadd.f32 v51, v11  }
0x3aa: {  	[tilespmem:$0x1E780] =	vst v2;
	v1 =	vld.idx.msk [tilespmem:v1+s2+$0x0], $0xffff;
	v55 =	vmul.f32 v3, v3;
	v9 =	vor.u32 $0xD, v61;
	v13 =	vadd.f32 v52, v10  }
0x3ab: {  	[tilespmem:$0x1E7A0] =	vst v0;
	v56 =	vmul.f32 v2, v2;
	v3 =	vld.idx.msk [tilespmem:v0+s0+$0x0], $0xffff;
	v11 =	vadd.f32 v54, v11  }
0x3ac: {  	v57 =	vmul.f32 v50, v50;
	[tilespmem:$0x1E7B0] =	vst v5;
	v0 =	vld.idx.msk [tilespmem:v0+s2+$0x0], $0xffff;
	v10 =	vor.u32 $0xE, v61;
	v13 =	vadd.f32 v55, v13  }
0x3ad: {  	v15 =	vmul.f32 v5, v5;
	[tilespmem:$0x1E6D0] =	vst v39;
	v58 =	vld.idx.msk [tilespmem:v8+s0+$0x0], $0xffff;
	v12 =	vadd.f32 v56, v11  }
0x3ae: {  	[tilespmem:$0x1E720] =	vst v41;
	v59 =	vmul.f32 v53, v53;
	v2 =	vld.idx.msk [tilespmem:v8+s2+$0x0], $0xffff;
	v11 =	vor.u32 $0xF, v61;
	v13 =	vadd.f32 v57, v13  }
0x3af: {  	[tilespmem:$0x1E790] =	vst v53;
	v16 =	vmul.f32 v1, v1;
	v60 =	vld.idx.msk [tilespmem:v9+s0+$0x0], $0xffff;
	v15 =	vadd.f32 v15, v12  }
0x3b0: {  	[tilespmem:$0x1E7D0] =	vst v1;
	v17 =	vmul.f32 v3, v3;
	v1 =	vld.idx.msk [tilespmem:v9+s2+$0x0], $0xffff;
	v12 =	vor.u32 $0x10, v61;
	v14 =	vadd.f32 v59, v13  }
0x3b1: {  	[tilespmem:$0x1E7C0] =	vst v3;
	v62 =	vmul.f32 v0, v0;
	v3 =	vld.idx.msk [tilespmem:v10+s0+$0x0], $0xffff;
	v15 =	vadd.f32 v16, v15  }
0x3b2: {  	[tilespmem:$0x1E7F0] =	vst v0;
	v0 =	vld.idx.msk [tilespmem:v10+s2+$0x0], $0xffff;
	v13 =	vor.u32 $0x11, v61;
	v18 =	vmul.f32 v58, v58;
	v17 =	vadd.f32 v17, v14  }
0x3b3: {  	[tilespmem:$0x1E7E0] =	vst v58;
	v23 =	vmul.f32 v2, v2;
	v63 =	vld.idx.msk [tilespmem:v11+s0+$0x0], $0xffff;
	v15 =	vadd.f32 v62, v15  }
0x3b4: {  	[tilespmem:$0x1E810] =	vst v2;
	v2 =	vld.idx.msk [tilespmem:v11+s2+$0x0], $0xffff;
	v14 =	vor.u32 $0x12, v61;
	v24 =	vmul.f32 v60, v60;
	v17 =	vadd.f32 v18, v17  }
0x3b5: {  	[tilespmem:$0x1E800] =	vst v60;
	v19 =	vmul.f32 v1, v1;
	v25 =	vld.idx.msk [tilespmem:v12+s0+$0x0], $0xffff;
	v16 =	vadd.f32 v23, v15  }
0x3b6: {  	[tilespmem:$0x1E830] =	vst v1;
	v1 =	vld.idx.msk [tilespmem:v12+s2+$0x0], $0xffff;
	v15 =	vor.u32 $0x13, v61;
	v26 =	vmul.f32 v3, v3;
	v17 =	vadd.f32 v24, v17  }
0x3b7: {  	[tilespmem:$0x1E820] =	vst v3;
	v20 =	vmul.f32 v0, v0;
	v3 =	vld.idx.msk [tilespmem:v13+s0+$0x0], $0xffff;
	v19 =	vadd.f32 v19, v16  }
0x3b8: {  	[tilespmem:$0x1E850] =	vst v0;
	v0 =	vld.idx.msk [tilespmem:v13+s2+$0x0], $0xffff;
	v16 =	vor.u32 $0x14, v61;
	v21 =	vmul.f32 v63, v63;
	v18 =	vadd.f32 v26, v17  }
0x3b9: {  	[tilespmem:$0x1E840] =	vst v63;
	v28 =	vmul.f32 v2, v2;
	v27 =	vld.idx.msk [tilespmem:v14+s0+$0x0], $0xffff;
	v19 =	vadd.f32 v20, v19  }
0x3ba: {  	[tilespmem:$0x1E870] =	vst v2;
	v2 =	vld.idx.msk [tilespmem:v14+s2+$0x0], $0xffff;
	v17 =	vor.u32 $0x15, v61;
	v22 =	vmul.f32 v25, v25;
	v21 =	vadd.f32 v21, v18  }
0x3bb: {  	[tilespmem:$0x1E860] =	vst v25;
	v30 =	vmul.f32 v1, v1;
	v29 =	vld.idx.msk [tilespmem:v15+s0+$0x0], $0xffff;
	v19 =	vadd.f32 v28, v19  }
0x3bc: {  	[tilespmem:$0x1E890] =	vst v1;
	v1 =	vld.idx.msk [tilespmem:v15+s2+$0x0], $0xffff;
	v18 =	vor.u32 $0x16, v61;
	v31 =	vmul.f32 v3, v3;
	v21 =	vadd.f32 v22, v21  }
0x3bd: {  	[tilespmem:$0x1E880] =	vst v3;
	v23 =	vmul.f32 v0, v0;
	v3 =	vld.idx.msk [tilespmem:v16+s0+$0x0], $0xffff;
	v20 =	vadd.f32 v30, v19  }
0x3be: {  	[tilespmem:$0x1E8B0] =	vst v0;
	v0 =	vld.idx.msk [tilespmem:v16+s2+$0x0], $0xffff;
	v19 =	vor.u32 $0x17, v61;
	v32 =	vmul.f32 v27, v27;
	v21 =	vadd.f32 v31, v21  }
0x3bf: {  	[tilespmem:$0x1E8A0] =	vst v27;
	v24 =	vmul.f32 v2, v2;
	v33 =	vld.idx.msk [tilespmem:v17+s0+$0x0], $0xffff;
	v23 =	vadd.f32 v23, v20  }
0x3c0: {  	[tilespmem:$0x1E8D0] =	vst v2;
	v2 =	vld.idx.msk [tilespmem:v17+s2+$0x0], $0xffff;
	v20 =	vor.u32 $0x18, v61;
	v25 =	vmul.f32 v29, v29;
	v22 =	vadd.f32 v32, v21  }
0x3c1: {  	[tilespmem:$0x1E8C0] =	vst v29;
	v35 =	vmul.f32 v1, v1;
	v34 =	vld.idx.msk [tilespmem:v18+s0+$0x0], $0xffff;
	v23 =	vadd.f32 v24, v23  }
0x3c2: {  	[tilespmem:$0x1E8F0] =	vst v1;
	v1 =	vld.idx.msk [tilespmem:v18+s2+$0x0], $0xffff;
	v21 =	vor.u32 $0x19, v61;
	v26 =	vmul.f32 v3, v3;
	v25 =	vadd.f32 v25, v22  }
0x3c3: {  	[tilespmem:$0x1E8E0] =	vst v3;
	v36 =	vmul.f32 v0, v0;
	v3 =	vld.idx.msk [tilespmem:v19+s0+$0x0], $0xffff;
	v23 =	vadd.f32 v35, v23  }
0x3c4: {  	[tilespmem:$0x1E910] =	vst v0;
	v0 =	vld.idx.msk [tilespmem:v19+s2+$0x0], $0xffff;
	v22 =	vor.u32 $0x1A, v61;
	v37 =	vmul.f32 v33, v33;
	v25 =	vadd.f32 v26, v25  }
0x3c5: {  	[tilespmem:$0x1E900] =	vst v33;
	v27 =	vmul.f32 v2, v2;
	v38 =	vld.idx.msk [tilespmem:v20+s0+$0x0], $0xffff;
	v24 =	vadd.f32 v36, v23  }
0x3c6: {  	[tilespmem:$0x1E930] =	vst v2;
	v2 =	vld.idx.msk [tilespmem:v20+s2+$0x0], $0xffff;
	v23 =	vor.u32 $0x1B, v61;
	v39 =	vmul.f32 v34, v34;
	v25 =	vadd.f32 v37, v25  }
0x3c7: {  	[tilespmem:$0x1E920] =	vst v34;
	v28 =	vmul.f32 v1, v1;
	v40 =	vld.idx.msk [tilespmem:v21+s0+$0x0], $0xffff;
	v27 =	vadd.f32 v27, v24  }
0x3c8: {  	[tilespmem:$0x1E950] =	vst v1;
	v1 =	vld.idx.msk [tilespmem:v21+s2+$0x0], $0xffff;
	v24 =	vor.u32 $0x1C, v61;
	v29 =	vmul.f32 v3, v3;
	v26 =	vadd.f32 v39, v25  }
0x3c9: {  	[tilespmem:$0x1E940] =	vst v3;
	v41 =	vmul.f32 v0, v0;
	v3 =	vld.idx.msk [tilespmem:v22+s0+$0x0], $0xffff;
	v27 =	vadd.f32 v28, v27  }
0x3ca: {  	[tilespmem:$0x1E970] =	vst v0;
	v0 =	vld.idx.msk [tilespmem:v22+s2+$0x0], $0xffff;
	v25 =	vor.u32 $0x1D, v61;
	v30 =	vmul.f32 v38, v38;
	v29 =	vadd.f32 v29, v26  }
0x3cb: {  	[tilespmem:$0x1E960] =	vst v38;
	v43 =	vmul.f32 v2, v2;
	v42 =	vld.idx.msk [tilespmem:v23+s0+$0x0], $0xffff;
	v27 =	vadd.f32 v41, v27  }
0x3cc: {  	[tilespmem:$0x1E990] =	vst v2;
	v2 =	vld.idx.msk [tilespmem:v23+s2+$0x0], $0xffff;
	v26 =	vor.u32 $0x1E, v61;
	v44 =	vmul.f32 v40, v40;
	v29 =	vadd.f32 v30, v29  }
0x3cd: {  	[tilespmem:$0x1E980] =	vst v40;
	v31 =	vmul.f32 v1, v1;
	v45 =	vld.idx.msk [tilespmem:v24+s0+$0x0], $0xffff;
	v28 =	vadd.f32 v43, v27  }
0x3ce: {  	[tilespmem:$0x1E9B0] =	vst v1;
	v1 =	vld.idx.msk [tilespmem:v24+s2+$0x0], $0xffff;
	v27 =	vor.u32 $0x1F, v61;
	v46 =	vmul.f32 v3, v3;
	v29 =	vadd.f32 v44, v29  }
0x3cf: {  	[tilespmem:$0x1E9A0] =	vst v3;
	v32 =	vmul.f32 v0, v0;
	v3 =	vld.idx.msk [tilespmem:v25+s0+$0x0], $0xffff;
	v31 =	vadd.f32 v31, v28  }
0x3d0: {  	[tilespmem:$0x1E9D0] =	vst v0;
	v0 =	vld.idx.msk [tilespmem:v25+s2+$0x0], $0xffff;
	v28 =	vor.u32 $0x20, v61;
	v33 =	vmul.f32 v42, v42;
	v30 =	vadd.f32 v46, v29  }
0x3d1: {  	[tilespmem:$0x1E9C0] =	vst v42;
	v48 =	vmul.f32 v2, v2;
	v47 =	vld.idx.msk [tilespmem:v26+s0+$0x0], $0xffff;
	v31 =	vadd.f32 v32, v31  }
0x3d2: {  	[tilespmem:$0x1E9F0] =	vst v2;
	v2 =	vld.idx.msk [tilespmem:v26+s2+$0x0], $0xffff;
	v29 =	vor.u32 $0x21, v61;
	v34 =	vmul.f32 v45, v45;
	v33 =	vadd.f32 v33, v30  }
0x3d3: {  	[tilespmem:$0x1E9E0] =	vst v45;
	v50 =	vmul.f32 v1, v1;
	v49 =	vld.idx.msk [tilespmem:v27+s0+$0x0], $0xffff;
	v31 =	vadd.f32 v48, v31  }
0x3d4: {  	[tilespmem:$0x1EA10] =	vst v1;
	v1 =	vld.idx.msk [tilespmem:v27+s2+$0x0], $0xffff;
	v30 =	vor.u32 $0x22, v61;
	v51 =	vmul.f32 v3, v3;
	v33 =	vadd.f32 v34, v33  }
0x3d5: {  	[tilespmem:$0x1EA00] =	vst v3;
	v35 =	vmul.f32 v0, v0;
	v3 =	vld.idx.msk [tilespmem:v28+s0+$0x0], $0xffff;
	v32 =	vadd.f32 v50, v31  }
0x3d6: {  	[tilespmem:$0x1EA30] =	vst v0;
	v0 =	vld.idx.msk [tilespmem:v28+s2+$0x0], $0xffff;
	v31 =	vor.u32 $0x23, v61;
	v52 =	vmul.f32 v47, v47;
	v33 =	vadd.f32 v51, v33  }
0x3d7: {  	[tilespmem:$0x1EA20] =	vst v47;
	v36 =	vmul.f32 v2, v2;
	v53 =	vld.idx.msk [tilespmem:v29+s0+$0x0], $0xffff;
	v35 =	vadd.f32 v35, v32  }
0x3d8: {  	[tilespmem:$0x1EA50] =	vst v2;
	v2 =	vld.idx.msk [tilespmem:v29+s2+$0x0], $0xffff;
	v32 =	vor.u32 $0x24, v61;
	v37 =	vmul.f32 v49, v49;
	v34 =	vadd.f32 v52, v33  }
0x3d9: {  	[tilespmem:$0x1EA40] =	vst v49;
	v55 =	vmul.f32 v1, v1;
	v54 =	vld.idx.msk [tilespmem:v30+s0+$0x0], $0xffff;
	v35 =	vadd.f32 v36, v35  }
0x3da: {  	[tilespmem:$0x1EA70] =	vst v1;
	v1 =	vld.idx.msk [tilespmem:v30+s2+$0x0], $0xffff;
	v33 =	vor.u32 $0x25, v61;
	v38 =	vmul.f32 v3, v3;
	v37 =	vadd.f32 v37, v34  }
0x3db: {  	[tilespmem:$0x1EA60] =	vst v3;
	v56 =	vmul.f32 v0, v0;
	v3 =	vld.idx.msk [tilespmem:v31+s0+$0x0], $0xffff;
	v35 =	vadd.f32 v55, v35  }
0x3dc: {  	[tilespmem:$0x1EA90] =	vst v0;
	v0 =	vld.idx.msk [tilespmem:v31+s2+$0x0], $0xffff;
	v34 =	vor.u32 $0x26, v61;
	v57 =	vmul.f32 v53, v53;
	v37 =	vadd.f32 v38, v37  }
0x3dd: {  	[tilespmem:$0x1EA80] =	vst v53;
	v39 =	vmul.f32 v2, v2;
	v58 =	vld.idx.msk [tilespmem:v32+s0+$0x0], $0xffff;
	v36 =	vadd.f32 v56, v35  }
0x3de: {  	[tilespmem:$0x1EAB0] =	vst v2;
	v2 =	vld.idx.msk [tilespmem:v32+s2+$0x0], $0xffff;
	v35 =	vor.u32 $0x27, v61;
	v59 =	vmul.f32 v54, v54;
	v37 =	vadd.f32 v57, v37  }
0x3df: {  	[tilespmem:$0x1EAA0] =	vst v54;
	v40 =	vmul.f32 v1, v1;
	v60 =	vld.idx.msk [tilespmem:v33+s0+$0x0], $0xffff;
	v39 =	vadd.f32 v39, v36  }
0x3e0: {  	[tilespmem:$0x1EAD0] =	vst v1;
	v1 =	vld.idx.msk [tilespmem:v33+s2+$0x0], $0xffff;
	v36 =	vor.u32 $0x28, v61;
	v41 =	vmul.f32 v3, v3;
	v38 =	vadd.f32 v59, v37  }
0x3e1: {  	[tilespmem:$0x1EAC0] =	vst v3;
	v62 =	vmul.f32 v0, v0;
	v3 =	vld.idx.msk [tilespmem:v34+s0+$0x0], $0xffff;
	v39 =	vadd.f32 v40, v39  }
0x3e2: {  	[tilespmem:$0x1EAF0] =	vst v0;
	v0 =	vld.idx.msk [tilespmem:v34+s2+$0x0], $0xffff;
	v37 =	vor.u32 $0x29, v61;
	v42 =	vmul.f32 v58, v58;
	v41 =	vadd.f32 v41, v38  }
0x3e3: {  	[tilespmem:$0x1EAE0] =	vst v58;
	v47 =	vmul.f32 v2, v2;
	v63 =	vld.idx.msk [tilespmem:v35+s0+$0x0], $0xffff;
	v39 =	vadd.f32 v62, v39  }
0x3e4: {  	[tilespmem:$0x1EB10] =	vst v2;
	v2 =	vld.idx.msk [tilespmem:v35+s2+$0x0], $0xffff;
	v38 =	vor.u32 $0x2A, v61;
	v48 =	vmul.f32 v60, v60;
	v41 =	vadd.f32 v42, v41  }
0x3e5: {  	[tilespmem:$0x1EB00] =	vst v60;
	v43 =	vmul.f32 v1, v1;
	v49 =	vld.idx.msk [tilespmem:v36+s0+$0x0], $0xffff;
	v40 =	vadd.f32 v47, v39  }
0x3e6: {  	[tilespmem:$0x1EB30] =	vst v1;
	v1 =	vld.idx.msk [tilespmem:v36+s2+$0x0], $0xffff;
	v39 =	vor.u32 $0x2B, v61;
	v50 =	vmul.f32 v3, v3;
	v41 =	vadd.f32 v48, v41  }
0x3e7: {  	[tilespmem:$0x1EB20] =	vst v3;
	v44 =	vmul.f32 v0, v0;
	v3 =	vld.idx.msk [tilespmem:v37+s0+$0x0], $0xffff;
	v43 =	vadd.f32 v43, v40  }
0x3e8: {  	[tilespmem:$0x1EB50] =	vst v0;
	v0 =	vld.idx.msk [tilespmem:v37+s2+$0x0], $0xffff;
	v40 =	vor.u32 $0x2C, v61;
	v45 =	vmul.f32 v63, v63;
	v42 =	vadd.f32 v50, v41  }
0x3e9: {  	[tilespmem:$0x1EB40] =	vst v63;
	v52 =	vmul.f32 v2, v2;
	v51 =	vld.idx.msk [tilespmem:v38+s0+$0x0], $0xffff;
	v43 =	vadd.f32 v44, v43  }
0x3ea: {  	[tilespmem:$0x1EB70] =	vst v2;
	v2 =	vld.idx.msk [tilespmem:v38+s2+$0x0], $0xffff;
	v41 =	vor.u32 $0x2D, v61;
	v46 =	vmul.f32 v49, v49;
	v45 =	vadd.f32 v45, v42  }
0x3eb: {  	[tilespmem:$0x1EB60] =	vst v49;
	v54 =	vmul.f32 v1, v1;
	v53 =	vld.idx.msk [tilespmem:v39+s0+$0x0], $0xffff;
	v43 =	vadd.f32 v52, v43  }
0x3ec: {  	[tilespmem:$0x1EB90] =	vst v1;
	v1 =	vld.idx.msk [tilespmem:v39+s2+$0x0], $0xffff;
	v42 =	vor.u32 $0x2E, v61;
	v55 =	vmul.f32 v3, v3;
	v45 =	vadd.f32 v46, v45  }
0x3ed: {  	[tilespmem:$0x1EB80] =	vst v3;
	v47 =	vmul.f32 v0, v0;
	v3 =	vld.idx.msk [tilespmem:v40+s0+$0x0], $0xffff;
	v44 =	vadd.f32 v54, v43  }
0x3ee: {  	[tilespmem:$0x1EBB0] =	vst v0;
	v0 =	vld.idx.msk [tilespmem:v40+s2+$0x0], $0xffff;
	v43 =	vor.u32 $0x2F, v61;
	v56 =	vmul.f32 v51, v51;
	v45 =	vadd.f32 v55, v45  }
0x3ef: {  	[tilespmem:$0x1EBA0] =	vst v51;
	v48 =	vmul.f32 v2, v2;
	v57 =	vld.idx.msk [tilespmem:v41+s0+$0x0], $0xffff;
	v47 =	vadd.f32 v47, v44  }
0x3f0: {  	[tilespmem:$0x1EBD0] =	vst v2;
	v2 =	vld.idx.msk [tilespmem:v41+s2+$0x0], $0xffff;
	v44 =	vor.u32 $0x30, v61;
	v49 =	vmul.f32 v53, v53;
	v46 =	vadd.f32 v56, v45  }
0x3f1: {  	[tilespmem:$0x1EBC0] =	vst v53;
	v59 =	vmul.f32 v1, v1;
	v58 =	vld.idx.msk [tilespmem:v42+s0+$0x0], $0xffff;
	v47 =	vadd.f32 v48, v47  }
0x3f2: {  	[tilespmem:$0x1EBF0] =	vst v1;
	v1 =	vld.idx.msk [tilespmem:v42+s2+$0x0], $0xffff;
	v45 =	vor.u32 $0x31, v61;
	v50 =	vmul.f32 v3, v3;
	v49 =	vadd.f32 v49, v46  }
0x3f3: {  	[tilespmem:$0x1EBE0] =	vst v3;
	v60 =	vmul.f32 v0, v0;
	v3 =	vld.idx.msk [tilespmem:v43+s0+$0x0], $0xffff;
	v47 =	vadd.f32 v59, v47  }
0x3f4: {  	[tilespmem:$0x1EC10] =	vst v0;
	v0 =	vld.idx.msk [tilespmem:v43+s2+$0x0], $0xffff;
	v46 =	vor.u32 $0x32, v61;
	v62 =	vmul.f32 v57, v57;
	v49 =	vadd.f32 v50, v49  }
0x3f5: {  	[tilespmem:$0x1EC00] =	vst v57;
	v51 =	vmul.f32 v2, v2;
	v63 =	vld.idx.msk [tilespmem:v44+s0+$0x0], $0xffff;
	v48 =	vadd.f32 v60, v47  }
0x3f6: {  	[tilespmem:$0x1EC30] =	vst v2;
	v2 =	vld.idx.msk [tilespmem:v44+s2+$0x0], $0xffff;
	v47 =	vor.u32 $0x33, v61;
	v56 =	vmul.f32 v58, v58;
	v49 =	vadd.f32 v62, v49  }
0x3f7: {  	[tilespmem:$0x1EC20] =	vst v58;
	v52 =	vmul.f32 v1, v1;
	v57 =	vld.idx.msk [tilespmem:v45+s0+$0x0], $0xffff;
	v51 =	vadd.f32 v51, v48  }
0x3f8: {  	[tilespmem:$0x1EC50] =	vst v1;
	v1 =	vld.idx.msk [tilespmem:v45+s2+$0x0], $0xffff;
	v48 =	vor.u32 $0x34, v61;
	v53 =	vmul.f32 v3, v3;
	v50 =	vadd.f32 v56, v49  }
0x3f9: {  	[tilespmem:$0x1EC40] =	vst v3;
	v58 =	vmul.f32 v0, v0;
	v3 =	vld.idx.msk [tilespmem:v46+s0+$0x0], $0xffff;
	v51 =	vadd.f32 v52, v51  }
0x3fa: {  	[tilespmem:$0x1EC70] =	vst v0;
	v0 =	vld.idx.msk [tilespmem:v46+s2+$0x0], $0xffff;
	v49 =	vor.u32 $0x35, v61;
	v54 =	vmul.f32 v63, v63;
	v53 =	vadd.f32 v53, v50  }
0x3fb: {  	[tilespmem:$0x1EC60] =	vst v63;
	v59 =	vmul.f32 v2, v2;
	v4 =	vld.idx.msk [tilespmem:v47+s0+$0x0], $0xffff;
	v51 =	vadd.f32 v58, v51  }
0x3fc: {  	[tilespmem:$0x1EC90] =	vst v2;
	v2 =	vld.idx.msk [tilespmem:v47+s2+$0x0], $0xffff;
	v50 =	vor.u32 $0x36, v61;
	v60 =	vmul.f32 v57, v57;
	v53 =	vadd.f32 v54, v53  }
0x3fd: {  	[tilespmem:$0x1EC80] =	vst v57;
	v55 =	vmul.f32 v1, v1;
	v62 =	vld.idx.msk [tilespmem:v48+s0+$0x0], $0xffff;
	v52 =	vadd.f32 v59, v51  }
0x3fe: {  	[tilespmem:$0x1ECB0] =	vst v1;
	v1 =	vld.idx.msk [tilespmem:v48+s2+$0x0], $0xffff;
	v51 =	vor.u32 $0x37, v61;
	v63 =	vmul.f32 v3, v3;
	v53 =	vadd.f32 v60, v53  }
0x3ff: {  	[tilespmem:$0x1ECA0] =	vst v3;
	v56 =	vmul.f32 v0, v0;
	v3 =	vld.idx.msk [tilespmem:v49+s0+$0x0], $0xffff;
	v55 =	vadd.f32 v55, v52  }
0x400: {  	[tilespmem:$0x1ECD0] =	vst v0;
	v0 =	vld.idx.msk [tilespmem:v49+s2+$0x0], $0xffff;
	v52 =	vor.u32 $0x38, v61;
	v57 =	vmul.f32 v4, v4;
	v54 =	vadd.f32 v63, v53  }
0x401: {  	[tilespmem:$0x1ECC0] =	vst v4;
	v6 =	vmul.f32 v2, v2;
	v4 =	vld.idx.msk [tilespmem:v50+s0+$0x0], $0xffff;
	v55 =	vadd.f32 v56, v55  }
0x402: {  	[tilespmem:$0x1ECF0] =	vst v2;
	v2 =	vld.idx.msk [tilespmem:v50+s2+$0x0], $0xffff;
	v53 =	vor.u32 $0x39, v61;
	v58 =	vmul.f32 v62, v62;
	v57 =	vadd.f32 v57, v54  }
0x403: {  	[tilespmem:$0x1ECE0] =	vst v62;
	v7 =	vmul.f32 v1, v1;
	v60 =	vld.idx.msk [tilespmem:v51+s0+$0x0], $0xffff;
	v55 =	vadd.f32 v6, v55  }
0x404: {  	[tilespmem:$0x1ED10] =	vst v1;
	v1 =	vld.idx.msk [tilespmem:v51+s2+$0x0], $0xffff;
	v54 =	vor.u32 $0x3A, v61;
	v62 =	vmul.f32 v3, v3;
	v57 =	vadd.f32 v58, v57  }
0x405: {  	[tilespmem:$0x1ED00] =	vst v3;
	v59 =	vmul.f32 v0, v0;
	v3 =	vld.idx.msk [tilespmem:v52+s0+$0x0], $0xffff;
	v56 =	vadd.f32 v7, v55  }
0x406: {  	[tilespmem:$0x1ED30] =	vst v0;
	v5 =	vld.idx.msk [tilespmem:v52+s2+$0x0], $0xffff;
	v55 =	vor.u32 $0x3B, v61;
	v63 =	vmul.f32 v4, v4;
	v57 =	vadd.f32 v62, v57  }
0x407: {  	[tilespmem:$0x1ED20] =	vst v4;
	v0 =	vmul.f32 v2, v2;
	v6 =	vld.idx.msk [tilespmem:v53+s0+$0x0], $0xffff;
	v59 =	vadd.f32 v59, v56  }
0x408: {  	[tilespmem:$0x1ED50] =	vst v2;
	v7 =	vld.idx.msk [tilespmem:v53+s2+$0x0], $0xffff;
	v56 =	vor.u32 $0x3C, v61;
	v58 =	vadd.f32 v63, v57;
	v57 =	vmul.f32 v60, v60  }
0x409: {  	[tilespmem:$0x1ED40] =	vst v60;
	v62 =	vld.idx.msk [tilespmem:v54+s0+$0x0], $0xffff;
	v59 =	vadd.f32 v0, v59;
	v0 =	vmul.f32 v1, v1  }
0x40a: {  	[tilespmem:$0x1ED70] =	vst v1;
	v4 =	vld.idx.msk [tilespmem:v54+s2+$0x0], $0xffff;
	v1 =	vor.u32 $0x3D, v61;
	v57 =	vadd.f32 v57, v58;
	v58 =	vmul.f32 v3, v3  }
0x40b: {  	[tilespmem:$0x1ED60] =	vst v3;
	v60 =	vld.idx.msk [tilespmem:v55+s0+$0x0], $0xffff;
	v59 =	vadd.f32 v0, v59;
	v0 =	vmul.f32 v5, v5  }
0x40c: {  	[tilespmem:$0x1ED90] =	vst v5;
	v3 =	vld.idx.msk [tilespmem:v55+s2+$0x0], $0xffff;
	v5 =	vor.u32 $0x3E, v61;
	v57 =	vadd.f32 v58, v57;
	v58 =	vmul.f32 v6, v6  }
0x40d: {  	[tilespmem:$0x1ED80] =	vst v6;
	v6 =	vld.idx.msk [tilespmem:v56+s0+$0x0], $0xffff;
	v2 =	vadd.f32 v0, v59;
	v0 =	vmul.f32 v7, v7  }
0x40e: {  	[tilespmem:$0x1EDF0] =	vst v1;
	v63 =	vld.idx.msk [tilespmem:v56+s2+$0x0], $0xffff;
	v59 =	vor.u32 $0x3F, v61;
	v57 =	vadd.f32 v58, v57;
	v58 =	vmul.f32 v62, v62  }
0x40f: {  	[tilespmem:$0x1EDB0] =	vst v7;
	v7 =	vmov v61;
	v61 =	vld.idx.msk [tilespmem:v1+s0+$0x0], $0xffff;
	v0 =	vadd.f32 v0, v2;
	v2 =	vmul.f32 v4, v4  }
0x410: {  	[tilespmem:$0x1EDD0] =	vst v4;
	v4 =	vld.idx.msk [tilespmem:v1+s2+$0x0], $0xffff;
	v57 =	vadd.f32 v58, v57;
	v58 =	vmul.f32 v60, v60  }
0x411: {  	[tilespmem:$0x1EDC0] =	vst v60;
	v60 =	vld.idx.msk [tilespmem:v5+s0+$0x0], $0xffff;
	v0 =	vadd.f32 v2, v0;
	v2 =	vmul.f32 v3, v3  }
0x412: {  	[tilespmem:$0x1EE00] =	vst v3;
	v3 =	vld.idx.msk [tilespmem:v5+s2+$0x0], $0xffff;
	v57 =	vadd.f32 v58, v57;
	v58 =	vmul.f32 v6, v6  }
0x413: {  	[tilespmem:$0x1EDA0] =	vst v62;
	v62 =	vld.idx.msk [tilespmem:v59+s0+$0x0], $0xffff;
	v0 =	vadd.f32 v2, v0;
	v2 =	vmul.f32 v63, v63  }
0x414: {  	[tilespmem:$0x1EDE0] =	vst v6;
	v1 =	vld.idx.msk [tilespmem:v59+s2+$0x0], $0xffff;
	v6 =	vmul.f32 v61, v61;
	v57 =	vadd.f32 v58, v57  }
0x415: {  	v0 =	vadd.f32 v2, v0;
	v2 =	vmul.f32 v4, v4  }
0x416: {  	[tilespmem:$0x1EE10] =	vst v61;
	v61 =	vmul.f32 v60, v60;
	v57 =	vadd.f32 v6, v57  }
0x417: {  	v0 =	vadd.f32 v2, v0;
	v2 =	vmul.f32 v3, v3  }
0x418: {  	[tilespmem:$0x1EE60] =	vst v62;
	v62 =	vmul.f32 v62, v62;
	v57 =	vadd.f32 v61, v57  }
0x419: {  	v0 =	vadd.f32 v2, v0;
	v2 =	vmul.f32 v1, v1  }
0x41a: {  	v57 =	vadd.f32 v62, v57  }
0x41b: {  	v0 =	vadd.f32 v2, v0  }
0x41c: {  	v2 =	vmax.f32 v57, $1.000000020e-24  }
0x41d: {  	v0 =	vmax.f32 v0, $1.000000020e-24;
	v57 =	vshrl.u32 v2, $0x1  }
0x41e: {  	[tilespmem:$0x1EE30] =	vst v63;
	v2 =	vmul.f32 $5.000000000e-01, v2;
	v63 =	vshrl.u32 v0, $0x1;
	v0 =	vmul.f32 $5.000000000e-01, v0  }
0x41f: {  	[tilespmem:$0x1EE50] =	vst v4;
	v57 =	vsub.s32 $0x5F3759DF, v57;
	v58 =	vsub.s32 $0x5F3759DF, v63  }
0x420: {  	[tilespmem:$0x1EE80] =	vst v1;
	v1 =	vmul.f32 v57, v2;
	v4 =	vmul.f32 v58, v0  }
0x421: {  	[tilespmem:$0x1EE70] =	vst v3;
	v3 =	vld [tilespmem:$0x1E5C0]  }
0x422: {  	v1 =	vmul.f32 v57, v1;
	v63 =	vmul.f32 v58, v4;
	_ =	sdelay $0x1  }
0x423: {  	v1 =	vsub.f32 $1.500000000e+00, v1;
	v63 =	vsub.f32 $1.500000000e+00, v63;
	_ =	sdelay $0x1  }
0x424: {  	[tilespmem:$0x1EE20] =	vst v5;
	v1 =	vmul.f32 v57, v1;
	v5 =	vmul.f32 v58, v63;
	_ =	sdelay $0x1  }
0x425: {  	v6 =	vmul.f32 v1, v2;
	v63 =	vmul.f32 v5, v0  }
0x426: {  	[tilespmem:$0x1EE40] =	vst v60;
	v60 =	vld.idx.msk [tilespmem:v3+s20+$0x0], $0xffff  }
0x427: {  	v3 =	vld [tilespmem:$0x1E5D0];
	v58 =	vmul.f32 v6, v1;
	v63 =	vmul.f32 v63, v5;
	_ =	sdelay $0x1  }
0x428: {  	v58 =	vsub.f32 $1.500000000e+00, v58;
	v63 =	vsub.f32 $1.500000000e+00, v63;
	_ =	sdelay $0x1  }
0x429: {  	v1 =	vmul.f32 v58, v1;
	v57 =	vmul.f32 v63, v5;
	_ =	sdelay $0x1  }
0x42a: {  	v2 =	vmul.f32 v1, v2;
	v0 =	vmul.f32 v57, v0  }
0x42b: {  	v61 =	vld [tilespmem:$0x1E600]  }
0x42c: {  	v4 =	vld.idx.msk [tilespmem:v3+s20+$0x0], $0xffff;
	v2 =	vmul.f32 v2, v1;
	v0 =	vmul.f32 v0, v57  }
0x42d: {  	v3 =	vld [tilespmem:$0x1E5F0]  }
0x42e: {  	v58 =	vld.idx.msk [tilespmem:v7+s20+$0x0], $0xffff;
	v2 =	vsub.f32 $1.500000000e+00, v2;
	v0 =	vsub.f32 $1.500000000e+00, v0  }
0x42f: {  	v63 =	vld [tilespmem:$0x1E620]  }
0x430: {  	v2 =	vmul.f32 v2, v1;
	v1 =	vmul.f32 v0, v57;
	v0 =	vld [tilespmem:$0x1E5E0];
	_ =	sdelay $0x1  }
0x431: {  	v62 =	vld [tilespmem:$0x1E610];
	v3 =	vmul.f32 v2, v3  }
0x432: {  	v57 =	vmul.f32 v2, v61;
	v61 =	vld [tilespmem:$0x1E650]  }
0x433: {  	v63 =	vmul.f32 v2, v63;
	v3 =	vadd.f32 v3, v58;
	v58 =	vld [tilespmem:$0x1E630]  }
0x434: {  	v57 =	vadd.f32 v57, v60;
	v60 =	vld [tilespmem:$0x1E640]  }
0x435: {  	v4 =	vadd.f32 v63, v4;
	v63 =	vld [tilespmem:$0x1E660];
	_ =	sdelay $0x1  }
0x436: {  	v62 =	vmul.f32 v1, v62;
	v0 =	vld.idx.msk [tilespmem:v0+s20+$0x0], $0xffff  }
0x437: {  	v61 =	vmul.f32 v1, v61  }
0x438: {  	v3 =	vsub.f32 v3, v62;
	v62 =	vld [tilespmem:$0x1E680];
	v58 =	vmul.f32 v1, v58  }
0x439: {  	v63 =	vmul.f32 v2, v63;
	v4 =	vsub.f32 v4, v61;
	v61 =	vld [tilespmem:$0x1E6B0]  }
0x43a: {  	v57 =	vsub.f32 v57, v58;
	v58 =	vld [tilespmem:$0x1E670]  }
0x43b: {  	v0 =	vadd.f32 v63, v0;
	v63 =	vld [tilespmem:$0x1E690]  }
0x43c: {  	v3 =	vand.u32 $0x7FFFFFFF, v3;
	v60 =	vld.idx.msk [tilespmem:v60+s20+$0x0], $0xffff;
	v57 =	vand.u32 $0x7FFFFFFF, v57  }
0x43d: {  	v3 =	vadd.f32 v57, v3;
	v57 =	vld [tilespmem:$0x1E6C0]  }
0x43e: {  	v5 =	vld [tilespmem:$0x1E6A0]  }
0x43f: {  	v6 =	vld [tilespmem:$0x1E6D0];
	v58 =	vmul.f32 v2, v58  }
0x440: {  	v62 =	vld.idx.msk [tilespmem:v62+s20+$0x0], $0xffff;
	v63 =	vmul.f32 v1, v63  }
0x441: {  	v58 =	vadd.f32 v58, v60;
	v60 =	vld [tilespmem:$0x1E6E0]  }
0x442: {  	v57 =	vmul.f32 v1, v57;
	v0 =	vsub.f32 v0, v63;
	v63 =	vld [tilespmem:$0x1E6F0]  }
0x443: {  	v5 =	vmul.f32 v2, v5;
	v4 =	vand.u32 $0x7FFFFFFF, v4;
	v61 =	vld.idx.msk [tilespmem:v61+s20+$0x0], $0xffff  }
0x444: {  	v3 =	vadd.f32 v3, v4;
	v57 =	vsub.f32 v58, v57;
	v58 =	vld [tilespmem:$0x1E710]  }
0x445: {  	v5 =	vadd.f32 v5, v62;
	v62 =	vld [tilespmem:$0x1E730];
	v0 =	vand.u32 $0x7FFFFFFF, v0  }
0x446: {  	v0 =	vadd.f32 v3, v0;
	v3 =	vld [tilespmem:$0x1E720]  }
0x447: {  	v57 =	vand.u32 $0x7FFFFFFF, v57;
	v4 =	vmul.f32 v1, v63;
	v63 =	vld [tilespmem:$0x1E700]  }
0x448: {  	v6 =	vmul.f32 v2, v6;
	v0 =	vadd.f32 v0, v57;
	v57 =	vld [tilespmem:$0x1E750]  }
0x449: {  	v60 =	vld.idx.msk [tilespmem:v60+s20+$0x0], $0xffff  }
0x44a: {  	v4 =	vsub.f32 v5, v4;
	v5 =	vadd.f32 v6, v61;
	v61 =	vld [tilespmem:$0x1E740];
	_ =	sdelay $0x1  }
0x44b: {  	v58 =	vld.idx.msk [tilespmem:v58+s20+$0x0], $0xffff  }
0x44c: {  	v3 =	vmul.f32 v1, v3;
	v63 =	vmul.f32 v2, v63  }
0x44d: {  	v62 =	vmul.f32 v2, v62  }
0x44e: {  	v57 =	vmul.f32 v1, v57;
	v3 =	vsub.f32 v5, v3;
	v5 =	vadd.f32 v63, v60;
	v60 =	vld [tilespmem:$0x1E770]  }
0x44f: {  	v63 =	vld [tilespmem:$0x1E780]  }
0x450: {  	v4 =	vand.u32 $0x7FFFFFFF, v4;
	v5 =	vsub.f32 v5, v57;
	v57 =	vadd.f32 v62, v58;
	v58 =	vld [tilespmem:$0x1E7A0]  }
0x451: {  	v0 =	vadd.f32 v0, v4;
	v6 =	vld.idx.msk [tilespmem:v61+s20+$0x0], $0xffff  }
0x452: {  	v3 =	vand.u32 $0x7FFFFFFF, v3;
	v61 =	vld [tilespmem:$0x1E760]  }
0x453: {  	v0 =	vadd.f32 v0, v3;
	v3 =	vld [tilespmem:$0x1E7B0]  }
0x454: {  	v4 =	vmul.f32 v1, v63;
	v63 =	vld [tilespmem:$0x1E790];
	_ =	sdelay $0x1  }
0x455: {  	v60 =	vld.idx.msk [tilespmem:v60+s20+$0x0], $0xffff  }
0x456: {  	v62 =	vld [tilespmem:$0x1E7C0];
	v61 =	vmul.f32 v2, v61  }
0x457: {  	v5 =	vand.u32 $0x7FFFFFFF, v5  }
0x458: {  	v3 =	vmul.f32 v1, v3;
	v63 =	vmul.f32 v2, v63;
	v7 =	vld.idx.msk [tilespmem:v58+s20+$0x0], $0xffff;
	v6 =	vadd.f32 v61, v6  }
0x459: {  	v0 =	vadd.f32 v0, v5;
	v4 =	vsub.f32 v57, v4;
	v61 =	vld [tilespmem:$0x1E7D0]  }
0x45a: {  	v3 =	vsub.f32 v6, v3;
	v6 =	vadd.f32 v63, v60;
	v60 =	vld [tilespmem:$0x1E7F0]  }
0x45b: {  	v4 =	vand.u32 $0x7FFFFFFF, v4;
	v58 =	vmul.f32 v2, v62;
	v62 =	vld [tilespmem:$0x1E7E0]  }
0x45c: {  	v0 =	vadd.f32 v0, v4  }
0x45d: {  	v8 =	vld.idx.msk [tilespmem:v8+s20+$0x0], $0xffff;
	v3 =	vand.u32 $0x7FFFFFFF, v3  }
0x45e: {  	v0 =	vadd.f32 v0, v3;
	v3 =	vld [tilespmem:$0x1E810]  }
0x45f: {  	v5 =	vmul.f32 v1, v61;
	v4 =	vmul.f32 v1, v60;
	v60 =	vld [tilespmem:$0x1E800]  }
0x460: {  	v9 =	vld.idx.msk [tilespmem:v9+s20+$0x0], $0xffff;
	v57 =	vmul.f32 v2, v62  }
0x461: {  	v61 =	vadd.f32 v58, v7;
	v7 =	vld.idx.msk [tilespmem:v10+s20+$0x0], $0xffff;
	v5 =	vsub.f32 v6, v5  }
0x462: {  	v62 =	vld [tilespmem:$0x1E820];
	v63 =	vadd.f32 v57, v8  }
0x463: {  	v8 =	vld.idx.msk [tilespmem:v11+s20+$0x0], $0xffff;
	v5 =	vand.u32 $0x7FFFFFFF, v5;
	v3 =	vmul.f32 v1, v3;
	v4 =	vsub.f32 v61, v4  }
0x464: {  	v11 =	vld [tilespmem:$0x1E830];
	v0 =	vadd.f32 v0, v5;
	v60 =	vmul.f32 v2, v60  }
0x465: {  	v57 =	vld [tilespmem:$0x1E840];
	v4 =	vand.u32 $0x7FFFFFFF, v4;
	v3 =	vsub.f32 v63, v3  }
0x466: {  	v0 =	vadd.f32 v0, v4;
	v58 =	vadd.f32 v60, v9;
	v60 =	vld [tilespmem:$0x1E850]  }
0x467: {  	v3 =	vand.u32 $0x7FFFFFFF, v3  }
0x468: {  	v10 =	vmul.f32 v2, v62;
	v0 =	vadd.f32 v0, v3;
	v3 =	vld [tilespmem:$0x1E870]  }
0x469: {  	v61 =	vld [tilespmem:$0x1E860];
	v5 =	vmul.f32 v1, v11  }
0x46a: {  	v11 =	vmul.f32 v2, v57;
	v62 =	vadd.f32 v10, v7;
	v7 =	vld.idx.msk [tilespmem:v13+s20+$0x0], $0xffff  }
0x46b: {  	v63 =	vld [tilespmem:$0x1E880];
	v5 =	vsub.f32 v58, v5;
	v4 =	vmul.f32 v1, v60  }
0x46c: {  	v13 =	vadd.f32 v11, v8;
	v9 =	vld.idx.msk [tilespmem:v12+s20+$0x0], $0xffff  }
0x46d: {  	v58 =	vld [tilespmem:$0x1E890];
	v5 =	vand.u32 $0x7FFFFFFF, v5;
	v3 =	vmul.f32 v1, v3;
	v4 =	vsub.f32 v62, v4  }
0x46e: {  	v0 =	vadd.f32 v0, v5  }
0x46f: {  	v60 =	vld [tilespmem:$0x1E8A0];
	v3 =	vsub.f32 v13, v3;
	v4 =	vand.u32 $0x7FFFFFFF, v4  }
0x470: {  	v12 =	vmul.f32 v2, v61;
	v62 =	vld [tilespmem:$0x1E8B0];
	v0 =	vadd.f32 v0, v4  }
0x471: {  	v57 =	vld.idx.msk [tilespmem:v14+s20+$0x0], $0xffff;
	v10 =	vmul.f32 v2, v63;
	v3 =	vand.u32 $0x7FFFFFFF, v3  }
0x472: {  	v61 =	vadd.f32 v12, v9;
	v5 =	vmul.f32 v1, v58;
	v0 =	vadd.f32 v0, v3;
	v3 =	vld [tilespmem:$0x1E8D0]  }
0x473: {  	v9 =	vld.idx.msk [tilespmem:v15+s20+$0x0], $0xffff  }
0x474: {  	v15 =	vadd.f32 v10, v7;
	v7 =	vld.idx.msk [tilespmem:v16+s20+$0x0], $0xffff;
	v5 =	vsub.f32 v61, v5  }
0x475: {  	v16 =	vld [tilespmem:$0x1E8E0];
	v11 =	vmul.f32 v2, v60;
	v4 =	vmul.f32 v1, v62  }
0x476: {  	v63 =	vld [tilespmem:$0x1E8C0];
	v5 =	vand.u32 $0x7FFFFFFF, v5  }
0x477: {  	v57 =	vadd.f32 v57, v11;
	v4 =	vsub.f32 v15, v4;
	v3 =	vmul.f32 v1, v3  }
0x478: {  	v60 =	vld [tilespmem:$0x1E8F0];
	v0 =	vadd.f32 v0, v5  }
0x479: {  	v61 =	vld [tilespmem:$0x1E900];
	v4 =	vand.u32 $0x7FFFFFFF, v4;
	v3 =	vsub.f32 v57, v3  }
0x47a: {  	v10 =	vmul.f32 v2, v16;
	v16 =	vld [tilespmem:$0x1E910];
	v0 =	vadd.f32 v0, v4  }
0x47b: {  	v12 =	vmul.f32 v2, v63;
	v58 =	vld.idx.msk [tilespmem:v17+s20+$0x0], $0xffff;
	v3 =	vand.u32 $0x7FFFFFFF, v3  }
0x47c: {  	v0 =	vadd.f32 v0, v3;
	v3 =	vld [tilespmem:$0x1E930]  }
0x47d: {  	v62 =	vadd.f32 v9, v12;
	v5 =	vmul.f32 v1, v60  }
0x47e: {  	v63 =	vld.idx.msk [tilespmem:v18+s20+$0x0], $0xffff;
	v11 =	vmul.f32 v2, v61  }
0x47f: {  	v17 =	vld [tilespmem:$0x1E920];
	v18 =	vadd.f32 v7, v10;
	v4 =	vmul.f32 v1, v16;
	v5 =	vsub.f32 v62, v5  }
0x480: {  	v19 =	vld.idx.msk [tilespmem:v19+s20+$0x0], $0xffff;
	v58 =	vadd.f32 v58, v11  }
0x481: {  	v61 =	vld [tilespmem:$0x1E950];
	v5 =	vand.u32 $0x7FFFFFFF, v5;
	v4 =	vsub.f32 v18, v4;
	v3 =	vmul.f32 v1, v3  }
0x482: {  	v57 =	vld [tilespmem:$0x1E940];
	v0 =	vadd.f32 v0, v5  }
0x483: {  	v62 =	vld [tilespmem:$0x1E960];
	v4 =	vand.u32 $0x7FFFFFFF, v4;
	v3 =	vsub.f32 v58, v3  }
0x484: {  	v12 =	vmul.f32 v2, v17;
	v17 =	vld [tilespmem:$0x1E970];
	v0 =	vadd.f32 v0, v4  }
0x485: {  	v60 =	vld.idx.msk [tilespmem:v20+s20+$0x0], $0xffff;
	v3 =	vand.u32 $0x7FFFFFFF, v3  }
0x486: {  	v0 =	vadd.f32 v0, v3;
	v3 =	vld [tilespmem:$0x1E990]  }
0x487: {  	v63 =	vadd.f32 v63, v12;
	v10 =	vmul.f32 v2, v57;
	v5 =	vmul.f32 v1, v61  }
0x488: {  	v20 =	vld.idx.msk [tilespmem:v22+s20+$0x0], $0xffff;
	v11 =	vmul.f32 v2, v62  }
0x489: {  	v16 =	vld.idx.msk [tilespmem:v21+s20+$0x0], $0xffff;
	v4 =	vmul.f32 v1, v17;
	v5 =	vsub.f32 v63, v5;
	v19 =	vadd.f32 v19, v10  }
0x48a: {  	v18 =	vld [tilespmem:$0x1E980];
	v22 =	vadd.f32 v60, v11  }
0x48b: {  	v21 =	vld [tilespmem:$0x1E9A0];
	v5 =	vand.u32 $0x7FFFFFFF, v5;
	v4 =	vsub.f32 v19, v4;
	v3 =	vmul.f32 v1, v3  }
0x48c: {  	v57 =	vld [tilespmem:$0x1E9B0];
	v0 =	vadd.f32 v0, v5  }
0x48d: {  	v58 =	vld [tilespmem:$0x1E9C0];
	v4 =	vand.u32 $0x7FFFFFFF, v4;
	v3 =	vsub.f32 v22, v3  }
0x48e: {  	v62 =	vld [tilespmem:$0x1E9D0];
	v0 =	vadd.f32 v0, v4  }
0x48f: {  	v23 =	vld.idx.msk [tilespmem:v23+s20+$0x0], $0xffff;
	v12 =	vmul.f32 v2, v18;
	v3 =	vand.u32 $0x7FFFFFFF, v3  }
0x490: {  	v0 =	vadd.f32 v0, v3;
	v3 =	vld [tilespmem:$0x1E9F0]  }
0x491: {  	v10 =	vmul.f32 v2, v21;
	v60 =	vadd.f32 v16, v12;
	v5 =	vmul.f32 v1, v57  }
0x492: {  	v61 =	vld.idx.msk [tilespmem:v24+s20+$0x0], $0xffff;
	v11 =	vmul.f32 v2, v58  }
0x493: {  	v24 =	vld [tilespmem:$0x1EA30];
	v15 =	vadd.f32 v20, v10;
	v4 =	vmul.f32 v1, v62;
	v5 =	vsub.f32 v60, v5  }
0x494: {  	v63 =	vld [tilespmem:$0x1E9E0];
	v18 =	vadd.f32 v23, v11  }
0x495: {  	v17 =	vld [tilespmem:$0x1EA00];
	v5 =	vand.u32 $0x7FFFFFFF, v5;
	v4 =	vsub.f32 v15, v4;
	v3 =	vmul.f32 v1, v3  }
0x496: {  	v20 =	vld [tilespmem:$0x1EA10];
	v0 =	vadd.f32 v0, v5  }
0x497: {  	v21 =	vld [tilespmem:$0x1EA20];
	v4 =	vand.u32 $0x7FFFFFFF, v4;
	v3 =	vsub.f32 v18, v3  }
0x498: {  	v16 =	vld.idx.msk [tilespmem:v25+s20+$0x0], $0xffff;
	v0 =	vadd.f32 v0, v4  }
0x499: {  	v19 =	vld.idx.msk [tilespmem:v26+s20+$0x0], $0xffff;
	v12 =	vmul.f32 v2, v63;
	v3 =	vand.u32 $0x7FFFFFFF, v3  }
0x49a: {  	v0 =	vadd.f32 v0, v3;
	v3 =	vld [tilespmem:$0x1EA50]  }
0x49b: {  	v10 =	vmul.f32 v2, v17;
	v22 =	vadd.f32 v61, v12;
	v5 =	vmul.f32 v1, v20  }
0x49c: {  	v25 =	vld [tilespmem:$0x1EA40];
	v11 =	vmul.f32 v2, v21  }
0x49d: {  	v26 =	vadd.f32 v16, v10;
	v23 =	vld.idx.msk [tilespmem:v27+s20+$0x0], $0xffff;
	v4 =	vmul.f32 v1, v24;
	v5 =	vsub.f32 v22, v5  }
0x49e: {  	v27 =	vld.idx.msk [tilespmem:v28+s20+$0x0], $0xffff;
	v57 =	vadd.f32 v19, v11  }
0x49f: {  	v28 =	vld [tilespmem:$0x1EA60];
	v5 =	vand.u32 $0x7FFFFFFF, v5;
	v4 =	vsub.f32 v26, v4;
	v3 =	vmul.f32 v1, v3  }
0x4a0: {  	v60 =	vld [tilespmem:$0x1EA70];
	v0 =	vadd.f32 v0, v5  }
0x4a1: {  	v61 =	vld [tilespmem:$0x1EA80];
	v4 =	vand.u32 $0x7FFFFFFF, v4;
	v3 =	vsub.f32 v57, v3  }
0x4a2: {  	v16 =	vld [tilespmem:$0x1EA90];
	v0 =	vadd.f32 v0, v4  }
0x4a3: {  	v58 =	vld.idx.msk [tilespmem:v29+s20+$0x0], $0xffff;
	v12 =	vmul.f32 v2, v25;
	v3 =	vand.u32 $0x7FFFFFFF, v3  }
0x4a4: {  	v0 =	vadd.f32 v0, v3;
	v3 =	vld [tilespmem:$0x1EAB0]  }
0x4a5: {  	v10 =	vmul.f32 v2, v28;
	v62 =	vadd.f32 v23, v12;
	v5 =	vmul.f32 v1, v60  }
0x4a6: {  	v63 =	vld.idx.msk [tilespmem:v30+s20+$0x0], $0xffff;
	v11 =	vmul.f32 v2, v61  }
0x4a7: {  	v17 =	vld [tilespmem:$0x1EAA0];
	v18 =	vadd.f32 v27, v10;
	v4 =	vmul.f32 v1, v16;
	v5 =	vsub.f32 v62, v5  }
0x4a8: {  	v19 =	vld.idx.msk [tilespmem:v31+s20+$0x0], $0xffff;
	v21 =	vadd.f32 v58, v11  }
0x4a9: {  	v23 =	vld [tilespmem:$0x1EAD0];
	v5 =	vand.u32 $0x7FFFFFFF, v5;
	v4 =	vsub.f32 v18, v4;
	v3 =	vmul.f32 v1, v3  }
0x4aa: {  	v20 =	vld [tilespmem:$0x1EAC0];
	v0 =	vadd.f32 v0, v5  }
0x4ab: {  	v24 =	vld [tilespmem:$0x1EAE0];
	v4 =	vand.u32 $0x7FFFFFFF, v4;
	v3 =	vsub.f32 v21, v3  }
0x4ac: {  	v27 =	vld [tilespmem:$0x1EAF0];
	v0 =	vadd.f32 v0, v4  }
0x4ad: {  	v12 =	vmul.f32 v2, v17;
	v22 =	vld.idx.msk [tilespmem:v32+s20+$0x0], $0xffff;
	v3 =	vand.u32 $0x7FFFFFFF, v3  }
0x4ae: {  	v0 =	vadd.f32 v0, v3;
	v3 =	vld [tilespmem:$0x1EB10]  }
0x4af: {  	v30 =	vld.idx.msk [tilespmem:v34+s20+$0x0], $0xffff;
	v25 =	vadd.f32 v63, v12;
	v10 =	vmul.f32 v2, v20;
	v5 =	vmul.f32 v1, v23  }
0x4b0: {  	v34 =	vld [tilespmem:$0x1EB30];
	v11 =	vmul.f32 v2, v24  }
0x4b1: {  	v31 =	vld [tilespmem:$0x1EB20];
	v29 =	vadd.f32 v19, v10;
	v4 =	vmul.f32 v1, v27;
	v5 =	vsub.f32 v25, v5  }
0x4b2: {  	v28 =	vld [tilespmem:$0x1EB00];
	v32 =	vadd.f32 v22, v11  }
0x4b3: {  	v26 =	vld.idx.msk [tilespmem:v33+s20+$0x0], $0xffff;
	v5 =	vand.u32 $0x7FFFFFFF, v5;
	v4 =	vsub.f32 v29, v4;
	v3 =	vmul.f32 v1, v3  }
0x4b4: {  	v33 =	vld.idx.msk [tilespmem:v35+s20+$0x0], $0xffff;
	v0 =	vadd.f32 v0, v5  }
0x4b5: {  	v35 =	vld [tilespmem:$0x1EB40];
	v4 =	vand.u32 $0x7FFFFFFF, v4;
	v3 =	vsub.f32 v32, v3  }
0x4b6: {  	v60 =	vld [tilespmem:$0x1EB50];
	v0 =	vadd.f32 v0, v4  }
0x4b7: {  	v12 =	vmul.f32 v2, v28;
	v3 =	vand.u32 $0x7FFFFFFF, v3  }
0x4b8: {  	v0 =	vadd.f32 v0, v3;
	v3 =	vld [tilespmem:$0x1EB70]  }
0x4b9: {  	v10 =	vmul.f32 v2, v31;
	v57 =	vadd.f32 v26, v12;
	v5 =	vmul.f32 v1, v34  }
0x4ba: {  	v63 =	vld.idx.msk [tilespmem:v37+s20+$0x0], $0xffff;
	v11 =	vmul.f32 v2, v35  }
0x4bb: {  	v61 =	vld [tilespmem:$0x1EB60];
	v62 =	vadd.f32 v30, v10;
	v4 =	vmul.f32 v1, v60;
	v5 =	vsub.f32 v57, v5  }
0x4bc: {  	v58 =	vld.idx.msk [tilespmem:v36+s20+$0x0], $0xffff;
	v17 =	vadd.f32 v33, v11  }
0x4bd: {  	v19 =	vld [tilespmem:$0x1EB90];
	v5 =	vand.u32 $0x7FFFFFFF, v5;
	v4 =	vsub.f32 v62, v4;
	v3 =	vmul.f32 v1, v3  }
0x4be: {  	v16 =	vld [tilespmem:$0x1EB80];
	v0 =	vadd.f32 v0, v5  }
0x4bf: {  	v20 =	vld [tilespmem:$0x1EBA0];
	v4 =	vand.u32 $0x7FFFFFFF, v4;
	v3 =	vsub.f32 v17, v3  }
0x4c0: {  	v23 =	vld [tilespmem:$0x1EBB0];
	v0 =	vadd.f32 v0, v4  }
0x4c1: {  	v18 =	vld.idx.msk [tilespmem:v38+s20+$0x0], $0xffff;
	v12 =	vmul.f32 v2, v61;
	v3 =	vand.u32 $0x7FFFFFFF, v3  }
0x4c2: {  	v0 =	vadd.f32 v0, v3;
	v3 =	vld [tilespmem:$0x1EBD0]  }
0x4c3: {  	v37 =	vld.idx.msk [tilespmem:v43+s20+$0x0], $0xffff;
	v10 =	vmul.f32 v2, v16;
	v21 =	vadd.f32 v58, v12;
	v5 =	vmul.f32 v1, v19  }
0x4c4: {  	v24 =	vld [tilespmem:$0x1EBC0];
	v11 =	vmul.f32 v2, v20  }
0x4c5: {  	v31 =	vld [tilespmem:$0x1EC00];
	v25 =	vadd.f32 v63, v10;
	v4 =	vmul.f32 v1, v23;
	v5 =	vsub.f32 v21, v5  }
0x4c6: {  	v22 =	vld.idx.msk [tilespmem:v39+s20+$0x0], $0xffff;
	v28 =	vadd.f32 v18, v11  }
0x4c7: {  	v30 =	vld [tilespmem:$0x1EBF0];
	v5 =	vand.u32 $0x7FFFFFFF, v5;
	v4 =	vsub.f32 v25, v4;
	v3 =	vmul.f32 v1, v3  }
0x4c8: {  	v27 =	vld [tilespmem:$0x1EBE0];
	v0 =	vadd.f32 v0, v5  }
0x4c9: {  	v26 =	vld.idx.msk [tilespmem:v40+s20+$0x0], $0xffff;
	v4 =	vand.u32 $0x7FFFFFFF, v4;
	v3 =	vsub.f32 v28, v3  }
0x4ca: {  	v34 =	vld [tilespmem:$0x1EC10];
	v0 =	vadd.f32 v0, v4  }
0x4cb: {  	v29 =	vld.idx.msk [tilespmem:v41+s20+$0x0], $0xffff;
	v12 =	vmul.f32 v2, v24;
	v3 =	vand.u32 $0x7FFFFFFF, v3  }
0x4cc: {  	v0 =	vadd.f32 v0, v3;
	v3 =	vld [tilespmem:$0x1EC30]  }
0x4cd: {  	v35 =	vld [tilespmem:$0x1EC20];
	v10 =	vmul.f32 v2, v27;
	v32 =	vadd.f32 v22, v12;
	v5 =	vmul.f32 v1, v30  }
0x4ce: {  	v33 =	vld.idx.msk [tilespmem:v42+s20+$0x0], $0xffff;
	v11 =	vmul.f32 v2, v31  }
0x4cf: {  	v42 =	vld [tilespmem:$0x1EC60];
	v36 =	vadd.f32 v26, v10;
	v4 =	vmul.f32 v1, v34;
	v5 =	vsub.f32 v32, v5  }
0x4d0: {  	v38 =	vld [tilespmem:$0x1EC40];
	v39 =	vadd.f32 v29, v11  }
0x4d1: {  	v40 =	vld.idx.msk [tilespmem:v44+s20+$0x0], $0xffff;
	v5 =	vand.u32 $0x7FFFFFFF, v5;
	v4 =	vsub.f32 v36, v4;
	v3 =	vmul.f32 v1, v3  }
0x4d2: {  	v41 =	vld [tilespmem:$0x1EC50];
	v0 =	vadd.f32 v0, v5  }
0x4d3: {  	v44 =	vld.idx.msk [tilespmem:v45+s20+$0x0], $0xffff;
	v4 =	vand.u32 $0x7FFFFFFF, v4;
	v3 =	vsub.f32 v39, v3  }
0x4d4: {  	v45 =	vld [tilespmem:$0x1EC70];
	v0 =	vadd.f32 v0, v4  }
0x4d5: {  	v12 =	vmul.f32 v2, v35;
	v3 =	vand.u32 $0x7FFFFFFF, v3  }
0x4d6: {  	v0 =	vadd.f32 v0, v3;
	v3 =	vld [tilespmem:$0x1EC90]  }
0x4d7: {  	v14 =	vld [tilespmem:$0x1ECB0];
	v10 =	vmul.f32 v2, v38;
	v43 =	vadd.f32 v33, v12;
	v5 =	vmul.f32 v1, v41  }
0x4d8: {  	v15 =	vld [tilespmem:$0x1ECC0];
	v11 =	vmul.f32 v2, v42  }
0x4d9: {  	v61 =	vld [tilespmem:$0x1ECA0];
	v58 =	vadd.f32 v37, v10;
	v4 =	vmul.f32 v1, v45;
	v5 =	vsub.f32 v43, v5  }
0x4da: {  	v57 =	vld [tilespmem:$0x1EC80];
	v62 =	vadd.f32 v40, v11  }
0x4db: {  	v18 =	vld [tilespmem:$0x1ECD0];
	v5 =	vand.u32 $0x7FFFFFFF, v5;
	v4 =	vsub.f32 v58, v4;
	v3 =	vmul.f32 v1, v3  }
0x4dc: {  	v63 =	vld.idx.msk [tilespmem:v47+s20+$0x0], $0xffff;
	v0 =	vadd.f32 v0, v5  }
0x4dd: {  	v47 =	vld [tilespmem:$0x1EDD0];
	v4 =	vand.u32 $0x7FFFFFFF, v4;
	v3 =	vsub.f32 v62, v3  }
0x4de: {  	v60 =	vld.idx.msk [tilespmem:v46+s20+$0x0], $0xffff;
	v0 =	vadd.f32 v0, v4  }
0x4df: {  	v24 =	vld.idx.msk [tilespmem:v50+s20+$0x0], $0xffff;
	v12 =	vmul.f32 v2, v57;
	v3 =	vand.u32 $0x7FFFFFFF, v3  }
0x4e0: {  	v0 =	vadd.f32 v0, v3;
	v3 =	vld [tilespmem:$0x1ECF0]  }
0x4e1: {  	v50 =	vld [tilespmem:$0x1EDF0];
	v10 =	vmul.f32 v2, v61;
	v16 =	vadd.f32 v44, v12;
	v5 =	vmul.f32 v1, v14  }
0x4e2: {  	v26 =	vld [tilespmem:$0x1ED20];
	v11 =	vmul.f32 v2, v15  }
0x4e3: {  	v22 =	vld [tilespmem:$0x1ED00];
	v20 =	vadd.f32 v60, v10;
	v4 =	vmul.f32 v1, v18;
	v5 =	vsub.f32 v16, v5  }
0x4e4: {  	v19 =	vld [tilespmem:$0x1ECE0];
	v23 =	vadd.f32 v63, v11  }
0x4e5: {  	v25 =	vld [tilespmem:$0x1ED10];
	v5 =	vand.u32 $0x7FFFFFFF, v5;
	v4 =	vsub.f32 v20, v4;
	v3 =	vmul.f32 v1, v3  }
0x4e6: {  	v17 =	vld.idx.msk [tilespmem:v48+s20+$0x0], $0xffff;
	v0 =	vadd.f32 v0, v5  }
0x4e7: {  	v29 =	vld [tilespmem:$0x1ED30];
	v4 =	vand.u32 $0x7FFFFFFF, v4;
	v3 =	vsub.f32 v23, v3  }
0x4e8: {  	v21 =	vld.idx.msk [tilespmem:v49+s20+$0x0], $0xffff;
	v0 =	vadd.f32 v0, v4  }
0x4e9: {  	v37 =	vld [tilespmem:$0x1ED80];
	v12 =	vmul.f32 v2, v19;
	v3 =	vand.u32 $0x7FFFFFFF, v3  }
0x4ea: {  	v0 =	vadd.f32 v0, v3;
	v3 =	vld [tilespmem:$0x1ED50]  }
0x4eb: {  	v46 =	vld.idx.msk [tilespmem:v56+s20+$0x0], $0xffff;
	v10 =	vmul.f32 v2, v22;
	v27 =	vadd.f32 v17, v12;
	v5 =	vmul.f32 v1, v25  }
0x4ec: {  	v9 =	vld.idx.msk [tilespmem:v50+s20+$0x0], $0xffff;
	v11 =	vmul.f32 v2, v26  }
0x4ed: {  	v33 =	vld [tilespmem:$0x1ED60];
	v31 =	vadd.f32 v21, v10;
	v4 =	vmul.f32 v1, v29;
	v5 =	vsub.f32 v27, v5  }
0x4ee: {  	v30 =	vld [tilespmem:$0x1ED40];
	v34 =	vadd.f32 v24, v11  }
0x4ef: {  	v36 =	vld [tilespmem:$0x1ED70];
	v5 =	vand.u32 $0x7FFFFFFF, v5;
	v4 =	vsub.f32 v31, v4;
	v3 =	vmul.f32 v1, v3  }
0x4f0: {  	v28 =	vld.idx.msk [tilespmem:v51+s20+$0x0], $0xffff;
	v0 =	vadd.f32 v0, v5  }
0x4f1: {  	v40 =	vld [tilespmem:$0x1ED90];
	v4 =	vand.u32 $0x7FFFFFFF, v4;
	v3 =	vsub.f32 v34, v3  }
0x4f2: {  	v32 =	vld.idx.msk [tilespmem:v52+s20+$0x0], $0xffff;
	v0 =	vadd.f32 v0, v4  }
0x4f3: {  	v35 =	vld.idx.msk [tilespmem:v53+s20+$0x0], $0xffff;
	v12 =	vmul.f32 v2, v30;
	v3 =	vand.u32 $0x7FFFFFFF, v3  }
0x4f4: {  	v0 =	vadd.f32 v0, v3;
	v3 =	vld [tilespmem:$0x1EDB0]  }
0x4f5: {  	v57 =	vld.idx.msk [tilespmem:v59+s20+$0x0], $0xffff;
	v10 =	vmul.f32 v2, v33;
	v38 =	vadd.f32 v28, v12;
	v5 =	vmul.f32 v1, v36  }
0x4f6: {  	v44 =	vld [tilespmem:$0x1EDC0];
	v11 =	vmul.f32 v2, v37  }
0x4f7: {  	v48 =	vld [tilespmem:$0x1EDE0];
	v42 =	vadd.f32 v32, v10;
	v4 =	vmul.f32 v1, v40;
	v5 =	vsub.f32 v38, v5  }
0x4f8: {  	v41 =	vld [tilespmem:$0x1EDA0];
	v45 =	vadd.f32 v35, v11  }
0x4f9: {  	v52 =	vld [tilespmem:$0x1EE10];
	v5 =	vand.u32 $0x7FFFFFFF, v5;
	v4 =	vsub.f32 v42, v4;
	v3 =	vmul.f32 v1, v3  }
0x4fa: {  	v39 =	vld.idx.msk [tilespmem:v54+s20+$0x0], $0xffff;
	v0 =	vadd.f32 v0, v5  }
0x4fb: {  	v51 =	vld [tilespmem:$0x1EE00];
	v4 =	vand.u32 $0x7FFFFFFF, v4;
	v3 =	vsub.f32 v45, v3  }
0x4fc: {  	v43 =	vld.idx.msk [tilespmem:v55+s20+$0x0], $0xffff;
	v0 =	vadd.f32 v0, v4  }
0x4fd: {  	v12 =	vmul.f32 v2, v41;
	v54 =	vld [tilespmem:$0x1EE20];
	v3 =	vand.u32 $0x7FFFFFFF, v3  }
0x4fe: {  	v0 =	vadd.f32 v0, v3;
	v3 =	vld [tilespmem:$0x1EE30]  }
0x4ff: {  	v59 =	vld [tilespmem:$0x1EE60];
	v10 =	vmul.f32 v2, v44;
	v49 =	vadd.f32 v39, v12;
	v5 =	vmul.f32 v1, v47  }
0x500: {  	v11 =	vmul.f32 v2, v48;
	v58 =	vld [tilespmem:$0x1EE50]  }
0x501: {  	v55 =	vld [tilespmem:$0x1EE40];
	v53 =	vadd.f32 v43, v10;
	v4 =	vmul.f32 v1, v51;
	v5 =	vsub.f32 v49, v5  }
0x502: {  	v56 =	vadd.f32 v46, v11;
	v12 =	vmul.f32 v2, v52  }
0x503: {  	v61 =	vld [tilespmem:$0x1EE70];
	v5 =	vand.u32 $0x7FFFFFFF, v5;
	v4 =	vsub.f32 v53, v4;
	v3 =	vmul.f32 v1, v3  }
0x504: {  	v60 =	vadd.f32 v9, v12;
	v62 =	vld [tilespmem:$0x1EE80];
	v0 =	vadd.f32 v0, v5  }
0x505: {  	v4 =	vand.u32 $0x7FFFFFFF, v4;
	v5 =	vmul.f32 v1, v58;
	v3 =	vsub.f32 v56, v3  }
0x506: {  	v10 =	vmul.f32 v2, v55;
	v2 =	vmul.f32 v2, v59;
	v7 =	vld.idx.msk [tilespmem:v54+s20+$0x0], $0xffff;
	v0 =	vadd.f32 v0, v4  }
0x507: {  	v5 =	vsub.f32 v60, v5;
	v3 =	vand.u32 $0x7FFFFFFF, v3  }
0x508: {  	v2 =	vadd.f32 v57, v2;
	v0 =	vadd.f32 v0, v3  }
0x509: {  	v4 =	vmul.f32 v1, v61;
	v1 =	vmul.f32 v1, v62;
	v3 =	vand.u32 $0x7FFFFFFF, v5  }
0x50a: {  	v0 =	vadd.f32 v0, v3;
	v3 =	vmov s26  }
0x50b: {  	p0 =	sne.s32 s26, $0x1F0;
	v63 =	vadd.f32 v7, v10;
	v1 =	vsub.f32 v2, v1;
	v2 =	vshll.u32 v3, $0x6;
	v3 =	vld [tilespmem:$0x1FFF0]  }
.Ltmp0:
0x50c: {  	_ = 	snop;
	(pc) =	sbr.rel @p0 .LBB2_2-.Ltmp0, $3  }
0x50d: {  	v4 =	vsub.f32 v63, v4;
	_ =	sdelay $0x1  }
0x50e: {  	v4 =	vand.u32 $0x7FFFFFFF, v4  }
0x50f: {  	s26 =	sadd.s32 $0x10, s26;
	v0 =	vadd.f32 v0, v4;
	v61 =	vor.u32 v3, v2;
	v2 =	vand.u32 $0x7FFFFFFF, v1  }
0x510: {  	_ = 	snop  }
0x511: {  	v32 =	vor.u32 $0x1, v61;
	v0 =	vadd.f32 v0, v2;
	_ =	sdelay $0x1  }
0x512: {  	v29 =	vor.u32 $0x2, v61;
	v1 =	vsub.f32 $0.0e+00, v0  }
0x513: {  	s25 =	sadd.s32 $0x10, s25  }
0x514: {  	v2 =	vor.u32 $0x6, v61;
	[tilespmem:s25+$0x0] =	vst v1  }
0x515: {  	v3 =	vor.u32 $0x7, v61;
	v0 =	vld.idx.msk [tilespmem:v32+s0+$0x0], $0xffff  }
0x516: {  	v1 =	vld.idx.msk [tilespmem:v61+s0+$0x0], $0xffff  }
0x517: {  	v6 =	vld.idx.msk [tilespmem:v29+s0+$0x0], $0xffff  }
0x518: {  	v31 =	vor.u32 $0x3, v61;
	v7 =	vld.idx.msk [tilespmem:v61+s2+$0x0], $0xffff  }
0x519: {  	v39 =	vld.idx.msk [tilespmem:v2+s0+$0x0], $0xffff  }
0x51a: {  	[tilespmem:$0x1DDC0] =	vst v3;
	v13 =	vld.idx.msk [tilespmem:v3+s0+$0x0], $0xffff  }
0x51b: {  	v59 =	vor.u32 $0x5, v61;
	[tilespmem:$0x1DDA0] =	vst v2;
	v43 =	vld.idx.msk [tilespmem:v2+s2+$0x0], $0xffff;
	v2 =	vor.u32 $0xA, v61  }
0x51c: {  	v33 =	vor.u32 $0x4, v61;
	v47 =	vld.idx.msk [tilespmem:v3+s2+$0x0], $0xffff;
	v3 =	vor.u32 $0xC, v61;
	[tilespmem:$0x1DE50] =	vst v2  }
0x51d: {  	v4 =	vld.idx.msk [tilespmem:v31+s0+$0x0], $0xffff;
	[tilespmem:$0x1DEA0] =	vst v3  }
0x51e: {  	v12 =	vld.idx.msk [tilespmem:v29+s2+$0x0], $0xffff;
	[tilespmem:$0x1DD20] =	vst v0  }
0x51f: {  	v10 =	vld.idx.msk [tilespmem:v31+s2+$0x0], $0xffff;
	[tilespmem:$0x1DD10] =	vst v1  }
0x520: {  	v11 =	vld.idx.msk [tilespmem:v59+s0+$0x0], $0xffff;
	[tilespmem:$0x1DD30] =	vst v6  }
0x521: {  	v9 =	vld.idx.msk [tilespmem:v33+s2+$0x0], $0xffff;
	[tilespmem:$0x1DD40] =	vst v7  }
0x522: {  	v60 =	vor.u32 $0x9, v61;
	[tilespmem:$0x1DD60] =	vst v4  }
0x523: {  	v40 =	vld.idx.msk [tilespmem:v59+s2+$0x0], $0xffff;
	[tilespmem:$0x1DD50] =	vst v12  }
0x524: {  	v63 =	vor.u32 $0xB, v61;
	[tilespmem:$0x1DD70] =	vst v10  }
0x525: {  	v62 =	vld.idx.msk [tilespmem:v32+s2+$0x0], $0xffff;
	[tilespmem:$0x1DD90] =	vst v11  }
0x526: {  	v8 =	vld.idx.msk [tilespmem:v33+s0+$0x0], $0xffff;
	[tilespmem:$0x1DDB0] =	vst v9  }
0x527: {  	v50 =	vld.idx.msk [tilespmem:v60+s0+$0x0], $0xffff;
	[tilespmem:$0x1DDE0] =	vst v39  }
0x528: {  	v54 =	vld.idx.msk [tilespmem:v60+s2+$0x0], $0xffff;
	[tilespmem:$0x1DDD0] =	vst v40  }
0x529: {  	v57 =	vld.idx.msk [tilespmem:v63+s0+$0x0], $0xffff;
	[tilespmem:$0x1DDF0] =	vst v13  }
0x52a: {  	v19 =	vld.idx.msk [tilespmem:v63+s2+$0x0], $0xffff;
	[tilespmem:$0x1DE10] =	vst v43  }
0x52b: {  	[tilespmem:$0x1DE20] =	vst v47  }
0x52c: {  	v1 =	vmul.f32 v1, v1;
	v5 =	vmul.f32 v0, v0;
	[tilespmem:$0x1DE40] =	vst v50  }
0x52d: {  	v34 =	vmul.f32 v6, v6;
	v35 =	vmul.f32 v7, v7;
	[tilespmem:$0x1DE70] =	vst v54  }
0x52e: {  	v36 =	vmul.f32 v62, v62;
	v37 =	vmul.f32 v4, v4;
	[tilespmem:$0x1DE90] =	vst v57;
	v58 =	vld.idx.msk [tilespmem:v2+s2+$0x0], $0xffff  }
0x52f: {  	v0 =	vor.u32 $0x8, v61;
	v38 =	vmul.f32 v12, v12;
	v41 =	vmul.f32 v8, v8;
	v18 =	vld.idx.msk [tilespmem:v3+s0+$0x0], $0xffff;
	[tilespmem:$0x1DEC0] =	vst v19  }
0x530: {  	v42 =	vmul.f32 v10, v10;
	v23 =	vld.idx.msk [tilespmem:v3+s2+$0x0], $0xffff;
	v3 =	vor.u32 $0x10, v61;
	[tilespmem:$0x1DE00] =	vst v0;
	v1 =	vadd.f32 v5, v1  }
0x531: {  	v56 =	vmul.f32 v47, v47;
	v47 =	vor.u32 $0x14, v61;
	[tilespmem:$0x1DF40] =	vst v3;
	v6 =	vadd.f32 v36, v35  }
0x532: {  	v28 =	vmul.f32 v19, v19;
	v19 =	vor.u32 $0x18, v61;
	[tilespmem:$0x1DFE0] =	vst v47;
	v1 =	vadd.f32 v34, v1  }
0x533: {  	v44 =	vmul.f32 v11, v11;
	[tilespmem:$0x1E080] =	vst v19;
	v35 =	vor.u32 $0xF, v61;
	v6 =	vadd.f32 v38, v6  }
0x534: {  	v45 =	vmul.f32 v9, v9;
	v34 =	vor.u32 $0xD, v61;
	v46 =	vld.idx.msk [tilespmem:v0+s0+$0x0], $0xffff;
	[tilespmem:$0x1DEB0] =	vst v58;
	v1 =	vadd.f32 v37, v1  }
0x535: {  	v48 =	vmul.f32 v39, v39;
	v51 =	vld.idx.msk [tilespmem:v0+s2+$0x0], $0xffff;
	[tilespmem:$0x1DED0] =	vst v18;
	v6 =	vadd.f32 v42, v6  }
0x536: {  	v49 =	vmul.f32 v40, v40;
	v0 =	vld.idx.msk [tilespmem:v2+s0+$0x0], $0xffff;
	v2 =	vor.u32 $0xE, v61;
	[tilespmem:$0x1DF00] =	vst v23;
	v1 =	vadd.f32 v41, v1  }
0x537: {  	v27 =	vmul.f32 v18, v18;
	v18 =	vld.idx.msk [tilespmem:v47+s2+$0x0], $0xffff;
	[tilespmem:$0x1DEF0] =	vst v2;
	v6 =	vadd.f32 v45, v6;
	v41 =	vor.u32 $0x12, v61  }
0x538: {  	v52 =	vmul.f32 v13, v13;
	v36 =	vor.u32 $0x11, v61;
	v30 =	vld.idx.msk [tilespmem:v35+s0+$0x0], $0xffff;
	[tilespmem:$0x1DF90] =	vst v41;
	v1 =	vadd.f32 v44, v1  }
0x539: {  	v53 =	vmul.f32 v43, v43;
	v22 =	vld.idx.msk [tilespmem:v34+s0+$0x0], $0xffff;
	[tilespmem:$0x1DE30] =	vst v46;
	v6 =	vadd.f32 v49, v6  }
0x53a: {  	v16 =	vmul.f32 v50, v50;
	v37 =	vor.u32 $0x13, v61;
	v26 =	vld.idx.msk [tilespmem:v34+s2+$0x0], $0xffff;
	[tilespmem:$0x1DE60] =	vst v51;
	v1 =	vadd.f32 v48, v1  }
0x53b: {  	[tilespmem:$0x1DE80] =	vst v0;
	v20 =	vmul.f32 v0, v0;
	v0 =	vmov v2;
	v2 =	vld.idx.msk [tilespmem:v2+s0+$0x0], $0xffff;
	v6 =	vadd.f32 v53, v6  }
0x53c: {  	v39 =	vor.u32 $0x17, v61;
	v55 =	vmul.f32 v46, v46;
	v44 =	vld.idx.msk [tilespmem:v35+s2+$0x0], $0xffff;
	[tilespmem:$0x1E040] =	vst v18;
	v1 =	vadd.f32 v52, v1  }
0x53d: {  	v17 =	vmul.f32 v51, v51;
	v46 =	vld.idx.msk [tilespmem:v36+s0+$0x0], $0xffff;
	[tilespmem:$0x1DF30] =	vst v30;
	v6 =	vadd.f32 v56, v6  }
0x53e: {  	v21 =	vmul.f32 v54, v54;
	v51 =	vld.idx.msk [tilespmem:v36+s2+$0x0], $0xffff;
	[tilespmem:$0x1DEE0] =	vst v22;
	v1 =	vadd.f32 v55, v1  }
0x53f: {  	v24 =	vmul.f32 v57, v57;
	v54 =	vld.idx.msk [tilespmem:v37+s0+$0x0], $0xffff;
	[tilespmem:$0x1DF10] =	vst v26;
	v6 =	vadd.f32 v17, v6  }
0x540: {  	v38 =	vor.u32 $0x15, v61;
	v25 =	vmul.f32 v58, v58;
	v57 =	vld.idx.msk [tilespmem:v37+s2+$0x0], $0xffff;
	[tilespmem:$0x1DF20] =	vst v2;
	v1 =	vadd.f32 v16, v1  }
0x541: {  	v48 =	vmul.f32 v30, v30;
	v30 =	vld.idx.msk [tilespmem:v39+s2+$0x0], $0xffff;
	[tilespmem:$0x1DF60] =	vst v44;
	v6 =	vadd.f32 v21, v6  }
0x542: {  	v40 =	vld.idx.msk [tilespmem:v0+s2+$0x0], $0xffff;
	v0 =	vmov v3;
	[tilespmem:$0x1DF80] =	vst v46;
	v1 =	vadd.f32 v20, v1  }
0x543: {  	v3 =	vld.idx.msk [tilespmem:v3+s0+$0x0], $0xffff;
	[tilespmem:$0x1DFB0] =	vst v51;
	v7 =	vadd.f32 v25, v6  }
0x544: {  	v43 =	vmul.f32 v23, v23;
	v50 =	vmov v41;
	[tilespmem:$0x1DFD0] =	vst v54;
	v1 =	vadd.f32 v24, v1  }
0x545: {  	v42 =	vmul.f32 v22, v22;
	v22 =	vld.idx.msk [tilespmem:v38+s2+$0x0], $0xffff;
	v55 =	vor.u32 $0x16, v61;
	[tilespmem:$0x1E000] =	vst v57;
	v7 =	vadd.f32 v28, v7  }
0x546: {  	v10 =	vmul.f32 v26, v26;
	[tilespmem:$0x1E030] =	vst v55;
	v1 =	vadd.f32 v27, v1  }
0x547: {  	v45 =	vmul.f32 v2, v2;
	[tilespmem:$0x1E0A0] =	vst v30;
	v2 =	vld.idx.msk [tilespmem:v0+s2+$0x0], $0xffff;
	v9 =	vadd.f32 v43, v7  }
0x548: {  	[tilespmem:$0x1DF70] =	vst v3;
	v0 =	vld.idx.msk [tilespmem:v41+s0+$0x0], $0xffff;
	v1 =	vadd.f32 v42, v1  }
0x549: {  	v49 =	vmul.f32 v40, v40;
	v52 =	vmul.f32 v3, v3;
	v3 =	vld.idx.msk [tilespmem:v50+s2+$0x0], $0xffff;
	v9 =	vadd.f32 v10, v9  }
0x54a: {  	v53 =	vmul.f32 v44, v44;
	v17 =	vld.idx.msk [tilespmem:v38+s0+$0x0], $0xffff;
	[tilespmem:$0x1E050] =	vst v22;
	v1 =	vadd.f32 v45, v1  }
0x54b: {  	v11 =	vmul.f32 v46, v46;
	[tilespmem:$0x1DF50] =	vst v40;
	v40 =	vor.u32 $0x19, v61;
	v9 =	vadd.f32 v49, v9  }
0x54c: {  	[tilespmem:$0x1DFA0] =	vst v2;
	v56 =	vmul.f32 v2, v2;
	v2 =	vld.idx.msk [tilespmem:v47+s0+$0x0], $0xffff;
	v1 =	vadd.f32 v48, v1  }
0x54d: {  	v28 =	vmov v19;
	[tilespmem:$0x1DFC0] =	vst v0;
	v58 =	vmul.f32 v0, v0;
	v0 =	vld.idx.msk [tilespmem:v55+s0+$0x0], $0xffff;
	v9 =	vadd.f32 v53, v9  }
0x54e: {  	v41 =	vor.u32 $0x1B, v61;
	[tilespmem:$0x1DFF0] =	vst v3;
	v21 =	vmul.f32 v3, v3;
	v3 =	vld.idx.msk [tilespmem:v55+s2+$0x0], $0xffff;
	v1 =	vadd.f32 v52, v1  }
0x54f: {  	v16 =	vmul.f32 v51, v51;
	v25 =	vor.u32 $0x1A, v61;
	[tilespmem:$0x1E020] =	vst v17;
	v24 =	vld.idx.msk [tilespmem:v39+s0+$0x0], $0xffff;
	v10 =	vadd.f32 v56, v9  }
0x550: {  	v13 =	vmul.f32 v57, v57;
	[tilespmem:$0x1E0D0] =	vst v25;
	v45 =	vld.idx.msk [tilespmem:v40+s0+$0x0], $0xffff;
	v1 =	vadd.f32 v11, v1  }
0x551: {  	v20 =	vmul.f32 v54, v54;
	v47 =	vld.idx.msk [tilespmem:v40+s2+$0x0], $0xffff;
	[tilespmem:$0x1E010] =	vst v2;
	v10 =	vadd.f32 v16, v10  }
0x552: {  	v27 =	vmul.f32 v18, v18;
	v42 =	vor.u32 $0x1D, v61;
	v4 =	vld.idx.msk [tilespmem:v28+s2+$0x0], $0xffff;
	[tilespmem:$0x1E060] =	vst v0;
	v1 =	vadd.f32 v58, v1  }
0x553: {  	v49 =	vld.idx.msk [tilespmem:v41+s0+$0x0], $0xffff;
	[tilespmem:$0x1E090] =	vst v3;
	v46 =	vmul.f32 v3, v3;
	v3 =	vmov v25;
	v12 =	vadd.f32 v21, v10  }
0x554: {  	v23 =	vmul.f32 v2, v2;
	v2 =	vld.idx.msk [tilespmem:v19+s0+$0x0], $0xffff;
	v43 =	vmul.f32 v0, v0;
	v1 =	vadd.f32 v20, v1  }
0x555: {  	v0 =	vld.idx.msk [tilespmem:v25+s0+$0x0], $0xffff;
	[tilespmem:$0x1E0C0] =	vst v45;
	v50 =	vmul.f32 v45, v45;
	v45 =	vor.u32 $0x23, v61;
	v12 =	vadd.f32 v13, v12  }
0x556: {  	v26 =	vmul.f32 v17, v17;
	[tilespmem:$0x1E070] =	vst v24;
	v52 =	vld.idx.msk [tilespmem:v41+s2+$0x0], $0xffff;
	v1 =	vadd.f32 v23, v1  }
0x557: {  	v44 =	vmul.f32 v22, v22;
	[tilespmem:$0x1E0F0] =	vst v47;
	v54 =	vld.idx.msk [tilespmem:v42+s0+$0x0], $0xffff;
	v11 =	vor.u32 $0x1C, v61;
	v12 =	vadd.f32 v27, v12  }
0x558: {  	v15 =	vmul.f32 v30, v30;
	[tilespmem:$0x1E0E0] =	vst v4;
	v3 =	vld.idx.msk [tilespmem:v3+s2+$0x0], $0xffff;
	v1 =	vadd.f32 v26, v1  }
0x559: {  	v14 =	vmul.f32 v24, v24;
	[tilespmem:$0x1E110] =	vst v49;
	v58 =	vld.idx.msk [tilespmem:v42+s2+$0x0], $0xffff;
	v12 =	vadd.f32 v44, v12;
	v44 =	vor.u32 $0x21, v61  }
0x55a: {  	v56 =	vmul.f32 v49, v49;
	[tilespmem:$0x1E0B0] =	vst v2;
	v49 =	vld.idx.msk [tilespmem:v45+s0+$0x0], $0xffff;
	v1 =	vadd.f32 v43, v1  }
0x55b: {  	[tilespmem:$0x1E130] =	vst v52;
	v20 =	vmul.f32 v52, v52;
	v52 =	vld.idx.msk [tilespmem:v45+s2+$0x0], $0xffff;
	v13 =	vadd.f32 v46, v12;
	v12 =	vor.u32 $0x1E, v61  }
0x55c: {  	[tilespmem:$0x1E100] =	vst v0;
	v48 =	vmul.f32 v2, v2;
	v2 =	vld.idx.msk [tilespmem:v11+s0+$0x0], $0xffff;
	v43 =	vor.u32 $0x1F, v61;
	v1 =	vadd.f32 v14, v1  }
0x55d: {  	v51 =	vmul.f32 v4, v4;
	[tilespmem:$0x1E150] =	vst v54;
	v55 =	vld.idx.msk [tilespmem:v11+s2+$0x0], $0xffff;
	v13 =	vadd.f32 v15, v13  }
0x55e: {  	[tilespmem:$0x1E120] =	vst v3;
	v25 =	vld.idx.msk [tilespmem:v44+s0+$0x0], $0xffff;
	v1 =	vadd.f32 v48, v1  }
0x55f: {  	v16 =	vmul.f32 v47, v47;
	[tilespmem:$0x1E170] =	vst v58;
	v46 =	vor.u32 $0x25, v61;
	v30 =	vld.idx.msk [tilespmem:v44+s2+$0x0], $0xffff;
	v15 =	vadd.f32 v51, v13  }
0x560: {  	v53 =	vmul.f32 v0, v0;
	[tilespmem:$0x1E210] =	vst v49;
	v0 =	vld.idx.msk [tilespmem:v12+s0+$0x0], $0xffff;
	v1 =	vadd.f32 v50, v1  }
0x561: {  	v57 =	vmul.f32 v3, v3;
	[tilespmem:$0x1E230] =	vst v52;
	v13 =	vor.u32 $0x20, v61;
	v21 =	vld.idx.msk [tilespmem:v43+s0+$0x0], $0xffff;
	v15 =	vadd.f32 v16, v15  }
0x562: {  	v17 =	vmul.f32 v54, v54;
	[tilespmem:$0x1E140] =	vst v2;
	v3 =	vld.idx.msk [tilespmem:v12+s2+$0x0], $0xffff;
	v1 =	vadd.f32 v53, v1  }
0x563: {  	[tilespmem:$0x1E160] =	vst v55;
	v10 =	vmul.f32 v2, v2;
	v23 =	vld.idx.msk [tilespmem:v43+s2+$0x0], $0xffff;
	v15 =	vadd.f32 v57, v15  }
0x564: {  	v22 =	vmul.f32 v55, v55;
	v14 =	vor.u32 $0x22, v61;
	v55 =	vld.idx.msk [tilespmem:v46+s0+$0x0], $0xffff;
	[tilespmem:$0x1E1D0] =	vst v25;
	v1 =	vadd.f32 v56, v1  }
0x565: {  	v18 =	vmul.f32 v58, v58;
	v58 =	vld.idx.msk [tilespmem:v46+s2+$0x0], $0xffff;
	[tilespmem:$0x1E1F0] =	vst v30;
	v15 =	vadd.f32 v20, v15  }
0x566: {  	v2 =	vld.idx.msk [tilespmem:v13+s0+$0x0], $0xffff;
	[tilespmem:$0x1E180] =	vst v0;
	v20 =	vmul.f32 v49, v49;
	v49 =	vor.u32 $0x2B, v61;
	v1 =	vadd.f32 v10, v1  }
0x567: {  	v47 =	vor.u32 $0x27, v61;
	v26 =	vld.idx.msk [tilespmem:v13+s2+$0x0], $0xffff;
	[tilespmem:$0x1E190] =	vst v21;
	v24 =	vmul.f32 v0, v0  }
0x568: {  	[tilespmem:$0x1E1A0] =	vst v3;
	v27 =	vmul.f32 v21, v21;
	v16 =	vadd.f32 v22, v15;
	v1 =	vadd.f32 v17, v1  }
0x569: {  	[tilespmem:$0x1E1B0] =	vst v23;
	v28 =	vmul.f32 v3, v3;
	v0 =	vld.idx.msk [tilespmem:v14+s0+$0x0], $0xffff;
	v19 =	vmul.f32 v23, v23;
	v15 =	vor.u32 $0x24, v61  }
0x56a: {  	v3 =	vld.idx.msk [tilespmem:v14+s2+$0x0], $0xffff;
	[tilespmem:$0x1E250] =	vst v55;
	v16 =	vadd.f32 v18, v16;
	v1 =	vadd.f32 v24, v1  }
0x56b: {  	[tilespmem:$0x1E270] =	vst v58;
	v22 =	vmul.f32 v58, v58;
	v48 =	vmul.f32 v2, v2;
	v58 =	vld.idx.msk [tilespmem:v49+s0+$0x0], $0xffff  }
0x56c: {  	[tilespmem:$0x1E1C0] =	vst v2;
	v17 =	vor.u32 $0x28, v61;
	v7 =	vld.idx.msk [tilespmem:v49+s2+$0x0], $0xffff;
	v18 =	vadd.f32 v28, v16;
	v1 =	vadd.f32 v27, v1  }
0x56d: {  	v50 =	vmul.f32 v25, v25;
	[tilespmem:$0x1E1E0] =	vst v26;
	v51 =	vmul.f32 v26, v26;
	v16 =	vor.u32 $0x26, v61;
	v24 =	vld.idx.msk [tilespmem:v47+s0+$0x0], $0xffff  }
0x56e: {  	[tilespmem:$0x1E200] =	vst v0;
	v2 =	vld.idx.msk [tilespmem:v15+s0+$0x0], $0xffff;
	v18 =	vadd.f32 v19, v18;
	v1 =	vadd.f32 v48, v1  }
0x56f: {  	v54 =	vmul.f32 v30, v30;
	[tilespmem:$0x1E220] =	vst v3;
	v56 =	vld.idx.msk [tilespmem:v15+s2+$0x0], $0xffff  }
0x570: {  	v53 =	vmul.f32 v0, v0;
	v27 =	vld.idx.msk [tilespmem:v47+s2+$0x0], $0xffff;
	v18 =	vadd.f32 v51, v18;
	v1 =	vadd.f32 v50, v1  }
0x571: {  	v21 =	vmul.f32 v52, v52;
	v57 =	vmul.f32 v3, v3;
	v52 =	vld.idx.msk [tilespmem:v17+s2+$0x0], $0xffff;
	[tilespmem:$0x1E310] =	vst v58  }
0x572: {  	v48 =	vor.u32 $0x29, v61;
	[tilespmem:$0x1E330] =	vst v7;
	v0 =	vld.idx.msk [tilespmem:v16+s0+$0x0], $0xffff;
	v18 =	vadd.f32 v54, v18;
	v1 =	vadd.f32 v53, v1  }
0x573: {  	[tilespmem:$0x1E290] =	vst v24;
	v10 =	vmul.f32 v2, v2  }
0x574: {  	v3 =	vld.idx.msk [tilespmem:v16+s2+$0x0], $0xffff;
	[tilespmem:$0x1E240] =	vst v2;
	v19 =	vadd.f32 v57, v18;
	v18 =	vor.u32 $0x2A, v61;
	v1 =	vadd.f32 v20, v1  }
0x575: {  	v25 =	vmul.f32 v55, v55;
	[tilespmem:$0x1E260] =	vst v56;
	v26 =	vmul.f32 v56, v56  }
0x576: {  	v51 =	vor.u32 $0x2F, v61;
	v2 =	vld.idx.msk [tilespmem:v17+s0+$0x0], $0xffff;
	[tilespmem:$0x1E2B0] =	vst v27;
	v19 =	vadd.f32 v21, v19;
	v1 =	vadd.f32 v10, v1  }
0x577: {  	v50 =	vor.u32 $0x2D, v61;
	[tilespmem:$0x1E2E0] =	vst v52;
	v30 =	vld.idx.msk [tilespmem:v48+s0+$0x0], $0xffff;
	v28 =	vmul.f32 v0, v0  }
0x578: {  	v55 =	vld.idx.msk [tilespmem:v48+s2+$0x0], $0xffff;
	[tilespmem:$0x1E280] =	vst v0;
	v21 =	vadd.f32 v26, v19;
	v19 =	vor.u32 $0x2C, v61;
	v1 =	vadd.f32 v25, v1  }
0x579: {  	v53 =	vmul.f32 v24, v24;
	v57 =	vmul.f32 v27, v27;
	[tilespmem:$0x1E2A0] =	vst v3;
	v0 =	vld.idx.msk [tilespmem:v18+s0+$0x0], $0xffff  }
0x57a: {  	v54 =	vmul.f32 v3, v3;
	v3 =	vld.idx.msk [tilespmem:v18+s2+$0x0], $0xffff;
	v21 =	vadd.f32 v22, v21;
	v1 =	vadd.f32 v28, v1  }
0x57b: {  	v20 =	vor.u32 $0x2E, v61;
	[tilespmem:$0x1E2C0] =	vst v2;
	v56 =	vmul.f32 v2, v2;
	v25 =	vmul.f32 v7, v7;
	v7 =	vld.idx.msk [tilespmem:v51+s2+$0x0], $0xffff  }
0x57c: {  	[tilespmem:$0x1E2D0] =	vst v30;
	v21 =	vadd.f32 v54, v21;
	v28 =	vld.idx.msk [tilespmem:v50+s0+$0x0], $0xffff;
	v1 =	vadd.f32 v53, v1  }
0x57d: {  	v9 =	vmul.f32 v52, v52;
	[tilespmem:$0x1E2F0] =	vst v55;
	v23 =	vmul.f32 v30, v30;
	v2 =	vld.idx.msk [tilespmem:v19+s0+$0x0], $0xffff  }
0x57e: {  	v54 =	vor.u32 $0x35, v61;
	v30 =	vld.idx.msk [tilespmem:v19+s2+$0x0], $0xffff;
	[tilespmem:$0x1E300] =	vst v0;
	v21 =	vadd.f32 v57, v21;
	v1 =	vadd.f32 v56, v1  }
0x57f: {  	v24 =	vmul.f32 v55, v55;
	[tilespmem:$0x1E320] =	vst v3;
	v10 =	vmul.f32 v0, v0  }
0x580: {  	v0 =	vld.idx.msk [tilespmem:v20+s0+$0x0], $0xffff;
	[tilespmem:$0x1E3B0] =	vst v7;
	v22 =	vadd.f32 v9, v21;
	v1 =	vadd.f32 v23, v1  }
0x581: {  	v52 =	vor.u32 $0x31, v61;
	v57 =	vmul.f32 v3, v3;
	v3 =	vld.idx.msk [tilespmem:v20+s2+$0x0], $0xffff;
	v56 =	vmul.f32 v58, v58;
	[tilespmem:$0x1E350] =	vst v28  }
0x582: {  	v21 =	vor.u32 $0x30, v61;
	v58 =	vld.idx.msk [tilespmem:v50+s2+$0x0], $0xffff;
	[tilespmem:$0x1E340] =	vst v2;
	v22 =	vadd.f32 v24, v22;
	v1 =	vadd.f32 v10, v1  }
0x583: {  	v6 =	vld.idx.msk [tilespmem:v54+s0+$0x0], $0xffff;
	[tilespmem:$0x1E360] =	vst v30  }
0x584: {  	v9 =	vmul.f32 v2, v2;
	v24 =	vadd.f32 v57, v22;
	v10 =	vld.idx.msk [tilespmem:v51+s0+$0x0], $0xffff;
	v1 =	vadd.f32 v56, v1  }
0x585: {  	v28 =	vmul.f32 v28, v28;
	v30 =	vmul.f32 v30, v30;
	[tilespmem:$0x1E380] =	vst v0;
	v22 =	vor.u32 $0x32, v61  }
0x586: {  	v23 =	vor.u32 $0x34, v61;
	[tilespmem:$0x1E3A0] =	vst v3;
	v57 =	vld.idx.msk [tilespmem:v52+s0+$0x0], $0xffff;
	v24 =	vadd.f32 v25, v24;
	v1 =	vadd.f32 v9, v1  }
0x587: {  	v53 =	vor.u32 $0x33, v61;
	v55 =	vmul.f32 v0, v0;
	[tilespmem:$0x1E370] =	vst v58;
	v2 =	vld.idx.msk [tilespmem:v21+s0+$0x0], $0xffff  }
0x588: {  	v56 =	vmul.f32 v58, v58;
	v58 =	vld.idx.msk [tilespmem:v21+s2+$0x0], $0xffff;
	v24 =	vadd.f32 v30, v24;
	v1 =	vadd.f32 v28, v1  }
0x589: {  	[tilespmem:$0x1E450] =	vst v6;
	v30 =	vld.idx.msk [tilespmem:v52+s2+$0x0], $0xffff;
	v26 =	vmul.f32 v10, v10  }
0x58a: {  	v0 =	vld.idx.msk [tilespmem:v22+s0+$0x0], $0xffff;
	v24 =	vadd.f32 v56, v24;
	v28 =	vmul.f32 v3, v3;
	v1 =	vadd.f32 v55, v1  }
0x58b: {  	v27 =	vmul.f32 v7, v7;
	v4 =	vld.idx.msk [tilespmem:v23+s2+$0x0], $0xffff;
	[tilespmem:$0x1E390] =	vst v10  }
0x58c: {  	v10 =	vld.idx.msk [tilespmem:v53+s0+$0x0], $0xffff;
	v9 =	vmul.f32 v2, v2;
	v25 =	vadd.f32 v28, v24;
	v1 =	vadd.f32 v26, v1  }
0x58d: {  	[tilespmem:$0x1E3D0] =	vst v57;
	v3 =	vld.idx.msk [tilespmem:v22+s2+$0x0], $0xffff;
	v56 =	vmul.f32 v57, v57;
	v57 =	vmul.f32 v58, v58  }
0x58e: {  	[tilespmem:$0x1E3C0] =	vst v2;
	v2 =	vld.idx.msk [tilespmem:v23+s0+$0x0], $0xffff;
	v24 =	vor.u32 $0x36, v61;
	v25 =	vadd.f32 v27, v25;
	v1 =	vadd.f32 v9, v1  }
0x58f: {  	v7 =	vld.idx.msk [tilespmem:v53+s2+$0x0], $0xffff;
	[tilespmem:$0x1E3E0] =	vst v58;
	v28 =	vmul.f32 v30, v30;
	v58 =	vmul.f32 v0, v0  }
0x590: {  	[tilespmem:$0x1E460] =	vst v4;
	v26 =	vor.u32 $0x3A, v61;
	v27 =	vadd.f32 v57, v25;
	v1 =	vadd.f32 v56, v1  }
0x591: {  	v5 =	vld.idx.msk [tilespmem:v54+s2+$0x0], $0xffff;
	v55 =	vor.u32 $0x37, v61;
	[tilespmem:$0x1E400] =	vst v0;
	v9 =	vmul.f32 v10, v10  }
0x592: {  	[tilespmem:$0x1E410] =	vst v10;
	v10 =	vmul.f32 v3, v3;
	v27 =	vadd.f32 v28, v27;
	v1 =	vadd.f32 v58, v1  }
0x593: {  	[tilespmem:$0x1E420] =	vst v3;
	v25 =	vor.u32 $0x38, v61;
	v57 =	vmul.f32 v2, v2;
	v0 =	vld.idx.msk [tilespmem:v24+s0+$0x0], $0xffff  }
0x594: {  	v3 =	vld.idx.msk [tilespmem:v24+s2+$0x0], $0xffff;
	v27 =	vadd.f32 v10, v27;
	v58 =	vmul.f32 v7, v7;
	v1 =	vadd.f32 v9, v1  }
0x595: {  	[tilespmem:$0x1E3F0] =	vst v30;
	v30 =	vmul.f32 v6, v6;
	v6 =	vmul.f32 v4, v4;
	v56 =	vor.u32 $0x39, v61;
	v4 =	vld.idx.msk [tilespmem:v26+s0+$0x0], $0xffff  }
0x596: {  	[tilespmem:$0x1E430] =	vst v7;
	v7 =	vld.idx.msk [tilespmem:v55+s0+$0x0], $0xffff;
	v27 =	vadd.f32 v58, v27;
	v1 =	vadd.f32 v57, v1;
	v57 =	vor.u32 $0x3B, v61  }
0x597: {  	[tilespmem:$0x1DD80] =	vst v8;
	v9 =	vld.idx.msk [tilespmem:v55+s2+$0x0], $0xffff  }
0x598: {  	[tilespmem:$0x1E440] =	vst v2;
	v2 =	vld.idx.msk [tilespmem:v25+s0+$0x0], $0xffff;
	v58 =	vmul.f32 v5, v5;
	v28 =	vadd.f32 v6, v27  }
0x599: {  	[tilespmem:$0x1E470] =	vst v5;
	v10 =	vmul.f32 v0, v0;
	v5 =	vld.idx.msk [tilespmem:v25+s2+$0x0], $0xffff;
	v27 =	vor.u32 $0x3C, v61;
	v1 =	vadd.f32 v30, v1  }
0x59a: {  	[tilespmem:$0x1E480] =	vst v0;
	v0 =	vmul.f32 v3, v3;
	v6 =	vld.idx.msk [tilespmem:v56+s0+$0x0], $0xffff;
	v28 =	vadd.f32 v58, v28  }
0x59b: {  	[tilespmem:$0x1E490] =	vst v7;
	v1 =	vadd.f32 v10, v1;
	v10 =	vmul.f32 v7, v7;
	v7 =	vld.idx.msk [tilespmem:v57+s0+$0x0], $0xffff  }
0x59c: {  	[tilespmem:$0x1E4A0] =	vst v3;
	v3 =	vmul.f32 v9, v9;
	v8 =	vadd.f32 v0, v28;
	v0 =	vld.idx.msk [tilespmem:v57+s2+$0x0], $0xffff  }
0x59d: {  	[tilespmem:$0x1E500] =	vst v4;
	v58 =	vor.u32 $0x3D, v61;
	v30 =	vmul.f32 v2, v2;
	v1 =	vadd.f32 v10, v1;
	v10 =	vld.idx.msk [tilespmem:v56+s2+$0x0], $0xffff  }
0x59e: {  	[tilespmem:$0x1E4E0] =	vst v5;
	v3 =	vadd.f32 v3, v8;
	v8 =	vmul.f32 v5, v5;
	v5 =	vld.idx.msk [tilespmem:v27+s0+$0x0], $0xffff  }
0x59f: {  	[tilespmem:$0x1E4C0] =	vst v2;
	v28 =	vor.u32 $0x3E, v61;
	v2 =	vadd.f32 v30, v1;
	v1 =	vld.idx.msk [tilespmem:v26+s2+$0x0], $0xffff;
	v30 =	vmul.f32 v6, v6  }
0x5a0: {  	[tilespmem:$0x1E4B0] =	vst v9  }
0x5a1: {  	[tilespmem:$0x1E4D0] =	vst v6;
	v6 =	vadd.f32 v30, v2;
	v30 =	vor.u32 $0x3F, v61;
	v2 =	vmul.f32 v4, v4  }
0x5a2: {  	[tilespmem:$0x1E510] =	vst v7;
	v4 =	vadd.f32 v8, v3;
	v3 =	vld.idx.msk [tilespmem:v58+s0+$0x0], $0xffff;
	v9 =	vmul.f32 v10, v10  }
0x5a3: {  	[tilespmem:$0x1E530] =	vst v0;
	v8 =	vmul.f32 v7, v7;
	v6 =	vadd.f32 v2, v6;
	v2 =	vld.idx.msk [tilespmem:v27+s2+$0x0], $0xffff  }
0x5a4: {  	[tilespmem:$0x1E540] =	vst v5;
	v7 =	vadd.f32 v9, v4;
	v9 =	vmul.f32 v1, v1;
	v4 =	vld.idx.msk [tilespmem:v28+s0+$0x0], $0xffff  }
0x5a5: {  	v5 =	vmul.f32 v5, v5;
	[tilespmem:$0x1E520] =	vst v1;
	v1 =	vld.idx.msk [tilespmem:v58+s2+$0x0], $0xffff;
	v6 =	vadd.f32 v8, v6  }
0x5a6: {  	[tilespmem:$0x1E4F0] =	vst v10;
	v10 =	vadd.f32 v9, v7;
	v9 =	vmul.f32 v0, v0;
	v0 =	vld.idx.msk [tilespmem:v30+s0+$0x0], $0xffff  }
0x5a7: {  	v7 =	vmul.f32 v3, v3;
	v6 =	vadd.f32 v5, v6;
	v5 =	vld.idx.msk [tilespmem:v28+s2+$0x0], $0xffff  }
0x5a8: {  	[tilespmem:$0x1E550] =	vst v3;
	v8 =	vadd.f32 v9, v10;
	v3 =	vmul.f32 v2, v2  }
0x5a9: {  	[tilespmem:$0x1E560] =	vst v2;
	v9 =	vld.idx.msk [tilespmem:v30+s2+$0x0], $0xffff;
	v6 =	vadd.f32 v7, v6;
	v10 =	vmul.f32 v4, v4  }
0x5aa: {  	[tilespmem:$0x1E580] =	vst v4;
	v2 =	vadd.f32 v3, v8;
	v3 =	vmul.f32 v1, v1  }
0x5ab: {  	[tilespmem:$0x1E570] =	vst v1;
	v4 =	vadd.f32 v10, v6;
	v1 =	vmul.f32 v0, v0  }
0x5ac: {  	v2 =	vadd.f32 v3, v2;
	v3 =	vmul.f32 v5, v5  }
0x5ad: {  	[tilespmem:$0x1E590] =	vst v0;
	v0 =	vadd.f32 v1, v4  }
0x5ae: {  	v1 =	vadd.f32 v3, v2;
	v2 =	vmul.f32 v9, v9  }
0x5af: {  	v0 =	vmax.f32 v0, $1.000000020e-24  }
0x5b0: {  	v1 =	vadd.f32 v2, v1;
	v2 =	vshrl.u32 v0, $0x1;
	v0 =	vmul.f32 $5.000000000e-01, v0  }
0x5b1: {  	v2 =	vsub.s32 $0x5F3759DF, v2  }
0x5b2: {  	v8 =	vmul.f32 v2, v0  }
0x5b3: {  	v1 =	vmax.f32 v1, $1.000000020e-24  }
0x5b4: {  	v3 =	vshrl.u32 v1, $0x1;
	v1 =	vmul.f32 $5.000000000e-01, v1;
	v4 =	vmul.f32 v2, v8  }
0x5b5: {  	v3 =	vsub.s32 $0x5F3759DF, v3  }
0x5b6: {  	[tilespmem:$0x1E5B0] =	vst v9;
	v9 =	vmul.f32 v3, v1;
	v4 =	vsub.f32 $1.500000000e+00, v4;
	_ =	sdelay $0x1  }
0x5b7: {  	[tilespmem:$0x1E5A0] =	vst v5;
	v5 =	vmul.f32 v3, v9;
	v2 =	vmul.f32 v2, v4;
	_ =	sdelay $0x1  }
0x5b8: {  	v10 =	vsub.f32 $1.500000000e+00, v5;
	v8 =	vmul.f32 v2, v0;
	_ =	sdelay $0x1  }
0x5b9: {  	v3 =	vmul.f32 v3, v10;
	v9 =	vmul.f32 v8, v2;
	_ =	sdelay $0x1  }
0x5ba: {  	v10 =	vmul.f32 v3, v1;
	v4 =	vsub.f32 $1.500000000e+00, v9;
	_ =	sdelay $0x1  }
0x5bb: {  	v5 =	vmul.f32 v10, v3;
	v2 =	vmul.f32 v4, v2;
	_ =	sdelay $0x1  }
0x5bc: {  	v8 =	vsub.f32 $1.500000000e+00, v5;
	v0 =	vmul.f32 v2, v0;
	_ =	sdelay $0x1  }
0x5bd: {  	v3 =	vmul.f32 v8, v3;
	v0 =	vmul.f32 v0, v2  }
0x5be: {  	v9 =	vld [tilespmem:$0x1DD10]  }
0x5bf: {  	v1 =	vmul.f32 v3, v1;
	v0 =	vsub.f32 $1.500000000e+00, v0  }
0x5c0: {  	v5 =	vld.idx.msk [tilespmem:v61+s20+$0x0], $0xffff  }
0x5c1: {  	v4 =	vmul.f32 v1, v3;
	v1 =	vmul.f32 v0, v2;
	v2 =	vld.idx.msk [tilespmem:v32+s20+$0x0], $0xffff  }
0x5c2: {  	v32 =	vld [tilespmem:$0x1DD20]  }
0x5c3: {  	v10 =	vmul.f32 v1, v9;
	v9 =	vld [tilespmem:$0x1DD30];
	_ =	sdelay $0x3  }
0x5c4: {  	v0 =	vsub.f32 $1.500000000e+00, v4;
	v4 =	vld.idx.msk [tilespmem:v29+s20+$0x0], $0xffff;
	v61 =	vmul.f32 v1, v32  }
0x5c5: {  	v5 =	vadd.f32 v10, v5;
	v10 =	vmul.f32 v1, v9;
	v9 =	vld [tilespmem:$0x1DD60]  }
0x5c6: {  	v2 =	vadd.f32 v61, v2;
	v61 =	vld [tilespmem:$0x1DD40]  }
0x5c7: {  	v0 =	vmul.f32 v0, v3  }
0x5c8: {  	v3 =	vld.idx.msk [tilespmem:v31+s20+$0x0], $0xffff  }
0x5c9: {  	v32 =	vmul.f32 v0, v62;
	v62 =	vld [tilespmem:$0x1DD50]  }
0x5ca: {  	v4 =	vadd.f32 v10, v4;
	v10 =	vmul.f32 v1, v9;
	v9 =	vld [tilespmem:$0x1DD80]  }
0x5cb: {  	v2 =	vsub.f32 v2, v32;
	v32 =	vld [tilespmem:$0x1DD90];
	v31 =	vmul.f32 v0, v61  }
0x5cc: {  	v61 =	vld [tilespmem:$0x1DD70]  }
0x5cd: {  	v5 =	vsub.f32 v5, v31;
	v31 =	vld.idx.msk [tilespmem:v59+s20+$0x0], $0xffff  }
0x5ce: {  	v59 =	vld [tilespmem:$0x1DDA0]  }
0x5cf: {  	v3 =	vadd.f32 v10, v3;
	v10 =	vmul.f32 v1, v9;
	v9 =	vld [tilespmem:$0x1DDC0]  }
0x5d0: {  	v29 =	vld.idx.msk [tilespmem:v33+s20+$0x0], $0xffff  }
0x5d1: {  	v33 =	vmul.f32 v0, v62  }
0x5d2: {  	v2 =	vand.u32 $0x7FFFFFFF, v2;
	v5 =	vand.u32 $0x7FFFFFFF, v5;
	v62 =	vmul.f32 v0, v61;
	v61 =	vld [tilespmem:$0x1DDB0]  }
0x5d3: {  	v8 =	vld [tilespmem:$0x1DE00];
	v2 =	vadd.f32 v2, v5;
	v5 =	vmul.f32 v1, v32  }
0x5d4: {  	v4 =	vsub.f32 v4, v33;
	v33 =	vld [tilespmem:$0x1DDE0]  }
0x5d5: {  	v29 =	vadd.f32 v10, v29;
	v10 =	vadd.f32 v5, v31;
	v31 =	vld [tilespmem:$0x1DDD0]  }
0x5d6: {  	v32 =	vld.idx.msk [tilespmem:v59+s20+$0x0], $0xffff  }
0x5d7: {  	v3 =	vsub.f32 v3, v62;
	v62 =	vmul.f32 v0, v61;
	v59 =	vld.idx.msk [tilespmem:v9+s20+$0x0], $0xffff  }
0x5d8: {  	v9 =	vld [tilespmem:$0x1DE10]  }
0x5d9: {  	v29 =	vsub.f32 v29, v62;
	v62 =	vld [tilespmem:$0x1DDF0]  }
0x5da: {  	v4 =	vand.u32 $0x7FFFFFFF, v4;
	v61 =	vmul.f32 v1, v33  }
0x5db: {  	v2 =	vadd.f32 v2, v4;
	v33 =	vld.idx.msk [tilespmem:v60+s20+$0x0], $0xffff;
	v5 =	vmul.f32 v0, v31  }
0x5dc: {  	v3 =	vand.u32 $0x7FFFFFFF, v3;
	v31 =	vadd.f32 v61, v32;
	v61 =	vld [tilespmem:$0x1DE20]  }
0x5dd: {  	v2 =	vadd.f32 v2, v3;
	v3 =	vsub.f32 v10, v5;
	v10 =	vmul.f32 v0, v9;
	v9 =	vld [tilespmem:$0x1DE30]  }
0x5de: {  	v60 =	vld [tilespmem:$0x1DE60];
	v4 =	vmul.f32 v1, v62  }
0x5df: {  	v5 =	vld.idx.msk [tilespmem:v8+s20+$0x0], $0xffff  }
0x5e0: {  	v29 =	vand.u32 $0x7FFFFFFF, v29;
	v4 =	vadd.f32 v4, v59;
	v59 =	vld [tilespmem:$0x1DE50]  }
0x5e1: {  	v2 =	vadd.f32 v2, v29;
	v3 =	vand.u32 $0x7FFFFFFF, v3  }
0x5e2: {  	v46 =	vld.idx.msk [tilespmem:v46+s20+$0x0], $0xffff;
	v62 =	vmul.f32 v0, v61;
	v31 =	vsub.f32 v31, v10;
	v10 =	vmul.f32 v1, v9  }
0x5e3: {  	v29 =	vld [tilespmem:$0x1DE40];
	v2 =	vadd.f32 v2, v3  }
0x5e4: {  	v61 =	vmul.f32 v0, v60;
	v3 =	vsub.f32 v4, v62;
	v62 =	vld [tilespmem:$0x1DE70];
	v5 =	vadd.f32 v10, v5  }
0x5e5: {  	v9 =	vld [tilespmem:$0x1DE80]  }
0x5e6: {  	v5 =	vsub.f32 v5, v61;
	v61 =	vld [tilespmem:$0x1DEA0]  }
0x5e7: {  	v60 =	vld [tilespmem:$0x1DE90]  }
0x5e8: {  	v4 =	vmul.f32 v1, v29;
	v31 =	vand.u32 $0x7FFFFFFF, v31;
	v29 =	vld.idx.msk [tilespmem:v59+s20+$0x0], $0xffff  }
0x5e9: {  	v2 =	vadd.f32 v2, v31;
	v59 =	vld.idx.msk [tilespmem:v63+s20+$0x0], $0xffff  }
0x5ea: {  	v4 =	vadd.f32 v4, v33;
	v63 =	vmul.f32 v0, v62;
	v10 =	vmul.f32 v1, v9;
	v9 =	vld.idx.msk [tilespmem:v34+s20+$0x0], $0xffff  }
0x5eb: {  	v3 =	vand.u32 $0x7FFFFFFF, v3;
	v34 =	vld [tilespmem:$0x1DED0]  }
0x5ec: {  	v2 =	vadd.f32 v2, v3;
	v3 =	vsub.f32 v4, v63;
	v4 =	vmul.f32 v1, v60;
	v60 =	vld [tilespmem:$0x1DEE0]  }
0x5ed: {  	v29 =	vadd.f32 v10, v29;
	v10 =	vld [tilespmem:$0x1DEC0]  }
0x5ee: {  	v62 =	vld.idx.msk [tilespmem:v61+s20+$0x0], $0xffff  }
0x5ef: {  	v61 =	vld [tilespmem:$0x1DEF0]  }
0x5f0: {  	v32 =	vld [tilespmem:$0x1E000];
	v5 =	vand.u32 $0x7FFFFFFF, v5  }
0x5f1: {  	v63 =	vld [tilespmem:$0x1DEB0];
	v2 =	vadd.f32 v2, v5;
	v3 =	vand.u32 $0x7FFFFFFF, v3  }
0x5f2: {  	v4 =	vadd.f32 v4, v59;
	v59 =	vmul.f32 v1, v34;
	v34 =	vld.idx.msk [tilespmem:v35+s20+$0x0], $0xffff;
	v5 =	vmul.f32 v0, v10  }
0x5f3: {  	v2 =	vadd.f32 v2, v3;
	v35 =	vld [tilespmem:$0x1DF60]  }
0x5f4: {  	v3 =	vsub.f32 v4, v5;
	v4 =	vmul.f32 v1, v60;
	v31 =	vadd.f32 v59, v62;
	v62 =	vld [tilespmem:$0x1DF00]  }
0x5f5: {  	v59 =	vld [tilespmem:$0x1DF20]  }
0x5f6: {  	v8 =	vmul.f32 v0, v63;
	v4 =	vadd.f32 v4, v9;
	v9 =	vld [tilespmem:$0x1DF10]  }
0x5f7: {  	v5 =	vld.idx.msk [tilespmem:v61+s20+$0x0], $0xffff  }
0x5f8: {  	v29 =	vsub.f32 v29, v8;
	v61 =	vld [tilespmem:$0x1DF30]  }
0x5f9: {  	v33 =	vld.idx.msk [tilespmem:v36+s20+$0x0], $0xffff  }
0x5fa: {  	v29 =	vand.u32 $0x7FFFFFFF, v29;
	v63 =	vmul.f32 v0, v62;
	v62 =	vld [tilespmem:$0x1DF40]  }
0x5fb: {  	v36 =	vmul.f32 v0, v35;
	v35 =	vld [tilespmem:$0x1E020];
	v2 =	vadd.f32 v2, v29;
	v10 =	vmul.f32 v0, v9  }
0x5fc: {  	v3 =	vand.u32 $0x7FFFFFFF, v3;
	v60 =	vmul.f32 v1, v59;
	v59 =	vld [tilespmem:$0x1DF70];
	v31 =	vsub.f32 v31, v63  }
0x5fd: {  	v2 =	vadd.f32 v2, v3;
	v9 =	vld [tilespmem:$0x1DF50];
	v3 =	vsub.f32 v4, v10;
	v4 =	vmul.f32 v1, v61  }
0x5fe: {  	v61 =	vld [tilespmem:$0x1DF80];
	v31 =	vand.u32 $0x7FFFFFFF, v31  }
0x5ff: {  	v2 =	vadd.f32 v2, v31;
	v4 =	vadd.f32 v4, v34;
	v34 =	vld [tilespmem:$0x1E010]  }
0x600: {  	v3 =	vand.u32 $0x7FFFFFFF, v3;
	v31 =	vld [tilespmem:$0x1E0B0]  }
0x601: {  	v2 =	vadd.f32 v2, v3;
	v3 =	vsub.f32 v4, v36;
	v36 =	vld [tilespmem:$0x1DFB0]  }
0x602: {  	v5 =	vadd.f32 v60, v5;
	v10 =	vmul.f32 v0, v9;
	v63 =	vld.idx.msk [tilespmem:v62+s20+$0x0], $0xffff  }
0x603: {  	v62 =	vld [tilespmem:$0x1DF90]  }
0x604: {  	v5 =	vsub.f32 v5, v10;
	v10 =	vld.idx.msk [tilespmem:v37+s20+$0x0], $0xffff  }
0x605: {  	v4 =	vmul.f32 v1, v61;
	v61 =	vld [tilespmem:$0x1DFE0]  }
0x606: {  	v60 =	vmul.f32 v1, v59;
	v37 =	vld [tilespmem:$0x1DFC0]  }
0x607: {  	v5 =	vand.u32 $0x7FFFFFFF, v5;
	v4 =	vadd.f32 v4, v33;
	v33 =	vmul.f32 v0, v32;
	v32 =	vld [tilespmem:$0x1E0C0]  }
0x608: {  	v2 =	vadd.f32 v2, v5;
	v5 =	vmul.f32 v0, v36;
	v36 =	vld [tilespmem:$0x1E030]  }
0x609: {  	v29 =	vadd.f32 v60, v63;
	v63 =	vld [tilespmem:$0x1DFA0]  }
0x60a: {  	v60 =	vld [tilespmem:$0x1DFD0]  }
0x60b: {  	v59 =	vmul.f32 v1, v37;
	v37 =	vld [tilespmem:$0x1E040]  }
0x60c: {  	v3 =	vand.u32 $0x7FFFFFFF, v3;
	v6 =	vld.idx.msk [tilespmem:v62+s20+$0x0], $0xffff  }
0x60d: {  	v2 =	vadd.f32 v2, v3;
	v3 =	vsub.f32 v4, v5;
	v5 =	vld.idx.msk [tilespmem:v61+s20+$0x0], $0xffff  }
0x60e: {  	v62 =	vld [tilespmem:$0x1DFF0]  }
0x60f: {  	v61 =	vld [tilespmem:$0x1E080]  }
0x610: {  	v9 =	vmul.f32 v0, v63;
	v63 =	vld.idx.msk [tilespmem:v38+s20+$0x0], $0xffff  }
0x611: {  	v38 =	vld.idx.msk [tilespmem:v39+s20+$0x0], $0xffff  }
0x612: {  	v39 =	vld [tilespmem:$0x1E050]  }
0x613: {  	v4 =	vmul.f32 v1, v60;
	v60 =	vld [tilespmem:$0x1E070]  }
0x614: {  	v8 =	vld.idx.msk [tilespmem:v36+s20+$0x0], $0xffff  }
0x615: {  	v29 =	vsub.f32 v29, v9;
	v36 =	vld [tilespmem:$0x1E0F0]  }
0x616: {  	v6 =	vadd.f32 v6, v59;
	v59 =	vld [tilespmem:$0x1E060]  }
0x617: {  	v7 =	vmul.f32 v0, v62;
	v62 =	vld [tilespmem:$0x1E090];
	v29 =	vand.u32 $0x7FFFFFFF, v29  }
0x618: {  	v4 =	vadd.f32 v10, v4;
	v2 =	vadd.f32 v2, v29;
	v29 =	vld [tilespmem:$0x1E0A0]  }
0x619: {  	v3 =	vand.u32 $0x7FFFFFFF, v3;
	v6 =	vsub.f32 v6, v7;
	v7 =	vmul.f32 v1, v34;
	v34 =	vld [tilespmem:$0x1E0E0]  }
0x61a: {  	v2 =	vadd.f32 v2, v3;
	v3 =	vsub.f32 v4, v33;
	v33 =	vld [tilespmem:$0x1E0D0]  }
0x61b: {  	v4 =	vmul.f32 v1, v35;
	v35 =	vld.idx.msk [tilespmem:v41+s20+$0x0], $0xffff  }
0x61c: {  	v5 =	vadd.f32 v5, v7;
	v7 =	vmul.f32 v0, v37;
	v37 =	vld [tilespmem:$0x1E100]  }
0x61d: {  	v41 =	vld.idx.msk [tilespmem:v42+s20+$0x0], $0xffff  }
0x61e: {  	v42 =	vld [tilespmem:$0x1E130]  }
0x61f: {  	v6 =	vand.u32 $0x7FFFFFFF, v6;
	v4 =	vadd.f32 v63, v4;
	v63 =	vld.idx.msk [tilespmem:v40+s20+$0x0], $0xffff  }
0x620: {  	v2 =	vadd.f32 v2, v6;
	v6 =	vmul.f32 v0, v39;
	v39 =	vld.idx.msk [tilespmem:v11+s20+$0x0], $0xffff  }
0x621: {  	v40 =	vld [tilespmem:$0x1E120]  }
0x622: {  	v5 =	vsub.f32 v5, v7;
	v7 =	vmul.f32 v1, v59;
	v3 =	vand.u32 $0x7FFFFFFF, v3;
	v59 =	vld [tilespmem:$0x1E140]  }
0x623: {  	v2 =	vadd.f32 v2, v3;
	v3 =	vsub.f32 v4, v6;
	v6 =	vld.idx.msk [tilespmem:v61+s20+$0x0], $0xffff  }
0x624: {  	v4 =	vmul.f32 v1, v60;
	v60 =	vld [tilespmem:$0x1E150]  }
0x625: {  	v61 =	vld.idx.msk [tilespmem:v12+s20+$0x0], $0xffff  }
0x626: {  	v7 =	vadd.f32 v8, v7;
	v8 =	vmul.f32 v0, v62;
	v62 =	vld [tilespmem:$0x1E160]  }
0x627: {  	v12 =	vld [tilespmem:$0x1E170]  }
0x628: {  	v5 =	vand.u32 $0x7FFFFFFF, v5;
	v4 =	vadd.f32 v38, v4;
	v38 =	vld [tilespmem:$0x1E110]  }
0x629: {  	v2 =	vadd.f32 v2, v5;
	v5 =	vmul.f32 v0, v29;
	v29 =	vld [tilespmem:$0x1E180]  }
0x62a: {  	v7 =	vsub.f32 v7, v8;
	v8 =	vmul.f32 v1, v31;
	v3 =	vand.u32 $0x7FFFFFFF, v3;
	v31 =	vld [tilespmem:$0x1E190]  }
0x62b: {  	v2 =	vadd.f32 v2, v3;
	v3 =	vsub.f32 v4, v5;
	v5 =	vld.idx.msk [tilespmem:v33+s20+$0x0], $0xffff  }
0x62c: {  	v4 =	vmul.f32 v1, v32;
	v32 =	vld.idx.msk [tilespmem:v13+s20+$0x0], $0xffff  }
0x62d: {  	v33 =	vld [tilespmem:$0x1E1A0]  }
0x62e: {  	v13 =	vld [tilespmem:$0x1E270]  }
0x62f: {  	v6 =	vadd.f32 v6, v8;
	v8 =	vmul.f32 v0, v34;
	v34 =	vld.idx.msk [tilespmem:v44+s20+$0x0], $0xffff  }
0x630: {  	v44 =	vld.idx.msk [tilespmem:v15+s20+$0x0], $0xffff  }
0x631: {  	v15 =	vld [tilespmem:$0x1E290]  }
0x632: {  	v7 =	vand.u32 $0x7FFFFFFF, v7;
	v4 =	vadd.f32 v63, v4;
	v63 =	vld.idx.msk [tilespmem:v43+s20+$0x0], $0xffff  }
0x633: {  	v2 =	vadd.f32 v2, v7;
	v7 =	vmul.f32 v0, v36;
	v36 =	vld [tilespmem:$0x1E1C0]  }
0x634: {  	v43 =	vld [tilespmem:$0x1E210]  }
0x635: {  	v3 =	vand.u32 $0x7FFFFFFF, v3;
	v6 =	vsub.f32 v6, v8;
	v8 =	vmul.f32 v1, v37;
	v37 =	vld [tilespmem:$0x1E1D0]  }
0x636: {  	v2 =	vadd.f32 v2, v3;
	v3 =	vsub.f32 v4, v7;
	v4 =	vmul.f32 v1, v38;
	v38 =	vld.idx.msk [tilespmem:v14+s20+$0x0], $0xffff  }
0x637: {  	v14 =	vld [tilespmem:$0x1E280]  }
0x638: {  	v5 =	vadd.f32 v5, v8;
	v8 =	vmul.f32 v0, v40;
	v40 =	vld.idx.msk [tilespmem:v45+s20+$0x0], $0xffff  }
0x639: {  	v45 =	vld [tilespmem:$0x1E220]  }
0x63a: {  	v6 =	vand.u32 $0x7FFFFFFF, v6;
	v4 =	vadd.f32 v35, v4;
	v35 =	vld [tilespmem:$0x1E1B0]  }
0x63b: {  	v2 =	vadd.f32 v2, v6;
	v6 =	vmul.f32 v0, v42;
	v42 =	vld [tilespmem:$0x1E200]  }
0x63c: {  	v3 =	vand.u32 $0x7FFFFFFF, v3;
	v5 =	vsub.f32 v5, v8;
	v8 =	vmul.f32 v1, v59;
	v59 =	vld [tilespmem:$0x1E230]  }
0x63d: {  	v2 =	vadd.f32 v2, v3;
	v3 =	vsub.f32 v4, v6;
	v4 =	vmul.f32 v1, v60;
	v60 =	vld [tilespmem:$0x1E240]  }
0x63e: {  	v7 =	vadd.f32 v39, v8;
	v39 =	vld [tilespmem:$0x1E1E0]  }
0x63f: {  	v8 =	vmul.f32 v0, v62;
	v62 =	vld.idx.msk [tilespmem:v16+s20+$0x0], $0xffff  }
0x640: {  	v16 =	vld.idx.msk [tilespmem:v17+s20+$0x0], $0xffff  }
0x641: {  	v17 =	vld [tilespmem:$0x1E2A0]  }
0x642: {  	v5 =	vand.u32 $0x7FFFFFFF, v5;
	v4 =	vadd.f32 v41, v4;
	v41 =	vld [tilespmem:$0x1E1F0]  }
0x643: {  	v2 =	vadd.f32 v2, v5;
	v5 =	vmul.f32 v0, v12;
	v12 =	vld.idx.msk [tilespmem:v47+s20+$0x0], $0xffff  }
0x644: {  	v47 =	vld [tilespmem:$0x1E360]  }
0x645: {  	v7 =	vsub.f32 v7, v8;
	v8 =	vmul.f32 v1, v29;
	v29 =	vld.idx.msk [tilespmem:v48+s20+$0x0], $0xffff  }
0x646: {  	v48 =	vld.idx.msk [tilespmem:v51+s20+$0x0], $0xffff  }
0x647: {  	v3 =	vand.u32 $0x7FFFFFFF, v3;
	v51 =	vld [tilespmem:$0x1E390]  }
0x648: {  	v2 =	vadd.f32 v2, v3;
	v3 =	vsub.f32 v4, v5;
	v4 =	vmul.f32 v1, v31;
	v31 =	vld [tilespmem:$0x1E2B0]  }
0x649: {  	v6 =	vadd.f32 v61, v8;
	v61 =	vld [tilespmem:$0x1E250]  }
0x64a: {  	v8 =	vmul.f32 v0, v33;
	v33 =	vld [tilespmem:$0x1E2D0]  }
0x64b: {  	v7 =	vand.u32 $0x7FFFFFFF, v7;
	v4 =	vadd.f32 v63, v4;
	v63 =	vld [tilespmem:$0x1E260]  }
0x64c: {  	v2 =	vadd.f32 v2, v7;
	v7 =	vmul.f32 v0, v35;
	v35 =	vld [tilespmem:$0x1E2E0]  }
0x64d: {  	v6 =	vsub.f32 v6, v8;
	v8 =	vmul.f32 v1, v36;
	v36 =	vld.idx.msk [tilespmem:v49+s20+$0x0], $0xffff  }
0x64e: {  	v3 =	vand.u32 $0x7FFFFFFF, v3;
	v49 =	vld [tilespmem:$0x1E370]  }
0x64f: {  	v2 =	vadd.f32 v2, v3;
	v3 =	vsub.f32 v4, v7;
	v4 =	vmul.f32 v1, v37;
	v37 =	vld [tilespmem:$0x1E2F0]  }
0x650: {  	v5 =	vadd.f32 v32, v8;
	v32 =	vld [tilespmem:$0x1E2C0]  }
0x651: {  	v8 =	vmul.f32 v0, v39;
	v39 =	vld [tilespmem:$0x1E310]  }
0x652: {  	v6 =	vand.u32 $0x7FFFFFFF, v6;
	v4 =	vadd.f32 v34, v4;
	v34 =	vld.idx.msk [tilespmem:v18+s20+$0x0], $0xffff  }
0x653: {  	v2 =	vadd.f32 v2, v6;
	v6 =	vmul.f32 v0, v41;
	v41 =	vld [tilespmem:$0x1E320]  }
0x654: {  	v18 =	vld [tilespmem:$0x1E410]  }
0x655: {  	v5 =	vsub.f32 v5, v8;
	v8 =	vmul.f32 v1, v42;
	v42 =	vld.idx.msk [tilespmem:v50+s20+$0x0], $0xffff  }
0x656: {  	v3 =	vand.u32 $0x7FFFFFFF, v3;
	v50 =	vld [tilespmem:$0x1E380]  }
0x657: {  	v2 =	vadd.f32 v2, v3;
	v3 =	vsub.f32 v4, v6;
	v4 =	vmul.f32 v1, v43;
	v43 =	vld [tilespmem:$0x1E330]  }
0x658: {  	v7 =	vadd.f32 v38, v8;
	v8 =	vmul.f32 v0, v45;
	v5 =	vand.u32 $0x7FFFFFFF, v5;
	v38 =	vld [tilespmem:$0x1E300]  }
0x659: {  	v45 =	vld [tilespmem:$0x1E350];
	v2 =	vadd.f32 v2, v5;
	v4 =	vadd.f32 v40, v4;
	v5 =	vmul.f32 v0, v59  }
0x65a: {  	v3 =	vand.u32 $0x7FFFFFFF, v3;
	v40 =	vld.idx.msk [tilespmem:v19+s20+$0x0], $0xffff;
	v7 =	vsub.f32 v7, v8;
	v8 =	vmul.f32 v1, v60  }
0x65b: {  	v59 =	vld.idx.msk [tilespmem:v21+s20+$0x0], $0xffff;
	v2 =	vadd.f32 v2, v3;
	v3 =	vsub.f32 v4, v5;
	v4 =	vmul.f32 v1, v61  }
0x65c: {  	v19 =	vld.idx.msk [tilespmem:v23+s20+$0x0], $0xffff;
	v6 =	vadd.f32 v44, v8;
	v8 =	vmul.f32 v0, v63;
	v7 =	vand.u32 $0x7FFFFFFF, v7  }
0x65d: {  	v21 =	vld.idx.msk [tilespmem:v54+s20+$0x0], $0xffff;
	v2 =	vadd.f32 v2, v7;
	v4 =	vadd.f32 v46, v4;
	v7 =	vmul.f32 v0, v13  }
0x65e: {  	v23 =	vld [tilespmem:$0x1E440];
	v3 =	vand.u32 $0x7FFFFFFF, v3;
	v6 =	vsub.f32 v6, v8;
	v8 =	vmul.f32 v1, v14  }
0x65f: {  	v54 =	vld [tilespmem:$0x1E550];
	v2 =	vadd.f32 v2, v3;
	v3 =	vsub.f32 v4, v7;
	v4 =	vmul.f32 v1, v15  }
0x660: {  	v60 =	vld [tilespmem:$0x1E3A0];
	v5 =	vadd.f32 v62, v8;
	v8 =	vmul.f32 v0, v17;
	v6 =	vand.u32 $0x7FFFFFFF, v6  }
0x661: {  	v61 =	vld.idx.msk [tilespmem:v52+s20+$0x0], $0xffff;
	v2 =	vadd.f32 v2, v6;
	v4 =	vadd.f32 v12, v4;
	v6 =	vmul.f32 v0, v31  }
0x662: {  	v52 =	vld [tilespmem:$0x1E530];
	v3 =	vand.u32 $0x7FFFFFFF, v3;
	v5 =	vsub.f32 v5, v8;
	v8 =	vmul.f32 v1, v32  }
0x663: {  	v44 =	vld [tilespmem:$0x1E340];
	v2 =	vadd.f32 v2, v3;
	v3 =	vsub.f32 v4, v6;
	v4 =	vmul.f32 v1, v33  }
0x664: {  	v63 =	vld [tilespmem:$0x1E3C0];
	v7 =	vadd.f32 v16, v8;
	v8 =	vmul.f32 v0, v35;
	v5 =	vand.u32 $0x7FFFFFFF, v5  }
0x665: {  	v46 =	vld.idx.msk [tilespmem:v20+s20+$0x0], $0xffff;
	v2 =	vadd.f32 v2, v5;
	v4 =	vadd.f32 v29, v4;
	v5 =	vmul.f32 v0, v37  }
0x666: {  	v13 =	vld.idx.msk [tilespmem:v22+s20+$0x0], $0xffff;
	v3 =	vand.u32 $0x7FFFFFFF, v3;
	v7 =	vsub.f32 v7, v8;
	v8 =	vmul.f32 v1, v38  }
0x667: {  	v20 =	vld [tilespmem:$0x1E420];
	v2 =	vadd.f32 v2, v3;
	v3 =	vsub.f32 v4, v5;
	v4 =	vmul.f32 v1, v39  }
0x668: {  	v22 =	vld [tilespmem:$0x1E430];
	v6 =	vadd.f32 v34, v8;
	v8 =	vmul.f32 v0, v41;
	v7 =	vand.u32 $0x7FFFFFFF, v7  }
0x669: {  	v14 =	vld [tilespmem:$0x1E3E0];
	v2 =	vadd.f32 v2, v7;
	v4 =	vadd.f32 v36, v4;
	v7 =	vmul.f32 v0, v43  }
0x66a: {  	v15 =	vld.idx.msk [tilespmem:v53+s20+$0x0], $0xffff;
	v3 =	vand.u32 $0x7FFFFFFF, v3;
	v6 =	vsub.f32 v6, v8;
	v8 =	vmul.f32 v1, v44  }
0x66b: {  	v53 =	vld [tilespmem:$0x1E540];
	v2 =	vadd.f32 v2, v3;
	v3 =	vsub.f32 v4, v7;
	v4 =	vmul.f32 v1, v45  }
0x66c: {  	v62 =	vld [tilespmem:$0x1E3B0];
	v5 =	vadd.f32 v40, v8;
	v8 =	vmul.f32 v0, v47;
	v6 =	vand.u32 $0x7FFFFFFF, v6  }
0x66d: {  	v17 =	vld [tilespmem:$0x1E400];
	v2 =	vadd.f32 v2, v6;
	v4 =	vadd.f32 v42, v4;
	v6 =	vmul.f32 v0, v49  }
0x66e: {  	v12 =	vld [tilespmem:$0x1E3D0];
	v3 =	vand.u32 $0x7FFFFFFF, v3;
	v5 =	vsub.f32 v5, v8;
	v8 =	vmul.f32 v1, v50  }
0x66f: {  	v31 =	vld.idx.msk [tilespmem:v24+s20+$0x0], $0xffff;
	v2 =	vadd.f32 v2, v3;
	v3 =	vsub.f32 v4, v6;
	v4 =	vmul.f32 v1, v51  }
0x670: {  	v16 =	vld [tilespmem:$0x1E3F0];
	v7 =	vadd.f32 v46, v8;
	v8 =	vmul.f32 v0, v60;
	v5 =	vand.u32 $0x7FFFFFFF, v5  }
0x671: {  	v32 =	vld [tilespmem:$0x1E460];
	v2 =	vadd.f32 v2, v5;
	v4 =	vadd.f32 v48, v4;
	v5 =	vmul.f32 v0, v62  }
0x672: {  	v33 =	vld.idx.msk [tilespmem:v55+s20+$0x0], $0xffff;
	v3 =	vand.u32 $0x7FFFFFFF, v3;
	v7 =	vsub.f32 v7, v8;
	v8 =	vmul.f32 v1, v63  }
0x673: {  	v35 =	vld [tilespmem:$0x1E480];
	v2 =	vadd.f32 v2, v3;
	v3 =	vsub.f32 v4, v5;
	v4 =	vmul.f32 v1, v12  }
0x674: {  	v29 =	vld [tilespmem:$0x1E450];
	v6 =	vadd.f32 v59, v8;
	v8 =	vmul.f32 v0, v14;
	v7 =	vand.u32 $0x7FFFFFFF, v7  }
0x675: {  	v37 =	vld.idx.msk [tilespmem:v25+s20+$0x0], $0xffff;
	v2 =	vadd.f32 v2, v7;
	v4 =	vadd.f32 v61, v4;
	v7 =	vmul.f32 v0, v16  }
0x676: {  	v38 =	vld [tilespmem:$0x1E4A0];
	v3 =	vand.u32 $0x7FFFFFFF, v3;
	v6 =	vsub.f32 v6, v8;
	v8 =	vmul.f32 v1, v17  }
0x677: {  	v39 =	vld.idx.msk [tilespmem:v56+s20+$0x0], $0xffff;
	v2 =	vadd.f32 v2, v3;
	v3 =	vsub.f32 v4, v7;
	v4 =	vmul.f32 v1, v18  }
0x678: {  	v34 =	vld [tilespmem:$0x1E470];
	v5 =	vadd.f32 v13, v8;
	v8 =	vmul.f32 v0, v20;
	v6 =	vand.u32 $0x7FFFFFFF, v6  }
0x679: {  	v56 =	vld [tilespmem:$0x1E560];
	v2 =	vadd.f32 v2, v6;
	v4 =	vadd.f32 v15, v4;
	v6 =	vmul.f32 v0, v22  }
0x67a: {  	v36 =	vld [tilespmem:$0x1E490];
	v3 =	vand.u32 $0x7FFFFFFF, v3;
	v5 =	vsub.f32 v5, v8;
	v8 =	vmul.f32 v1, v23  }
0x67b: {  	v41 =	vld [tilespmem:$0x1E4C0];
	v2 =	vadd.f32 v2, v3;
	v3 =	vsub.f32 v4, v6;
	v4 =	vmul.f32 v1, v29  }
0x67c: {  	v40 =	vld [tilespmem:$0x1E4B0];
	v7 =	vadd.f32 v19, v8;
	v8 =	vmul.f32 v0, v32;
	v5 =	vand.u32 $0x7FFFFFFF, v5  }
0x67d: {  	v43 =	vld.idx.msk [tilespmem:v26+s20+$0x0], $0xffff;
	v2 =	vadd.f32 v2, v5;
	v4 =	vadd.f32 v21, v4;
	v5 =	vmul.f32 v0, v34  }
0x67e: {  	v42 =	vld [tilespmem:$0x1E4D0];
	v3 =	vand.u32 $0x7FFFFFFF, v3;
	v7 =	vsub.f32 v7, v8;
	v8 =	vmul.f32 v1, v35  }
0x67f: {  	v44 =	vld [tilespmem:$0x1E4E0];
	v2 =	vadd.f32 v2, v3;
	v3 =	vsub.f32 v4, v5;
	v4 =	vmul.f32 v1, v36  }
0x680: {  	v46 =	vld [tilespmem:$0x1E4F0];
	v6 =	vadd.f32 v31, v8;
	v8 =	vmul.f32 v0, v38;
	v7 =	vand.u32 $0x7FFFFFFF, v7  }
0x681: {  	v47 =	vld [tilespmem:$0x1E500];
	v2 =	vadd.f32 v2, v7;
	v4 =	vadd.f32 v33, v4;
	v7 =	vmul.f32 v0, v40  }
0x682: {  	v48 =	vld [tilespmem:$0x1E510];
	v3 =	vand.u32 $0x7FFFFFFF, v3;
	v6 =	vsub.f32 v6, v8;
	v8 =	vmul.f32 v1, v41  }
0x683: {  	v50 =	vld [tilespmem:$0x1E520];
	v2 =	vadd.f32 v2, v3;
	v3 =	vsub.f32 v4, v7;
	v4 =	vmul.f32 v1, v42  }
0x684: {  	v45 =	vld.idx.msk [tilespmem:v57+s20+$0x0], $0xffff;
	v5 =	vadd.f32 v37, v8;
	v8 =	vmul.f32 v0, v44;
	v6 =	vand.u32 $0x7FFFFFFF, v6  }
0x685: {  	v49 =	vld.idx.msk [tilespmem:v27+s20+$0x0], $0xffff;
	v2 =	vadd.f32 v2, v6;
	v4 =	vadd.f32 v39, v4;
	v6 =	vmul.f32 v0, v46  }
0x686: {  	v51 =	vld.idx.msk [tilespmem:v58+s20+$0x0], $0xffff;
	v3 =	vand.u32 $0x7FFFFFFF, v3;
	v5 =	vsub.f32 v5, v8;
	v8 =	vmul.f32 v1, v47  }
0x687: {  	v58 =	vld [tilespmem:$0x1E570];
	v2 =	vadd.f32 v2, v3;
	v3 =	vsub.f32 v4, v6;
	v4 =	vmul.f32 v1, v48  }
0x688: {  	v60 =	vld [tilespmem:$0x1E590];
	v7 =	vadd.f32 v43, v8;
	v8 =	vmul.f32 v0, v50;
	v5 =	vand.u32 $0x7FFFFFFF, v5  }
0x689: {  	v59 =	vld [tilespmem:$0x1E580];
	v2 =	vadd.f32 v2, v5;
	v4 =	vadd.f32 v45, v4;
	v5 =	vmul.f32 v0, v52  }
0x68a: {  	v62 =	vld [tilespmem:$0x1E5A0];
	v3 =	vand.u32 $0x7FFFFFFF, v3;
	v7 =	vsub.f32 v7, v8;
	v8 =	vmul.f32 v1, v53  }
0x68b: {  	v55 =	vld.idx.msk [tilespmem:v28+s20+$0x0], $0xffff;
	v2 =	vadd.f32 v2, v3;
	v3 =	vsub.f32 v4, v5;
	v4 =	vmul.f32 v1, v54  }
0x68c: {  	v63 =	vld [tilespmem:$0x1E5B0];
	v6 =	vadd.f32 v49, v8;
	v8 =	vmul.f32 v0, v56;
	v7 =	vand.u32 $0x7FFFFFFF, v7  }
0x68d: {  	v57 =	vld.idx.msk [tilespmem:v30+s20+$0x0], $0xffff;
	v9 =	vmul.f32 v0, v58;
	v2 =	vadd.f32 v2, v7;
	v4 =	vadd.f32 v51, v4  }
0x68e: {  	v3 =	vand.u32 $0x7FFFFFFF, v3;
	v6 =	vsub.f32 v6, v8;
	v8 =	vmul.f32 v1, v59  }
0x68f: {  	v5 =	vmul.f32 v0, v62;
	v1 =	vmul.f32 v1, v60;
	v2 =	vadd.f32 v2, v3  }
0x690: {  	v3 =	vsub.f32 v4, v9;
	v61 =	vadd.f32 v55, v8;
	v6 =	vand.u32 $0x7FFFFFFF, v6  }
0x691: {  	v0 =	vmul.f32 v0, v63;
	v2 =	vadd.f32 v2, v6  }
0x692: {  	v1 =	vadd.f32 v57, v1;
	v3 =	vand.u32 $0x7FFFFFFF, v3;
	v4 =	vsub.f32 v61, v5  }
0x693: {  	v2 =	vadd.f32 v2, v3  }
0x694: {  	v0 =	vsub.f32 v1, v0;
	v1 =	vand.u32 $0x7FFFFFFF, v4  }
0x695: {  	v1 =	vadd.f32 v2, v1  }
0x696: {  	v0 =	vand.u32 $0x7FFFFFFF, v0  }
0x697: {  	v0 =	vadd.f32 v1, v0;
	_ =	sdelay $0x1  }
0x698: {  	s24 =	sadd.s32 $0x1, s24;
	v0 =	vsub.f32 $0.0e+00, v0  }
0x699: {  	p0 =	sne.s32 s24, s18;
	s25 =	sadd.s32 $0x10, s25  }
.Ltmp1:
0x69a: {  	[tilespmem:s25+$0x0] =	vst v0;
	(pc) =	sbr.rel @p0 .LBB2_1-.Ltmp1, $4  }
0x69b: {  	[hbm4b:s17+s1] =	stream.linear.scatter [tilespmem:s5], [sflag:$0x2], $0x200, $0x38;
	[tilespmem:$0x18800] =	vst v63  }
0x69c: {  	_ =	swait.ge [sflag:s19], $0x200  }
0x69d: {  	[sflag:s19] =	ssyncset.done $0x0  }
0x69e: {  	v1 =	vld [tilespmem:$0x1FFF0];
	[sflag:s19] =	ssyncadd.s32 $0xFFFFFE00  }
0x69f: {  	_ =	sfence.sel $0x180000  }
0x6a0: {  	[bflag:$0x0] =	sbarrier.arrive $0xFFFF  }
0x6a1: {  	_ =	strace $0x90000047  }
0x6a2: {  	s0 =	stileid.u32;
	[bflag:$0x2] =	sbarrier.arrive $0xFFFF  }
0x6a3: {  	p0 =	sne.s32 s0, $0x0;
	s0 =	rddreg [dreg:$0x5]  }
0x6a4: {  	s0 =	sadd.s32 @!p0 $0x100000, s0  }
0x6a5: {  	[sflag:s0] =	ssyncadd.tile.s32 @!p0 $0x1;
	_ =	shalt  }
.Lfunc_end2:
_tile_overlayer_lowered:
.L_overlay_start_2:
0x6a6: {  	(tag) =	ssettag $0x2  }
0x6a7: {  	s0 =	rddreg [dreg:$0x0];
	s2 =	stileid.u32  }
0x6a8: {  	s1 =	rddreg [dreg:$0x1];
	p0 =	sne.s32 s2, $0x0  }
0x6a9: {  	s3 =	rddreg [dreg:$0x2];
	[bflag:$0x3] =	sbarrier.arrive $0xFFFF;
	s2 =	simm.s32 @!p0 $0x1C02  }
0x6aa: {  	[timem:s3], [sflag:s2] =	dma.local @!p0 [hbm:s0], s1  }
0x6ab: {  	s0 =	simm.s32 @!p0 $0x2  }
0x6ac: {  	_ =	swait.ge @!p0 [sflag:s0], s1  }
0x6ad: {  	s1 =	ssub.s32 @!p0 $0x0, s1;
	[sflag:s0] =	ssyncset.done @!p0 $0x0  }
0x6ae: {  	[sflag:s0] =	ssyncadd.s32 @!p0 s1  }
0x6af: {  	[bflag:$0x3] =	sbarrier.arrive $0xFFFF  }
0x6b0: {  	_ =	shalt  }

</sc_bundles>
